<compile_context>
chip_gen: v7x
topology: tpu7x:2x2x1
jax: 0.10.2.dev20260603
libtpu: 0.0.44.dev20260713+nightly
codegen_flags: <defaults>
</compile_context>

<pallas_src>
import functools

import jax
import jax.numpy as jnp
from jax import lax
from jax.experimental import pallas as pl
from jax.experimental.pallas import tpu as pltpu
from jax.experimental.pallas import tpu_sc as plsc

L = 16
NC, NS = 2, 16
NW = NC * NS
GR = 128


def _fm_stage(cols, x_t, fc_flat, bias16, zprev, B, F, total, first, final):
    nd = len(cols)
    field_size = total // F
    rpw = B // NW
    nch = rpw // GR
    ppc = GR * F
    ng = ppc // L

    mesh = plsc.VectorSubcoreMesh(
        core_axis_name="c", subcore_axis_name="s", num_cores=NC, num_subcores=NS)

    @functools.partial(
        pl.kernel,
        out_type=jax.ShapeDtypeStruct((B,), jnp.float32),
        mesh=mesh,
        scratch_types=[
            pltpu.VMEM((ppc,), jnp.int32),
            pltpu.VMEM((ppc,), jnp.int32),
            *[pltpu.VMEM((ppc,), jnp.float32) for _ in range(nd)],
            pltpu.VMEM((ppc,), jnp.float32),
            pltpu.VMEM((rpw,), jnp.float32),
            pltpu.VMEM((L,), jnp.float32),
            pltpu.SemaphoreType.DMA,
        ],
        compiler_params=pltpu.CompilerParams(
            needs_layout_passes=False, use_tc_tiling_on_sc=False),
    )
    def fm(*args):
        cols_hbm = args[:nd]
        aux_hbm, x_hbm, b_hbm, out_hbm, xbuf, idxbuf = args[nd:nd + 6]
        ebufs = args[nd + 6:2 * nd + 6]
        fcbuf, obuf, bbuf, sem = args[2 * nd + 6:]
        w = lax.axis_index("s") * NC + lax.axis_index("c")
        pltpu.sync_copy(b_hbm, bbuf)
        bias_v = bbuf[pl.ds(0, L)]

        def chunk_body(c, _):
            pltpu.sync_copy(x_hbm.at[pl.ds((w * nch + c) * ppc, ppc)], xbuf)

            def idx_body(g, _):
                off = pl.multiple_of(g * L, L)
                xv = xbuf[pl.ds(off, L)]
                idxbuf[pl.ds(off, L)] = xv + (g >> 3) * field_size
                return 0

            lax.fori_loop(0, ng, idx_body, 0)

            copies = []
            if first:
                copies.append(pltpu.async_copy(aux_hbm.at[idxbuf], fcbuf, sem))
            else:
                pltpu.sync_copy(
                    aux_hbm.at[pl.ds((w * nch + c) * GR, GR)],
                    fcbuf.at[pl.ds(0, GR)])
            for d in range(nd):
                copies.append(pltpu.async_copy(
                    cols_hbm[d].at[idxbuf], ebufs[d], sem))
            for cp in copies:
                cp.wait()

            def rows_body(i, _):
                rr = i * L
                if first:
                    zacc = bias_v
                    for f in range(F):
                        zacc = zacc + fcbuf[pl.ds(f * GR + rr, L)]
                else:
                    zacc = fcbuf[pl.ds(rr, L)]
                for d in range(nd):
                    s = None
                    ss = None
                    for f in range(F):
                        e = ebufs[d][pl.ds(f * GR + rr, L)]
                        s = e if s is None else s + e
                        ss = e * e if ss is None else ss + e * e
                    zacc = zacc + 0.5 * (s * s - ss)
                if final:
                    zacc = 1.0 / (1.0 + jnp.exp(-zacc))
                obuf[pl.ds(c * GR + rr, L)] = zacc
                return 0

            lax.fori_loop(0, GR // L, rows_body, 0)
            return 0

        lax.fori_loop(0, nch, chunk_body, 0)
        pltpu.sync_copy(obuf, out_hbm.at[pl.ds(w * rpw, rpw)])

    aux = fc_flat if first else zprev
    return fm(*cols, aux, x_t, bias16)


def kernel(x, emb_table, fc_table, bias):
    B, F = x.shape
    total, D = emb_table.shape
    assert D == L and B % (NW * GR) == 0 and total % F == 0
    x_t = jnp.transpose(
        x.astype(jnp.int32).reshape(B // GR, GR, F), (0, 2, 1)).reshape(-1)
    emb_cols = [emb_table[:, d] for d in range(D)]
    fc_flat = fc_table.reshape(-1)
    bias16 = jnp.broadcast_to(bias.astype(jnp.float32), (L,))
    nstage = 4
    per = D // nstage
    z = None
    for k in range(nstage):
        z = _fm_stage(emb_cols[k * per:(k + 1) * per], x_t, fc_flat, bias16,
                      z, B, F, total, first=(k == 0), final=(k == nstage - 1))
    return z

# --- scband reference (transcript-rebuilt; emitter-appended) ---
"""Pipeline reference for scband-factorization-machine-78228534330081 (READ-ONLY COPY).

The authoritative reference and input builder live on the scoring server;
editing this copy changes nothing except your own understanding.
"""

import jax, jax.numpy as jnp
import numpy as np

FIELD_DIMS = [100000] * 26
EMBED_DIM = 16
TOTAL = int(sum(FIELD_DIMS))
BATCH = 16384
NFIELDS = 26


def setup_inputs(seed: int = 0) -> dict:
    key = jax.random.key(seed)
    k1, k2, k3 = jax.random.split(key, 3)
    x = jax.random.randint(k1, (BATCH, NFIELDS), 0, 100000, dtype=jnp.int64 if jax.config.jax_enable_x64 else jnp.int32)
    # xavier_uniform for embedding [TOTAL, EMBED_DIM]
    bound_e = float(np.sqrt(6.0 / (TOTAL + EMBED_DIM)))
    emb_table = jax.random.uniform(k2, (TOTAL, EMBED_DIM), minval=-bound_e, maxval=bound_e, dtype=jnp.float32)
    bound_f = float(np.sqrt(6.0 / (TOTAL + 1)))
    fc_table = jax.random.uniform(k3, (TOTAL, 1), minval=-bound_f, maxval=bound_f, dtype=jnp.float32)
    bias = jnp.zeros((1,), dtype=jnp.float32)
    return {"x": x, "emb_table": emb_table, "fc_table": fc_table, "bias": bias}


def reference(x, emb_table, fc_table, bias):
    offset = jnp.asarray(np.array((0, *np.cumsum(FIELD_DIMS)[:-1]), dtype=np.int64), dtype=x.dtype)
    idx = x + offset[None, :]
    linear_term = jnp.sum(jnp.take(fc_table, idx, axis=0), axis=1) + bias  # [B, 1]
    embedded_x = jnp.take(emb_table, idx, axis=0)  # [B, F, D]
    square_of_sum = jnp.sum(embedded_x, axis=1) ** 2
    sum_of_square = jnp.sum(embedded_x ** 2, axis=1)
    interaction_term = 0.5 * jnp.sum(square_of_sum - sum_of_square, axis=1, keepdims=True)
    output = linear_term + interaction_term
    output = jax.nn.sigmoid(jnp.squeeze(output, axis=1))
    return output

if __name__ == "__main__":
    import jax
    _d = setup_inputs()
    print(jax.jit(kernel)(*tuple(_d.values())))

</pallas_src>

<mosaic_0001>
#map = affine_map<(d0, d1) -> (0)>
module attributes {stable_mosaic.version = 14 : i64} {
  func.func @fm(%arg0: i32, %arg1: i32, %arg2: memref<2600000xf32, #tpu.memory_space<hbm>>, %arg3: memref<2600000xf32, #tpu.memory_space<hbm>>, %arg4: memref<2600000xf32, #tpu.memory_space<hbm>>, %arg5: memref<2600000xf32, #tpu.memory_space<hbm>>, %arg6: memref<2600000xf32, #tpu.memory_space<hbm>>, %arg7: memref<425984xi32, #tpu.memory_space<hbm>>, %arg8: memref<16xf32, #tpu.memory_space<hbm>>, %arg9: memref<16384xf32, #tpu.memory_space<hbm>>, %arg10: memref<3328xi32, #tpu.memory_space<vmem>>, %arg11: memref<3328xi32, #tpu.memory_space<vmem>>, %arg12: memref<3328xf32, #tpu.memory_space<vmem>>, %arg13: memref<3328xf32, #tpu.memory_space<vmem>>, %arg14: memref<3328xf32, #tpu.memory_space<vmem>>, %arg15: memref<3328xf32, #tpu.memory_space<vmem>>, %arg16: memref<3328xf32, #tpu.memory_space<vmem>>, %arg17: memref<512xf32, #tpu.memory_space<vmem>>, %arg18: memref<16xf32, #tpu.memory_space<vmem>>, %arg19: memref<!tpu.dma_semaphore, #tpu.memory_space<semaphore_mem>>) attributes {dimension_semantics = [#tpu.dimension_semantics<core_parallel>, #tpu.dimension_semantics<subcore_parallel>], iteration_bounds = array<i64: 2, 16>, scalar_prefetch = 0 : i64, scratch_operands = 10 : i64, tpu.core_type = #tpu.core_type<sc_vector_subcore>, window_params = [{transform_indices = #map}, {transform_indices = #map}, {transform_indices = #map}, {transform_indices = #map}, {transform_indices = #map}, {transform_indices = #map}, {transform_indices = #map}, {transform_indices = #map}]} {
    %mul3A = arith.constant 2 : i32
    %mul3A_0 = arith.muli %arg1, %mul3A : i32
    %add3A = arith.addi %mul3A_0, %arg0 : i32
    "tpu.region"() ({
      %run_scoped3A = tpu.sem_alloc : memref<!tpu.dma_semaphore, #tpu.memory_space<semaphore_mem>>
      tpu.enqueue_dma source(%arg8 : memref<16xf32, #tpu.memory_space<hbm>>) target(%arg18 : memref<16xf32, #tpu.memory_space<vmem>>) target_semaphore(%run_scoped3A : memref<!tpu.dma_semaphore, #tpu.memory_space<semaphore_mem>>)
      tpu.wait_dma2 semaphore(%run_scoped3A : memref<!tpu.dma_semaphore, #tpu.memory_space<semaphore_mem>>) src(%arg8 : memref<16xf32, #tpu.memory_space<hbm>>) dst(%arg18 : memref<16xf32, #tpu.memory_space<vmem>>)
      tpu.yield
    }) : () -> ()
    %get3A = arith.constant 0 : index
    %get3A_1 = tpu.vector_load %arg18[%get3A] {strides = array<i32>} : memref<16xf32, #tpu.memory_space<vmem>>, vector<16xf32>,
    %scan3A = arith.constant 0 : i32
    %scan3A_2 = arith.constant 0 : i32
    %scan3A_3 = arith.constant 4 : i32
    %scan3A_4 = arith.addi %scan3A_2, %scan3A_3 : i32
    %scan3A_5 = arith.constant 1 : i32
    %scan3A_6 = scf.for %scan3A_10 = %scan3A_2 to %scan3A_4 step %scan3A_5 iter_args(%scan3A_11 = %scan3A) -> (i32)  : i32 {
      %mul3A_12 = arith.constant 4 : i32
      %mul3A_13 = arith.muli %add3A, %mul3A_12 : i32
      %add3A_14 = arith.addi %mul3A_13, %scan3A_10 : i32
      %mul3A_15 = arith.constant 3328 : i32
      %mul3A_16 = arith.muli %add3A_14, %mul3A_15 : i32
      "tpu.region"() ({
        %run_scoped3A = tpu.sem_alloc : memref<!tpu.dma_semaphore, #tpu.memory_space<semaphore_mem>>
        %dma_start3A_50 = tpu.memref_slice %arg7[%mul3A_16] : memref<425984xi32, #tpu.memory_space<hbm>> -> memref<3328xi32, #tpu.memory_space<hbm>>
        %dma_start3A_51 = tpu.memref_slice %arg7[%mul3A_16] : memref<425984xi32, #tpu.memory_space<hbm>> -> memref<3328xi32, #tpu.memory_space<hbm>>
        tpu.enqueue_dma source(%dma_start3A_51 : memref<3328xi32, #tpu.memory_space<hbm>>) target(%arg10 : memref<3328xi32, #tpu.memory_space<vmem>>) target_semaphore(%run_scoped3A : memref<!tpu.dma_semaphore, #tpu.memory_space<semaphore_mem>>)
        %dma_wait3A_52 = tpu.memref_slice %arg7[%mul3A_16] : memref<425984xi32, #tpu.memory_space<hbm>> -> memref<3328xi32, #tpu.memory_space<hbm>>
        %dma_wait3A_53 = tpu.memref_slice %arg7[%mul3A_16] : memref<425984xi32, #tpu.memory_space<hbm>> -> memref<3328xi32, #tpu.memory_space<hbm>>
        tpu.wait_dma2 semaphore(%run_scoped3A : memref<!tpu.dma_semaphore, #tpu.memory_space<semaphore_mem>>) src(%dma_wait3A_53 : memref<3328xi32, #tpu.memory_space<hbm>>) dst(%arg10 : memref<3328xi32, #tpu.memory_space<vmem>>)
        tpu.yield
      }) : () -> ()
      %scan3A_17 = arith.constant 0 : i32
      %scan3A_18 = arith.constant 0 : i32
      %scan3A_19 = arith.constant 208 : i32
      %scan3A_20 = arith.addi %scan3A_18, %scan3A_19 : i32
      %scan3A_21 = arith.constant 1 : i32
      %scan3A_22 = scf.for %scan3A_50 = %scan3A_18 to %scan3A_20 step %scan3A_21 iter_args(%scan3A_51 = %scan3A_17) -> (i32)  : i32 {
        %mul3A_52 = arith.constant 16 : i32
        %mul3A_53 = arith.muli %scan3A_50, %mul3A_52 : i32
        %multiple_of3A = tpu.assume_multiple %mul3A_53, 16 : i32
        %get3A_54 = arith.index_cast %multiple_of3A : i32 to index
        %get3A_55 = tpu.vector_load %arg10[%get3A_54] {strides = array<i32>} : memref<3328xi32, #tpu.memory_space<vmem>>, vector<16xi32>,
        %shift_right_arithmetic3A = arith.constant 3 : i32
        %shift_right_arithmetic3A_56 = arith.shrsi %scan3A_50, %shift_right_arithmetic3A : i32
        %mul3A_57 = arith.constant 100000 : i32
        %mul3A_58 = arith.muli %shift_right_arithmetic3A_56, %mul3A_57 : i32
        %add3A_59 = vector.broadcast %mul3A_58 : i32 to vector<16xi32>
        %add3A_60 = arith.addi %get3A_55, %add3A_59 : vector<16xi32>
        %swap3A = arith.index_cast %multiple_of3A : i32 to index
        %swap3A_61 = tpu.vector_load %arg11[%swap3A] {strides = array<i32>} : memref<3328xi32, #tpu.memory_space<vmem>>, vector<16xi32>,
        tpu.vector_store %arg11[%swap3A], %add3A_60 {strides = array<i32>} : memref<3328xi32, #tpu.memory_space<vmem>>, vector<16xi32>,
        %scan3A_62 = arith.constant 0 : i32
        scf.yield %scan3A_62 : i32
      }
      %scan3A_23 = arith.constant 208 : i32
      %dma_start3A = arith.constant 0 : i32
      %dma_start3A_24 = tpu.memref_slice %arg6[%dma_start3A] : memref<2600000xf32, #tpu.memory_space<hbm>> -> memref<2600000xf32, #tpu.memory_space<hbm>>
      tpu.enqueue_indirect_dma source(%dma_start3A_24 : memref<2600000xf32, #tpu.memory_space<hbm>>) target(%arg16 : memref<3328xf32, #tpu.memory_space<vmem>>) offsets(%arg11 : memref<3328xi32, #tpu.memory_space<vmem>>) semaphore(%arg19 : memref<!tpu.dma_semaphore, #tpu.memory_space<semaphore_mem>>)
      %dma_start3A_25 = arith.constant 0 : i32
      %dma_start3A_26 = tpu.memref_slice %arg2[%dma_start3A_25] : memref<2600000xf32, #tpu.memory_space<hbm>> -> memref<2600000xf32, #tpu.memory_space<hbm>>
      tpu.enqueue_indirect_dma source(%dma_start3A_26 : memref<2600000xf32, #tpu.memory_space<hbm>>) target(%arg12 : memref<3328xf32, #tpu.memory_space<vmem>>) offsets(%arg11 : memref<3328xi32, #tpu.memory_space<vmem>>) semaphore(%arg19 : memref<!tpu.dma_semaphore, #tpu.memory_space<semaphore_mem>>)
      %dma_start3A_27 = arith.constant 0 : i32
      %dma_start3A_28 = tpu.memref_slice %arg3[%dma_start3A_27] : memref<2600000xf32, #tpu.memory_space<hbm>> -> memref<2600000xf32, #tpu.memory_space<hbm>>
      tpu.enqueue_indirect_dma source(%dma_start3A_28 : memref<2600000xf32, #tpu.memory_space<hbm>>) target(%arg13 : memref<3328xf32, #tpu.memory_space<vmem>>) offsets(%arg11 : memref<3328xi32, #tpu.memory_space<vmem>>) semaphore(%arg19 : memref<!tpu.dma_semaphore, #tpu.memory_space<semaphore_mem>>)
      %dma_start3A_29 = arith.constant 0 : i32
      %dma_start3A_30 = tpu.memref_slice %arg4[%dma_start3A_29] : memref<2600000xf32, #tpu.memory_space<hbm>> -> memref<2600000xf32, #tpu.memory_space<hbm>>
      tpu.enqueue_indirect_dma source(%dma_start3A_30 : memref<2600000xf32, #tpu.memory_space<hbm>>) target(%arg14 : memref<3328xf32, #tpu.memory_space<vmem>>) offsets(%arg11 : memref<3328xi32, #tpu.memory_space<vmem>>) semaphore(%arg19 : memref<!tpu.dma_semaphore, #tpu.memory_space<semaphore_mem>>)
      %dma_start3A_31 = arith.constant 0 : i32
      %dma_start3A_32 = tpu.memref_slice %arg5[%dma_start3A_31] : memref<2600000xf32, #tpu.memory_space<hbm>> -> memref<2600000xf32, #tpu.memory_space<hbm>>
      tpu.enqueue_indirect_dma source(%dma_start3A_32 : memref<2600000xf32, #tpu.memory_space<hbm>>) target(%arg15 : memref<3328xf32, #tpu.memory_space<vmem>>) offsets(%arg11 : memref<3328xi32, #tpu.memory_space<vmem>>) semaphore(%arg19 : memref<!tpu.dma_semaphore, #tpu.memory_space<semaphore_mem>>)
      %dma_wait3A = arith.constant 0 : i32
      %dma_wait3A_33 = tpu.memref_slice %arg6[%dma_wait3A] : memref<2600000xf32, #tpu.memory_space<hbm>> -> memref<2600000xf32, #tpu.memory_space<hbm>>
      tpu.wait_indirect_dma semaphore(%arg19 : memref<!tpu.dma_semaphore, #tpu.memory_space<semaphore_mem>>) src(%dma_wait3A_33 : memref<2600000xf32, #tpu.memory_space<hbm>>) dst(%arg16 : memref<3328xf32, #tpu.memory_space<vmem>>)
      %dma_wait3A_34 = arith.constant 0 : i32
      %dma_wait3A_35 = tpu.memref_slice %arg2[%dma_wait3A_34] : memref<2600000xf32, #tpu.memory_space<hbm>> -> memref<2600000xf32, #tpu.memory_space<hbm>>
      tpu.wait_indirect_dma semaphore(%arg19 : memref<!tpu.dma_semaphore, #tpu.memory_space<semaphore_mem>>) src(%dma_wait3A_35 : memref<2600000xf32, #tpu.memory_space<hbm>>) dst(%arg12 : memref<3328xf32, #tpu.memory_space<vmem>>)
      %dma_wait3A_36 = arith.constant 0 : i32
      %dma_wait3A_37 = tpu.memref_slice %arg3[%dma_wait3A_36] : memref<2600000xf32, #tpu.memory_space<hbm>> -> memref<2600000xf32, #tpu.memory_space<hbm>>
      tpu.wait_indirect_dma semaphore(%arg19 : memref<!tpu.dma_semaphore, #tpu.memory_space<semaphore_mem>>) src(%dma_wait3A_37 : memref<2600000xf32, #tpu.memory_space<hbm>>) dst(%arg13 : memref<3328xf32, #tpu.memory_space<vmem>>)
      %dma_wait3A_38 = arith.constant 0 : i32
      %dma_wait3A_39 = tpu.memref_slice %arg4[%dma_wait3A_38] : memref<2600000xf32, #tpu.memory_space<hbm>> -> memref<2600000xf32, #tpu.memory_space<hbm>>
      tpu.wait_indirect_dma semaphore(%arg19 : memref<!tpu.dma_semaphore, #tpu.memory_space<semaphore_mem>>) src(%dma_wait3A_39 : memref<2600000xf32, #tpu.memory_space<hbm>>) dst(%arg14 : memref<3328xf32, #tpu.memory_space<vmem>>)
      %dma_wait3A_40 = arith.constant 0 : i32
      %dma_wait3A_41 = tpu.memref_slice %arg5[%dma_wait3A_40] : memref<2600000xf32, #tpu.memory_space<hbm>> -> memref<2600000xf32, #tpu.memory_space<hbm>>
      tpu.wait_indirect_dma semaphore(%arg19 : memref<!tpu.dma_semaphore, #tpu.memory_space<semaphore_mem>>) src(%dma_wait3A_41 : memref<2600000xf32, #tpu.memory_space<hbm>>) dst(%arg15 : memref<3328xf32, #tpu.memory_space<vmem>>)
      %scan3A_42 = arith.constant 0 : i32
      %scan3A_43 = arith.constant 0 : i32
      %scan3A_44 = arith.constant 8 : i32
      %scan3A_45 = arith.addi %scan3A_43, %scan3A_44 : i32
      %scan3A_46 = arith.constant 1 : i32
      %scan3A_47 = scf.for %scan3A_50 = %scan3A_43 to %scan3A_45 step %scan3A_46 iter_args(%scan3A_51 = %scan3A_42) -> (i32)  : i32 {
        %mul3A_52 = arith.constant 16 : i32
        %mul3A_53 = arith.muli %scan3A_50, %mul3A_52 : i32
        %add3A_54 = arith.constant 0 : i32
        %add3A_55 = arith.addi %add3A_54, %mul3A_53 : i32
        %get3A_56 = arith.index_cast %add3A_55 : i32 to index
        %get3A_57 = tpu.vector_load %arg16[%get3A_56] {strides = array<i32>} : memref<3328xf32, #tpu.memory_space<vmem>>, vector<16xf32>,
        %add3A_58 = arith.addf %get3A_1, %get3A_57 : vector<16xf32>
        %add3A_59 = arith.constant 128 : i32
        %add3A_60 = arith.addi %add3A_59, %mul3A_53 : i32
        %get3A_61 = arith.index_cast %add3A_60 : i32 to index
        %get3A_62 = tpu.vector_load %arg16[%get3A_61] {strides = array<i32>} : memref<3328xf32, #tpu.memory_space<vmem>>, vector<16xf32>,
        %add3A_63 = arith.addf %add3A_58, %get3A_62 : vector<16xf32>
        %add3A_64 = arith.constant 256 : i32
        %add3A_65 = arith.addi %add3A_64, %mul3A_53 : i32
        %get3A_66 = arith.index_cast %add3A_65 : i32 to index
        %get3A_67 = tpu.vector_load %arg16[%get3A_66] {strides = array<i32>} : memref<3328xf32, #tpu.memory_space<vmem>>, vector<16xf32>,
        %add3A_68 = arith.addf %add3A_63, %get3A_67 : vector<16xf32>
        %add3A_69 = arith.constant 384 : i32
        %add3A_70 = arith.addi %add3A_69, %mul3A_53 : i32
        %get3A_71 = arith.index_cast %add3A_70 : i32 to index
        %get3A_72 = tpu.vector_load %arg16[%get3A_71] {strides = array<i32>} : memref<3328xf32, #tpu.memory_space<vmem>>, vector<16xf32>,
        %add3A_73 = arith.addf %add3A_68, %get3A_72 : vector<16xf32>
        %add3A_74 = arith.constant 512 : i32
        %add3A_75 = arith.addi %add3A_74, %mul3A_53 : i32
        %get3A_76 = arith.index_cast %add3A_75 : i32 to index
        %get3A_77 = tpu.vector_load %arg16[%get3A_76] {strides = array<i32>} : memref<3328xf32, #tpu.memory_space<vmem>>, vector<16xf32>,
        %add3A_78 = arith.addf %add3A_73, %get3A_77 : vector<16xf32>
        %add3A_79 = arith.constant 640 : i32
        %add3A_80 = arith.addi %add3A_79, %mul3A_53 : i32
        %get3A_81 = arith.index_cast %add3A_80 : i32 to index
        %get3A_82 = tpu.vector_load %arg16[%get3A_81] {strides = array<i32>} : memref<3328xf32, #tpu.memory_space<vmem>>, vector<16xf32>,
        %add3A_83 = arith.addf %add3A_78, %get3A_82 : vector<16xf32>
        %add3A_84 = arith.constant 768 : i32
        %add3A_85 = arith.addi %add3A_84, %mul3A_53 : i32
        %get3A_86 = arith.index_cast %add3A_85 : i32 to index
        %get3A_87 = tpu.vector_load %arg16[%get3A_86] {strides = array<i32>} : memref<3328xf32, #tpu.memory_space<vmem>>, vector<16xf32>,
        %add3A_88 = arith.addf %add3A_83, %get3A_87 : vector<16xf32>
        %add3A_89 = arith.constant 896 : i32
        %add3A_90 = arith.addi %add3A_89, %mul3A_53 : i32
        %get3A_91 = arith.index_cast %add3A_90 : i32 to index
        %get3A_92 = tpu.vector_load %arg16[%get3A_91] {strides = array<i32>} : memref<3328xf32, #tpu.memory_space<vmem>>, vector<16xf32>,
        %add3A_93 = arith.addf %add3A_88, %get3A_92 : vector<16xf32>
        %add3A_94 = arith.constant 1024 : i32
        %add3A_95 = arith.addi %add3A_94, %mul3A_53 : i32
        %get3A_96 = arith.index_cast %add3A_95 : i32 to index
        %get3A_97 = tpu.vector_load %arg16[%get3A_96] {strides = array<i32>} : memref<3328xf32, #tpu.memory_space<vmem>>, vector<16xf32>,
        %add3A_98 = arith.addf %add3A_93, %get3A_97 : vector<16xf32>
        %add3A_99 = arith.constant 1152 : i32
        %add3A_100 = arith.addi %add3A_99, %mul3A_53 : i32
        %get3A_101 = arith.index_cast %add3A_100 : i32 to index
        %get3A_102 = tpu.vector_load %arg16[%get3A_101] {strides = array<i32>} : memref<3328xf32, #tpu.memory_space<vmem>>, vector<16xf32>,
        %add3A_103 = arith.addf %add3A_98, %get3A_102 : vector<16xf32>
        %add3A_104 = arith.constant 1280 : i32
        %add3A_105 = arith.addi %add3A_104, %mul3A_53 : i32
        %get3A_106 = arith.index_cast %add3A_105 : i32 to index
        %get3A_107 = tpu.vector_load %arg16[%get3A_106] {strides = array<i32>} : memref<3328xf32, #tpu.memory_space<vmem>>, vector<16xf32>,
        %add3A_108 = arith.addf %add3A_103, %get3A_107 : vector<16xf32>
        %add3A_109 = arith.constant 1408 : i32
        %add3A_110 = arith.addi %add3A_109, %mul3A_53 : i32
        %get3A_111 = arith.index_cast %add3A_110 : i32 to index
        %get3A_112 = tpu.vector_load %arg16[%get3A_111] {strides = array<i32>} : memref<3328xf32, #tpu.memory_space<vmem>>, vector<16xf32>,
        %add3A_113 = arith.addf %add3A_108, %get3A_112 : vector<16xf32>
        %add3A_114 = arith.constant 1536 : i32
        %add3A_115 = arith.addi %add3A_114, %mul3A_53 : i32
        %get3A_116 = arith.index_cast %add3A_115 : i32 to index
        %get3A_117 = tpu.vector_load %arg16[%get3A_116] {strides = array<i32>} : memref<3328xf32, #tpu.memory_space<vmem>>, vector<16xf32>,
        %add3A_118 = arith.addf %add3A_113, %get3A_117 : vector<16xf32>
        %add3A_119 = arith.constant 1664 : i32
        %add3A_120 = arith.addi %add3A_119, %mul3A_53 : i32
        %get3A_121 = arith.index_cast %add3A_120 : i32 to index
        %get3A_122 = tpu.vector_load %arg16[%get3A_121] {strides = array<i32>} : memref<3328xf32, #tpu.memory_space<vmem>>, vector<16xf32>,
        %add3A_123 = arith.addf %add3A_118, %get3A_122 : vector<16xf32>
        %add3A_124 = arith.constant 1792 : i32
        %add3A_125 = arith.addi %add3A_124, %mul3A_53 : i32
        %get3A_126 = arith.index_cast %add3A_125 : i32 to index
        %get3A_127 = tpu.vector_load %arg16[%get3A_126] {strides = array<i32>} : memref<3328xf32, #tpu.memory_space<vmem>>, vector<16xf32>,
        %add3A_128 = arith.addf %add3A_123, %get3A_127 : vector<16xf32>
        %add3A_129 = arith.constant 1920 : i32
        %add3A_130 = arith.addi %add3A_129, %mul3A_53 : i32
        %get3A_131 = arith.index_cast %add3A_130 : i32 to index
        %get3A_132 = tpu.vector_load %arg16[%get3A_131] {strides = array<i32>} : memref<3328xf32, #tpu.memory_space<vmem>>, vector<16xf32>,
        %add3A_133 = arith.addf %add3A_128, %get3A_132 : vector<16xf32>
        %add3A_134 = arith.constant 2048 : i32
        %add3A_135 = arith.addi %add3A_134, %mul3A_53 : i32
        %get3A_136 = arith.index_cast %add3A_135 : i32 to index
        %get3A_137 = tpu.vector_load %arg16[%get3A_136] {strides = array<i32>} : memref<3328xf32, #tpu.memory_space<vmem>>, vector<16xf32>,
        %add3A_138 = arith.addf %add3A_133, %get3A_137 : vector<16xf32>
        %add3A_139 = arith.constant 2176 : i32
        %add3A_140 = arith.addi %add3A_139, %mul3A_53 : i32
        %get3A_141 = arith.index_cast %add3A_140 : i32 to index
        %get3A_142 = tpu.vector_load %arg16[%get3A_141] {strides = array<i32>} : memref<3328xf32, #tpu.memory_space<vmem>>, vector<16xf32>,
        %add3A_143 = arith.addf %add3A_138, %get3A_142 : vector<16xf32>
        %add3A_144 = arith.constant 2304 : i32
        %add3A_145 = arith.addi %add3A_144, %mul3A_53 : i32
        %get3A_146 = arith.index_cast %add3A_145 : i32 to index
        %get3A_147 = tpu.vector_load %arg16[%get3A_146] {strides = array<i32>} : memref<3328xf32, #tpu.memory_space<vmem>>, vector<16xf32>,
        %add3A_148 = arith.addf %add3A_143, %get3A_147 : vector<16xf32>
        %add3A_149 = arith.constant 2432 : i32
        %add3A_150 = arith.addi %add3A_149, %mul3A_53 : i32
        %get3A_151 = arith.index_cast %add3A_150 : i32 to index
        %get3A_152 = tpu.vector_load %arg16[%get3A_151] {strides = array<i32>} : memref<3328xf32, #tpu.memory_space<vmem>>, vector<16xf32>,
        %add3A_153 = arith.addf %add3A_148, %get3A_152 : vector<16xf32>
        %add3A_154 = arith.constant 2560 : i32
        %add3A_155 = arith.addi %add3A_154, %mul3A_53 : i32
        %get3A_156 = arith.index_cast %add3A_155 : i32 to index
        %get3A_157 = tpu.vector_load %arg16[%get3A_156] {strides = array<i32>} : memref<3328xf32, #tpu.memory_space<vmem>>, vector<16xf32>,
        %add3A_158 = arith.addf %add3A_153, %get3A_157 : vector<16xf32>
        %add3A_159 = arith.constant 2688 : i32
        %add3A_160 = arith.addi %add3A_159, %mul3A_53 : i32
        %get3A_161 = arith.index_cast %add3A_160 : i32 to index
        %get3A_162 = tpu.vector_load %arg16[%get3A_161] {strides = array<i32>} : memref<3328xf32, #tpu.memory_space<vmem>>, vector<16xf32>,
        %add3A_163 = arith.addf %add3A_158, %get3A_162 : vector<16xf32>
        %add3A_164 = arith.constant 2816 : i32
        %add3A_165 = arith.addi %add3A_164, %mul3A_53 : i32
        %get3A_166 = arith.index_cast %add3A_165 : i32 to index
        %get3A_167 = tpu.vector_load %arg16[%get3A_166] {strides = array<i32>} : memref<3328xf32, #tpu.memory_space<vmem>>, vector<16xf32>,
        %add3A_168 = arith.addf %add3A_163, %get3A_167 : vector<16xf32>
        %add3A_169 = arith.constant 2944 : i32
        %add3A_170 = arith.addi %add3A_169, %mul3A_53 : i32
        %get3A_171 = arith.index_cast %add3A_170 : i32 to index
        %get3A_172 = tpu.vector_load %arg16[%get3A_171] {strides = array<i32>} : memref<3328xf32, #tpu.memory_space<vmem>>, vector<16xf32>,
        %add3A_173 = arith.addf %add3A_168, %get3A_172 : vector<16xf32>
        %add3A_174 = arith.constant 3072 : i32
        %add3A_175 = arith.addi %add3A_174, %mul3A_53 : i32
        %get3A_176 = arith.index_cast %add3A_175 : i32 to index
        %get3A_177 = tpu.vector_load %arg16[%get3A_176] {strides = array<i32>} : memref<3328xf32, #tpu.memory_space<vmem>>, vector<16xf32>,
        %add3A_178 = arith.addf %add3A_173, %get3A_177 : vector<16xf32>
        %add3A_179 = arith.constant 3200 : i32
        %add3A_180 = arith.addi %add3A_179, %mul3A_53 : i32
        %get3A_181 = arith.index_cast %add3A_180 : i32 to index
        %get3A_182 = tpu.vector_load %arg16[%get3A_181] {strides = array<i32>} : memref<3328xf32, #tpu.memory_space<vmem>>, vector<16xf32>,
        %add3A_183 = arith.addf %add3A_178, %get3A_182 : vector<16xf32>
        %add3A_184 = arith.constant 0 : i32
        %add3A_185 = arith.addi %add3A_184, %mul3A_53 : i32
        %get3A_186 = arith.index_cast %add3A_185 : i32 to index
        %get3A_187 = tpu.vector_load %arg12[%get3A_186] {strides = array<i32>} : memref<3328xf32, #tpu.memory_space<vmem>>, vector<16xf32>,
        %mul3A_188 = arith.mulf %get3A_187, %get3A_187 : vector<16xf32>
        %add3A_189 = arith.constant 128 : i32
        %add3A_190 = arith.addi %add3A_189, %mul3A_53 : i32
        %get3A_191 = arith.index_cast %add3A_190 : i32 to index
        %get3A_192 = tpu.vector_load %arg12[%get3A_191] {strides = array<i32>} : memref<3328xf32, #tpu.memory_space<vmem>>, vector<16xf32>,
        %add3A_193 = arith.addf %get3A_187, %get3A_192 : vector<16xf32>
        %mul3A_194 = arith.mulf %get3A_192, %get3A_192 : vector<16xf32>
        %add3A_195 = arith.addf %mul3A_188, %mul3A_194 : vector<16xf32>
        %add3A_196 = arith.constant 256 : i32
        %add3A_197 = arith.addi %add3A_196, %mul3A_53 : i32
        %get3A_198 = arith.index_cast %add3A_197 : i32 to index
        %get3A_199 = tpu.vector_load %arg12[%get3A_198] {strides = array<i32>} : memref<3328xf32, #tpu.memory_space<vmem>>, vector<16xf32>,
        %add3A_200 = arith.addf %add3A_193, %get3A_199 : vector<16xf32>
        %mul3A_201 = arith.mulf %get3A_199, %get3A_199 : vector<16xf32>
        %add3A_202 = arith.addf %add3A_195, %mul3A_201 : vector<16xf32>
        %add3A_203 = arith.constant 384 : i32
        %add3A_204 = arith.addi %add3A_203, %mul3A_53 : i32
        %get3A_205 = arith.index_cast %add3A_204 : i32 to index
        %get3A_206 = tpu.vector_load %arg12[%get3A_205] {strides = array<i32>} : memref<3328xf32, #tpu.memory_space<vmem>>, vector<16xf32>,
        %add3A_207 = arith.addf %add3A_200, %get3A_206 : vector<16xf32>
        %mul3A_208 = arith.mulf %get3A_206, %get3A_206 : vector<16xf32>
        %add3A_209 = arith.addf %add3A_202, %mul3A_208 : vector<16xf32>
        %add3A_210 = arith.constant 512 : i32
        %add3A_211 = arith.addi %add3A_210, %mul3A_53 : i32
        %get3A_212 = arith.index_cast %add3A_211 : i32 to index
        %get3A_213 = tpu.vector_load %arg12[%get3A_212] {strides = array<i32>} : memref<3328xf32, #tpu.memory_space<vmem>>, vector<16xf32>,
        %add3A_214 = arith.addf %add3A_207, %get3A_213 : vector<16xf32>
        %mul3A_215 = arith.mulf %get3A_213, %get3A_213 : vector<16xf32>
        %add3A_216 = arith.addf %add3A_209, %mul3A_215 : vector<16xf32>
        %add3A_217 = arith.constant 640 : i32
        %add3A_218 = arith.addi %add3A_217, %mul3A_53 : i32
        %get3A_219 = arith.index_cast %add3A_218 : i32 to index
        %get3A_220 = tpu.vector_load %arg12[%get3A_219] {strides = array<i32>} : memref<3328xf32, #tpu.memory_space<vmem>>, vector<16xf32>,
        %add3A_221 = arith.addf %add3A_214, %get3A_220 : vector<16xf32>
        %mul3A_222 = arith.mulf %get3A_220, %get3A_220 : vector<16xf32>
        %add3A_223 = arith.addf %add3A_216, %mul3A_222 : vector<16xf32>
        %add3A_224 = arith.constant 768 : i32
        %add3A_225 = arith.addi %add3A_224, %mul3A_53 : i32
        %get3A_226 = arith.index_cast %add3A_225 : i32 to index
        %get3A_227 = tpu.vector_load %arg12[%get3A_226] {strides = array<i32>} : memref<3328xf32, #tpu.memory_space<vmem>>, vector<16xf32>,
        %add3A_228 = arith.addf %add3A_221, %get3A_227 : vector<16xf32>
        %mul3A_229 = arith.mulf %get3A_227, %get3A_227 : vector<16xf32>
        %add3A_230 = arith.addf %add3A_223, %mul3A_229 : vector<16xf32>
        %add3A_231 = arith.constant 896 : i32
        %add3A_232 = arith.addi %add3A_231, %mul3A_53 : i32
        %get3A_233 = arith.index_cast %add3A_232 : i32 to index
        %get3A_234 = tpu.vector_load %arg12[%get3A_233] {strides = array<i32>} : memref<3328xf32, #tpu.memory_space<vmem>>, vector<16xf32>,
        %add3A_235 = arith.addf %add3A_228, %get3A_234 : vector<16xf32>
        %mul3A_236 = arith.mulf %get3A_234, %get3A_234 : vector<16xf32>
        %add3A_237 = arith.addf %add3A_230, %mul3A_236 : vector<16xf32>
        %add3A_238 = arith.constant 1024 : i32
        %add3A_239 = arith.addi %add3A_238, %mul3A_53 : i32
        %get3A_240 = arith.index_cast %add3A_239 : i32 to index
        %get3A_241 = tpu.vector_load %arg12[%get3A_240] {strides = array<i32>} : memref<3328xf32, #tpu.memory_space<vmem>>, vector<16xf32>,
        %add3A_242 = arith.addf %add3A_235, %get3A_241 : vector<16xf32>
        %mul3A_243 = arith.mulf %get3A_241, %get3A_241 : vector<16xf32>
        %add3A_244 = arith.addf %add3A_237, %mul3A_243 : vector<16xf32>
        %add3A_245 = arith.constant 1152 : i32
        %add3A_246 = arith.addi %add3A_245, %mul3A_53 : i32
        %get3A_247 = arith.index_cast %add3A_246 : i32 to index
        %get3A_248 = tpu.vector_load %arg12[%get3A_247] {strides = array<i32>} : memref<3328xf32, #tpu.memory_space<vmem>>, vector<16xf32>,
        %add3A_249 = arith.addf %add3A_242, %get3A_248 : vector<16xf32>
        %mul3A_250 = arith.mulf %get3A_248, %get3A_248 : vector<16xf32>
        %add3A_251 = arith.addf %add3A_244, %mul3A_250 : vector<16xf32>
        %add3A_252 = arith.constant 1280 : i32
        %add3A_253 = arith.addi %add3A_252, %mul3A_53 : i32
        %get3A_254 = arith.index_cast %add3A_253 : i32 to index
        %get3A_255 = tpu.vector_load %arg12[%get3A_254] {strides = array<i32>} : memref<3328xf32, #tpu.memory_space<vmem>>, vector<16xf32>,
        %add3A_256 = arith.addf %add3A_249, %get3A_255 : vector<16xf32>
        %mul3A_257 = arith.mulf %get3A_255, %get3A_255 : vector<16xf32>
        %add3A_258 = arith.addf %add3A_251, %mul3A_257 : vector<16xf32>
        %add3A_259 = arith.constant 1408 : i32
        %add3A_260 = arith.addi %add3A_259, %mul3A_53 : i32
        %get3A_261 = arith.index_cast %add3A_260 : i32 to index
        %get3A_262 = tpu.vector_load %arg12[%get3A_261] {strides = array<i32>} : memref<3328xf32, #tpu.memory_space<vmem>>, vector<16xf32>,
        %add3A_263 = arith.addf %add3A_256, %get3A_262 : vector<16xf32>
        %mul3A_264 = arith.mulf %get3A_262, %get3A_262 : vector<16xf32>
        %add3A_265 = arith.addf %add3A_258, %mul3A_264 : vector<16xf32>
        %add3A_266 = arith.constant 1536 : i32
        %add3A_267 = arith.addi %add3A_266, %mul3A_53 : i32
        %get3A_268 = arith.index_cast %add3A_267 : i32 to index
        %get3A_269 = tpu.vector_load %arg12[%get3A_268] {strides = array<i32>} : memref<3328xf32, #tpu.memory_space<vmem>>, vector<16xf32>,
        %add3A_270 = arith.addf %add3A_263, %get3A_269 : vector<16xf32>
        %mul3A_271 = arith.mulf %get3A_269, %get3A_269 : vector<16xf32>
        %add3A_272 = arith.addf %add3A_265, %mul3A_271 : vector<16xf32>
        %add3A_273 = arith.constant 1664 : i32
        %add3A_274 = arith.addi %add3A_273, %mul3A_53 : i32
        %get3A_275 = arith.index_cast %add3A_274 : i32 to index
        %get3A_276 = tpu.vector_load %arg12[%get3A_275] {strides = array<i32>} : memref<3328xf32, #tpu.memory_space<vmem>>, vector<16xf32>,
        %add3A_277 = arith.addf %add3A_270, %get3A_276 : vector<16xf32>
        %mul3A_278 = arith.mulf %get3A_276, %get3A_276 : vector<16xf32>
        %add3A_279 = arith.addf %add3A_272, %mul3A_278 : vector<16xf32>
        %add3A_280 = arith.constant 1792 : i32
        %add3A_281 = arith.addi %add3A_280, %mul3A_53 : i32
        %get3A_282 = arith.index_cast %add3A_281 : i32 to index
        %get3A_283 = tpu.vector_load %arg12[%get3A_282] {strides = array<i32>} : memref<3328xf32, #tpu.memory_space<vmem>>, vector<16xf32>,
        %add3A_284 = arith.addf %add3A_277, %get3A_283 : vector<16xf32>
        %mul3A_285 = arith.mulf %get3A_283, %get3A_283 : vector<16xf32>
        %add3A_286 = arith.addf %add3A_279, %mul3A_285 : vector<16xf32>
        %add3A_287 = arith.constant 1920 : i32
        %add3A_288 = arith.addi %add3A_287, %mul3A_53 : i32
        %get3A_289 = arith.index_cast %add3A_288 : i32 to index
        %get3A_290 = tpu.vector_load %arg12[%get3A_289] {strides = array<i32>} : memref<3328xf32, #tpu.memory_space<vmem>>, vector<16xf32>,
        %add3A_291 = arith.addf %add3A_284, %get3A_290 : vector<16xf32>
        %mul3A_292 = arith.mulf %get3A_290, %get3A_290 : vector<16xf32>
        %add3A_293 = arith.addf %add3A_286, %mul3A_292 : vector<16xf32>
        %add3A_294 = arith.constant 2048 : i32
        %add3A_295 = arith.addi %add3A_294, %mul3A_53 : i32
        %get3A_296 = arith.index_cast %add3A_295 : i32 to index
        %get3A_297 = tpu.vector_load %arg12[%get3A_296] {strides = array<i32>} : memref<3328xf32, #tpu.memory_space<vmem>>, vector<16xf32>,
        %add3A_298 = arith.addf %add3A_291, %get3A_297 : vector<16xf32>
        %mul3A_299 = arith.mulf %get3A_297, %get3A_297 : vector<16xf32>
        %add3A_300 = arith.addf %add3A_293, %mul3A_299 : vector<16xf32>
        %add3A_301 = arith.constant 2176 : i32
        %add3A_302 = arith.addi %add3A_301, %mul3A_53 : i32
        %get3A_303 = arith.index_cast %add3A_302 : i32 to index
        %get3A_304 = tpu.vector_load %arg12[%get3A_303] {strides = array<i32>} : memref<3328xf32, #tpu.memory_space<vmem>>, vector<16xf32>,
        %add3A_305 = arith.addf %add3A_298, %get3A_304 : vector<16xf32>
        %mul3A_306 = arith.mulf %get3A_304, %get3A_304 : vector<16xf32>
        %add3A_307 = arith.addf %add3A_300, %mul3A_306 : vector<16xf32>
        %add3A_308 = arith.constant 2304 : i32
        %add3A_309 = arith.addi %add3A_308, %mul3A_53 : i32
        %get3A_310 = arith.index_cast %add3A_309 : i32 to index
        %get3A_311 = tpu.vector_load %arg12[%get3A_310] {strides = array<i32>} : memref<3328xf32, #tpu.memory_space<vmem>>, vector<16xf32>,
        %add3A_312 = arith.addf %add3A_305, %get3A_311 : vector<16xf32>
        %mul3A_313 = arith.mulf %get3A_311, %get3A_311 : vector<16xf32>
        %add3A_314 = arith.addf %add3A_307, %mul3A_313 : vector<16xf32>
        %add3A_315 = arith.constant 2432 : i32
        %add3A_316 = arith.addi %add3A_315, %mul3A_53 : i32
        %get3A_317 = arith.index_cast %add3A_316 : i32 to index
        %get3A_318 = tpu.vector_load %arg12[%get3A_317] {strides = array<i32>} : memref<3328xf32, #tpu.memory_space<vmem>>, vector<16xf32>,
        %add3A_319 = arith.addf %add3A_312, %get3A_318 : vector<16xf32>
        %mul3A_320 = arith.mulf %get3A_318, %get3A_318 : vector<16xf32>
        %add3A_321 = arith.addf %add3A_314, %mul3A_320 : vector<16xf32>
        %add3A_322 = arith.constant 2560 : i32
        %add3A_323 = arith.addi %add3A_322, %mul3A_53 : i32
        %get3A_324 = arith.index_cast %add3A_323 : i32 to index
        %get3A_325 = tpu.vector_load %arg12[%get3A_324] {strides = array<i32>} : memref<3328xf32, #tpu.memory_space<vmem>>, vector<16xf32>,
        %add3A_326 = arith.addf %add3A_319, %get3A_325 : vector<16xf32>
        %mul3A_327 = arith.mulf %get3A_325, %get3A_325 : vector<16xf32>
        %add3A_328 = arith.addf %add3A_321, %mul3A_327 : vector<16xf32>
        %add3A_329 = arith.constant 2688 : i32
        %add3A_330 = arith.addi %add3A_329, %mul3A_53 : i32
        %get3A_331 = arith.index_cast %add3A_330 : i32 to index
        %get3A_332 = tpu.vector_load %arg12[%get3A_331] {strides = array<i32>} : memref<3328xf32, #tpu.memory_space<vmem>>, vector<16xf32>,
        %add3A_333 = arith.addf %add3A_326, %get3A_332 : vector<16xf32>
        %mul3A_334 = arith.mulf %get3A_332, %get3A_332 : vector<16xf32>
        %add3A_335 = arith.addf %add3A_328, %mul3A_334 : vector<16xf32>
        %add3A_336 = arith.constant 2816 : i32
        %add3A_337 = arith.addi %add3A_336, %mul3A_53 : i32
        %get3A_338 = arith.index_cast %add3A_337 : i32 to index
        %get3A_339 = tpu.vector_load %arg12[%get3A_338] {strides = array<i32>} : memref<3328xf32, #tpu.memory_space<vmem>>, vector<16xf32>,
        %add3A_340 = arith.addf %add3A_333, %get3A_339 : vector<16xf32>
        %mul3A_341 = arith.mulf %get3A_339, %get3A_339 : vector<16xf32>
        %add3A_342 = arith.addf %add3A_335, %mul3A_341 : vector<16xf32>
        %add3A_343 = arith.constant 2944 : i32
        %add3A_344 = arith.addi %add3A_343, %mul3A_53 : i32
        %get3A_345 = arith.index_cast %add3A_344 : i32 to index
        %get3A_346 = tpu.vector_load %arg12[%get3A_345] {strides = array<i32>} : memref<3328xf32, #tpu.memory_space<vmem>>, vector<16xf32>,
        %add3A_347 = arith.addf %add3A_340, %get3A_346 : vector<16xf32>
        %mul3A_348 = arith.mulf %get3A_346, %get3A_346 : vector<16xf32>
        %add3A_349 = arith.addf %add3A_342, %mul3A_348 : vector<16xf32>
        %add3A_350 = arith.constant 3072 : i32
        %add3A_351 = arith.addi %add3A_350, %mul3A_53 : i32
        %get3A_352 = arith.index_cast %add3A_351 : i32 to index
        %get3A_353 = tpu.vector_load %arg12[%get3A_352] {strides = array<i32>} : memref<3328xf32, #tpu.memory_space<vmem>>, vector<16xf32>,
        %add3A_354 = arith.addf %add3A_347, %get3A_353 : vector<16xf32>
        %mul3A_355 = arith.mulf %get3A_353, %get3A_353 : vector<16xf32>
        %add3A_356 = arith.addf %add3A_349, %mul3A_355 : vector<16xf32>
        %add3A_357 = arith.constant 3200 : i32
        %add3A_358 = arith.addi %add3A_357, %mul3A_53 : i32
        %get3A_359 = arith.index_cast %add3A_358 : i32 to index
        %get3A_360 = tpu.vector_load %arg12[%get3A_359] {strides = array<i32>} : memref<3328xf32, #tpu.memory_space<vmem>>, vector<16xf32>,
        %add3A_361 = arith.addf %add3A_354, %get3A_360 : vector<16xf32>
        %mul3A_362 = arith.mulf %get3A_360, %get3A_360 : vector<16xf32>
        %add3A_363 = arith.addf %add3A_356, %mul3A_362 : vector<16xf32>
        %mul3A_364 = arith.mulf %add3A_361, %add3A_361 : vector<16xf32>
        %sub3A = arith.subf %mul3A_364, %add3A_363 : vector<16xf32>
        %mul3A_365 = arith.constant 5.000000e-01 : f32
        %mul3A_366 = vector.broadcast %mul3A_365 : f32 to vector<16xf32>
        %mul3A_367 = arith.mulf %mul3A_366, %sub3A : vector<16xf32>
        %add3A_368 = arith.addf %add3A_183, %mul3A_367 : vector<16xf32>
        %add3A_369 = arith.constant 0 : i32
        %add3A_370 = arith.addi %add3A_369, %mul3A_53 : i32
        %get3A_371 = arith.index_cast %add3A_370 : i32 to index
        %get3A_372 = tpu.vector_load %arg13[%get3A_371] {strides = array<i32>} : memref<3328xf32, #tpu.memory_space<vmem>>, vector<16xf32>,
        %mul3A_373 = arith.mulf %get3A_372, %get3A_372 : vector<16xf32>
        %add3A_374 = arith.constant 128 : i32
        %add3A_375 = arith.addi %add3A_374, %mul3A_53 : i32
        %get3A_376 = arith.index_cast %add3A_375 : i32 to index
        %get3A_377 = tpu.vector_load %arg13[%get3A_376] {strides = array<i32>} : memref<3328xf32, #tpu.memory_space<vmem>>, vector<16xf32>,
        %add3A_378 = arith.addf %get3A_372, %get3A_377 : vector<16xf32>
        %mul3A_379 = arith.mulf %get3A_377, %get3A_377 : vector<16xf32>
        %add3A_380 = arith.addf %mul3A_373, %mul3A_379 : vector<16xf32>
        %add3A_381 = arith.constant 256 : i32
        %add3A_382 = arith.addi %add3A_381, %mul3A_53 : i32
        %get3A_383 = arith.index_cast %add3A_382 : i32 to index
        %get3A_384 = tpu.vector_load %arg13[%get3A_383] {strides = array<i32>} : memref<3328xf32, #tpu.memory_space<vmem>>, vector<16xf32>,
        %add3A_385 = arith.addf %add3A_378, %get3A_384 : vector<16xf32>
        %mul3A_386 = arith.mulf %get3A_384, %get3A_384 : vector<16xf32>
        %add3A_387 = arith.addf %add3A_380, %mul3A_386 : vector<16xf32>
        %add3A_388 = arith.constant 384 : i32
        %add3A_389 = arith.addi %add3A_388, %mul3A_53 : i32
        %get3A_390 = arith.index_cast %add3A_389 : i32 to index
        %get3A_391 = tpu.vector_load %arg13[%get3A_390] {strides = array<i32>} : memref<3328xf32, #tpu.memory_space<vmem>>, vector<16xf32>,
        %add3A_392 = arith.addf %add3A_385, %get3A_391 : vector<16xf32>
        %mul3A_393 = arith.mulf %get3A_391, %get3A_391 : vector<16xf32>
        %add3A_394 = arith.addf %add3A_387, %mul3A_393 : vector<16xf32>
        %add3A_395 = arith.constant 512 : i32
        %add3A_396 = arith.addi %add3A_395, %mul3A_53 : i32
        %get3A_397 = arith.index_cast %add3A_396 : i32 to index
        %get3A_398 = tpu.vector_load %arg13[%get3A_397] {strides = array<i32>} : memref<3328xf32, #tpu.memory_space<vmem>>, vector<16xf32>,
        %add3A_399 = arith.addf %add3A_392, %get3A_398 : vector<16xf32>
        %mul3A_400 = arith.mulf %get3A_398, %get3A_398 : vector<16xf32>
        %add3A_401 = arith.addf %add3A_394, %mul3A_400 : vector<16xf32>
        %add3A_402 = arith.constant 640 : i32
        %add3A_403 = arith.addi %add3A_402, %mul3A_53 : i32
        %get3A_404 = arith.index_cast %add3A_403 : i32 to index
        %get3A_405 = tpu.vector_load %arg13[%get3A_404] {strides = array<i32>} : memref<3328xf32, #tpu.memory_space<vmem>>, vector<16xf32>,
        %add3A_406 = arith.addf %add3A_399, %get3A_405 : vector<16xf32>
        %mul3A_407 = arith.mulf %get3A_405, %get3A_405 : vector<16xf32>
        %add3A_408 = arith.addf %add3A_401, %mul3A_407 : vector<16xf32>
        %add3A_409 = arith.constant 768 : i32
        %add3A_410 = arith.addi %add3A_409, %mul3A_53 : i32
        %get3A_411 = arith.index_cast %add3A_410 : i32 to index
        %get3A_412 = tpu.vector_load %arg13[%get3A_411] {strides = array<i32>} : memref<3328xf32, #tpu.memory_space<vmem>>, vector<16xf32>,
        %add3A_413 = arith.addf %add3A_406, %get3A_412 : vector<16xf32>
        %mul3A_414 = arith.mulf %get3A_412, %get3A_412 : vector<16xf32>
        %add3A_415 = arith.addf %add3A_408, %mul3A_414 : vector<16xf32>
        %add3A_416 = arith.constant 896 : i32
        %add3A_417 = arith.addi %add3A_416, %mul3A_53 : i32
        %get3A_418 = arith.index_cast %add3A_417 : i32 to index
        %get3A_419 = tpu.vector_load %arg13[%get3A_418] {strides = array<i32>} : memref<3328xf32, #tpu.memory_space<vmem>>, vector<16xf32>,
        %add3A_420 = arith.addf %add3A_413, %get3A_419 : vector<16xf32>
        %mul3A_421 = arith.mulf %get3A_419, %get3A_419 : vector<16xf32>
        %add3A_422 = arith.addf %add3A_415, %mul3A_421 : vector<16xf32>
        %add3A_423 = arith.constant 1024 : i32
        %add3A_424 = arith.addi %add3A_423, %mul3A_53 : i32
        %get3A_425 = arith.index_cast %add3A_424 : i32 to index
        %get3A_426 = tpu.vector_load %arg13[%get3A_425] {strides = array<i32>} : memref<3328xf32, #tpu.memory_space<vmem>>, vector<16xf32>,
        %add3A_427 = arith.addf %add3A_420, %get3A_426 : vector<16xf32>
        %mul3A_428 = arith.mulf %get3A_426, %get3A_426 : vector<16xf32>
        %add3A_429 = arith.addf %add3A_422, %mul3A_428 : vector<16xf32>
        %add3A_430 = arith.constant 1152 : i32
        %add3A_431 = arith.addi %add3A_430, %mul3A_53 : i32
        %get3A_432 = arith.index_cast %add3A_431 : i32 to index
        %get3A_433 = tpu.vector_load %arg13[%get3A_432] {strides = array<i32>} : memref<3328xf32, #tpu.memory_space<vmem>>, vector<16xf32>,
        %add3A_434 = arith.addf %add3A_427, %get3A_433 : vector<16xf32>
        %mul3A_435 = arith.mulf %get3A_433, %get3A_433 : vector<16xf32>
        %add3A_436 = arith.addf %add3A_429, %mul3A_435 : vector<16xf32>
        %add3A_437 = arith.constant 1280 : i32
        %add3A_438 = arith.addi %add3A_437, %mul3A_53 : i32
        %get3A_439 = arith.index_cast %add3A_438 : i32 to index
        %get3A_440 = tpu.vector_load %arg13[%get3A_439] {strides = array<i32>} : memref<3328xf32, #tpu.memory_space<vmem>>, vector<16xf32>,
        %add3A_441 = arith.addf %add3A_434, %get3A_440 : vector<16xf32>
        %mul3A_442 = arith.mulf %get3A_440, %get3A_440 : vector<16xf32>
        %add3A_443 = arith.addf %add3A_436, %mul3A_442 : vector<16xf32>
        %add3A_444 = arith.constant 1408 : i32
        %add3A_445 = arith.addi %add3A_444, %mul3A_53 : i32
        %get3A_446 = arith.index_cast %add3A_445 : i32 to index
        %get3A_447 = tpu.vector_load %arg13[%get3A_446] {strides = array<i32>} : memref<3328xf32, #tpu.memory_space<vmem>>, vector<16xf32>,
        %add3A_448 = arith.addf %add3A_441, %get3A_447 : vector<16xf32>
        %mul3A_449 = arith.mulf %get3A_447, %get3A_447 : vector<16xf32>
        %add3A_450 = arith.addf %add3A_443, %mul3A_449 : vector<16xf32>
        %add3A_451 = arith.constant 1536 : i32
        %add3A_452 = arith.addi %add3A_451, %mul3A_53 : i32
        %get3A_453 = arith.index_cast %add3A_452 : i32 to index
        %get3A_454 = tpu.vector_load %arg13[%get3A_453] {strides = array<i32>} : memref<3328xf32, #tpu.memory_space<vmem>>, vector<16xf32>,
        %add3A_455 = arith.addf %add3A_448, %get3A_454 : vector<16xf32>
        %mul3A_456 = arith.mulf %get3A_454, %get3A_454 : vector<16xf32>
        %add3A_457 = arith.addf %add3A_450, %mul3A_456 : vector<16xf32>
        %add3A_458 = arith.constant 1664 : i32
        %add3A_459 = arith.addi %add3A_458, %mul3A_53 : i32
        %get3A_460 = arith.index_cast %add3A_459 : i32 to index
        %get3A_461 = tpu.vector_load %arg13[%get3A_460] {strides = array<i32>} : memref<3328xf32, #tpu.memory_space<vmem>>, vector<16xf32>,
        %add3A_462 = arith.addf %add3A_455, %get3A_461 : vector<16xf32>
        %mul3A_463 = arith.mulf %get3A_461, %get3A_461 : vector<16xf32>
        %add3A_464 = arith.addf %add3A_457, %mul3A_463 : vector<16xf32>
        %add3A_465 = arith.constant 1792 : i32
        %add3A_466 = arith.addi %add3A_465, %mul3A_53 : i32
        %get3A_467 = arith.index_cast %add3A_466 : i32 to index
        %get3A_468 = tpu.vector_load %arg13[%get3A_467] {strides = array<i32>} : memref<3328xf32, #tpu.memory_space<vmem>>, vector<16xf32>,
        %add3A_469 = arith.addf %add3A_462, %get3A_468 : vector<16xf32>
        %mul3A_470 = arith.mulf %get3A_468, %get3A_468 : vector<16xf32>
        %add3A_471 = arith.addf %add3A_464, %mul3A_470 : vector<16xf32>
        %add3A_472 = arith.constant 1920 : i32
        %add3A_473 = arith.addi %add3A_472, %mul3A_53 : i32
        %get3A_474 = arith.index_cast %add3A_473 : i32 to index
        %get3A_475 = tpu.vector_load %arg13[%get3A_474] {strides = array<i32>} : memref<3328xf32, #tpu.memory_space<vmem>>, vector<16xf32>,
        %add3A_476 = arith.addf %add3A_469, %get3A_475 : vector<16xf32>
        %mul3A_477 = arith.mulf %get3A_475, %get3A_475 : vector<16xf32>
        %add3A_478 = arith.addf %add3A_471, %mul3A_477 : vector<16xf32>
        %add3A_479 = arith.constant 2048 : i32
        %add3A_480 = arith.addi %add3A_479, %mul3A_53 : i32
        %get3A_481 = arith.index_cast %add3A_480 : i32 to index
        %get3A_482 = tpu.vector_load %arg13[%get3A_481] {strides = array<i32>} : memref<3328xf32, #tpu.memory_space<vmem>>, vector<16xf32>,
        %add3A_483 = arith.addf %add3A_476, %get3A_482 : vector<16xf32>
        %mul3A_484 = arith.mulf %get3A_482, %get3A_482 : vector<16xf32>
        %add3A_485 = arith.addf %add3A_478, %mul3A_484 : vector<16xf32>
        %add3A_486 = arith.constant 2176 : i32
        %add3A_487 = arith.addi %add3A_486, %mul3A_53 : i32
        %get3A_488 = arith.index_cast %add3A_487 : i32 to index
        %get3A_489 = tpu.vector_load %arg13[%get3A_488] {strides = array<i32>} : memref<3328xf32, #tpu.memory_space<vmem>>, vector<16xf32>,
        %add3A_490 = arith.addf %add3A_483, %get3A_489 : vector<16xf32>
        %mul3A_491 = arith.mulf %get3A_489, %get3A_489 : vector<16xf32>
        %add3A_492 = arith.addf %add3A_485, %mul3A_491 : vector<16xf32>
        %add3A_493 = arith.constant 2304 : i32
        %add3A_494 = arith.addi %add3A_493, %mul3A_53 : i32
        %get3A_495 = arith.index_cast %add3A_494 : i32 to index
        %get3A_496 = tpu.vector_load %arg13[%get3A_495] {strides = array<i32>} : memref<3328xf32, #tpu.memory_space<vmem>>, vector<16xf32>,
        %add3A_497 = arith.addf %add3A_490, %get3A_496 : vector<16xf32>
        %mul3A_498 = arith.mulf %get3A_496, %get3A_496 : vector<16xf32>
        %add3A_499 = arith.addf %add3A_492, %mul3A_498 : vector<16xf32>
        %add3A_500 = arith.constant 2432 : i32
        %add3A_501 = arith.addi %add3A_500, %mul3A_53 : i32
        %get3A_502 = arith.index_cast %add3A_501 : i32 to index
        %get3A_503 = tpu.vector_load %arg13[%get3A_502] {strides = array<i32>} : memref<3328xf32, #tpu.memory_space<vmem>>, vector<16xf32>,
        %add3A_504 = arith.addf %add3A_497, %get3A_503 : vector<16xf32>
        %mul3A_505 = arith.mulf %get3A_503, %get3A_503 : vector<16xf32>
        %add3A_506 = arith.addf %add3A_499, %mul3A_505 : vector<16xf32>
        %add3A_507 = arith.constant 2560 : i32
        %add3A_508 = arith.addi %add3A_507, %mul3A_53 : i32
        %get3A_509 = arith.index_cast %add3A_508 : i32 to index
        %get3A_510 = tpu.vector_load %arg13[%get3A_509] {strides = array<i32>} : memref<3328xf32, #tpu.memory_space<vmem>>, vector<16xf32>,
        %add3A_511 = arith.addf %add3A_504, %get3A_510 : vector<16xf32>
        %mul3A_512 = arith.mulf %get3A_510, %get3A_510 : vector<16xf32>
        %add3A_513 = arith.addf %add3A_506, %mul3A_512 : vector<16xf32>
        %add3A_514 = arith.constant 2688 : i32
        %add3A_515 = arith.addi %add3A_514, %mul3A_53 : i32
        %get3A_516 = arith.index_cast %add3A_515 : i32 to index
        %get3A_517 = tpu.vector_load %arg13[%get3A_516] {strides = array<i32>} : memref<3328xf32, #tpu.memory_space<vmem>>, vector<16xf32>,
        %add3A_518 = arith.addf %add3A_511, %get3A_517 : vector<16xf32>
        %mul3A_519 = arith.mulf %get3A_517, %get3A_517 : vector<16xf32>
        %add3A_520 = arith.addf %add3A_513, %mul3A_519 : vector<16xf32>
        %add3A_521 = arith.constant 2816 : i32
        %add3A_522 = arith.addi %add3A_521, %mul3A_53 : i32
        %get3A_523 = arith.index_cast %add3A_522 : i32 to index
        %get3A_524 = tpu.vector_load %arg13[%get3A_523] {strides = array<i32>} : memref<3328xf32, #tpu.memory_space<vmem>>, vector<16xf32>,
        %add3A_525 = arith.addf %add3A_518, %get3A_524 : vector<16xf32>
        %mul3A_526 = arith.mulf %get3A_524, %get3A_524 : vector<16xf32>
        %add3A_527 = arith.addf %add3A_520, %mul3A_526 : vector<16xf32>
        %add3A_528 = arith.constant 2944 : i32
        %add3A_529 = arith.addi %add3A_528, %mul3A_53 : i32
        %get3A_530 = arith.index_cast %add3A_529 : i32 to index
        %get3A_531 = tpu.vector_load %arg13[%get3A_530] {strides = array<i32>} : memref<3328xf32, #tpu.memory_space<vmem>>, vector<16xf32>,
        %add3A_532 = arith.addf %add3A_525, %get3A_531 : vector<16xf32>
        %mul3A_533 = arith.mulf %get3A_531, %get3A_531 : vector<16xf32>
        %add3A_534 = arith.addf %add3A_527, %mul3A_533 : vector<16xf32>
        %add3A_535 = arith.constant 3072 : i32
        %add3A_536 = arith.addi %add3A_535, %mul3A_53 : i32
        %get3A_537 = arith.index_cast %add3A_536 : i32 to index
        %get3A_538 = tpu.vector_load %arg13[%get3A_537] {strides = array<i32>} : memref<3328xf32, #tpu.memory_space<vmem>>, vector<16xf32>,
        %add3A_539 = arith.addf %add3A_532, %get3A_538 : vector<16xf32>
        %mul3A_540 = arith.mulf %get3A_538, %get3A_538 : vector<16xf32>
        %add3A_541 = arith.addf %add3A_534, %mul3A_540 : vector<16xf32>
        %add3A_542 = arith.constant 3200 : i32
        %add3A_543 = arith.addi %add3A_542, %mul3A_53 : i32
        %get3A_544 = arith.index_cast %add3A_543 : i32 to index
        %get3A_545 = tpu.vector_load %arg13[%get3A_544] {strides = array<i32>} : memref<3328xf32, #tpu.memory_space<vmem>>, vector<16xf32>,
        %add3A_546 = arith.addf %add3A_539, %get3A_545 : vector<16xf32>
        %mul3A_547 = arith.mulf %get3A_545, %get3A_545 : vector<16xf32>
        %add3A_548 = arith.addf %add3A_541, %mul3A_547 : vector<16xf32>
        %mul3A_549 = arith.mulf %add3A_546, %add3A_546 : vector<16xf32>
        %sub3A_550 = arith.subf %mul3A_549, %add3A_548 : vector<16xf32>
        %mul3A_551 = arith.constant 5.000000e-01 : f32
        %mul3A_552 = vector.broadcast %mul3A_551 : f32 to vector<16xf32>
        %mul3A_553 = arith.mulf %mul3A_552, %sub3A_550 : vector<16xf32>
        %add3A_554 = arith.addf %add3A_368, %mul3A_553 : vector<16xf32>
        %add3A_555 = arith.constant 0 : i32
        %add3A_556 = arith.addi %add3A_555, %mul3A_53 : i32
        %get3A_557 = arith.index_cast %add3A_556 : i32 to index
        %get3A_558 = tpu.vector_load %arg14[%get3A_557] {strides = array<i32>} : memref<3328xf32, #tpu.memory_space<vmem>>, vector<16xf32>,
        %mul3A_559 = arith.mulf %get3A_558, %get3A_558 : vector<16xf32>
        %add3A_560 = arith.constant 128 : i32
        %add3A_561 = arith.addi %add3A_560, %mul3A_53 : i32
        %get3A_562 = arith.index_cast %add3A_561 : i32 to index
        %get3A_563 = tpu.vector_load %arg14[%get3A_562] {strides = array<i32>} : memref<3328xf32, #tpu.memory_space<vmem>>, vector<16xf32>,
        %add3A_564 = arith.addf %get3A_558, %get3A_563 : vector<16xf32>
        %mul3A_565 = arith.mulf %get3A_563, %get3A_563 : vector<16xf32>
        %add3A_566 = arith.addf %mul3A_559, %mul3A_565 : vector<16xf32>
        %add3A_567 = arith.constant 256 : i32
        %add3A_568 = arith.addi %add3A_567, %mul3A_53 : i32
        %get3A_569 = arith.index_cast %add3A_568 : i32 to index
        %get3A_570 = tpu.vector_load %arg14[%get3A_569] {strides = array<i32>} : memref<3328xf32, #tpu.memory_space<vmem>>, vector<16xf32>,
        %add3A_571 = arith.addf %add3A_564, %get3A_570 : vector<16xf32>
        %mul3A_572 = arith.mulf %get3A_570, %get3A_570 : vector<16xf32>
        %add3A_573 = arith.addf %add3A_566, %mul3A_572 : vector<16xf32>
        %add3A_574 = arith.constant 384 : i32
        %add3A_575 = arith.addi %add3A_574, %mul3A_53 : i32
        %get3A_576 = arith.index_cast %add3A_575 : i32 to index
        %get3A_577 = tpu.vector_load %arg14[%get3A_576] {strides = array<i32>} : memref<3328xf32, #tpu.memory_space<vmem>>, vector<16xf32>,
        %add3A_578 = arith.addf %add3A_571, %get3A_577 : vector<16xf32>
        %mul3A_579 = arith.mulf %get3A_577, %get3A_577 : vector<16xf32>
        %add3A_580 = arith.addf %add3A_573, %mul3A_579 : vector<16xf32>
        %add3A_581 = arith.constant 512 : i32
        %add3A_582 = arith.addi %add3A_581, %mul3A_53 : i32
        %get3A_583 = arith.index_cast %add3A_582 : i32 to index
        %get3A_584 = tpu.vector_load %arg14[%get3A_583] {strides = array<i32>} : memref<3328xf32, #tpu.memory_space<vmem>>, vector<16xf32>,
        %add3A_585 = arith.addf %add3A_578, %get3A_584 : vector<16xf32>
        %mul3A_586 = arith.mulf %get3A_584, %get3A_584 : vector<16xf32>
        %add3A_587 = arith.addf %add3A_580, %mul3A_586 : vector<16xf32>
        %add3A_588 = arith.constant 640 : i32
        %add3A_589 = arith.addi %add3A_588, %mul3A_53 : i32
        %get3A_590 = arith.index_cast %add3A_589 : i32 to index
        %get3A_591 = tpu.vector_load %arg14[%get3A_590] {strides = array<i32>} : memref<3328xf32, #tpu.memory_space<vmem>>, vector<16xf32>,
        %add3A_592 = arith.addf %add3A_585, %get3A_591 : vector<16xf32>
        %mul3A_593 = arith.mulf %get3A_591, %get3A_591 : vector<16xf32>
        %add3A_594 = arith.addf %add3A_587, %mul3A_593 : vector<16xf32>
        %add3A_595 = arith.constant 768 : i32
        %add3A_596 = arith.addi %add3A_595, %mul3A_53 : i32
        %get3A_597 = arith.index_cast %add3A_596 : i32 to index
        %get3A_598 = tpu.vector_load %arg14[%get3A_597] {strides = array<i32>} : memref<3328xf32, #tpu.memory_space<vmem>>, vector<16xf32>,
        %add3A_599 = arith.addf %add3A_592, %get3A_598 : vector<16xf32>
        %mul3A_600 = arith.mulf %get3A_598, %get3A_598 : vector<16xf32>
        %add3A_601 = arith.addf %add3A_594, %mul3A_600 : vector<16xf32>
        %add3A_602 = arith.constant 896 : i32
        %add3A_603 = arith.addi %add3A_602, %mul3A_53 : i32
        %get3A_604 = arith.index_cast %add3A_603 : i32 to index
        %get3A_605 = tpu.vector_load %arg14[%get3A_604] {strides = array<i32>} : memref<3328xf32, #tpu.memory_space<vmem>>, vector<16xf32>,
        %add3A_606 = arith.addf %add3A_599, %get3A_605 : vector<16xf32>
        %mul3A_607 = arith.mulf %get3A_605, %get3A_605 : vector<16xf32>
        %add3A_608 = arith.addf %add3A_601, %mul3A_607 : vector<16xf32>
        %add3A_609 = arith.constant 1024 : i32
        %add3A_610 = arith.addi %add3A_609, %mul3A_53 : i32
        %get3A_611 = arith.index_cast %add3A_610 : i32 to index
        %get3A_612 = tpu.vector_load %arg14[%get3A_611] {strides = array<i32>} : memref<3328xf32, #tpu.memory_space<vmem>>, vector<16xf32>,
        %add3A_613 = arith.addf %add3A_606, %get3A_612 : vector<16xf32>
        %mul3A_614 = arith.mulf %get3A_612, %get3A_612 : vector<16xf32>
        %add3A_615 = arith.addf %add3A_608, %mul3A_614 : vector<16xf32>
        %add3A_616 = arith.constant 1152 : i32
        %add3A_617 = arith.addi %add3A_616, %mul3A_53 : i32
        %get3A_618 = arith.index_cast %add3A_617 : i32 to index
        %get3A_619 = tpu.vector_load %arg14[%get3A_618] {strides = array<i32>} : memref<3328xf32, #tpu.memory_space<vmem>>, vector<16xf32>,
        %add3A_620 = arith.addf %add3A_613, %get3A_619 : vector<16xf32>
        %mul3A_621 = arith.mulf %get3A_619, %get3A_619 : vector<16xf32>
        %add3A_622 = arith.addf %add3A_615, %mul3A_621 : vector<16xf32>
        %add3A_623 = arith.constant 1280 : i32
        %add3A_624 = arith.addi %add3A_623, %mul3A_53 : i32
        %get3A_625 = arith.index_cast %add3A_624 : i32 to index
        %get3A_626 = tpu.vector_load %arg14[%get3A_625] {strides = array<i32>} : memref<3328xf32, #tpu.memory_space<vmem>>, vector<16xf32>,
        %add3A_627 = arith.addf %add3A_620, %get3A_626 : vector<16xf32>
        %mul3A_628 = arith.mulf %get3A_626, %get3A_626 : vector<16xf32>
        %add3A_629 = arith.addf %add3A_622, %mul3A_628 : vector<16xf32>
        %add3A_630 = arith.constant 1408 : i32
        %add3A_631 = arith.addi %add3A_630, %mul3A_53 : i32
        %get3A_632 = arith.index_cast %add3A_631 : i32 to index
        %get3A_633 = tpu.vector_load %arg14[%get3A_632] {strides = array<i32>} : memref<3328xf32, #tpu.memory_space<vmem>>, vector<16xf32>,
        %add3A_634 = arith.addf %add3A_627, %get3A_633 : vector<16xf32>
        %mul3A_635 = arith.mulf %get3A_633, %get3A_633 : vector<16xf32>
        %add3A_636 = arith.addf %add3A_629, %mul3A_635 : vector<16xf32>
        %add3A_637 = arith.constant 1536 : i32
        %add3A_638 = arith.addi %add3A_637, %mul3A_53 : i32
        %get3A_639 = arith.index_cast %add3A_638 : i32 to index
        %get3A_640 = tpu.vector_load %arg14[%get3A_639] {strides = array<i32>} : memref<3328xf32, #tpu.memory_space<vmem>>, vector<16xf32>,
        %add3A_641 = arith.addf %add3A_634, %get3A_640 : vector<16xf32>
        %mul3A_642 = arith.mulf %get3A_640, %get3A_640 : vector<16xf32>
        %add3A_643 = arith.addf %add3A_636, %mul3A_642 : vector<16xf32>
        %add3A_644 = arith.constant 1664 : i32
        %add3A_645 = arith.addi %add3A_644, %mul3A_53 : i32
        %get3A_646 = arith.index_cast %add3A_645 : i32 to index
        %get3A_647 = tpu.vector_load %arg14[%get3A_646] {strides = array<i32>} : memref<3328xf32, #tpu.memory_space<vmem>>, vector<16xf32>,
        %add3A_648 = arith.addf %add3A_641, %get3A_647 : vector<16xf32>
        %mul3A_649 = arith.mulf %get3A_647, %get3A_647 : vector<16xf32>
        %add3A_650 = arith.addf %add3A_643, %mul3A_649 : vector<16xf32>
        %add3A_651 = arith.constant 1792 : i32
        %add3A_652 = arith.addi %add3A_651, %mul3A_53 : i32
        %get3A_653 = arith.index_cast %add3A_652 : i32 to index
        %get3A_654 = tpu.vector_load %arg14[%get3A_653] {strides = array<i32>} : memref<3328xf32, #tpu.memory_space<vmem>>, vector<16xf32>,
        %add3A_655 = arith.addf %add3A_648, %get3A_654 : vector<16xf32>
        %mul3A_656 = arith.mulf %get3A_654, %get3A_654 : vector<16xf32>
        %add3A_657 = arith.addf %add3A_650, %mul3A_656 : vector<16xf32>
        %add3A_658 = arith.constant 1920 : i32
        %add3A_659 = arith.addi %add3A_658, %mul3A_53 : i32
        %get3A_660 = arith.index_cast %add3A_659 : i32 to index
        %get3A_661 = tpu.vector_load %arg14[%get3A_660] {strides = array<i32>} : memref<3328xf32, #tpu.memory_space<vmem>>, vector<16xf32>,
        %add3A_662 = arith.addf %add3A_655, %get3A_661 : vector<16xf32>
        %mul3A_663 = arith.mulf %get3A_661, %get3A_661 : vector<16xf32>
        %add3A_664 = arith.addf %add3A_657, %mul3A_663 : vector<16xf32>
        %add3A_665 = arith.constant 2048 : i32
        %add3A_666 = arith.addi %add3A_665, %mul3A_53 : i32
        %get3A_667 = arith.index_cast %add3A_666 : i32 to index
        %get3A_668 = tpu.vector_load %arg14[%get3A_667] {strides = array<i32>} : memref<3328xf32, #tpu.memory_space<vmem>>, vector<16xf32>,
        %add3A_669 = arith.addf %add3A_662, %get3A_668 : vector<16xf32>
        %mul3A_670 = arith.mulf %get3A_668, %get3A_668 : vector<16xf32>
        %add3A_671 = arith.addf %add3A_664, %mul3A_670 : vector<16xf32>
        %add3A_672 = arith.constant 2176 : i32
        %add3A_673 = arith.addi %add3A_672, %mul3A_53 : i32
        %get3A_674 = arith.index_cast %add3A_673 : i32 to index
        %get3A_675 = tpu.vector_load %arg14[%get3A_674] {strides = array<i32>} : memref<3328xf32, #tpu.memory_space<vmem>>, vector<16xf32>,
        %add3A_676 = arith.addf %add3A_669, %get3A_675 : vector<16xf32>
        %mul3A_677 = arith.mulf %get3A_675, %get3A_675 : vector<16xf32>
        %add3A_678 = arith.addf %add3A_671, %mul3A_677 : vector<16xf32>
        %add3A_679 = arith.constant 2304 : i32
        %add3A_680 = arith.addi %add3A_679, %mul3A_53 : i32
        %get3A_681 = arith.index_cast %add3A_680 : i32 to index
        %get3A_682 = tpu.vector_load %arg14[%get3A_681] {strides = array<i32>} : memref<3328xf32, #tpu.memory_space<vmem>>, vector<16xf32>,
        %add3A_683 = arith.addf %add3A_676, %get3A_682 : vector<16xf32>
        %mul3A_684 = arith.mulf %get3A_682, %get3A_682 : vector<16xf32>
        %add3A_685 = arith.addf %add3A_678, %mul3A_684 : vector<16xf32>
        %add3A_686 = arith.constant 2432 : i32
        %add3A_687 = arith.addi %add3A_686, %mul3A_53 : i32
        %get3A_688 = arith.index_cast %add3A_687 : i32 to index
        %get3A_689 = tpu.vector_load %arg14[%get3A_688] {strides = array<i32>} : memref<3328xf32, #tpu.memory_space<vmem>>, vector<16xf32>,
        %add3A_690 = arith.addf %add3A_683, %get3A_689 : vector<16xf32>
        %mul3A_691 = arith.mulf %get3A_689, %get3A_689 : vector<16xf32>
        %add3A_692 = arith.addf %add3A_685, %mul3A_691 : vector<16xf32>
        %add3A_693 = arith.constant 2560 : i32
        %add3A_694 = arith.addi %add3A_693, %mul3A_53 : i32
        %get3A_695 = arith.index_cast %add3A_694 : i32 to index
        %get3A_696 = tpu.vector_load %arg14[%get3A_695] {strides = array<i32>} : memref<3328xf32, #tpu.memory_space<vmem>>, vector<16xf32>,
        %add3A_697 = arith.addf %add3A_690, %get3A_696 : vector<16xf32>
        %mul3A_698 = arith.mulf %get3A_696, %get3A_696 : vector<16xf32>
        %add3A_699 = arith.addf %add3A_692, %mul3A_698 : vector<16xf32>
        %add3A_700 = arith.constant 2688 : i32
        %add3A_701 = arith.addi %add3A_700, %mul3A_53 : i32
        %get3A_702 = arith.index_cast %add3A_701 : i32 to index
        %get3A_703 = tpu.vector_load %arg14[%get3A_702] {strides = array<i32>} : memref<3328xf32, #tpu.memory_space<vmem>>, vector<16xf32>,
        %add3A_704 = arith.addf %add3A_697, %get3A_703 : vector<16xf32>
        %mul3A_705 = arith.mulf %get3A_703, %get3A_703 : vector<16xf32>
        %add3A_706 = arith.addf %add3A_699, %mul3A_705 : vector<16xf32>
        %add3A_707 = arith.constant 2816 : i32
        %add3A_708 = arith.addi %add3A_707, %mul3A_53 : i32
        %get3A_709 = arith.index_cast %add3A_708 : i32 to index
        %get3A_710 = tpu.vector_load %arg14[%get3A_709] {strides = array<i32>} : memref<3328xf32, #tpu.memory_space<vmem>>, vector<16xf32>,
        %add3A_711 = arith.addf %add3A_704, %get3A_710 : vector<16xf32>
        %mul3A_712 = arith.mulf %get3A_710, %get3A_710 : vector<16xf32>
        %add3A_713 = arith.addf %add3A_706, %mul3A_712 : vector<16xf32>
        %add3A_714 = arith.constant 2944 : i32
        %add3A_715 = arith.addi %add3A_714, %mul3A_53 : i32
        %get3A_716 = arith.index_cast %add3A_715 : i32 to index
        %get3A_717 = tpu.vector_load %arg14[%get3A_716] {strides = array<i32>} : memref<3328xf32, #tpu.memory_space<vmem>>, vector<16xf32>,
        %add3A_718 = arith.addf %add3A_711, %get3A_717 : vector<16xf32>
        %mul3A_719 = arith.mulf %get3A_717, %get3A_717 : vector<16xf32>
        %add3A_720 = arith.addf %add3A_713, %mul3A_719 : vector<16xf32>
        %add3A_721 = arith.constant 3072 : i32
        %add3A_722 = arith.addi %add3A_721, %mul3A_53 : i32
        %get3A_723 = arith.index_cast %add3A_722 : i32 to index
        %get3A_724 = tpu.vector_load %arg14[%get3A_723] {strides = array<i32>} : memref<3328xf32, #tpu.memory_space<vmem>>, vector<16xf32>,
        %add3A_725 = arith.addf %add3A_718, %get3A_724 : vector<16xf32>
        %mul3A_726 = arith.mulf %get3A_724, %get3A_724 : vector<16xf32>
        %add3A_727 = arith.addf %add3A_720, %mul3A_726 : vector<16xf32>
        %add3A_728 = arith.constant 3200 : i32
        %add3A_729 = arith.addi %add3A_728, %mul3A_53 : i32
        %get3A_730 = arith.index_cast %add3A_729 : i32 to index
        %get3A_731 = tpu.vector_load %arg14[%get3A_730] {strides = array<i32>} : memref<3328xf32, #tpu.memory_space<vmem>>, vector<16xf32>,
        %add3A_732 = arith.addf %add3A_725, %get3A_731 : vector<16xf32>
        %mul3A_733 = arith.mulf %get3A_731, %get3A_731 : vector<16xf32>
        %add3A_734 = arith.addf %add3A_727, %mul3A_733 : vector<16xf32>
        %mul3A_735 = arith.mulf %add3A_732, %add3A_732 : vector<16xf32>
        %sub3A_736 = arith.subf %mul3A_735, %add3A_734 : vector<16xf32>
        %mul3A_737 = arith.constant 5.000000e-01 : f32
        %mul3A_738 = vector.broadcast %mul3A_737 : f32 to vector<16xf32>
        %mul3A_739 = arith.mulf %mul3A_738, %sub3A_736 : vector<16xf32>
        %add3A_740 = arith.addf %add3A_554, %mul3A_739 : vector<16xf32>
        %add3A_741 = arith.constant 0 : i32
        %add3A_742 = arith.addi %add3A_741, %mul3A_53 : i32
        %get3A_743 = arith.index_cast %add3A_742 : i32 to index
        %get3A_744 = tpu.vector_load %arg15[%get3A_743] {strides = array<i32>} : memref<3328xf32, #tpu.memory_space<vmem>>, vector<16xf32>,
        %mul3A_745 = arith.mulf %get3A_744, %get3A_744 : vector<16xf32>
        %add3A_746 = arith.constant 128 : i32
        %add3A_747 = arith.addi %add3A_746, %mul3A_53 : i32
        %get3A_748 = arith.index_cast %add3A_747 : i32 to index
        %get3A_749 = tpu.vector_load %arg15[%get3A_748] {strides = array<i32>} : memref<3328xf32, #tpu.memory_space<vmem>>, vector<16xf32>,
        %add3A_750 = arith.addf %get3A_744, %get3A_749 : vector<16xf32>
        %mul3A_751 = arith.mulf %get3A_749, %get3A_749 : vector<16xf32>
        %add3A_752 = arith.addf %mul3A_745, %mul3A_751 : vector<16xf32>
        %add3A_753 = arith.constant 256 : i32
        %add3A_754 = arith.addi %add3A_753, %mul3A_53 : i32
        %get3A_755 = arith.index_cast %add3A_754 : i32 to index
        %get3A_756 = tpu.vector_load %arg15[%get3A_755] {strides = array<i32>} : memref<3328xf32, #tpu.memory_space<vmem>>, vector<16xf32>,
        %add3A_757 = arith.addf %add3A_750, %get3A_756 : vector<16xf32>
        %mul3A_758 = arith.mulf %get3A_756, %get3A_756 : vector<16xf32>
        %add3A_759 = arith.addf %add3A_752, %mul3A_758 : vector<16xf32>
        %add3A_760 = arith.constant 384 : i32
        %add3A_761 = arith.addi %add3A_760, %mul3A_53 : i32
        %get3A_762 = arith.index_cast %add3A_761 : i32 to index
        %get3A_763 = tpu.vector_load %arg15[%get3A_762] {strides = array<i32>} : memref<3328xf32, #tpu.memory_space<vmem>>, vector<16xf32>,
        %add3A_764 = arith.addf %add3A_757, %get3A_763 : vector<16xf32>
        %mul3A_765 = arith.mulf %get3A_763, %get3A_763 : vector<16xf32>
        %add3A_766 = arith.addf %add3A_759, %mul3A_765 : vector<16xf32>
        %add3A_767 = arith.constant 512 : i32
        %add3A_768 = arith.addi %add3A_767, %mul3A_53 : i32
        %get3A_769 = arith.index_cast %add3A_768 : i32 to index
        %get3A_770 = tpu.vector_load %arg15[%get3A_769] {strides = array<i32>} : memref<3328xf32, #tpu.memory_space<vmem>>, vector<16xf32>,
        %add3A_771 = arith.addf %add3A_764, %get3A_770 : vector<16xf32>
        %mul3A_772 = arith.mulf %get3A_770, %get3A_770 : vector<16xf32>
        %add3A_773 = arith.addf %add3A_766, %mul3A_772 : vector<16xf32>
        %add3A_774 = arith.constant 640 : i32
        %add3A_775 = arith.addi %add3A_774, %mul3A_53 : i32
        %get3A_776 = arith.index_cast %add3A_775 : i32 to index
        %get3A_777 = tpu.vector_load %arg15[%get3A_776] {strides = array<i32>} : memref<3328xf32, #tpu.memory_space<vmem>>, vector<16xf32>,
        %add3A_778 = arith.addf %add3A_771, %get3A_777 : vector<16xf32>
        %mul3A_779 = arith.mulf %get3A_777, %get3A_777 : vector<16xf32>
        %add3A_780 = arith.addf %add3A_773, %mul3A_779 : vector<16xf32>
        %add3A_781 = arith.constant 768 : i32
        %add3A_782 = arith.addi %add3A_781, %mul3A_53 : i32
        %get3A_783 = arith.index_cast %add3A_782 : i32 to index
        %get3A_784 = tpu.vector_load %arg15[%get3A_783] {strides = array<i32>} : memref<3328xf32, #tpu.memory_space<vmem>>, vector<16xf32>,
        %add3A_785 = arith.addf %add3A_778, %get3A_784 : vector<16xf32>
        %mul3A_786 = arith.mulf %get3A_784, %get3A_784 : vector<16xf32>
        %add3A_787 = arith.addf %add3A_780, %mul3A_786 : vector<16xf32>
        %add3A_788 = arith.constant 896 : i32
        %add3A_789 = arith.addi %add3A_788, %mul3A_53 : i32
        %get3A_790 = arith.index_cast %add3A_789 : i32 to index
        %get3A_791 = tpu.vector_load %arg15[%get3A_790] {strides = array<i32>} : memref<3328xf32, #tpu.memory_space<vmem>>, vector<16xf32>,
        %add3A_792 = arith.addf %add3A_785, %get3A_791 : vector<16xf32>
        %mul3A_793 = arith.mulf %get3A_791, %get3A_791 : vector<16xf32>
        %add3A_794 = arith.addf %add3A_787, %mul3A_793 : vector<16xf32>
        %add3A_795 = arith.constant 1024 : i32
        %add3A_796 = arith.addi %add3A_795, %mul3A_53 : i32
        %get3A_797 = arith.index_cast %add3A_796 : i32 to index
        %get3A_798 = tpu.vector_load %arg15[%get3A_797] {strides = array<i32>} : memref<3328xf32, #tpu.memory_space<vmem>>, vector<16xf32>,
        %add3A_799 = arith.addf %add3A_792, %get3A_798 : vector<16xf32>
        %mul3A_800 = arith.mulf %get3A_798, %get3A_798 : vector<16xf32>
        %add3A_801 = arith.addf %add3A_794, %mul3A_800 : vector<16xf32>
        %add3A_802 = arith.constant 1152 : i32
        %add3A_803 = arith.addi %add3A_802, %mul3A_53 : i32
        %get3A_804 = arith.index_cast %add3A_803 : i32 to index
        %get3A_805 = tpu.vector_load %arg15[%get3A_804] {strides = array<i32>} : memref<3328xf32, #tpu.memory_space<vmem>>, vector<16xf32>,
        %add3A_806 = arith.addf %add3A_799, %get3A_805 : vector<16xf32>
        %mul3A_807 = arith.mulf %get3A_805, %get3A_805 : vector<16xf32>
        %add3A_808 = arith.addf %add3A_801, %mul3A_807 : vector<16xf32>
        %add3A_809 = arith.constant 1280 : i32
        %add3A_810 = arith.addi %add3A_809, %mul3A_53 : i32
        %get3A_811 = arith.index_cast %add3A_810 : i32 to index
        %get3A_812 = tpu.vector_load %arg15[%get3A_811] {strides = array<i32>} : memref<3328xf32, #tpu.memory_space<vmem>>, vector<16xf32>,
        %add3A_813 = arith.addf %add3A_806, %get3A_812 : vector<16xf32>
        %mul3A_814 = arith.mulf %get3A_812, %get3A_812 : vector<16xf32>
        %add3A_815 = arith.addf %add3A_808, %mul3A_814 : vector<16xf32>
        %add3A_816 = arith.constant 1408 : i32
        %add3A_817 = arith.addi %add3A_816, %mul3A_53 : i32
        %get3A_818 = arith.index_cast %add3A_817 : i32 to index
        %get3A_819 = tpu.vector_load %arg15[%get3A_818] {strides = array<i32>} : memref<3328xf32, #tpu.memory_space<vmem>>, vector<16xf32>,
        %add3A_820 = arith.addf %add3A_813, %get3A_819 : vector<16xf32>
        %mul3A_821 = arith.mulf %get3A_819, %get3A_819 : vector<16xf32>
        %add3A_822 = arith.addf %add3A_815, %mul3A_821 : vector<16xf32>
        %add3A_823 = arith.constant 1536 : i32
        %add3A_824 = arith.addi %add3A_823, %mul3A_53 : i32
        %get3A_825 = arith.index_cast %add3A_824 : i32 to index
        %get3A_826 = tpu.vector_load %arg15[%get3A_825] {strides = array<i32>} : memref<3328xf32, #tpu.memory_space<vmem>>, vector<16xf32>,
        %add3A_827 = arith.addf %add3A_820, %get3A_826 : vector<16xf32>
        %mul3A_828 = arith.mulf %get3A_826, %get3A_826 : vector<16xf32>
        %add3A_829 = arith.addf %add3A_822, %mul3A_828 : vector<16xf32>
        %add3A_830 = arith.constant 1664 : i32
        %add3A_831 = arith.addi %add3A_830, %mul3A_53 : i32
        %get3A_832 = arith.index_cast %add3A_831 : i32 to index
        %get3A_833 = tpu.vector_load %arg15[%get3A_832] {strides = array<i32>} : memref<3328xf32, #tpu.memory_space<vmem>>, vector<16xf32>,
        %add3A_834 = arith.addf %add3A_827, %get3A_833 : vector<16xf32>
        %mul3A_835 = arith.mulf %get3A_833, %get3A_833 : vector<16xf32>
        %add3A_836 = arith.addf %add3A_829, %mul3A_835 : vector<16xf32>
        %add3A_837 = arith.constant 1792 : i32
        %add3A_838 = arith.addi %add3A_837, %mul3A_53 : i32
        %get3A_839 = arith.index_cast %add3A_838 : i32 to index
        %get3A_840 = tpu.vector_load %arg15[%get3A_839] {strides = array<i32>} : memref<3328xf32, #tpu.memory_space<vmem>>, vector<16xf32>,
        %add3A_841 = arith.addf %add3A_834, %get3A_840 : vector<16xf32>
        %mul3A_842 = arith.mulf %get3A_840, %get3A_840 : vector<16xf32>
        %add3A_843 = arith.addf %add3A_836, %mul3A_842 : vector<16xf32>
        %add3A_844 = arith.constant 1920 : i32
        %add3A_845 = arith.addi %add3A_844, %mul3A_53 : i32
        %get3A_846 = arith.index_cast %add3A_845 : i32 to index
        %get3A_847 = tpu.vector_load %arg15[%get3A_846] {strides = array<i32>} : memref<3328xf32, #tpu.memory_space<vmem>>, vector<16xf32>,
        %add3A_848 = arith.addf %add3A_841, %get3A_847 : vector<16xf32>
        %mul3A_849 = arith.mulf %get3A_847, %get3A_847 : vector<16xf32>
        %add3A_850 = arith.addf %add3A_843, %mul3A_849 : vector<16xf32>
        %add3A_851 = arith.constant 2048 : i32
        %add3A_852 = arith.addi %add3A_851, %mul3A_53 : i32
        %get3A_853 = arith.index_cast %add3A_852 : i32 to index
        %get3A_854 = tpu.vector_load %arg15[%get3A_853] {strides = array<i32>} : memref<3328xf32, #tpu.memory_space<vmem>>, vector<16xf32>,
        %add3A_855 = arith.addf %add3A_848, %get3A_854 : vector<16xf32>
        %mul3A_856 = arith.mulf %get3A_854, %get3A_854 : vector<16xf32>
        %add3A_857 = arith.addf %add3A_850, %mul3A_856 : vector<16xf32>
        %add3A_858 = arith.constant 2176 : i32
        %add3A_859 = arith.addi %add3A_858, %mul3A_53 : i32
        %get3A_860 = arith.index_cast %add3A_859 : i32 to index
        %get3A_861 = tpu.vector_load %arg15[%get3A_860] {strides = array<i32>} : memref<3328xf32, #tpu.memory_space<vmem>>, vector<16xf32>,
        %add3A_862 = arith.addf %add3A_855, %get3A_861 : vector<16xf32>
        %mul3A_863 = arith.mulf %get3A_861, %get3A_861 : vector<16xf32>
        %add3A_864 = arith.addf %add3A_857, %mul3A_863 : vector<16xf32>
        %add3A_865 = arith.constant 2304 : i32
        %add3A_866 = arith.addi %add3A_865, %mul3A_53 : i32
        %get3A_867 = arith.index_cast %add3A_866 : i32 to index
        %get3A_868 = tpu.vector_load %arg15[%get3A_867] {strides = array<i32>} : memref<3328xf32, #tpu.memory_space<vmem>>, vector<16xf32>,
        %add3A_869 = arith.addf %add3A_862, %get3A_868 : vector<16xf32>
        %mul3A_870 = arith.mulf %get3A_868, %get3A_868 : vector<16xf32>
        %add3A_871 = arith.addf %add3A_864, %mul3A_870 : vector<16xf32>
        %add3A_872 = arith.constant 2432 : i32
        %add3A_873 = arith.addi %add3A_872, %mul3A_53 : i32
        %get3A_874 = arith.index_cast %add3A_873 : i32 to index
        %get3A_875 = tpu.vector_load %arg15[%get3A_874] {strides = array<i32>} : memref<3328xf32, #tpu.memory_space<vmem>>, vector<16xf32>,
        %add3A_876 = arith.addf %add3A_869, %get3A_875 : vector<16xf32>
        %mul3A_877 = arith.mulf %get3A_875, %get3A_875 : vector<16xf32>
        %add3A_878 = arith.addf %add3A_871, %mul3A_877 : vector<16xf32>
        %add3A_879 = arith.constant 2560 : i32
        %add3A_880 = arith.addi %add3A_879, %mul3A_53 : i32
        %get3A_881 = arith.index_cast %add3A_880 : i32 to index
        %get3A_882 = tpu.vector_load %arg15[%get3A_881] {strides = array<i32>} : memref<3328xf32, #tpu.memory_space<vmem>>, vector<16xf32>,
        %add3A_883 = arith.addf %add3A_876, %get3A_882 : vector<16xf32>
        %mul3A_884 = arith.mulf %get3A_882, %get3A_882 : vector<16xf32>
        %add3A_885 = arith.addf %add3A_878, %mul3A_884 : vector<16xf32>
        %add3A_886 = arith.constant 2688 : i32
        %add3A_887 = arith.addi %add3A_886, %mul3A_53 : i32
        %get3A_888 = arith.index_cast %add3A_887 : i32 to index
        %get3A_889 = tpu.vector_load %arg15[%get3A_888] {strides = array<i32>} : memref<3328xf32, #tpu.memory_space<vmem>>, vector<16xf32>,
        %add3A_890 = arith.addf %add3A_883, %get3A_889 : vector<16xf32>
        %mul3A_891 = arith.mulf %get3A_889, %get3A_889 : vector<16xf32>
        %add3A_892 = arith.addf %add3A_885, %mul3A_891 : vector<16xf32>
        %add3A_893 = arith.constant 2816 : i32
        %add3A_894 = arith.addi %add3A_893, %mul3A_53 : i32
        %get3A_895 = arith.index_cast %add3A_894 : i32 to index
        %get3A_896 = tpu.vector_load %arg15[%get3A_895] {strides = array<i32>} : memref<3328xf32, #tpu.memory_space<vmem>>, vector<16xf32>,
        %add3A_897 = arith.addf %add3A_890, %get3A_896 : vector<16xf32>
        %mul3A_898 = arith.mulf %get3A_896, %get3A_896 : vector<16xf32>
        %add3A_899 = arith.addf %add3A_892, %mul3A_898 : vector<16xf32>
        %add3A_900 = arith.constant 2944 : i32
        %add3A_901 = arith.addi %add3A_900, %mul3A_53 : i32
        %get3A_902 = arith.index_cast %add3A_901 : i32 to index
        %get3A_903 = tpu.vector_load %arg15[%get3A_902] {strides = array<i32>} : memref<3328xf32, #tpu.memory_space<vmem>>, vector<16xf32>,
        %add3A_904 = arith.addf %add3A_897, %get3A_903 : vector<16xf32>
        %mul3A_905 = arith.mulf %get3A_903, %get3A_903 : vector<16xf32>
        %add3A_906 = arith.addf %add3A_899, %mul3A_905 : vector<16xf32>
        %add3A_907 = arith.constant 3072 : i32
        %add3A_908 = arith.addi %add3A_907, %mul3A_53 : i32
        %get3A_909 = arith.index_cast %add3A_908 : i32 to index
        %get3A_910 = tpu.vector_load %arg15[%get3A_909] {strides = array<i32>} : memref<3328xf32, #tpu.memory_space<vmem>>, vector<16xf32>,
        %add3A_911 = arith.addf %add3A_904, %get3A_910 : vector<16xf32>
        %mul3A_912 = arith.mulf %get3A_910, %get3A_910 : vector<16xf32>
        %add3A_913 = arith.addf %add3A_906, %mul3A_912 : vector<16xf32>
        %add3A_914 = arith.constant 3200 : i32
        %add3A_915 = arith.addi %add3A_914, %mul3A_53 : i32
        %get3A_916 = arith.index_cast %add3A_915 : i32 to index
        %get3A_917 = tpu.vector_load %arg15[%get3A_916] {strides = array<i32>} : memref<3328xf32, #tpu.memory_space<vmem>>, vector<16xf32>,
        %add3A_918 = arith.addf %add3A_911, %get3A_917 : vector<16xf32>
        %mul3A_919 = arith.mulf %get3A_917, %get3A_917 : vector<16xf32>
        %add3A_920 = arith.addf %add3A_913, %mul3A_919 : vector<16xf32>
        %mul3A_921 = arith.mulf %add3A_918, %add3A_918 : vector<16xf32>
        %sub3A_922 = arith.subf %mul3A_921, %add3A_920 : vector<16xf32>
        %mul3A_923 = arith.constant 5.000000e-01 : f32
        %mul3A_924 = vector.broadcast %mul3A_923 : f32 to vector<16xf32>
        %mul3A_925 = arith.mulf %mul3A_924, %sub3A_922 : vector<16xf32>
        %add3A_926 = arith.addf %add3A_740, %mul3A_925 : vector<16xf32>
        %mul3A_927 = arith.constant 128 : i32
        %mul3A_928 = arith.muli %scan3A_10, %mul3A_927 : i32
        %add3A_929 = arith.addi %mul3A_928, %mul3A_53 : i32
        %swap3A = arith.index_cast %add3A_929 : i32 to index
        %swap3A_930 = tpu.vector_load %arg17[%swap3A] {strides = array<i32>} : memref<512xf32, #tpu.memory_space<vmem>>, vector<16xf32>,
        tpu.vector_store %arg17[%swap3A], %add3A_926 {strides = array<i32>} : memref<512xf32, #tpu.memory_space<vmem>>, vector<16xf32>,
        %scan3A_931 = arith.constant 0 : i32
        scf.yield %scan3A_931 : i32
      }
      %scan3A_48 = arith.constant 8 : i32
      %scan3A_49 = arith.constant 0 : i32
      scf.yield %scan3A_49 : i32
    }
    %scan3A_7 = arith.constant 4 : i32
    %mul3A_8 = arith.constant 512 : i32
    %mul3A_9 = arith.muli %add3A, %mul3A_8 : i32
    "tpu.region"() ({
      %run_scoped3A = tpu.sem_alloc : memref<!tpu.dma_semaphore, #tpu.memory_space<semaphore_mem>>
      %dma_start3A = tpu.memref_slice %arg9[%mul3A_9] : memref<16384xf32, #tpu.memory_space<hbm>> -> memref<512xf32, #tpu.memory_space<hbm>>
      %dma_start3A_10 = tpu.memref_slice %arg9[%mul3A_9] : memref<16384xf32, #tpu.memory_space<hbm>> -> memref<512xf32, #tpu.memory_space<hbm>>
      tpu.enqueue_dma source(%arg17 : memref<512xf32, #tpu.memory_space<vmem>>) target(%dma_start3A_10 : memref<512xf32, #tpu.memory_space<hbm>>) target_semaphore(%run_scoped3A : memref<!tpu.dma_semaphore, #tpu.memory_space<semaphore_mem>>)
      %dma_wait3A = tpu.memref_slice %arg9[%mul3A_9] : memref<16384xf32, #tpu.memory_space<hbm>> -> memref<512xf32, #tpu.memory_space<hbm>>
      %dma_wait3A_11 = tpu.memref_slice %arg9[%mul3A_9] : memref<16384xf32, #tpu.memory_space<hbm>> -> memref<512xf32, #tpu.memory_space<hbm>>
      tpu.wait_dma2 semaphore(%run_scoped3A : memref<!tpu.dma_semaphore, #tpu.memory_space<semaphore_mem>>) src(%arg17 : memref<512xf32, #tpu.memory_space<vmem>>) dst(%dma_wait3A_11 : memref<512xf32, #tpu.memory_space<hbm>>)
      tpu.yield
    }) : () -> ()
    return
  }
}

#map = affine_map<(d0, d1) -> (0)>
module attributes {stable_mosaic.version = 14 : i64} {
  func.func @fm(%arg0: i32, %arg1: i32, %arg2: memref<2600000xf32, #tpu.memory_space<hbm>>, %arg3: memref<2600000xf32, #tpu.memory_space<hbm>>, %arg4: memref<2600000xf32, #tpu.memory_space<hbm>>, %arg5: memref<2600000xf32, #tpu.memory_space<hbm>>, %arg6: memref<16384xf32, #tpu.memory_space<hbm>>, %arg7: memref<425984xi32, #tpu.memory_space<hbm>>, %arg8: memref<16xf32, #tpu.memory_space<hbm>>, %arg9: memref<16384xf32, #tpu.memory_space<hbm>>, %arg10: memref<3328xi32, #tpu.memory_space<vmem>>, %arg11: memref<3328xi32, #tpu.memory_space<vmem>>, %arg12: memref<3328xf32, #tpu.memory_space<vmem>>, %arg13: memref<3328xf32, #tpu.memory_space<vmem>>, %arg14: memref<3328xf32, #tpu.memory_space<vmem>>, %arg15: memref<3328xf32, #tpu.memory_space<vmem>>, %arg16: memref<3328xf32, #tpu.memory_space<vmem>>, %arg17: memref<512xf32, #tpu.memory_space<vmem>>, %arg18: memref<16xf32, #tpu.memory_space<vmem>>, %arg19: memref<!tpu.dma_semaphore, #tpu.memory_space<semaphore_mem>>) attributes {dimension_semantics = [#tpu.dimension_semantics<core_parallel>, #tpu.dimension_semantics<subcore_parallel>], iteration_bounds = array<i64: 2, 16>, scalar_prefetch = 0 : i64, scratch_operands = 10 : i64, tpu.core_type = #tpu.core_type<sc_vector_subcore>, window_params = [{transform_indices = #map}, {transform_indices = #map}, {transform_indices = #map}, {transform_indices = #map}, {transform_indices = #map}, {transform_indices = #map}, {transform_indices = #map}, {transform_indices = #map}]} {
    %mul3A = arith.constant 2 : i32
    %mul3A_0 = arith.muli %arg1, %mul3A : i32
    %add3A = arith.addi %mul3A_0, %arg0 : i32
    "tpu.region"() ({
      %run_scoped3A = tpu.sem_alloc : memref<!tpu.dma_semaphore, #tpu.memory_space<semaphore_mem>>
      tpu.enqueue_dma source(%arg8 : memref<16xf32, #tpu.memory_space<hbm>>) target(%arg18 : memref<16xf32, #tpu.memory_space<vmem>>) target_semaphore(%run_scoped3A : memref<!tpu.dma_semaphore, #tpu.memory_space<semaphore_mem>>)
      tpu.wait_dma2 semaphore(%run_scoped3A : memref<!tpu.dma_semaphore, #tpu.memory_space<semaphore_mem>>) src(%arg8 : memref<16xf32, #tpu.memory_space<hbm>>) dst(%arg18 : memref<16xf32, #tpu.memory_space<vmem>>)
      tpu.yield
    }) : () -> ()
    %get3A = arith.constant 0 : index
    %get3A_1 = tpu.vector_load %arg18[%get3A] {strides = array<i32>} : memref<16xf32, #tpu.memory_space<vmem>>, vector<16xf32>,
    %scan3A = arith.constant 0 : i32
    %scan3A_2 = arith.constant 0 : i32
    %scan3A_3 = arith.constant 4 : i32
    %scan3A_4 = arith.addi %scan3A_2, %scan3A_3 : i32
    %scan3A_5 = arith.constant 1 : i32
    %scan3A_6 = scf.for %scan3A_10 = %scan3A_2 to %scan3A_4 step %scan3A_5 iter_args(%scan3A_11 = %scan3A) -> (i32)  : i32 {
      %mul3A_12 = arith.constant 4 : i32
      %mul3A_13 = arith.muli %add3A, %mul3A_12 : i32
      %add3A_14 = arith.addi %mul3A_13, %scan3A_10 : i32
      %mul3A_15 = arith.constant 3328 : i32
      %mul3A_16 = arith.muli %add3A_14, %mul3A_15 : i32
      "tpu.region"() ({
        %run_scoped3A = tpu.sem_alloc : memref<!tpu.dma_semaphore, #tpu.memory_space<semaphore_mem>>
        %dma_start3A_51 = tpu.memref_slice %arg7[%mul3A_16] : memref<425984xi32, #tpu.memory_space<hbm>> -> memref<3328xi32, #tpu.memory_space<hbm>>
        %dma_start3A_52 = tpu.memref_slice %arg7[%mul3A_16] : memref<425984xi32, #tpu.memory_space<hbm>> -> memref<3328xi32, #tpu.memory_space<hbm>>
        tpu.enqueue_dma source(%dma_start3A_52 : memref<3328xi32, #tpu.memory_space<hbm>>) target(%arg10 : memref<3328xi32, #tpu.memory_space<vmem>>) target_semaphore(%run_scoped3A : memref<!tpu.dma_semaphore, #tpu.memory_space<semaphore_mem>>)
        %dma_wait3A_53 = tpu.memref_slice %arg7[%mul3A_16] : memref<425984xi32, #tpu.memory_space<hbm>> -> memref<3328xi32, #tpu.memory_space<hbm>>
        %dma_wait3A_54 = tpu.memref_slice %arg7[%mul3A_16] : memref<425984xi32, #tpu.memory_space<hbm>> -> memref<3328xi32, #tpu.memory_space<hbm>>
        tpu.wait_dma2 semaphore(%run_scoped3A : memref<!tpu.dma_semaphore, #tpu.memory_space<semaphore_mem>>) src(%dma_wait3A_54 : memref<3328xi32, #tpu.memory_space<hbm>>) dst(%arg10 : memref<3328xi32, #tpu.memory_space<vmem>>)
        tpu.yield
      }) : () -> ()
      %scan3A_17 = arith.constant 0 : i32
      %scan3A_18 = arith.constant 0 : i32
      %scan3A_19 = arith.constant 208 : i32
      %scan3A_20 = arith.addi %scan3A_18, %scan3A_19 : i32
      %scan3A_21 = arith.constant 1 : i32
      %scan3A_22 = scf.for %scan3A_51 = %scan3A_18 to %scan3A_20 step %scan3A_21 iter_args(%scan3A_52 = %scan3A_17) -> (i32)  : i32 {
        %mul3A_53 = arith.constant 16 : i32
        %mul3A_54 = arith.muli %scan3A_51, %mul3A_53 : i32
        %multiple_of3A = tpu.assume_multiple %mul3A_54, 16 : i32
        %get3A_55 = arith.index_cast %multiple_of3A : i32 to index
        %get3A_56 = tpu.vector_load %arg10[%get3A_55] {strides = array<i32>} : memref<3328xi32, #tpu.memory_space<vmem>>, vector<16xi32>,
        %shift_right_arithmetic3A = arith.constant 3 : i32
        %shift_right_arithmetic3A_57 = arith.shrsi %scan3A_51, %shift_right_arithmetic3A : i32
        %mul3A_58 = arith.constant 100000 : i32
        %mul3A_59 = arith.muli %shift_right_arithmetic3A_57, %mul3A_58 : i32
        %add3A_60 = vector.broadcast %mul3A_59 : i32 to vector<16xi32>
        %add3A_61 = arith.addi %get3A_56, %add3A_60 : vector<16xi32>
        %swap3A = arith.index_cast %multiple_of3A : i32 to index
        %swap3A_62 = tpu.vector_load %arg11[%swap3A] {strides = array<i32>} : memref<3328xi32, #tpu.memory_space<vmem>>, vector<16xi32>,
        tpu.vector_store %arg11[%swap3A], %add3A_61 {strides = array<i32>} : memref<3328xi32, #tpu.memory_space<vmem>>, vector<16xi32>,
        %scan3A_63 = arith.constant 0 : i32
        scf.yield %scan3A_63 : i32
      }
      %scan3A_23 = arith.constant 208 : i32
      %mul3A_24 = arith.constant 4 : i32
      %mul3A_25 = arith.muli %add3A, %mul3A_24 : i32
      %add3A_26 = arith.addi %mul3A_25, %scan3A_10 : i32
      %mul3A_27 = arith.constant 128 : i32
      %mul3A_28 = arith.muli %add3A_26, %mul3A_27 : i32
      "tpu.region"() ({
        %run_scoped3A = tpu.sem_alloc : memref<!tpu.dma_semaphore, #tpu.memory_space<semaphore_mem>>
        %dma_start3A_51 = arith.constant 0 : i32
        %dma_start3A_52 = tpu.memref_slice %arg16[%dma_start3A_51] : memref<3328xf32, #tpu.memory_space<vmem>> -> memref<128xf32, #tpu.memory_space<vmem>>
        %dma_start3A_53 = tpu.memref_slice %arg6[%mul3A_28] : memref<16384xf32, #tpu.memory_space<hbm>> -> memref<128xf32, #tpu.memory_space<hbm>>
        %dma_start3A_54 = arith.constant 0 : i32
        %dma_start3A_55 = tpu.memref_slice %arg16[%dma_start3A_54] : memref<3328xf32, #tpu.memory_space<vmem>> -> memref<128xf32, #tpu.memory_space<vmem>>
        %dma_start3A_56 = tpu.memref_slice %arg6[%mul3A_28] : memref<16384xf32, #tpu.memory_space<hbm>> -> memref<128xf32, #tpu.memory_space<hbm>>
        tpu.enqueue_dma source(%dma_start3A_56 : memref<128xf32, #tpu.memory_space<hbm>>) target(%dma_start3A_55 : memref<128xf32, #tpu.memory_space<vmem>>) target_semaphore(%run_scoped3A : memref<!tpu.dma_semaphore, #tpu.memory_space<semaphore_mem>>)
        %dma_wait3A_57 = arith.constant 0 : i32
        %dma_wait3A_58 = tpu.memref_slice %arg16[%dma_wait3A_57] : memref<3328xf32, #tpu.memory_space<vmem>> -> memref<128xf32, #tpu.memory_space<vmem>>
        %dma_wait3A_59 = tpu.memref_slice %arg6[%mul3A_28] : memref<16384xf32, #tpu.memory_space<hbm>> -> memref<128xf32, #tpu.memory_space<hbm>>
        %dma_wait3A_60 = arith.constant 0 : i32
        %dma_wait3A_61 = tpu.memref_slice %arg16[%dma_wait3A_60] : memref<3328xf32, #tpu.memory_space<vmem>> -> memref<128xf32, #tpu.memory_space<vmem>>
        %dma_wait3A_62 = tpu.memref_slice %arg6[%mul3A_28] : memref<16384xf32, #tpu.memory_space<hbm>> -> memref<128xf32, #tpu.memory_space<hbm>>
        tpu.wait_dma2 semaphore(%run_scoped3A : memref<!tpu.dma_semaphore, #tpu.memory_space<semaphore_mem>>) src(%dma_wait3A_62 : memref<128xf32, #tpu.memory_space<hbm>>) dst(%dma_wait3A_61 : memref<128xf32, #tpu.memory_space<vmem>>)
        tpu.yield
      }) : () -> ()
      %dma_start3A = arith.constant 0 : i32
      %dma_start3A_29 = tpu.memref_slice %arg2[%dma_start3A] : memref<2600000xf32, #tpu.memory_space<hbm>> -> memref<2600000xf32, #tpu.memory_space<hbm>>
      tpu.enqueue_indirect_dma source(%dma_start3A_29 : memref<2600000xf32, #tpu.memory_space<hbm>>) target(%arg12 : memref<3328xf32, #tpu.memory_space<vmem>>) offsets(%arg11 : memref<3328xi32, #tpu.memory_space<vmem>>) semaphore(%arg19 : memref<!tpu.dma_semaphore, #tpu.memory_space<semaphore_mem>>)
      %dma_start3A_30 = arith.constant 0 : i32
      %dma_start3A_31 = tpu.memref_slice %arg3[%dma_start3A_30] : memref<2600000xf32, #tpu.memory_space<hbm>> -> memref<2600000xf32, #tpu.memory_space<hbm>>
      tpu.enqueue_indirect_dma source(%dma_start3A_31 : memref<2600000xf32, #tpu.memory_space<hbm>>) target(%arg13 : memref<3328xf32, #tpu.memory_space<vmem>>) offsets(%arg11 : memref<3328xi32, #tpu.memory_space<vmem>>) semaphore(%arg19 : memref<!tpu.dma_semaphore, #tpu.memory_space<semaphore_mem>>)
      %dma_start3A_32 = arith.constant 0 : i32
      %dma_start3A_33 = tpu.memref_slice %arg4[%dma_start3A_32] : memref<2600000xf32, #tpu.memory_space<hbm>> -> memref<2600000xf32, #tpu.memory_space<hbm>>
      tpu.enqueue_indirect_dma source(%dma_start3A_33 : memref<2600000xf32, #tpu.memory_space<hbm>>) target(%arg14 : memref<3328xf32, #tpu.memory_space<vmem>>) offsets(%arg11 : memref<3328xi32, #tpu.memory_space<vmem>>) semaphore(%arg19 : memref<!tpu.dma_semaphore, #tpu.memory_space<semaphore_mem>>)
      %dma_start3A_34 = arith.constant 0 : i32
      %dma_start3A_35 = tpu.memref_slice %arg5[%dma_start3A_34] : memref<2600000xf32, #tpu.memory_space<hbm>> -> memref<2600000xf32, #tpu.memory_space<hbm>>
      tpu.enqueue_indirect_dma source(%dma_start3A_35 : memref<2600000xf32, #tpu.memory_space<hbm>>) target(%arg15 : memref<3328xf32, #tpu.memory_space<vmem>>) offsets(%arg11 : memref<3328xi32, #tpu.memory_space<vmem>>) semaphore(%arg19 : memref<!tpu.dma_semaphore, #tpu.memory_space<semaphore_mem>>)
      %dma_wait3A = arith.constant 0 : i32
      %dma_wait3A_36 = tpu.memref_slice %arg2[%dma_wait3A] : memref<2600000xf32, #tpu.memory_space<hbm>> -> memref<2600000xf32, #tpu.memory_space<hbm>>
      tpu.wait_indirect_dma semaphore(%arg19 : memref<!tpu.dma_semaphore, #tpu.memory_space<semaphore_mem>>) src(%dma_wait3A_36 : memref<2600000xf32, #tpu.memory_space<hbm>>) dst(%arg12 : memref<3328xf32, #tpu.memory_space<vmem>>)
      %dma_wait3A_37 = arith.constant 0 : i32
      %dma_wait3A_38 = tpu.memref_slice %arg3[%dma_wait3A_37] : memref<2600000xf32, #tpu.memory_space<hbm>> -> memref<2600000xf32, #tpu.memory_space<hbm>>
      tpu.wait_indirect_dma semaphore(%arg19 : memref<!tpu.dma_semaphore, #tpu.memory_space<semaphore_mem>>) src(%dma_wait3A_38 : memref<2600000xf32, #tpu.memory_space<hbm>>) dst(%arg13 : memref<3328xf32, #tpu.memory_space<vmem>>)
      %dma_wait3A_39 = arith.constant 0 : i32
      %dma_wait3A_40 = tpu.memref_slice %arg4[%dma_wait3A_39] : memref<2600000xf32, #tpu.memory_space<hbm>> -> memref<2600000xf32, #tpu.memory_space<hbm>>
      tpu.wait_indirect_dma semaphore(%arg19 : memref<!tpu.dma_semaphore, #tpu.memory_space<semaphore_mem>>) src(%dma_wait3A_40 : memref<2600000xf32, #tpu.memory_space<hbm>>) dst(%arg14 : memref<3328xf32, #tpu.memory_space<vmem>>)
      %dma_wait3A_41 = arith.constant 0 : i32
      %dma_wait3A_42 = tpu.memref_slice %arg5[%dma_wait3A_41] : memref<2600000xf32, #tpu.memory_space<hbm>> -> memref<2600000xf32, #tpu.memory_space<hbm>>
      tpu.wait_indirect_dma semaphore(%arg19 : memref<!tpu.dma_semaphore, #tpu.memory_space<semaphore_mem>>) src(%dma_wait3A_42 : memref<2600000xf32, #tpu.memory_space<hbm>>) dst(%arg15 : memref<3328xf32, #tpu.memory_space<vmem>>)
      %scan3A_43 = arith.constant 0 : i32
      %scan3A_44 = arith.constant 0 : i32
      %scan3A_45 = arith.constant 8 : i32
      %scan3A_46 = arith.addi %scan3A_44, %scan3A_45 : i32
      %scan3A_47 = arith.constant 1 : i32
      %scan3A_48 = scf.for %scan3A_51 = %scan3A_44 to %scan3A_46 step %scan3A_47 iter_args(%scan3A_52 = %scan3A_43) -> (i32)  : i32 {
        %mul3A_53 = arith.constant 16 : i32
        %mul3A_54 = arith.muli %scan3A_51, %mul3A_53 : i32
        %get3A_55 = arith.index_cast %mul3A_54 : i32 to index
        %get3A_56 = tpu.vector_load %arg16[%get3A_55] {strides = array<i32>} : memref<3328xf32, #tpu.memory_space<vmem>>, vector<16xf32>,
        %add3A_57 = arith.constant 0 : i32
        %add3A_58 = arith.addi %add3A_57, %mul3A_54 : i32
        %get3A_59 = arith.index_cast %add3A_58 : i32 to index
        %get3A_60 = tpu.vector_load %arg12[%get3A_59] {strides = array<i32>} : memref<3328xf32, #tpu.memory_space<vmem>>, vector<16xf32>,
        %mul3A_61 = arith.mulf %get3A_60, %get3A_60 : vector<16xf32>
        %add3A_62 = arith.constant 128 : i32
        %add3A_63 = arith.addi %add3A_62, %mul3A_54 : i32
        %get3A_64 = arith.index_cast %add3A_63 : i32 to index
        %get3A_65 = tpu.vector_load %arg12[%get3A_64] {strides = array<i32>} : memref<3328xf32, #tpu.memory_space<vmem>>, vector<16xf32>,
        %add3A_66 = arith.addf %get3A_60, %get3A_65 : vector<16xf32>
        %mul3A_67 = arith.mulf %get3A_65, %get3A_65 : vector<16xf32>
        %add3A_68 = arith.addf %mul3A_61, %mul3A_67 : vector<16xf32>
        %add3A_69 = arith.constant 256 : i32
        %add3A_70 = arith.addi %add3A_69, %mul3A_54 : i32
        %get3A_71 = arith.index_cast %add3A_70 : i32 to index
        %get3A_72 = tpu.vector_load %arg12[%get3A_71] {strides = array<i32>} : memref<3328xf32, #tpu.memory_space<vmem>>, vector<16xf32>,
        %add3A_73 = arith.addf %add3A_66, %get3A_72 : vector<16xf32>
        %mul3A_74 = arith.mulf %get3A_72, %get3A_72 : vector<16xf32>
        %add3A_75 = arith.addf %add3A_68, %mul3A_74 : vector<16xf32>
        %add3A_76 = arith.constant 384 : i32
        %add3A_77 = arith.addi %add3A_76, %mul3A_54 : i32
        %get3A_78 = arith.index_cast %add3A_77 : i32 to index
        %get3A_79 = tpu.vector_load %arg12[%get3A_78] {strides = array<i32>} : memref<3328xf32, #tpu.memory_space<vmem>>, vector<16xf32>,
        %add3A_80 = arith.addf %add3A_73, %get3A_79 : vector<16xf32>
        %mul3A_81 = arith.mulf %get3A_79, %get3A_79 : vector<16xf32>
        %add3A_82 = arith.addf %add3A_75, %mul3A_81 : vector<16xf32>
        %add3A_83 = arith.constant 512 : i32
        %add3A_84 = arith.addi %add3A_83, %mul3A_54 : i32
        %get3A_85 = arith.index_cast %add3A_84 : i32 to index
        %get3A_86 = tpu.vector_load %arg12[%get3A_85] {strides = array<i32>} : memref<3328xf32, #tpu.memory_space<vmem>>, vector<16xf32>,
        %add3A_87 = arith.addf %add3A_80, %get3A_86 : vector<16xf32>
        %mul3A_88 = arith.mulf %get3A_86, %get3A_86 : vector<16xf32>
        %add3A_89 = arith.addf %add3A_82, %mul3A_88 : vector<16xf32>
        %add3A_90 = arith.constant 640 : i32
        %add3A_91 = arith.addi %add3A_90, %mul3A_54 : i32
        %get3A_92 = arith.index_cast %add3A_91 : i32 to index
        %get3A_93 = tpu.vector_load %arg12[%get3A_92] {strides = array<i32>} : memref<3328xf32, #tpu.memory_space<vmem>>, vector<16xf32>,
        %add3A_94 = arith.addf %add3A_87, %get3A_93 : vector<16xf32>
        %mul3A_95 = arith.mulf %get3A_93, %get3A_93 : vector<16xf32>
        %add3A_96 = arith.addf %add3A_89, %mul3A_95 : vector<16xf32>
        %add3A_97 = arith.constant 768 : i32
        %add3A_98 = arith.addi %add3A_97, %mul3A_54 : i32
        %get3A_99 = arith.index_cast %add3A_98 : i32 to index
        %get3A_100 = tpu.vector_load %arg12[%get3A_99] {strides = array<i32>} : memref<3328xf32, #tpu.memory_space<vmem>>, vector<16xf32>,
        %add3A_101 = arith.addf %add3A_94, %get3A_100 : vector<16xf32>
        %mul3A_102 = arith.mulf %get3A_100, %get3A_100 : vector<16xf32>
        %add3A_103 = arith.addf %add3A_96, %mul3A_102 : vector<16xf32>
        %add3A_104 = arith.constant 896 : i32
        %add3A_105 = arith.addi %add3A_104, %mul3A_54 : i32
        %get3A_106 = arith.index_cast %add3A_105 : i32 to index
        %get3A_107 = tpu.vector_load %arg12[%get3A_106] {strides = array<i32>} : memref<3328xf32, #tpu.memory_space<vmem>>, vector<16xf32>,
        %add3A_108 = arith.addf %add3A_101, %get3A_107 : vector<16xf32>
        %mul3A_109 = arith.mulf %get3A_107, %get3A_107 : vector<16xf32>
        %add3A_110 = arith.addf %add3A_103, %mul3A_109 : vector<16xf32>
        %add3A_111 = arith.constant 1024 : i32
        %add3A_112 = arith.addi %add3A_111, %mul3A_54 : i32
        %get3A_113 = arith.index_cast %add3A_112 : i32 to index
        %get3A_114 = tpu.vector_load %arg12[%get3A_113] {strides = array<i32>} : memref<3328xf32, #tpu.memory_space<vmem>>, vector<16xf32>,
        %add3A_115 = arith.addf %add3A_108, %get3A_114 : vector<16xf32>
        %mul3A_116 = arith.mulf %get3A_114, %get3A_114 : vector<16xf32>
        %add3A_117 = arith.addf %add3A_110, %mul3A_116 : vector<16xf32>
        %add3A_118 = arith.constant 1152 : i32
        %add3A_119 = arith.addi %add3A_118, %mul3A_54 : i32
        %get3A_120 = arith.index_cast %add3A_119 : i32 to index
        %get3A_121 = tpu.vector_load %arg12[%get3A_120] {strides = array<i32>} : memref<3328xf32, #tpu.memory_space<vmem>>, vector<16xf32>,
        %add3A_122 = arith.addf %add3A_115, %get3A_121 : vector<16xf32>
        %mul3A_123 = arith.mulf %get3A_121, %get3A_121 : vector<16xf32>
        %add3A_124 = arith.addf %add3A_117, %mul3A_123 : vector<16xf32>
        %add3A_125 = arith.constant 1280 : i32
        %add3A_126 = arith.addi %add3A_125, %mul3A_54 : i32
        %get3A_127 = arith.index_cast %add3A_126 : i32 to index
        %get3A_128 = tpu.vector_load %arg12[%get3A_127] {strides = array<i32>} : memref<3328xf32, #tpu.memory_space<vmem>>, vector<16xf32>,
        %add3A_129 = arith.addf %add3A_122, %get3A_128 : vector<16xf32>
        %mul3A_130 = arith.mulf %get3A_128, %get3A_128 : vector<16xf32>
        %add3A_131 = arith.addf %add3A_124, %mul3A_130 : vector<16xf32>
        %add3A_132 = arith.constant 1408 : i32
        %add3A_133 = arith.addi %add3A_132, %mul3A_54 : i32
        %get3A_134 = arith.index_cast %add3A_133 : i32 to index
        %get3A_135 = tpu.vector_load %arg12[%get3A_134] {strides = array<i32>} : memref<3328xf32, #tpu.memory_space<vmem>>, vector<16xf32>,
        %add3A_136 = arith.addf %add3A_129, %get3A_135 : vector<16xf32>
        %mul3A_137 = arith.mulf %get3A_135, %get3A_135 : vector<16xf32>
        %add3A_138 = arith.addf %add3A_131, %mul3A_137 : vector<16xf32>
        %add3A_139 = arith.constant 1536 : i32
        %add3A_140 = arith.addi %add3A_139, %mul3A_54 : i32
        %get3A_141 = arith.index_cast %add3A_140 : i32 to index
        %get3A_142 = tpu.vector_load %arg12[%get3A_141] {strides = array<i32>} : memref<3328xf32, #tpu.memory_space<vmem>>, vector<16xf32>,
        %add3A_143 = arith.addf %add3A_136, %get3A_142 : vector<16xf32>
        %mul3A_144 = arith.mulf %get3A_142, %get3A_142 : vector<16xf32>
        %add3A_145 = arith.addf %add3A_138, %mul3A_144 : vector<16xf32>
        %add3A_146 = arith.constant 1664 : i32
        %add3A_147 = arith.addi %add3A_146, %mul3A_54 : i32
        %get3A_148 = arith.index_cast %add3A_147 : i32 to index
        %get3A_149 = tpu.vector_load %arg12[%get3A_148] {strides = array<i32>} : memref<3328xf32, #tpu.memory_space<vmem>>, vector<16xf32>,
        %add3A_150 = arith.addf %add3A_143, %get3A_149 : vector<16xf32>
        %mul3A_151 = arith.mulf %get3A_149, %get3A_149 : vector<16xf32>
        %add3A_152 = arith.addf %add3A_145, %mul3A_151 : vector<16xf32>
        %add3A_153 = arith.constant 1792 : i32
        %add3A_154 = arith.addi %add3A_153, %mul3A_54 : i32
        %get3A_155 = arith.index_cast %add3A_154 : i32 to index
        %get3A_156 = tpu.vector_load %arg12[%get3A_155] {strides = array<i32>} : memref<3328xf32, #tpu.memory_space<vmem>>, vector<16xf32>,
        %add3A_157 = arith.addf %add3A_150, %get3A_156 : vector<16xf32>
        %mul3A_158 = arith.mulf %get3A_156, %get3A_156 : vector<16xf32>
        %add3A_159 = arith.addf %add3A_152, %mul3A_158 : vector<16xf32>
        %add3A_160 = arith.constant 1920 : i32
        %add3A_161 = arith.addi %add3A_160, %mul3A_54 : i32
        %get3A_162 = arith.index_cast %add3A_161 : i32 to index
        %get3A_163 = tpu.vector_load %arg12[%get3A_162] {strides = array<i32>} : memref<3328xf32, #tpu.memory_space<vmem>>, vector<16xf32>,
        %add3A_164 = arith.addf %add3A_157, %get3A_163 : vector<16xf32>
        %mul3A_165 = arith.mulf %get3A_163, %get3A_163 : vector<16xf32>
        %add3A_166 = arith.addf %add3A_159, %mul3A_165 : vector<16xf32>
        %add3A_167 = arith.constant 2048 : i32
        %add3A_168 = arith.addi %add3A_167, %mul3A_54 : i32
        %get3A_169 = arith.index_cast %add3A_168 : i32 to index
        %get3A_170 = tpu.vector_load %arg12[%get3A_169] {strides = array<i32>} : memref<3328xf32, #tpu.memory_space<vmem>>, vector<16xf32>,
        %add3A_171 = arith.addf %add3A_164, %get3A_170 : vector<16xf32>
        %mul3A_172 = arith.mulf %get3A_170, %get3A_170 : vector<16xf32>
        %add3A_173 = arith.addf %add3A_166, %mul3A_172 : vector<16xf32>
        %add3A_174 = arith.constant 2176 : i32
        %add3A_175 = arith.addi %add3A_174, %mul3A_54 : i32
        %get3A_176 = arith.index_cast %add3A_175 : i32 to index
        %get3A_177 = tpu.vector_load %arg12[%get3A_176] {strides = array<i32>} : memref<3328xf32, #tpu.memory_space<vmem>>, vector<16xf32>,
        %add3A_178 = arith.addf %add3A_171, %get3A_177 : vector<16xf32>
        %mul3A_179 = arith.mulf %get3A_177, %get3A_177 : vector<16xf32>
        %add3A_180 = arith.addf %add3A_173, %mul3A_179 : vector<16xf32>
        %add3A_181 = arith.constant 2304 : i32
        %add3A_182 = arith.addi %add3A_181, %mul3A_54 : i32
        %get3A_183 = arith.index_cast %add3A_182 : i32 to index
        %get3A_184 = tpu.vector_load %arg12[%get3A_183] {strides = array<i32>} : memref<3328xf32, #tpu.memory_space<vmem>>, vector<16xf32>,
        %add3A_185 = arith.addf %add3A_178, %get3A_184 : vector<16xf32>
        %mul3A_186 = arith.mulf %get3A_184, %get3A_184 : vector<16xf32>
        %add3A_187 = arith.addf %add3A_180, %mul3A_186 : vector<16xf32>
        %add3A_188 = arith.constant 2432 : i32
        %add3A_189 = arith.addi %add3A_188, %mul3A_54 : i32
        %get3A_190 = arith.index_cast %add3A_189 : i32 to index
        %get3A_191 = tpu.vector_load %arg12[%get3A_190] {strides = array<i32>} : memref<3328xf32, #tpu.memory_space<vmem>>, vector<16xf32>,
        %add3A_192 = arith.addf %add3A_185, %get3A_191 : vector<16xf32>
        %mul3A_193 = arith.mulf %get3A_191, %get3A_191 : vector<16xf32>
        %add3A_194 = arith.addf %add3A_187, %mul3A_193 : vector<16xf32>
        %add3A_195 = arith.constant 2560 : i32
        %add3A_196 = arith.addi %add3A_195, %mul3A_54 : i32
        %get3A_197 = arith.index_cast %add3A_196 : i32 to index
        %get3A_198 = tpu.vector_load %arg12[%get3A_197] {strides = array<i32>} : memref<3328xf32, #tpu.memory_space<vmem>>, vector<16xf32>,
        %add3A_199 = arith.addf %add3A_192, %get3A_198 : vector<16xf32>
        %mul3A_200 = arith.mulf %get3A_198, %get3A_198 : vector<16xf32>
        %add3A_201 = arith.addf %add3A_194, %mul3A_200 : vector<16xf32>
        %add3A_202 = arith.constant 2688 : i32
        %add3A_203 = arith.addi %add3A_202, %mul3A_54 : i32
        %get3A_204 = arith.index_cast %add3A_203 : i32 to index
        %get3A_205 = tpu.vector_load %arg12[%get3A_204] {strides = array<i32>} : memref<3328xf32, #tpu.memory_space<vmem>>, vector<16xf32>,
        %add3A_206 = arith.addf %add3A_199, %get3A_205 : vector<16xf32>
        %mul3A_207 = arith.mulf %get3A_205, %get3A_205 : vector<16xf32>
        %add3A_208 = arith.addf %add3A_201, %mul3A_207 : vector<16xf32>
        %add3A_209 = arith.constant 2816 : i32
        %add3A_210 = arith.addi %add3A_209, %mul3A_54 : i32
        %get3A_211 = arith.index_cast %add3A_210 : i32 to index
        %get3A_212 = tpu.vector_load %arg12[%get3A_211] {strides = array<i32>} : memref<3328xf32, #tpu.memory_space<vmem>>, vector<16xf32>,
        %add3A_213 = arith.addf %add3A_206, %get3A_212 : vector<16xf32>
        %mul3A_214 = arith.mulf %get3A_212, %get3A_212 : vector<16xf32>
        %add3A_215 = arith.addf %add3A_208, %mul3A_214 : vector<16xf32>
        %add3A_216 = arith.constant 2944 : i32
        %add3A_217 = arith.addi %add3A_216, %mul3A_54 : i32
        %get3A_218 = arith.index_cast %add3A_217 : i32 to index
        %get3A_219 = tpu.vector_load %arg12[%get3A_218] {strides = array<i32>} : memref<3328xf32, #tpu.memory_space<vmem>>, vector<16xf32>,
        %add3A_220 = arith.addf %add3A_213, %get3A_219 : vector<16xf32>
        %mul3A_221 = arith.mulf %get3A_219, %get3A_219 : vector<16xf32>
        %add3A_222 = arith.addf %add3A_215, %mul3A_221 : vector<16xf32>
        %add3A_223 = arith.constant 3072 : i32
        %add3A_224 = arith.addi %add3A_223, %mul3A_54 : i32
        %get3A_225 = arith.index_cast %add3A_224 : i32 to index
        %get3A_226 = tpu.vector_load %arg12[%get3A_225] {strides = array<i32>} : memref<3328xf32, #tpu.memory_space<vmem>>, vector<16xf32>,
        %add3A_227 = arith.addf %add3A_220, %get3A_226 : vector<16xf32>
        %mul3A_228 = arith.mulf %get3A_226, %get3A_226 : vector<16xf32>
        %add3A_229 = arith.addf %add3A_222, %mul3A_228 : vector<16xf32>
        %add3A_230 = arith.constant 3200 : i32
        %add3A_231 = arith.addi %add3A_230, %mul3A_54 : i32
        %get3A_232 = arith.index_cast %add3A_231 : i32 to index
        %get3A_233 = tpu.vector_load %arg12[%get3A_232] {strides = array<i32>} : memref<3328xf32, #tpu.memory_space<vmem>>, vector<16xf32>,
        %add3A_234 = arith.addf %add3A_227, %get3A_233 : vector<16xf32>
        %mul3A_235 = arith.mulf %get3A_233, %get3A_233 : vector<16xf32>
        %add3A_236 = arith.addf %add3A_229, %mul3A_235 : vector<16xf32>
        %mul3A_237 = arith.mulf %add3A_234, %add3A_234 : vector<16xf32>
        %sub3A = arith.subf %mul3A_237, %add3A_236 : vector<16xf32>
        %mul3A_238 = arith.constant 5.000000e-01 : f32
        %mul3A_239 = vector.broadcast %mul3A_238 : f32 to vector<16xf32>
        %mul3A_240 = arith.mulf %mul3A_239, %sub3A : vector<16xf32>
        %add3A_241 = arith.addf %get3A_56, %mul3A_240 : vector<16xf32>
        %add3A_242 = arith.constant 0 : i32
        %add3A_243 = arith.addi %add3A_242, %mul3A_54 : i32
        %get3A_244 = arith.index_cast %add3A_243 : i32 to index
        %get3A_245 = tpu.vector_load %arg13[%get3A_244] {strides = array<i32>} : memref<3328xf32, #tpu.memory_space<vmem>>, vector<16xf32>,
        %mul3A_246 = arith.mulf %get3A_245, %get3A_245 : vector<16xf32>
        %add3A_247 = arith.constant 128 : i32
        %add3A_248 = arith.addi %add3A_247, %mul3A_54 : i32
        %get3A_249 = arith.index_cast %add3A_248 : i32 to index
        %get3A_250 = tpu.vector_load %arg13[%get3A_249] {strides = array<i32>} : memref<3328xf32, #tpu.memory_space<vmem>>, vector<16xf32>,
        %add3A_251 = arith.addf %get3A_245, %get3A_250 : vector<16xf32>
        %mul3A_252 = arith.mulf %get3A_250, %get3A_250 : vector<16xf32>
        %add3A_253 = arith.addf %mul3A_246, %mul3A_252 : vector<16xf32>
        %add3A_254 = arith.constant 256 : i32
        %add3A_255 = arith.addi %add3A_254, %mul3A_54 : i32
        %get3A_256 = arith.index_cast %add3A_255 : i32 to index
        %get3A_257 = tpu.vector_load %arg13[%get3A_256] {strides = array<i32>} : memref<3328xf32, #tpu.memory_space<vmem>>, vector<16xf32>,
        %add3A_258 = arith.addf %add3A_251, %get3A_257 : vector<16xf32>
        %mul3A_259 = arith.mulf %get3A_257, %get3A_257 : vector<16xf32>
        %add3A_260 = arith.addf %add3A_253, %mul3A_259 : vector<16xf32>
        %add3A_261 = arith.constant 384 : i32
        %add3A_262 = arith.addi %add3A_261, %mul3A_54 : i32
        %get3A_263 = arith.index_cast %add3A_262 : i32 to index
        %get3A_264 = tpu.vector_load %arg13[%get3A_263] {strides = array<i32>} : memref<3328xf32, #tpu.memory_space<vmem>>, vector<16xf32>,
        %add3A_265 = arith.addf %add3A_258, %get3A_264 : vector<16xf32>
        %mul3A_266 = arith.mulf %get3A_264, %get3A_264 : vector<16xf32>
        %add3A_267 = arith.addf %add3A_260, %mul3A_266 : vector<16xf32>
        %add3A_268 = arith.constant 512 : i32
        %add3A_269 = arith.addi %add3A_268, %mul3A_54 : i32
        %get3A_270 = arith.index_cast %add3A_269 : i32 to index
        %get3A_271 = tpu.vector_load %arg13[%get3A_270] {strides = array<i32>} : memref<3328xf32, #tpu.memory_space<vmem>>, vector<16xf32>,
        %add3A_272 = arith.addf %add3A_265, %get3A_271 : vector<16xf32>
        %mul3A_273 = arith.mulf %get3A_271, %get3A_271 : vector<16xf32>
        %add3A_274 = arith.addf %add3A_267, %mul3A_273 : vector<16xf32>
        %add3A_275 = arith.constant 640 : i32
        %add3A_276 = arith.addi %add3A_275, %mul3A_54 : i32
        %get3A_277 = arith.index_cast %add3A_276 : i32 to index
        %get3A_278 = tpu.vector_load %arg13[%get3A_277] {strides = array<i32>} : memref<3328xf32, #tpu.memory_space<vmem>>, vector<16xf32>,
        %add3A_279 = arith.addf %add3A_272, %get3A_278 : vector<16xf32>
        %mul3A_280 = arith.mulf %get3A_278, %get3A_278 : vector<16xf32>
        %add3A_281 = arith.addf %add3A_274, %mul3A_280 : vector<16xf32>
        %add3A_282 = arith.constant 768 : i32
        %add3A_283 = arith.addi %add3A_282, %mul3A_54 : i32
        %get3A_284 = arith.index_cast %add3A_283 : i32 to index
        %get3A_285 = tpu.vector_load %arg13[%get3A_284] {strides = array<i32>} : memref<3328xf32, #tpu.memory_space<vmem>>, vector<16xf32>,
        %add3A_286 = arith.addf %add3A_279, %get3A_285 : vector<16xf32>
        %mul3A_287 = arith.mulf %get3A_285, %get3A_285 : vector<16xf32>
        %add3A_288 = arith.addf %add3A_281, %mul3A_287 : vector<16xf32>
        %add3A_289 = arith.constant 896 : i32
        %add3A_290 = arith.addi %add3A_289, %mul3A_54 : i32
        %get3A_291 = arith.index_cast %add3A_290 : i32 to index
        %get3A_292 = tpu.vector_load %arg13[%get3A_291] {strides = array<i32>} : memref<3328xf32, #tpu.memory_space<vmem>>, vector<16xf32>,
        %add3A_293 = arith.addf %add3A_286, %get3A_292 : vector<16xf32>
        %mul3A_294 = arith.mulf %get3A_292, %get3A_292 : vector<16xf32>
        %add3A_295 = arith.addf %add3A_288, %mul3A_294 : vector<16xf32>
        %add3A_296 = arith.constant 1024 : i32
        %add3A_297 = arith.addi %add3A_296, %mul3A_54 : i32
        %get3A_298 = arith.index_cast %add3A_297 : i32 to index
        %get3A_299 = tpu.vector_load %arg13[%get3A_298] {strides = array<i32>} : memref<3328xf32, #tpu.memory_space<vmem>>, vector<16xf32>,
        %add3A_300 = arith.addf %add3A_293, %get3A_299 : vector<16xf32>
        %mul3A_301 = arith.mulf %get3A_299, %get3A_299 : vector<16xf32>
        %add3A_302 = arith.addf %add3A_295, %mul3A_301 : vector<16xf32>
        %add3A_303 = arith.constant 1152 : i32
        %add3A_304 = arith.addi %add3A_303, %mul3A_54 : i32
        %get3A_305 = arith.index_cast %add3A_304 : i32 to index
        %get3A_306 = tpu.vector_load %arg13[%get3A_305] {strides = array<i32>} : memref<3328xf32, #tpu.memory_space<vmem>>, vector<16xf32>,
        %add3A_307 = arith.addf %add3A_300, %get3A_306 : vector<16xf32>
        %mul3A_308 = arith.mulf %get3A_306, %get3A_306 : vector<16xf32>
        %add3A_309 = arith.addf %add3A_302, %mul3A_308 : vector<16xf32>
        %add3A_310 = arith.constant 1280 : i32
        %add3A_311 = arith.addi %add3A_310, %mul3A_54 : i32
        %get3A_312 = arith.index_cast %add3A_311 : i32 to index
        %get3A_313 = tpu.vector_load %arg13[%get3A_312] {strides = array<i32>} : memref<3328xf32, #tpu.memory_space<vmem>>, vector<16xf32>,
        %add3A_314 = arith.addf %add3A_307, %get3A_313 : vector<16xf32>
        %mul3A_315 = arith.mulf %get3A_313, %get3A_313 : vector<16xf32>
        %add3A_316 = arith.addf %add3A_309, %mul3A_315 : vector<16xf32>
        %add3A_317 = arith.constant 1408 : i32
        %add3A_318 = arith.addi %add3A_317, %mul3A_54 : i32
        %get3A_319 = arith.index_cast %add3A_318 : i32 to index
        %get3A_320 = tpu.vector_load %arg13[%get3A_319] {strides = array<i32>} : memref<3328xf32, #tpu.memory_space<vmem>>, vector<16xf32>,
        %add3A_321 = arith.addf %add3A_314, %get3A_320 : vector<16xf32>
        %mul3A_322 = arith.mulf %get3A_320, %get3A_320 : vector<16xf32>
        %add3A_323 = arith.addf %add3A_316, %mul3A_322 : vector<16xf32>
        %add3A_324 = arith.constant 1536 : i32
        %add3A_325 = arith.addi %add3A_324, %mul3A_54 : i32
        %get3A_326 = arith.index_cast %add3A_325 : i32 to index
        %get3A_327 = tpu.vector_load %arg13[%get3A_326] {strides = array<i32>} : memref<3328xf32, #tpu.memory_space<vmem>>, vector<16xf32>,
        %add3A_328 = arith.addf %add3A_321, %get3A_327 : vector<16xf32>
        %mul3A_329 = arith.mulf %get3A_327, %get3A_327 : vector<16xf32>
        %add3A_330 = arith.addf %add3A_323, %mul3A_329 : vector<16xf32>
        %add3A_331 = arith.constant 1664 : i32
        %add3A_332 = arith.addi %add3A_331, %mul3A_54 : i32
        %get3A_333 = arith.index_cast %add3A_332 : i32 to index
        %get3A_334 = tpu.vector_load %arg13[%get3A_333] {strides = array<i32>} : memref<3328xf32, #tpu.memory_space<vmem>>, vector<16xf32>,
        %add3A_335 = arith.addf %add3A_328, %get3A_334 : vector<16xf32>
        %mul3A_336 = arith.mulf %get3A_334, %get3A_334 : vector<16xf32>
        %add3A_337 = arith.addf %add3A_330, %mul3A_336 : vector<16xf32>
        %add3A_338 = arith.constant 1792 : i32
        %add3A_339 = arith.addi %add3A_338, %mul3A_54 : i32
        %get3A_340 = arith.index_cast %add3A_339 : i32 to index
        %get3A_341 = tpu.vector_load %arg13[%get3A_340] {strides = array<i32>} : memref<3328xf32, #tpu.memory_space<vmem>>, vector<16xf32>,
        %add3A_342 = arith.addf %add3A_335, %get3A_341 : vector<16xf32>
        %mul3A_343 = arith.mulf %get3A_341, %get3A_341 : vector<16xf32>
        %add3A_344 = arith.addf %add3A_337, %mul3A_343 : vector<16xf32>
        %add3A_345 = arith.constant 1920 : i32
        %add3A_346 = arith.addi %add3A_345, %mul3A_54 : i32
        %get3A_347 = arith.index_cast %add3A_346 : i32 to index
        %get3A_348 = tpu.vector_load %arg13[%get3A_347] {strides = array<i32>} : memref<3328xf32, #tpu.memory_space<vmem>>, vector<16xf32>,
        %add3A_349 = arith.addf %add3A_342, %get3A_348 : vector<16xf32>
        %mul3A_350 = arith.mulf %get3A_348, %get3A_348 : vector<16xf32>
        %add3A_351 = arith.addf %add3A_344, %mul3A_350 : vector<16xf32>
        %add3A_352 = arith.constant 2048 : i32
        %add3A_353 = arith.addi %add3A_352, %mul3A_54 : i32
        %get3A_354 = arith.index_cast %add3A_353 : i32 to index
        %get3A_355 = tpu.vector_load %arg13[%get3A_354] {strides = array<i32>} : memref<3328xf32, #tpu.memory_space<vmem>>, vector<16xf32>,
        %add3A_356 = arith.addf %add3A_349, %get3A_355 : vector<16xf32>
        %mul3A_357 = arith.mulf %get3A_355, %get3A_355 : vector<16xf32>
        %add3A_358 = arith.addf %add3A_351, %mul3A_357 : vector<16xf32>
        %add3A_359 = arith.constant 2176 : i32
        %add3A_360 = arith.addi %add3A_359, %mul3A_54 : i32
        %get3A_361 = arith.index_cast %add3A_360 : i32 to index
        %get3A_362 = tpu.vector_load %arg13[%get3A_361] {strides = array<i32>} : memref<3328xf32, #tpu.memory_space<vmem>>, vector<16xf32>,
        %add3A_363 = arith.addf %add3A_356, %get3A_362 : vector<16xf32>
        %mul3A_364 = arith.mulf %get3A_362, %get3A_362 : vector<16xf32>
        %add3A_365 = arith.addf %add3A_358, %mul3A_364 : vector<16xf32>
        %add3A_366 = arith.constant 2304 : i32
        %add3A_367 = arith.addi %add3A_366, %mul3A_54 : i32
        %get3A_368 = arith.index_cast %add3A_367 : i32 to index
        %get3A_369 = tpu.vector_load %arg13[%get3A_368] {strides = array<i32>} : memref<3328xf32, #tpu.memory_space<vmem>>, vector<16xf32>,
        %add3A_370 = arith.addf %add3A_363, %get3A_369 : vector<16xf32>
        %mul3A_371 = arith.mulf %get3A_369, %get3A_369 : vector<16xf32>
        %add3A_372 = arith.addf %add3A_365, %mul3A_371 : vector<16xf32>
        %add3A_373 = arith.constant 2432 : i32
        %add3A_374 = arith.addi %add3A_373, %mul3A_54 : i32
        %get3A_375 = arith.index_cast %add3A_374 : i32 to index
        %get3A_376 = tpu.vector_load %arg13[%get3A_375] {strides = array<i32>} : memref<3328xf32, #tpu.memory_space<vmem>>, vector<16xf32>,
        %add3A_377 = arith.addf %add3A_370, %get3A_376 : vector<16xf32>
        %mul3A_378 = arith.mulf %get3A_376, %get3A_376 : vector<16xf32>
        %add3A_379 = arith.addf %add3A_372, %mul3A_378 : vector<16xf32>
        %add3A_380 = arith.constant 2560 : i32
        %add3A_381 = arith.addi %add3A_380, %mul3A_54 : i32
        %get3A_382 = arith.index_cast %add3A_381 : i32 to index
        %get3A_383 = tpu.vector_load %arg13[%get3A_382] {strides = array<i32>} : memref<3328xf32, #tpu.memory_space<vmem>>, vector<16xf32>,
        %add3A_384 = arith.addf %add3A_377, %get3A_383 : vector<16xf32>
        %mul3A_385 = arith.mulf %get3A_383, %get3A_383 : vector<16xf32>
        %add3A_386 = arith.addf %add3A_379, %mul3A_385 : vector<16xf32>
        %add3A_387 = arith.constant 2688 : i32
        %add3A_388 = arith.addi %add3A_387, %mul3A_54 : i32
        %get3A_389 = arith.index_cast %add3A_388 : i32 to index
        %get3A_390 = tpu.vector_load %arg13[%get3A_389] {strides = array<i32>} : memref<3328xf32, #tpu.memory_space<vmem>>, vector<16xf32>,
        %add3A_391 = arith.addf %add3A_384, %get3A_390 : vector<16xf32>
        %mul3A_392 = arith.mulf %get3A_390, %get3A_390 : vector<16xf32>
        %add3A_393 = arith.addf %add3A_386, %mul3A_392 : vector<16xf32>
        %add3A_394 = arith.constant 2816 : i32
        %add3A_395 = arith.addi %add3A_394, %mul3A_54 : i32
        %get3A_396 = arith.index_cast %add3A_395 : i32 to index
        %get3A_397 = tpu.vector_load %arg13[%get3A_396] {strides = array<i32>} : memref<3328xf32, #tpu.memory_space<vmem>>, vector<16xf32>,
        %add3A_398 = arith.addf %add3A_391, %get3A_397 : vector<16xf32>
        %mul3A_399 = arith.mulf %get3A_397, %get3A_397 : vector<16xf32>
        %add3A_400 = arith.addf %add3A_393, %mul3A_399 : vector<16xf32>
        %add3A_401 = arith.constant 2944 : i32
        %add3A_402 = arith.addi %add3A_401, %mul3A_54 : i32
        %get3A_403 = arith.index_cast %add3A_402 : i32 to index
        %get3A_404 = tpu.vector_load %arg13[%get3A_403] {strides = array<i32>} : memref<3328xf32, #tpu.memory_space<vmem>>, vector<16xf32>,
        %add3A_405 = arith.addf %add3A_398, %get3A_404 : vector<16xf32>
        %mul3A_406 = arith.mulf %get3A_404, %get3A_404 : vector<16xf32>
        %add3A_407 = arith.addf %add3A_400, %mul3A_406 : vector<16xf32>
        %add3A_408 = arith.constant 3072 : i32
        %add3A_409 = arith.addi %add3A_408, %mul3A_54 : i32
        %get3A_410 = arith.index_cast %add3A_409 : i32 to index
        %get3A_411 = tpu.vector_load %arg13[%get3A_410] {strides = array<i32>} : memref<3328xf32, #tpu.memory_space<vmem>>, vector<16xf32>,
        %add3A_412 = arith.addf %add3A_405, %get3A_411 : vector<16xf32>
        %mul3A_413 = arith.mulf %get3A_411, %get3A_411 : vector<16xf32>
        %add3A_414 = arith.addf %add3A_407, %mul3A_413 : vector<16xf32>
        %add3A_415 = arith.constant 3200 : i32
        %add3A_416 = arith.addi %add3A_415, %mul3A_54 : i32
        %get3A_417 = arith.index_cast %add3A_416 : i32 to index
        %get3A_418 = tpu.vector_load %arg13[%get3A_417] {strides = array<i32>} : memref<3328xf32, #tpu.memory_space<vmem>>, vector<16xf32>,
        %add3A_419 = arith.addf %add3A_412, %get3A_418 : vector<16xf32>
        %mul3A_420 = arith.mulf %get3A_418, %get3A_418 : vector<16xf32>
        %add3A_421 = arith.addf %add3A_414, %mul3A_420 : vector<16xf32>
        %mul3A_422 = arith.mulf %add3A_419, %add3A_419 : vector<16xf32>
        %sub3A_423 = arith.subf %mul3A_422, %add3A_421 : vector<16xf32>
        %mul3A_424 = arith.constant 5.000000e-01 : f32
        %mul3A_425 = vector.broadcast %mul3A_424 : f32 to vector<16xf32>
        %mul3A_426 = arith.mulf %mul3A_425, %sub3A_423 : vector<16xf32>
        %add3A_427 = arith.addf %add3A_241, %mul3A_426 : vector<16xf32>
        %add3A_428 = arith.constant 0 : i32
        %add3A_429 = arith.addi %add3A_428, %mul3A_54 : i32
        %get3A_430 = arith.index_cast %add3A_429 : i32 to index
        %get3A_431 = tpu.vector_load %arg14[%get3A_430] {strides = array<i32>} : memref<3328xf32, #tpu.memory_space<vmem>>, vector<16xf32>,
        %mul3A_432 = arith.mulf %get3A_431, %get3A_431 : vector<16xf32>
        %add3A_433 = arith.constant 128 : i32
        %add3A_434 = arith.addi %add3A_433, %mul3A_54 : i32
        %get3A_435 = arith.index_cast %add3A_434 : i32 to index
        %get3A_436 = tpu.vector_load %arg14[%get3A_435] {strides = array<i32>} : memref<3328xf32, #tpu.memory_space<vmem>>, vector<16xf32>,
        %add3A_437 = arith.addf %get3A_431, %get3A_436 : vector<16xf32>
        %mul3A_438 = arith.mulf %get3A_436, %get3A_436 : vector<16xf32>
        %add3A_439 = arith.addf %mul3A_432, %mul3A_438 : vector<16xf32>
        %add3A_440 = arith.constant 256 : i32
        %add3A_441 = arith.addi %add3A_440, %mul3A_54 : i32
        %get3A_442 = arith.index_cast %add3A_441 : i32 to index
        %get3A_443 = tpu.vector_load %arg14[%get3A_442] {strides = array<i32>} : memref<3328xf32, #tpu.memory_space<vmem>>, vector<16xf32>,
        %add3A_444 = arith.addf %add3A_437, %get3A_443 : vector<16xf32>
        %mul3A_445 = arith.mulf %get3A_443, %get3A_443 : vector<16xf32>
        %add3A_446 = arith.addf %add3A_439, %mul3A_445 : vector<16xf32>
        %add3A_447 = arith.constant 384 : i32
        %add3A_448 = arith.addi %add3A_447, %mul3A_54 : i32
        %get3A_449 = arith.index_cast %add3A_448 : i32 to index
        %get3A_450 = tpu.vector_load %arg14[%get3A_449] {strides = array<i32>} : memref<3328xf32, #tpu.memory_space<vmem>>, vector<16xf32>,
        %add3A_451 = arith.addf %add3A_444, %get3A_450 : vector<16xf32>
        %mul3A_452 = arith.mulf %get3A_450, %get3A_450 : vector<16xf32>
        %add3A_453 = arith.addf %add3A_446, %mul3A_452 : vector<16xf32>
        %add3A_454 = arith.constant 512 : i32
        %add3A_455 = arith.addi %add3A_454, %mul3A_54 : i32
        %get3A_456 = arith.index_cast %add3A_455 : i32 to index
        %get3A_457 = tpu.vector_load %arg14[%get3A_456] {strides = array<i32>} : memref<3328xf32, #tpu.memory_space<vmem>>, vector<16xf32>,
        %add3A_458 = arith.addf %add3A_451, %get3A_457 : vector<16xf32>
        %mul3A_459 = arith.mulf %get3A_457, %get3A_457 : vector<16xf32>
        %add3A_460 = arith.addf %add3A_453, %mul3A_459 : vector<16xf32>
        %add3A_461 = arith.constant 640 : i32
        %add3A_462 = arith.addi %add3A_461, %mul3A_54 : i32
        %get3A_463 = arith.index_cast %add3A_462 : i32 to index
        %get3A_464 = tpu.vector_load %arg14[%get3A_463] {strides = array<i32>} : memref<3328xf32, #tpu.memory_space<vmem>>, vector<16xf32>,
        %add3A_465 = arith.addf %add3A_458, %get3A_464 : vector<16xf32>
        %mul3A_466 = arith.mulf %get3A_464, %get3A_464 : vector<16xf32>
        %add3A_467 = arith.addf %add3A_460, %mul3A_466 : vector<16xf32>
        %add3A_468 = arith.constant 768 : i32
        %add3A_469 = arith.addi %add3A_468, %mul3A_54 : i32
        %get3A_470 = arith.index_cast %add3A_469 : i32 to index
        %get3A_471 = tpu.vector_load %arg14[%get3A_470] {strides = array<i32>} : memref<3328xf32, #tpu.memory_space<vmem>>, vector<16xf32>,
        %add3A_472 = arith.addf %add3A_465, %get3A_471 : vector<16xf32>
        %mul3A_473 = arith.mulf %get3A_471, %get3A_471 : vector<16xf32>
        %add3A_474 = arith.addf %add3A_467, %mul3A_473 : vector<16xf32>
        %add3A_475 = arith.constant 896 : i32
        %add3A_476 = arith.addi %add3A_475, %mul3A_54 : i32
        %get3A_477 = arith.index_cast %add3A_476 : i32 to index
        %get3A_478 = tpu.vector_load %arg14[%get3A_477] {strides = array<i32>} : memref<3328xf32, #tpu.memory_space<vmem>>, vector<16xf32>,
        %add3A_479 = arith.addf %add3A_472, %get3A_478 : vector<16xf32>
        %mul3A_480 = arith.mulf %get3A_478, %get3A_478 : vector<16xf32>
        %add3A_481 = arith.addf %add3A_474, %mul3A_480 : vector<16xf32>
        %add3A_482 = arith.constant 1024 : i32
        %add3A_483 = arith.addi %add3A_482, %mul3A_54 : i32
        %get3A_484 = arith.index_cast %add3A_483 : i32 to index
        %get3A_485 = tpu.vector_load %arg14[%get3A_484] {strides = array<i32>} : memref<3328xf32, #tpu.memory_space<vmem>>, vector<16xf32>,
        %add3A_486 = arith.addf %add3A_479, %get3A_485 : vector<16xf32>
        %mul3A_487 = arith.mulf %get3A_485, %get3A_485 : vector<16xf32>
        %add3A_488 = arith.addf %add3A_481, %mul3A_487 : vector<16xf32>
        %add3A_489 = arith.constant 1152 : i32
        %add3A_490 = arith.addi %add3A_489, %mul3A_54 : i32
        %get3A_491 = arith.index_cast %add3A_490 : i32 to index
        %get3A_492 = tpu.vector_load %arg14[%get3A_491] {strides = array<i32>} : memref<3328xf32, #tpu.memory_space<vmem>>, vector<16xf32>,
        %add3A_493 = arith.addf %add3A_486, %get3A_492 : vector<16xf32>
        %mul3A_494 = arith.mulf %get3A_492, %get3A_492 : vector<16xf32>
        %add3A_495 = arith.addf %add3A_488, %mul3A_494 : vector<16xf32>
        %add3A_496 = arith.constant 1280 : i32
        %add3A_497 = arith.addi %add3A_496, %mul3A_54 : i32
        %get3A_498 = arith.index_cast %add3A_497 : i32 to index
        %get3A_499 = tpu.vector_load %arg14[%get3A_498] {strides = array<i32>} : memref<3328xf32, #tpu.memory_space<vmem>>, vector<16xf32>,
        %add3A_500 = arith.addf %add3A_493, %get3A_499 : vector<16xf32>
        %mul3A_501 = arith.mulf %get3A_499, %get3A_499 : vector<16xf32>
        %add3A_502 = arith.addf %add3A_495, %mul3A_501 : vector<16xf32>
        %add3A_503 = arith.constant 1408 : i32
        %add3A_504 = arith.addi %add3A_503, %mul3A_54 : i32
        %get3A_505 = arith.index_cast %add3A_504 : i32 to index
        %get3A_506 = tpu.vector_load %arg14[%get3A_505] {strides = array<i32>} : memref<3328xf32, #tpu.memory_space<vmem>>, vector<16xf32>,
        %add3A_507 = arith.addf %add3A_500, %get3A_506 : vector<16xf32>
        %mul3A_508 = arith.mulf %get3A_506, %get3A_506 : vector<16xf32>
        %add3A_509 = arith.addf %add3A_502, %mul3A_508 : vector<16xf32>
        %add3A_510 = arith.constant 1536 : i32
        %add3A_511 = arith.addi %add3A_510, %mul3A_54 : i32
        %get3A_512 = arith.index_cast %add3A_511 : i32 to index
        %get3A_513 = tpu.vector_load %arg14[%get3A_512] {strides = array<i32>} : memref<3328xf32, #tpu.memory_space<vmem>>, vector<16xf32>,
        %add3A_514 = arith.addf %add3A_507, %get3A_513 : vector<16xf32>
        %mul3A_515 = arith.mulf %get3A_513, %get3A_513 : vector<16xf32>
        %add3A_516 = arith.addf %add3A_509, %mul3A_515 : vector<16xf32>
        %add3A_517 = arith.constant 1664 : i32
        %add3A_518 = arith.addi %add3A_517, %mul3A_54 : i32
        %get3A_519 = arith.index_cast %add3A_518 : i32 to index
        %get3A_520 = tpu.vector_load %arg14[%get3A_519] {strides = array<i32>} : memref<3328xf32, #tpu.memory_space<vmem>>, vector<16xf32>,
        %add3A_521 = arith.addf %add3A_514, %get3A_520 : vector<16xf32>
        %mul3A_522 = arith.mulf %get3A_520, %get3A_520 : vector<16xf32>
        %add3A_523 = arith.addf %add3A_516, %mul3A_522 : vector<16xf32>
        %add3A_524 = arith.constant 1792 : i32
        %add3A_525 = arith.addi %add3A_524, %mul3A_54 : i32
        %get3A_526 = arith.index_cast %add3A_525 : i32 to index
        %get3A_527 = tpu.vector_load %arg14[%get3A_526] {strides = array<i32>} : memref<3328xf32, #tpu.memory_space<vmem>>, vector<16xf32>,
        %add3A_528 = arith.addf %add3A_521, %get3A_527 : vector<16xf32>
        %mul3A_529 = arith.mulf %get3A_527, %get3A_527 : vector<16xf32>
        %add3A_530 = arith.addf %add3A_523, %mul3A_529 : vector<16xf32>
        %add3A_531 = arith.constant 1920 : i32
        %add3A_532 = arith.addi %add3A_531, %mul3A_54 : i32
        %get3A_533 = arith.index_cast %add3A_532 : i32 to index
        %get3A_534 = tpu.vector_load %arg14[%get3A_533] {strides = array<i32>} : memref<3328xf32, #tpu.memory_space<vmem>>, vector<16xf32>,
        %add3A_535 = arith.addf %add3A_528, %get3A_534 : vector<16xf32>
        %mul3A_536 = arith.mulf %get3A_534, %get3A_534 : vector<16xf32>
        %add3A_537 = arith.addf %add3A_530, %mul3A_536 : vector<16xf32>
        %add3A_538 = arith.constant 2048 : i32
        %add3A_539 = arith.addi %add3A_538, %mul3A_54 : i32
        %get3A_540 = arith.index_cast %add3A_539 : i32 to index
        %get3A_541 = tpu.vector_load %arg14[%get3A_540] {strides = array<i32>} : memref<3328xf32, #tpu.memory_space<vmem>>, vector<16xf32>,
        %add3A_542 = arith.addf %add3A_535, %get3A_541 : vector<16xf32>
        %mul3A_543 = arith.mulf %get3A_541, %get3A_541 : vector<16xf32>
        %add3A_544 = arith.addf %add3A_537, %mul3A_543 : vector<16xf32>
        %add3A_545 = arith.constant 2176 : i32
        %add3A_546 = arith.addi %add3A_545, %mul3A_54 : i32
        %get3A_547 = arith.index_cast %add3A_546 : i32 to index
        %get3A_548 = tpu.vector_load %arg14[%get3A_547] {strides = array<i32>} : memref<3328xf32, #tpu.memory_space<vmem>>, vector<16xf32>,
        %add3A_549 = arith.addf %add3A_542, %get3A_548 : vector<16xf32>
        %mul3A_550 = arith.mulf %get3A_548, %get3A_548 : vector<16xf32>
        %add3A_551 = arith.addf %add3A_544, %mul3A_550 : vector<16xf32>
        %add3A_552 = arith.constant 2304 : i32
        %add3A_553 = arith.addi %add3A_552, %mul3A_54 : i32
        %get3A_554 = arith.index_cast %add3A_553 : i32 to index
        %get3A_555 = tpu.vector_load %arg14[%get3A_554] {strides = array<i32>} : memref<3328xf32, #tpu.memory_space<vmem>>, vector<16xf32>,
        %add3A_556 = arith.addf %add3A_549, %get3A_555 : vector<16xf32>
        %mul3A_557 = arith.mulf %get3A_555, %get3A_555 : vector<16xf32>
        %add3A_558 = arith.addf %add3A_551, %mul3A_557 : vector<16xf32>
        %add3A_559 = arith.constant 2432 : i32
        %add3A_560 = arith.addi %add3A_559, %mul3A_54 : i32
        %get3A_561 = arith.index_cast %add3A_560 : i32 to index
        %get3A_562 = tpu.vector_load %arg14[%get3A_561] {strides = array<i32>} : memref<3328xf32, #tpu.memory_space<vmem>>, vector<16xf32>,
        %add3A_563 = arith.addf %add3A_556, %get3A_562 : vector<16xf32>
        %mul3A_564 = arith.mulf %get3A_562, %get3A_562 : vector<16xf32>
        %add3A_565 = arith.addf %add3A_558, %mul3A_564 : vector<16xf32>
        %add3A_566 = arith.constant 2560 : i32
        %add3A_567 = arith.addi %add3A_566, %mul3A_54 : i32
        %get3A_568 = arith.index_cast %add3A_567 : i32 to index
        %get3A_569 = tpu.vector_load %arg14[%get3A_568] {strides = array<i32>} : memref<3328xf32, #tpu.memory_space<vmem>>, vector<16xf32>,
        %add3A_570 = arith.addf %add3A_563, %get3A_569 : vector<16xf32>
        %mul3A_571 = arith.mulf %get3A_569, %get3A_569 : vector<16xf32>
        %add3A_572 = arith.addf %add3A_565, %mul3A_571 : vector<16xf32>
        %add3A_573 = arith.constant 2688 : i32
        %add3A_574 = arith.addi %add3A_573, %mul3A_54 : i32
        %get3A_575 = arith.index_cast %add3A_574 : i32 to index
        %get3A_576 = tpu.vector_load %arg14[%get3A_575] {strides = array<i32>} : memref<3328xf32, #tpu.memory_space<vmem>>, vector<16xf32>,
        %add3A_577 = arith.addf %add3A_570, %get3A_576 : vector<16xf32>
        %mul3A_578 = arith.mulf %get3A_576, %get3A_576 : vector<16xf32>
        %add3A_579 = arith.addf %add3A_572, %mul3A_578 : vector<16xf32>
        %add3A_580 = arith.constant 2816 : i32
        %add3A_581 = arith.addi %add3A_580, %mul3A_54 : i32
        %get3A_582 = arith.index_cast %add3A_581 : i32 to index
        %get3A_583 = tpu.vector_load %arg14[%get3A_582] {strides = array<i32>} : memref<3328xf32, #tpu.memory_space<vmem>>, vector<16xf32>,
        %add3A_584 = arith.addf %add3A_577, %get3A_583 : vector<16xf32>
        %mul3A_585 = arith.mulf %get3A_583, %get3A_583 : vector<16xf32>
        %add3A_586 = arith.addf %add3A_579, %mul3A_585 : vector<16xf32>
        %add3A_587 = arith.constant 2944 : i32
        %add3A_588 = arith.addi %add3A_587, %mul3A_54 : i32
        %get3A_589 = arith.index_cast %add3A_588 : i32 to index
        %get3A_590 = tpu.vector_load %arg14[%get3A_589] {strides = array<i32>} : memref<3328xf32, #tpu.memory_space<vmem>>, vector<16xf32>,
        %add3A_591 = arith.addf %add3A_584, %get3A_590 : vector<16xf32>
        %mul3A_592 = arith.mulf %get3A_590, %get3A_590 : vector<16xf32>
        %add3A_593 = arith.addf %add3A_586, %mul3A_592 : vector<16xf32>
        %add3A_594 = arith.constant 3072 : i32
        %add3A_595 = arith.addi %add3A_594, %mul3A_54 : i32
        %get3A_596 = arith.index_cast %add3A_595 : i32 to index
        %get3A_597 = tpu.vector_load %arg14[%get3A_596] {strides = array<i32>} : memref<3328xf32, #tpu.memory_space<vmem>>, vector<16xf32>,
        %add3A_598 = arith.addf %add3A_591, %get3A_597 : vector<16xf32>
        %mul3A_599 = arith.mulf %get3A_597, %get3A_597 : vector<16xf32>
        %add3A_600 = arith.addf %add3A_593, %mul3A_599 : vector<16xf32>
        %add3A_601 = arith.constant 3200 : i32
        %add3A_602 = arith.addi %add3A_601, %mul3A_54 : i32
        %get3A_603 = arith.index_cast %add3A_602 : i32 to index
        %get3A_604 = tpu.vector_load %arg14[%get3A_603] {strides = array<i32>} : memref<3328xf32, #tpu.memory_space<vmem>>, vector<16xf32>,
        %add3A_605 = arith.addf %add3A_598, %get3A_604 : vector<16xf32>
        %mul3A_606 = arith.mulf %get3A_604, %get3A_604 : vector<16xf32>
        %add3A_607 = arith.addf %add3A_600, %mul3A_606 : vector<16xf32>
        %mul3A_608 = arith.mulf %add3A_605, %add3A_605 : vector<16xf32>
        %sub3A_609 = arith.subf %mul3A_608, %add3A_607 : vector<16xf32>
        %mul3A_610 = arith.constant 5.000000e-01 : f32
        %mul3A_611 = vector.broadcast %mul3A_610 : f32 to vector<16xf32>
        %mul3A_612 = arith.mulf %mul3A_611, %sub3A_609 : vector<16xf32>
        %add3A_613 = arith.addf %add3A_427, %mul3A_612 : vector<16xf32>
        %add3A_614 = arith.constant 0 : i32
        %add3A_615 = arith.addi %add3A_614, %mul3A_54 : i32
        %get3A_616 = arith.index_cast %add3A_615 : i32 to index
        %get3A_617 = tpu.vector_load %arg15[%get3A_616] {strides = array<i32>} : memref<3328xf32, #tpu.memory_space<vmem>>, vector<16xf32>,
        %mul3A_618 = arith.mulf %get3A_617, %get3A_617 : vector<16xf32>
        %add3A_619 = arith.constant 128 : i32
        %add3A_620 = arith.addi %add3A_619, %mul3A_54 : i32
        %get3A_621 = arith.index_cast %add3A_620 : i32 to index
        %get3A_622 = tpu.vector_load %arg15[%get3A_621] {strides = array<i32>} : memref<3328xf32, #tpu.memory_space<vmem>>, vector<16xf32>,
        %add3A_623 = arith.addf %get3A_617, %get3A_622 : vector<16xf32>
        %mul3A_624 = arith.mulf %get3A_622, %get3A_622 : vector<16xf32>
        %add3A_625 = arith.addf %mul3A_618, %mul3A_624 : vector<16xf32>
        %add3A_626 = arith.constant 256 : i32
        %add3A_627 = arith.addi %add3A_626, %mul3A_54 : i32
        %get3A_628 = arith.index_cast %add3A_627 : i32 to index
        %get3A_629 = tpu.vector_load %arg15[%get3A_628] {strides = array<i32>} : memref<3328xf32, #tpu.memory_space<vmem>>, vector<16xf32>,
        %add3A_630 = arith.addf %add3A_623, %get3A_629 : vector<16xf32>
        %mul3A_631 = arith.mulf %get3A_629, %get3A_629 : vector<16xf32>
        %add3A_632 = arith.addf %add3A_625, %mul3A_631 : vector<16xf32>
        %add3A_633 = arith.constant 384 : i32
        %add3A_634 = arith.addi %add3A_633, %mul3A_54 : i32
        %get3A_635 = arith.index_cast %add3A_634 : i32 to index
        %get3A_636 = tpu.vector_load %arg15[%get3A_635] {strides = array<i32>} : memref<3328xf32, #tpu.memory_space<vmem>>, vector<16xf32>,
        %add3A_637 = arith.addf %add3A_630, %get3A_636 : vector<16xf32>
        %mul3A_638 = arith.mulf %get3A_636, %get3A_636 : vector<16xf32>
        %add3A_639 = arith.addf %add3A_632, %mul3A_638 : vector<16xf32>
        %add3A_640 = arith.constant 512 : i32
        %add3A_641 = arith.addi %add3A_640, %mul3A_54 : i32
        %get3A_642 = arith.index_cast %add3A_641 : i32 to index
        %get3A_643 = tpu.vector_load %arg15[%get3A_642] {strides = array<i32>} : memref<3328xf32, #tpu.memory_space<vmem>>, vector<16xf32>,
        %add3A_644 = arith.addf %add3A_637, %get3A_643 : vector<16xf32>
        %mul3A_645 = arith.mulf %get3A_643, %get3A_643 : vector<16xf32>
        %add3A_646 = arith.addf %add3A_639, %mul3A_645 : vector<16xf32>
        %add3A_647 = arith.constant 640 : i32
        %add3A_648 = arith.addi %add3A_647, %mul3A_54 : i32
        %get3A_649 = arith.index_cast %add3A_648 : i32 to index
        %get3A_650 = tpu.vector_load %arg15[%get3A_649] {strides = array<i32>} : memref<3328xf32, #tpu.memory_space<vmem>>, vector<16xf32>,
        %add3A_651 = arith.addf %add3A_644, %get3A_650 : vector<16xf32>
        %mul3A_652 = arith.mulf %get3A_650, %get3A_650 : vector<16xf32>
        %add3A_653 = arith.addf %add3A_646, %mul3A_652 : vector<16xf32>
        %add3A_654 = arith.constant 768 : i32
        %add3A_655 = arith.addi %add3A_654, %mul3A_54 : i32
        %get3A_656 = arith.index_cast %add3A_655 : i32 to index
        %get3A_657 = tpu.vector_load %arg15[%get3A_656] {strides = array<i32>} : memref<3328xf32, #tpu.memory_space<vmem>>, vector<16xf32>,
        %add3A_658 = arith.addf %add3A_651, %get3A_657 : vector<16xf32>
        %mul3A_659 = arith.mulf %get3A_657, %get3A_657 : vector<16xf32>
        %add3A_660 = arith.addf %add3A_653, %mul3A_659 : vector<16xf32>
        %add3A_661 = arith.constant 896 : i32
        %add3A_662 = arith.addi %add3A_661, %mul3A_54 : i32
        %get3A_663 = arith.index_cast %add3A_662 : i32 to index
        %get3A_664 = tpu.vector_load %arg15[%get3A_663] {strides = array<i32>} : memref<3328xf32, #tpu.memory_space<vmem>>, vector<16xf32>,
        %add3A_665 = arith.addf %add3A_658, %get3A_664 : vector<16xf32>
        %mul3A_666 = arith.mulf %get3A_664, %get3A_664 : vector<16xf32>
        %add3A_667 = arith.addf %add3A_660, %mul3A_666 : vector<16xf32>
        %add3A_668 = arith.constant 1024 : i32
        %add3A_669 = arith.addi %add3A_668, %mul3A_54 : i32
        %get3A_670 = arith.index_cast %add3A_669 : i32 to index
        %get3A_671 = tpu.vector_load %arg15[%get3A_670] {strides = array<i32>} : memref<3328xf32, #tpu.memory_space<vmem>>, vector<16xf32>,
        %add3A_672 = arith.addf %add3A_665, %get3A_671 : vector<16xf32>
        %mul3A_673 = arith.mulf %get3A_671, %get3A_671 : vector<16xf32>
        %add3A_674 = arith.addf %add3A_667, %mul3A_673 : vector<16xf32>
        %add3A_675 = arith.constant 1152 : i32
        %add3A_676 = arith.addi %add3A_675, %mul3A_54 : i32
        %get3A_677 = arith.index_cast %add3A_676 : i32 to index
        %get3A_678 = tpu.vector_load %arg15[%get3A_677] {strides = array<i32>} : memref<3328xf32, #tpu.memory_space<vmem>>, vector<16xf32>,
        %add3A_679 = arith.addf %add3A_672, %get3A_678 : vector<16xf32>
        %mul3A_680 = arith.mulf %get3A_678, %get3A_678 : vector<16xf32>
        %add3A_681 = arith.addf %add3A_674, %mul3A_680 : vector<16xf32>
        %add3A_682 = arith.constant 1280 : i32
        %add3A_683 = arith.addi %add3A_682, %mul3A_54 : i32
        %get3A_684 = arith.index_cast %add3A_683 : i32 to index
        %get3A_685 = tpu.vector_load %arg15[%get3A_684] {strides = array<i32>} : memref<3328xf32, #tpu.memory_space<vmem>>, vector<16xf32>,
        %add3A_686 = arith.addf %add3A_679, %get3A_685 : vector<16xf32>
        %mul3A_687 = arith.mulf %get3A_685, %get3A_685 : vector<16xf32>
        %add3A_688 = arith.addf %add3A_681, %mul3A_687 : vector<16xf32>
        %add3A_689 = arith.constant 1408 : i32
        %add3A_690 = arith.addi %add3A_689, %mul3A_54 : i32
        %get3A_691 = arith.index_cast %add3A_690 : i32 to index
        %get3A_692 = tpu.vector_load %arg15[%get3A_691] {strides = array<i32>} : memref<3328xf32, #tpu.memory_space<vmem>>, vector<16xf32>,
        %add3A_693 = arith.addf %add3A_686, %get3A_692 : vector<16xf32>
        %mul3A_694 = arith.mulf %get3A_692, %get3A_692 : vector<16xf32>
        %add3A_695 = arith.addf %add3A_688, %mul3A_694 : vector<16xf32>
        %add3A_696 = arith.constant 1536 : i32
        %add3A_697 = arith.addi %add3A_696, %mul3A_54 : i32
        %get3A_698 = arith.index_cast %add3A_697 : i32 to index
        %get3A_699 = tpu.vector_load %arg15[%get3A_698] {strides = array<i32>} : memref<3328xf32, #tpu.memory_space<vmem>>, vector<16xf32>,
        %add3A_700 = arith.addf %add3A_693, %get3A_699 : vector<16xf32>
        %mul3A_701 = arith.mulf %get3A_699, %get3A_699 : vector<16xf32>
        %add3A_702 = arith.addf %add3A_695, %mul3A_701 : vector<16xf32>
        %add3A_703 = arith.constant 1664 : i32
        %add3A_704 = arith.addi %add3A_703, %mul3A_54 : i32
        %get3A_705 = arith.index_cast %add3A_704 : i32 to index
        %get3A_706 = tpu.vector_load %arg15[%get3A_705] {strides = array<i32>} : memref<3328xf32, #tpu.memory_space<vmem>>, vector<16xf32>,
        %add3A_707 = arith.addf %add3A_700, %get3A_706 : vector<16xf32>
        %mul3A_708 = arith.mulf %get3A_706, %get3A_706 : vector<16xf32>
        %add3A_709 = arith.addf %add3A_702, %mul3A_708 : vector<16xf32>
        %add3A_710 = arith.constant 1792 : i32
        %add3A_711 = arith.addi %add3A_710, %mul3A_54 : i32
        %get3A_712 = arith.index_cast %add3A_711 : i32 to index
        %get3A_713 = tpu.vector_load %arg15[%get3A_712] {strides = array<i32>} : memref<3328xf32, #tpu.memory_space<vmem>>, vector<16xf32>,
        %add3A_714 = arith.addf %add3A_707, %get3A_713 : vector<16xf32>
        %mul3A_715 = arith.mulf %get3A_713, %get3A_713 : vector<16xf32>
        %add3A_716 = arith.addf %add3A_709, %mul3A_715 : vector<16xf32>
        %add3A_717 = arith.constant 1920 : i32
        %add3A_718 = arith.addi %add3A_717, %mul3A_54 : i32
        %get3A_719 = arith.index_cast %add3A_718 : i32 to index
        %get3A_720 = tpu.vector_load %arg15[%get3A_719] {strides = array<i32>} : memref<3328xf32, #tpu.memory_space<vmem>>, vector<16xf32>,
        %add3A_721 = arith.addf %add3A_714, %get3A_720 : vector<16xf32>
        %mul3A_722 = arith.mulf %get3A_720, %get3A_720 : vector<16xf32>
        %add3A_723 = arith.addf %add3A_716, %mul3A_722 : vector<16xf32>
        %add3A_724 = arith.constant 2048 : i32
        %add3A_725 = arith.addi %add3A_724, %mul3A_54 : i32
        %get3A_726 = arith.index_cast %add3A_725 : i32 to index
        %get3A_727 = tpu.vector_load %arg15[%get3A_726] {strides = array<i32>} : memref<3328xf32, #tpu.memory_space<vmem>>, vector<16xf32>,
        %add3A_728 = arith.addf %add3A_721, %get3A_727 : vector<16xf32>
        %mul3A_729 = arith.mulf %get3A_727, %get3A_727 : vector<16xf32>
        %add3A_730 = arith.addf %add3A_723, %mul3A_729 : vector<16xf32>
        %add3A_731 = arith.constant 2176 : i32
        %add3A_732 = arith.addi %add3A_731, %mul3A_54 : i32
        %get3A_733 = arith.index_cast %add3A_732 : i32 to index
        %get3A_734 = tpu.vector_load %arg15[%get3A_733] {strides = array<i32>} : memref<3328xf32, #tpu.memory_space<vmem>>, vector<16xf32>,
        %add3A_735 = arith.addf %add3A_728, %get3A_734 : vector<16xf32>
        %mul3A_736 = arith.mulf %get3A_734, %get3A_734 : vector<16xf32>
        %add3A_737 = arith.addf %add3A_730, %mul3A_736 : vector<16xf32>
        %add3A_738 = arith.constant 2304 : i32
        %add3A_739 = arith.addi %add3A_738, %mul3A_54 : i32
        %get3A_740 = arith.index_cast %add3A_739 : i32 to index
        %get3A_741 = tpu.vector_load %arg15[%get3A_740] {strides = array<i32>} : memref<3328xf32, #tpu.memory_space<vmem>>, vector<16xf32>,
        %add3A_742 = arith.addf %add3A_735, %get3A_741 : vector<16xf32>
        %mul3A_743 = arith.mulf %get3A_741, %get3A_741 : vector<16xf32>
        %add3A_744 = arith.addf %add3A_737, %mul3A_743 : vector<16xf32>
        %add3A_745 = arith.constant 2432 : i32
        %add3A_746 = arith.addi %add3A_745, %mul3A_54 : i32
        %get3A_747 = arith.index_cast %add3A_746 : i32 to index
        %get3A_748 = tpu.vector_load %arg15[%get3A_747] {strides = array<i32>} : memref<3328xf32, #tpu.memory_space<vmem>>, vector<16xf32>,
        %add3A_749 = arith.addf %add3A_742, %get3A_748 : vector<16xf32>
        %mul3A_750 = arith.mulf %get3A_748, %get3A_748 : vector<16xf32>
        %add3A_751 = arith.addf %add3A_744, %mul3A_750 : vector<16xf32>
        %add3A_752 = arith.constant 2560 : i32
        %add3A_753 = arith.addi %add3A_752, %mul3A_54 : i32
        %get3A_754 = arith.index_cast %add3A_753 : i32 to index
        %get3A_755 = tpu.vector_load %arg15[%get3A_754] {strides = array<i32>} : memref<3328xf32, #tpu.memory_space<vmem>>, vector<16xf32>,
        %add3A_756 = arith.addf %add3A_749, %get3A_755 : vector<16xf32>
        %mul3A_757 = arith.mulf %get3A_755, %get3A_755 : vector<16xf32>
        %add3A_758 = arith.addf %add3A_751, %mul3A_757 : vector<16xf32>
        %add3A_759 = arith.constant 2688 : i32
        %add3A_760 = arith.addi %add3A_759, %mul3A_54 : i32
        %get3A_761 = arith.index_cast %add3A_760 : i32 to index
        %get3A_762 = tpu.vector_load %arg15[%get3A_761] {strides = array<i32>} : memref<3328xf32, #tpu.memory_space<vmem>>, vector<16xf32>,
        %add3A_763 = arith.addf %add3A_756, %get3A_762 : vector<16xf32>
        %mul3A_764 = arith.mulf %get3A_762, %get3A_762 : vector<16xf32>
        %add3A_765 = arith.addf %add3A_758, %mul3A_764 : vector<16xf32>
        %add3A_766 = arith.constant 2816 : i32
        %add3A_767 = arith.addi %add3A_766, %mul3A_54 : i32
        %get3A_768 = arith.index_cast %add3A_767 : i32 to index
        %get3A_769 = tpu.vector_load %arg15[%get3A_768] {strides = array<i32>} : memref<3328xf32, #tpu.memory_space<vmem>>, vector<16xf32>,
        %add3A_770 = arith.addf %add3A_763, %get3A_769 : vector<16xf32>
        %mul3A_771 = arith.mulf %get3A_769, %get3A_769 : vector<16xf32>
        %add3A_772 = arith.addf %add3A_765, %mul3A_771 : vector<16xf32>
        %add3A_773 = arith.constant 2944 : i32
        %add3A_774 = arith.addi %add3A_773, %mul3A_54 : i32
        %get3A_775 = arith.index_cast %add3A_774 : i32 to index
        %get3A_776 = tpu.vector_load %arg15[%get3A_775] {strides = array<i32>} : memref<3328xf32, #tpu.memory_space<vmem>>, vector<16xf32>,
        %add3A_777 = arith.addf %add3A_770, %get3A_776 : vector<16xf32>
        %mul3A_778 = arith.mulf %get3A_776, %get3A_776 : vector<16xf32>
        %add3A_779 = arith.addf %add3A_772, %mul3A_778 : vector<16xf32>
        %add3A_780 = arith.constant 3072 : i32
        %add3A_781 = arith.addi %add3A_780, %mul3A_54 : i32
        %get3A_782 = arith.index_cast %add3A_781 : i32 to index
        %get3A_783 = tpu.vector_load %arg15[%get3A_782] {strides = array<i32>} : memref<3328xf32, #tpu.memory_space<vmem>>, vector<16xf32>,
        %add3A_784 = arith.addf %add3A_777, %get3A_783 : vector<16xf32>
        %mul3A_785 = arith.mulf %get3A_783, %get3A_783 : vector<16xf32>
        %add3A_786 = arith.addf %add3A_779, %mul3A_785 : vector<16xf32>
        %add3A_787 = arith.constant 3200 : i32
        %add3A_788 = arith.addi %add3A_787, %mul3A_54 : i32
        %get3A_789 = arith.index_cast %add3A_788 : i32 to index
        %get3A_790 = tpu.vector_load %arg15[%get3A_789] {strides = array<i32>} : memref<3328xf32, #tpu.memory_space<vmem>>, vector<16xf32>,
        %add3A_791 = arith.addf %add3A_784, %get3A_790 : vector<16xf32>
        %mul3A_792 = arith.mulf %get3A_790, %get3A_790 : vector<16xf32>
        %add3A_793 = arith.addf %add3A_786, %mul3A_792 : vector<16xf32>
        %mul3A_794 = arith.mulf %add3A_791, %add3A_791 : vector<16xf32>
        %sub3A_795 = arith.subf %mul3A_794, %add3A_793 : vector<16xf32>
        %mul3A_796 = arith.constant 5.000000e-01 : f32
        %mul3A_797 = vector.broadcast %mul3A_796 : f32 to vector<16xf32>
        %mul3A_798 = arith.mulf %mul3A_797, %sub3A_795 : vector<16xf32>
        %add3A_799 = arith.addf %add3A_613, %mul3A_798 : vector<16xf32>
        %neg3A = arith.constant 0.000000e+00 : f32
        %neg3A_800 = vector.broadcast %neg3A : f32 to vector<16xf32>
        %neg3A_801 = arith.subf %neg3A_800, %add3A_799 : vector<16xf32>
        %exp3A = math.exp %neg3A_801 : vector<16xf32>
        %add3A_802 = arith.constant 1.000000e+00 : f32
        %add3A_803 = vector.broadcast %add3A_802 : f32 to vector<16xf32>
        %add3A_804 = arith.addf %add3A_803, %exp3A : vector<16xf32>
        %div3A = arith.constant 1.000000e+00 : f32
        %div3A_805 = vector.broadcast %div3A : f32 to vector<16xf32>
        %div3A_806 = arith.divf %div3A_805, %add3A_804 : vector<16xf32>
        %mul3A_807 = arith.constant 128 : i32
        %mul3A_808 = arith.muli %scan3A_10, %mul3A_807 : i32
        %add3A_809 = arith.addi %mul3A_808, %mul3A_54 : i32
        %swap3A = arith.index_cast %add3A_809 : i32 to index
        %swap3A_810 = tpu.vector_load %arg17[%swap3A] {strides = array<i32>} : memref<512xf32, #tpu.memory_space<vmem>>, vector<16xf32>,
        tpu.vector_store %arg17[%swap3A], %div3A_806 {strides = array<i32>} : memref<512xf32, #tpu.memory_space<vmem>>, vector<16xf32>,
        %scan3A_811 = arith.constant 0 : i32
        scf.yield %scan3A_811 : i32
      }
      %scan3A_49 = arith.constant 8 : i32
      %scan3A_50 = arith.constant 0 : i32
      scf.yield %scan3A_50 : i32
    }
    %scan3A_7 = arith.constant 4 : i32
    %mul3A_8 = arith.constant 512 : i32
    %mul3A_9 = arith.muli %add3A, %mul3A_8 : i32
    "tpu.region"() ({
      %run_scoped3A = tpu.sem_alloc : memref<!tpu.dma_semaphore, #tpu.memory_space<semaphore_mem>>
      %dma_start3A = tpu.memref_slice %arg9[%mul3A_9] : memref<16384xf32, #tpu.memory_space<hbm>> -> memref<512xf32, #tpu.memory_space<hbm>>
      %dma_start3A_10 = tpu.memref_slice %arg9[%mul3A_9] : memref<16384xf32, #tpu.memory_space<hbm>> -> memref<512xf32, #tpu.memory_space<hbm>>
      tpu.enqueue_dma source(%arg17 : memref<512xf32, #tpu.memory_space<vmem>>) target(%dma_start3A_10 : memref<512xf32, #tpu.memory_space<hbm>>) target_semaphore(%run_scoped3A : memref<!tpu.dma_semaphore, #tpu.memory_space<semaphore_mem>>)
      %dma_wait3A = tpu.memref_slice %arg9[%mul3A_9] : memref<16384xf32, #tpu.memory_space<hbm>> -> memref<512xf32, #tpu.memory_space<hbm>>
      %dma_wait3A_11 = tpu.memref_slice %arg9[%mul3A_9] : memref<16384xf32, #tpu.memory_space<hbm>> -> memref<512xf32, #tpu.memory_space<hbm>>
      tpu.wait_dma2 semaphore(%run_scoped3A : memref<!tpu.dma_semaphore, #tpu.memory_space<semaphore_mem>>) src(%arg17 : memref<512xf32, #tpu.memory_space<vmem>>) dst(%dma_wait3A_11 : memref<512xf32, #tpu.memory_space<hbm>>)
      tpu.yield
    }) : () -> ()
    return
  }
}

#map = affine_map<(d0, d1) -> (0)>
module attributes {stable_mosaic.version = 14 : i64} {
  func.func @fm(%arg0: i32, %arg1: i32, %arg2: memref<2600000xf32, #tpu.memory_space<hbm>>, %arg3: memref<2600000xf32, #tpu.memory_space<hbm>>, %arg4: memref<2600000xf32, #tpu.memory_space<hbm>>, %arg5: memref<2600000xf32, #tpu.memory_space<hbm>>, %arg6: memref<16384xf32, #tpu.memory_space<hbm>>, %arg7: memref<425984xi32, #tpu.memory_space<hbm>>, %arg8: memref<16xf32, #tpu.memory_space<hbm>>, %arg9: memref<16384xf32, #tpu.memory_space<hbm>>, %arg10: memref<3328xi32, #tpu.memory_space<vmem>>, %arg11: memref<3328xi32, #tpu.memory_space<vmem>>, %arg12: memref<3328xf32, #tpu.memory_space<vmem>>, %arg13: memref<3328xf32, #tpu.memory_space<vmem>>, %arg14: memref<3328xf32, #tpu.memory_space<vmem>>, %arg15: memref<3328xf32, #tpu.memory_space<vmem>>, %arg16: memref<3328xf32, #tpu.memory_space<vmem>>, %arg17: memref<512xf32, #tpu.memory_space<vmem>>, %arg18: memref<16xf32, #tpu.memory_space<vmem>>, %arg19: memref<!tpu.dma_semaphore, #tpu.memory_space<semaphore_mem>>) attributes {dimension_semantics = [#tpu.dimension_semantics<core_parallel>, #tpu.dimension_semantics<subcore_parallel>], iteration_bounds = array<i64: 2, 16>, scalar_prefetch = 0 : i64, scratch_operands = 10 : i64, tpu.core_type = #tpu.core_type<sc_vector_subcore>, window_params = [{transform_indices = #map}, {transform_indices = #map}, {transform_indices = #map}, {transform_indices = #map}, {transform_indices = #map}, {transform_indices = #map}, {transform_indices = #map}, {transform_indices = #map}]} {
    %mul3A = arith.constant 2 : i32
    %mul3A_0 = arith.muli %arg1, %mul3A : i32
    %add3A = arith.addi %mul3A_0, %arg0 : i32
    "tpu.region"() ({
      %run_scoped3A = tpu.sem_alloc : memref<!tpu.dma_semaphore, #tpu.memory_space<semaphore_mem>>
      tpu.enqueue_dma source(%arg8 : memref<16xf32, #tpu.memory_space<hbm>>) target(%arg18 : memref<16xf32, #tpu.memory_space<vmem>>) target_semaphore(%run_scoped3A : memref<!tpu.dma_semaphore, #tpu.memory_space<semaphore_mem>>)
      tpu.wait_dma2 semaphore(%run_scoped3A : memref<!tpu.dma_semaphore, #tpu.memory_space<semaphore_mem>>) src(%arg8 : memref<16xf32, #tpu.memory_space<hbm>>) dst(%arg18 : memref<16xf32, #tpu.memory_space<vmem>>)
      tpu.yield
    }) : () -> ()
    %get3A = arith.constant 0 : index
    %get3A_1 = tpu.vector_load %arg18[%get3A] {strides = array<i32>} : memref<16xf32, #tpu.memory_space<vmem>>, vector<16xf32>,
    %scan3A = arith.constant 0 : i32
    %scan3A_2 = arith.constant 0 : i32
    %scan3A_3 = arith.constant 4 : i32
    %scan3A_4 = arith.addi %scan3A_2, %scan3A_3 : i32
    %scan3A_5 = arith.constant 1 : i32
    %scan3A_6 = scf.for %scan3A_10 = %scan3A_2 to %scan3A_4 step %scan3A_5 iter_args(%scan3A_11 = %scan3A) -> (i32)  : i32 {
      %mul3A_12 = arith.constant 4 : i32
      %mul3A_13 = arith.muli %add3A, %mul3A_12 : i32
      %add3A_14 = arith.addi %mul3A_13, %scan3A_10 : i32
      %mul3A_15 = arith.constant 3328 : i32
      %mul3A_16 = arith.muli %add3A_14, %mul3A_15 : i32
      "tpu.region"() ({
        %run_scoped3A = tpu.sem_alloc : memref<!tpu.dma_semaphore, #tpu.memory_space<semaphore_mem>>
        %dma_start3A_51 = tpu.memref_slice %arg7[%mul3A_16] : memref<425984xi32, #tpu.memory_space<hbm>> -> memref<3328xi32, #tpu.memory_space<hbm>>
        %dma_start3A_52 = tpu.memref_slice %arg7[%mul3A_16] : memref<425984xi32, #tpu.memory_space<hbm>> -> memref<3328xi32, #tpu.memory_space<hbm>>
        tpu.enqueue_dma source(%dma_start3A_52 : memref<3328xi32, #tpu.memory_space<hbm>>) target(%arg10 : memref<3328xi32, #tpu.memory_space<vmem>>) target_semaphore(%run_scoped3A : memref<!tpu.dma_semaphore, #tpu.memory_space<semaphore_mem>>)
        %dma_wait3A_53 = tpu.memref_slice %arg7[%mul3A_16] : memref<425984xi32, #tpu.memory_space<hbm>> -> memref<3328xi32, #tpu.memory_space<hbm>>
        %dma_wait3A_54 = tpu.memref_slice %arg7[%mul3A_16] : memref<425984xi32, #tpu.memory_space<hbm>> -> memref<3328xi32, #tpu.memory_space<hbm>>
        tpu.wait_dma2 semaphore(%run_scoped3A : memref<!tpu.dma_semaphore, #tpu.memory_space<semaphore_mem>>) src(%dma_wait3A_54 : memref<3328xi32, #tpu.memory_space<hbm>>) dst(%arg10 : memref<3328xi32, #tpu.memory_space<vmem>>)
        tpu.yield
      }) : () -> ()
      %scan3A_17 = arith.constant 0 : i32
      %scan3A_18 = arith.constant 0 : i32
      %scan3A_19 = arith.constant 208 : i32
      %scan3A_20 = arith.addi %scan3A_18, %scan3A_19 : i32
      %scan3A_21 = arith.constant 1 : i32
      %scan3A_22 = scf.for %scan3A_51 = %scan3A_18 to %scan3A_20 step %scan3A_21 iter_args(%scan3A_52 = %scan3A_17) -> (i32)  : i32 {
        %mul3A_53 = arith.constant 16 : i32
        %mul3A_54 = arith.muli %scan3A_51, %mul3A_53 : i32
        %multiple_of3A = tpu.assume_multiple %mul3A_54, 16 : i32
        %get3A_55 = arith.index_cast %multiple_of3A : i32 to index
        %get3A_56 = tpu.vector_load %arg10[%get3A_55] {strides = array<i32>} : memref<3328xi32, #tpu.memory_space<vmem>>, vector<16xi32>,
        %shift_right_arithmetic3A = arith.constant 3 : i32
        %shift_right_arithmetic3A_57 = arith.shrsi %scan3A_51, %shift_right_arithmetic3A : i32
        %mul3A_58 = arith.constant 100000 : i32
        %mul3A_59 = arith.muli %shift_right_arithmetic3A_57, %mul3A_58 : i32
        %add3A_60 = vector.broadcast %mul3A_59 : i32 to vector<16xi32>
        %add3A_61 = arith.addi %get3A_56, %add3A_60 : vector<16xi32>
        %swap3A = arith.index_cast %multiple_of3A : i32 to index
        %swap3A_62 = tpu.vector_load %arg11[%swap3A] {strides = array<i32>} : memref<3328xi32, #tpu.memory_space<vmem>>, vector<16xi32>,
        tpu.vector_store %arg11[%swap3A], %add3A_61 {strides = array<i32>} : memref<3328xi32, #tpu.memory_space<vmem>>, vector<16xi32>,
        %scan3A_63 = arith.constant 0 : i32
        scf.yield %scan3A_63 : i32
      }
      %scan3A_23 = arith.constant 208 : i32
      %mul3A_24 = arith.constant 4 : i32
      %mul3A_25 = arith.muli %add3A, %mul3A_24 : i32
      %add3A_26 = arith.addi %mul3A_25, %scan3A_10 : i32
      %mul3A_27 = arith.constant 128 : i32
      %mul3A_28 = arith.muli %add3A_26, %mul3A_27 : i32
      "tpu.region"() ({
        %run_scoped3A = tpu.sem_alloc : memref<!tpu.dma_semaphore, #tpu.memory_space<semaphore_mem>>
        %dma_start3A_51 = arith.constant 0 : i32
        %dma_start3A_52 = tpu.memref_slice %arg16[%dma_start3A_51] : memref<3328xf32, #tpu.memory_space<vmem>> -> memref<128xf32, #tpu.memory_space<vmem>>
        %dma_start3A_53 = tpu.memref_slice %arg6[%mul3A_28] : memref<16384xf32, #tpu.memory_space<hbm>> -> memref<128xf32, #tpu.memory_space<hbm>>
        %dma_start3A_54 = arith.constant 0 : i32
        %dma_start3A_55 = tpu.memref_slice %arg16[%dma_start3A_54] : memref<3328xf32, #tpu.memory_space<vmem>> -> memref<128xf32, #tpu.memory_space<vmem>>
        %dma_start3A_56 = tpu.memref_slice %arg6[%mul3A_28] : memref<16384xf32, #tpu.memory_space<hbm>> -> memref<128xf32, #tpu.memory_space<hbm>>
        tpu.enqueue_dma source(%dma_start3A_56 : memref<128xf32, #tpu.memory_space<hbm>>) target(%dma_start3A_55 : memref<128xf32, #tpu.memory_space<vmem>>) target_semaphore(%run_scoped3A : memref<!tpu.dma_semaphore, #tpu.memory_space<semaphore_mem>>)
        %dma_wait3A_57 = arith.constant 0 : i32
        %dma_wait3A_58 = tpu.memref_slice %arg16[%dma_wait3A_57] : memref<3328xf32, #tpu.memory_space<vmem>> -> memref<128xf32, #tpu.memory_space<vmem>>
        %dma_wait3A_59 = tpu.memref_slice %arg6[%mul3A_28] : memref<16384xf32, #tpu.memory_space<hbm>> -> memref<128xf32, #tpu.memory_space<hbm>>
        %dma_wait3A_60 = arith.constant 0 : i32
        %dma_wait3A_61 = tpu.memref_slice %arg16[%dma_wait3A_60] : memref<3328xf32, #tpu.memory_space<vmem>> -> memref<128xf32, #tpu.memory_space<vmem>>
        %dma_wait3A_62 = tpu.memref_slice %arg6[%mul3A_28] : memref<16384xf32, #tpu.memory_space<hbm>> -> memref<128xf32, #tpu.memory_space<hbm>>
        tpu.wait_dma2 semaphore(%run_scoped3A : memref<!tpu.dma_semaphore, #tpu.memory_space<semaphore_mem>>) src(%dma_wait3A_62 : memref<128xf32, #tpu.memory_space<hbm>>) dst(%dma_wait3A_61 : memref<128xf32, #tpu.memory_space<vmem>>)
        tpu.yield
      }) : () -> ()
      %dma_start3A = arith.constant 0 : i32
      %dma_start3A_29 = tpu.memref_slice %arg2[%dma_start3A] : memref<2600000xf32, #tpu.memory_space<hbm>> -> memref<2600000xf32, #tpu.memory_space<hbm>>
      tpu.enqueue_indirect_dma source(%dma_start3A_29 : memref<2600000xf32, #tpu.memory_space<hbm>>) target(%arg12 : memref<3328xf32, #tpu.memory_space<vmem>>) offsets(%arg11 : memref<3328xi32, #tpu.memory_space<vmem>>) semaphore(%arg19 : memref<!tpu.dma_semaphore, #tpu.memory_space<semaphore_mem>>)
      %dma_start3A_30 = arith.constant 0 : i32
      %dma_start3A_31 = tpu.memref_slice %arg3[%dma_start3A_30] : memref<2600000xf32, #tpu.memory_space<hbm>> -> memref<2600000xf32, #tpu.memory_space<hbm>>
      tpu.enqueue_indirect_dma source(%dma_start3A_31 : memref<2600000xf32, #tpu.memory_space<hbm>>) target(%arg13 : memref<3328xf32, #tpu.memory_space<vmem>>) offsets(%arg11 : memref<3328xi32, #tpu.memory_space<vmem>>) semaphore(%arg19 : memref<!tpu.dma_semaphore, #tpu.memory_space<semaphore_mem>>)
      %dma_start3A_32 = arith.constant 0 : i32
      %dma_start3A_33 = tpu.memref_slice %arg4[%dma_start3A_32] : memref<2600000xf32, #tpu.memory_space<hbm>> -> memref<2600000xf32, #tpu.memory_space<hbm>>
      tpu.enqueue_indirect_dma source(%dma_start3A_33 : memref<2600000xf32, #tpu.memory_space<hbm>>) target(%arg14 : memref<3328xf32, #tpu.memory_space<vmem>>) offsets(%arg11 : memref<3328xi32, #tpu.memory_space<vmem>>) semaphore(%arg19 : memref<!tpu.dma_semaphore, #tpu.memory_space<semaphore_mem>>)
      %dma_start3A_34 = arith.constant 0 : i32
      %dma_start3A_35 = tpu.memref_slice %arg5[%dma_start3A_34] : memref<2600000xf32, #tpu.memory_space<hbm>> -> memref<2600000xf32, #tpu.memory_space<hbm>>
      tpu.enqueue_indirect_dma source(%dma_start3A_35 : memref<2600000xf32, #tpu.memory_space<hbm>>) target(%arg15 : memref<3328xf32, #tpu.memory_space<vmem>>) offsets(%arg11 : memref<3328xi32, #tpu.memory_space<vmem>>) semaphore(%arg19 : memref<!tpu.dma_semaphore, #tpu.memory_space<semaphore_mem>>)
      %dma_wait3A = arith.constant 0 : i32
      %dma_wait3A_36 = tpu.memref_slice %arg2[%dma_wait3A] : memref<2600000xf32, #tpu.memory_space<hbm>> -> memref<2600000xf32, #tpu.memory_space<hbm>>
      tpu.wait_indirect_dma semaphore(%arg19 : memref<!tpu.dma_semaphore, #tpu.memory_space<semaphore_mem>>) src(%dma_wait3A_36 : memref<2600000xf32, #tpu.memory_space<hbm>>) dst(%arg12 : memref<3328xf32, #tpu.memory_space<vmem>>)
      %dma_wait3A_37 = arith.constant 0 : i32
      %dma_wait3A_38 = tpu.memref_slice %arg3[%dma_wait3A_37] : memref<2600000xf32, #tpu.memory_space<hbm>> -> memref<2600000xf32, #tpu.memory_space<hbm>>
      tpu.wait_indirect_dma semaphore(%arg19 : memref<!tpu.dma_semaphore, #tpu.memory_space<semaphore_mem>>) src(%dma_wait3A_38 : memref<2600000xf32, #tpu.memory_space<hbm>>) dst(%arg13 : memref<3328xf32, #tpu.memory_space<vmem>>)
      %dma_wait3A_39 = arith.constant 0 : i32
      %dma_wait3A_40 = tpu.memref_slice %arg4[%dma_wait3A_39] : memref<2600000xf32, #tpu.memory_space<hbm>> -> memref<2600000xf32, #tpu.memory_space<hbm>>
      tpu.wait_indirect_dma semaphore(%arg19 : memref<!tpu.dma_semaphore, #tpu.memory_space<semaphore_mem>>) src(%dma_wait3A_40 : memref<2600000xf32, #tpu.memory_space<hbm>>) dst(%arg14 : memref<3328xf32, #tpu.memory_space<vmem>>)
      %dma_wait3A_41 = arith.constant 0 : i32
      %dma_wait3A_42 = tpu.memref_slice %arg5[%dma_wait3A_41] : memref<2600000xf32, #tpu.memory_space<hbm>> -> memref<2600000xf32, #tpu.memory_space<hbm>>
      tpu.wait_indirect_dma semaphore(%arg19 : memref<!tpu.dma_semaphore, #tpu.memory_space<semaphore_mem>>) src(%dma_wait3A_42 : memref<2600000xf32, #tpu.memory_space<hbm>>) dst(%arg15 : memref<3328xf32, #tpu.memory_space<vmem>>)
      %scan3A_43 = arith.constant 0 : i32
      %scan3A_44 = arith.constant 0 : i32
      %scan3A_45 = arith.constant 8 : i32
      %scan3A_46 = arith.addi %scan3A_44, %scan3A_45 : i32
      %scan3A_47 = arith.constant 1 : i32
      %scan3A_48 = scf.for %scan3A_51 = %scan3A_44 to %scan3A_46 step %scan3A_47 iter_args(%scan3A_52 = %scan3A_43) -> (i32)  : i32 {
        %mul3A_53 = arith.constant 16 : i32
        %mul3A_54 = arith.muli %scan3A_51, %mul3A_53 : i32
        %get3A_55 = arith.index_cast %mul3A_54 : i32 to index
        %get3A_56 = tpu.vector_load %arg16[%get3A_55] {strides = array<i32>} : memref<3328xf32, #tpu.memory_space<vmem>>, vector<16xf32>,
        %add3A_57 = arith.constant 0 : i32
        %add3A_58 = arith.addi %add3A_57, %mul3A_54 : i32
        %get3A_59 = arith.index_cast %add3A_58 : i32 to index
        %get3A_60 = tpu.vector_load %arg12[%get3A_59] {strides = array<i32>} : memref<3328xf32, #tpu.memory_space<vmem>>, vector<16xf32>,
        %mul3A_61 = arith.mulf %get3A_60, %get3A_60 : vector<16xf32>
        %add3A_62 = arith.constant 128 : i32
        %add3A_63 = arith.addi %add3A_62, %mul3A_54 : i32
        %get3A_64 = arith.index_cast %add3A_63 : i32 to index
        %get3A_65 = tpu.vector_load %arg12[%get3A_64] {strides = array<i32>} : memref<3328xf32, #tpu.memory_space<vmem>>, vector<16xf32>,
        %add3A_66 = arith.addf %get3A_60, %get3A_65 : vector<16xf32>
        %mul3A_67 = arith.mulf %get3A_65, %get3A_65 : vector<16xf32>
        %add3A_68 = arith.addf %mul3A_61, %mul3A_67 : vector<16xf32>
        %add3A_69 = arith.constant 256 : i32
        %add3A_70 = arith.addi %add3A_69, %mul3A_54 : i32
        %get3A_71 = arith.index_cast %add3A_70 : i32 to index
        %get3A_72 = tpu.vector_load %arg12[%get3A_71] {strides = array<i32>} : memref<3328xf32, #tpu.memory_space<vmem>>, vector<16xf32>,
        %add3A_73 = arith.addf %add3A_66, %get3A_72 : vector<16xf32>
        %mul3A_74 = arith.mulf %get3A_72, %get3A_72 : vector<16xf32>
        %add3A_75 = arith.addf %add3A_68, %mul3A_74 : vector<16xf32>
        %add3A_76 = arith.constant 384 : i32
        %add3A_77 = arith.addi %add3A_76, %mul3A_54 : i32
        %get3A_78 = arith.index_cast %add3A_77 : i32 to index
        %get3A_79 = tpu.vector_load %arg12[%get3A_78] {strides = array<i32>} : memref<3328xf32, #tpu.memory_space<vmem>>, vector<16xf32>,
        %add3A_80 = arith.addf %add3A_73, %get3A_79 : vector<16xf32>
        %mul3A_81 = arith.mulf %get3A_79, %get3A_79 : vector<16xf32>
        %add3A_82 = arith.addf %add3A_75, %mul3A_81 : vector<16xf32>
        %add3A_83 = arith.constant 512 : i32
        %add3A_84 = arith.addi %add3A_83, %mul3A_54 : i32
        %get3A_85 = arith.index_cast %add3A_84 : i32 to index
        %get3A_86 = tpu.vector_load %arg12[%get3A_85] {strides = array<i32>} : memref<3328xf32, #tpu.memory_space<vmem>>, vector<16xf32>,
        %add3A_87 = arith.addf %add3A_80, %get3A_86 : vector<16xf32>
        %mul3A_88 = arith.mulf %get3A_86, %get3A_86 : vector<16xf32>
        %add3A_89 = arith.addf %add3A_82, %mul3A_88 : vector<16xf32>
        %add3A_90 = arith.constant 640 : i32
        %add3A_91 = arith.addi %add3A_90, %mul3A_54 : i32
        %get3A_92 = arith.index_cast %add3A_91 : i32 to index
        %get3A_93 = tpu.vector_load %arg12[%get3A_92] {strides = array<i32>} : memref<3328xf32, #tpu.memory_space<vmem>>, vector<16xf32>,
        %add3A_94 = arith.addf %add3A_87, %get3A_93 : vector<16xf32>
        %mul3A_95 = arith.mulf %get3A_93, %get3A_93 : vector<16xf32>
        %add3A_96 = arith.addf %add3A_89, %mul3A_95 : vector<16xf32>
        %add3A_97 = arith.constant 768 : i32
        %add3A_98 = arith.addi %add3A_97, %mul3A_54 : i32
        %get3A_99 = arith.index_cast %add3A_98 : i32 to index
        %get3A_100 = tpu.vector_load %arg12[%get3A_99] {strides = array<i32>} : memref<3328xf32, #tpu.memory_space<vmem>>, vector<16xf32>,
        %add3A_101 = arith.addf %add3A_94, %get3A_100 : vector<16xf32>
        %mul3A_102 = arith.mulf %get3A_100, %get3A_100 : vector<16xf32>
        %add3A_103 = arith.addf %add3A_96, %mul3A_102 : vector<16xf32>
        %add3A_104 = arith.constant 896 : i32
        %add3A_105 = arith.addi %add3A_104, %mul3A_54 : i32
        %get3A_106 = arith.index_cast %add3A_105 : i32 to index
        %get3A_107 = tpu.vector_load %arg12[%get3A_106] {strides = array<i32>} : memref<3328xf32, #tpu.memory_space<vmem>>, vector<16xf32>,
        %add3A_108 = arith.addf %add3A_101, %get3A_107 : vector<16xf32>
        %mul3A_109 = arith.mulf %get3A_107, %get3A_107 : vector<16xf32>
        %add3A_110 = arith.addf %add3A_103, %mul3A_109 : vector<16xf32>
        %add3A_111 = arith.constant 1024 : i32
        %add3A_112 = arith.addi %add3A_111, %mul3A_54 : i32
        %get3A_113 = arith.index_cast %add3A_112 : i32 to index
        %get3A_114 = tpu.vector_load %arg12[%get3A_113] {strides = array<i32>} : memref<3328xf32, #tpu.memory_space<vmem>>, vector<16xf32>,
        %add3A_115 = arith.addf %add3A_108, %get3A_114 : vector<16xf32>
        %mul3A_116 = arith.mulf %get3A_114, %get3A_114 : vector<16xf32>
        %add3A_117 = arith.addf %add3A_110, %mul3A_116 : vector<16xf32>
        %add3A_118 = arith.constant 1152 : i32
        %add3A_119 = arith.addi %add3A_118, %mul3A_54 : i32
        %get3A_120 = arith.index_cast %add3A_119 : i32 to index
        %get3A_121 = tpu.vector_load %arg12[%get3A_120] {strides = array<i32>} : memref<3328xf32, #tpu.memory_space<vmem>>, vector<16xf32>,
        %add3A_122 = arith.addf %add3A_115, %get3A_121 : vector<16xf32>
        %mul3A_123 = arith.mulf %get3A_121, %get3A_121 : vector<16xf32>
        %add3A_124 = arith.addf %add3A_117, %mul3A_123 : vector<16xf32>
        %add3A_125 = arith.constant 1280 : i32
        %add3A_126 = arith.addi %add3A_125, %mul3A_54 : i32
        %get3A_127 = arith.index_cast %add3A_126 : i32 to index
        %get3A_128 = tpu.vector_load %arg12[%get3A_127] {strides = array<i32>} : memref<3328xf32, #tpu.memory_space<vmem>>, vector<16xf32>,
        %add3A_129 = arith.addf %add3A_122, %get3A_128 : vector<16xf32>
        %mul3A_130 = arith.mulf %get3A_128, %get3A_128 : vector<16xf32>
        %add3A_131 = arith.addf %add3A_124, %mul3A_130 : vector<16xf32>
        %add3A_132 = arith.constant 1408 : i32
        %add3A_133 = arith.addi %add3A_132, %mul3A_54 : i32
        %get3A_134 = arith.index_cast %add3A_133 : i32 to index
        %get3A_135 = tpu.vector_load %arg12[%get3A_134] {strides = array<i32>} : memref<3328xf32, #tpu.memory_space<vmem>>, vector<16xf32>,
        %add3A_136 = arith.addf %add3A_129, %get3A_135 : vector<16xf32>
        %mul3A_137 = arith.mulf %get3A_135, %get3A_135 : vector<16xf32>
        %add3A_138 = arith.addf %add3A_131, %mul3A_137 : vector<16xf32>
        %add3A_139 = arith.constant 1536 : i32
        %add3A_140 = arith.addi %add3A_139, %mul3A_54 : i32
        %get3A_141 = arith.index_cast %add3A_140 : i32 to index
        %get3A_142 = tpu.vector_load %arg12[%get3A_141] {strides = array<i32>} : memref<3328xf32, #tpu.memory_space<vmem>>, vector<16xf32>,
        %add3A_143 = arith.addf %add3A_136, %get3A_142 : vector<16xf32>
        %mul3A_144 = arith.mulf %get3A_142, %get3A_142 : vector<16xf32>
        %add3A_145 = arith.addf %add3A_138, %mul3A_144 : vector<16xf32>
        %add3A_146 = arith.constant 1664 : i32
        %add3A_147 = arith.addi %add3A_146, %mul3A_54 : i32
        %get3A_148 = arith.index_cast %add3A_147 : i32 to index
        %get3A_149 = tpu.vector_load %arg12[%get3A_148] {strides = array<i32>} : memref<3328xf32, #tpu.memory_space<vmem>>, vector<16xf32>,
        %add3A_150 = arith.addf %add3A_143, %get3A_149 : vector<16xf32>
        %mul3A_151 = arith.mulf %get3A_149, %get3A_149 : vector<16xf32>
        %add3A_152 = arith.addf %add3A_145, %mul3A_151 : vector<16xf32>
        %add3A_153 = arith.constant 1792 : i32
        %add3A_154 = arith.addi %add3A_153, %mul3A_54 : i32
        %get3A_155 = arith.index_cast %add3A_154 : i32 to index
        %get3A_156 = tpu.vector_load %arg12[%get3A_155] {strides = array<i32>} : memref<3328xf32, #tpu.memory_space<vmem>>, vector<16xf32>,
        %add3A_157 = arith.addf %add3A_150, %get3A_156 : vector<16xf32>
        %mul3A_158 = arith.mulf %get3A_156, %get3A_156 : vector<16xf32>
        %add3A_159 = arith.addf %add3A_152, %mul3A_158 : vector<16xf32>
        %add3A_160 = arith.constant 1920 : i32
        %add3A_161 = arith.addi %add3A_160, %mul3A_54 : i32
        %get3A_162 = arith.index_cast %add3A_161 : i32 to index
        %get3A_163 = tpu.vector_load %arg12[%get3A_162] {strides = array<i32>} : memref<3328xf32, #tpu.memory_space<vmem>>, vector<16xf32>,
        %add3A_164 = arith.addf %add3A_157, %get3A_163 : vector<16xf32>
        %mul3A_165 = arith.mulf %get3A_163, %get3A_163 : vector<16xf32>
        %add3A_166 = arith.addf %add3A_159, %mul3A_165 : vector<16xf32>
        %add3A_167 = arith.constant 2048 : i32
        %add3A_168 = arith.addi %add3A_167, %mul3A_54 : i32
        %get3A_169 = arith.index_cast %add3A_168 : i32 to index
        %get3A_170 = tpu.vector_load %arg12[%get3A_169] {strides = array<i32>} : memref<3328xf32, #tpu.memory_space<vmem>>, vector<16xf32>,
        %add3A_171 = arith.addf %add3A_164, %get3A_170 : vector<16xf32>
        %mul3A_172 = arith.mulf %get3A_170, %get3A_170 : vector<16xf32>
        %add3A_173 = arith.addf %add3A_166, %mul3A_172 : vector<16xf32>
        %add3A_174 = arith.constant 2176 : i32
        %add3A_175 = arith.addi %add3A_174, %mul3A_54 : i32
        %get3A_176 = arith.index_cast %add3A_175 : i32 to index
        %get3A_177 = tpu.vector_load %arg12[%get3A_176] {strides = array<i32>} : memref<3328xf32, #tpu.memory_space<vmem>>, vector<16xf32>,
        %add3A_178 = arith.addf %add3A_171, %get3A_177 : vector<16xf32>
        %mul3A_179 = arith.mulf %get3A_177, %get3A_177 : vector<16xf32>
        %add3A_180 = arith.addf %add3A_173, %mul3A_179 : vector<16xf32>
        %add3A_181 = arith.constant 2304 : i32
        %add3A_182 = arith.addi %add3A_181, %mul3A_54 : i32
        %get3A_183 = arith.index_cast %add3A_182 : i32 to index
        %get3A_184 = tpu.vector_load %arg12[%get3A_183] {strides = array<i32>} : memref<3328xf32, #tpu.memory_space<vmem>>, vector<16xf32>,
        %add3A_185 = arith.addf %add3A_178, %get3A_184 : vector<16xf32>
        %mul3A_186 = arith.mulf %get3A_184, %get3A_184 : vector<16xf32>
        %add3A_187 = arith.addf %add3A_180, %mul3A_186 : vector<16xf32>
        %add3A_188 = arith.constant 2432 : i32
        %add3A_189 = arith.addi %add3A_188, %mul3A_54 : i32
        %get3A_190 = arith.index_cast %add3A_189 : i32 to index
        %get3A_191 = tpu.vector_load %arg12[%get3A_190] {strides = array<i32>} : memref<3328xf32, #tpu.memory_space<vmem>>, vector<16xf32>,
        %add3A_192 = arith.addf %add3A_185, %get3A_191 : vector<16xf32>
        %mul3A_193 = arith.mulf %get3A_191, %get3A_191 : vector<16xf32>
        %add3A_194 = arith.addf %add3A_187, %mul3A_193 : vector<16xf32>
        %add3A_195 = arith.constant 2560 : i32
        %add3A_196 = arith.addi %add3A_195, %mul3A_54 : i32
        %get3A_197 = arith.index_cast %add3A_196 : i32 to index
        %get3A_198 = tpu.vector_load %arg12[%get3A_197] {strides = array<i32>} : memref<3328xf32, #tpu.memory_space<vmem>>, vector<16xf32>,
        %add3A_199 = arith.addf %add3A_192, %get3A_198 : vector<16xf32>
        %mul3A_200 = arith.mulf %get3A_198, %get3A_198 : vector<16xf32>
        %add3A_201 = arith.addf %add3A_194, %mul3A_200 : vector<16xf32>
        %add3A_202 = arith.constant 2688 : i32
        %add3A_203 = arith.addi %add3A_202, %mul3A_54 : i32
        %get3A_204 = arith.index_cast %add3A_203 : i32 to index
        %get3A_205 = tpu.vector_load %arg12[%get3A_204] {strides = array<i32>} : memref<3328xf32, #tpu.memory_space<vmem>>, vector<16xf32>,
        %add3A_206 = arith.addf %add3A_199, %get3A_205 : vector<16xf32>
        %mul3A_207 = arith.mulf %get3A_205, %get3A_205 : vector<16xf32>
        %add3A_208 = arith.addf %add3A_201, %mul3A_207 : vector<16xf32>
        %add3A_209 = arith.constant 2816 : i32
        %add3A_210 = arith.addi %add3A_209, %mul3A_54 : i32
        %get3A_211 = arith.index_cast %add3A_210 : i32 to index
        %get3A_212 = tpu.vector_load %arg12[%get3A_211] {strides = array<i32>} : memref<3328xf32, #tpu.memory_space<vmem>>, vector<16xf32>,
        %add3A_213 = arith.addf %add3A_206, %get3A_212 : vector<16xf32>
        %mul3A_214 = arith.mulf %get3A_212, %get3A_212 : vector<16xf32>
        %add3A_215 = arith.addf %add3A_208, %mul3A_214 : vector<16xf32>
        %add3A_216 = arith.constant 2944 : i32
        %add3A_217 = arith.addi %add3A_216, %mul3A_54 : i32
        %get3A_218 = arith.index_cast %add3A_217 : i32 to index
        %get3A_219 = tpu.vector_load %arg12[%get3A_218] {strides = array<i32>} : memref<3328xf32, #tpu.memory_space<vmem>>, vector<16xf32>,
        %add3A_220 = arith.addf %add3A_213, %get3A_219 : vector<16xf32>
        %mul3A_221 = arith.mulf %get3A_219, %get3A_219 : vector<16xf32>
        %add3A_222 = arith.addf %add3A_215, %mul3A_221 : vector<16xf32>
        %add3A_223 = arith.constant 3072 : i32
        %add3A_224 = arith.addi %add3A_223, %mul3A_54 : i32
        %get3A_225 = arith.index_cast %add3A_224 : i32 to index
        %get3A_226 = tpu.vector_load %arg12[%get3A_225] {strides = array<i32>} : memref<3328xf32, #tpu.memory_space<vmem>>, vector<16xf32>,
        %add3A_227 = arith.addf %add3A_220, %get3A_226 : vector<16xf32>
        %mul3A_228 = arith.mulf %get3A_226, %get3A_226 : vector<16xf32>
        %add3A_229 = arith.addf %add3A_222, %mul3A_228 : vector<16xf32>
        %add3A_230 = arith.constant 3200 : i32
        %add3A_231 = arith.addi %add3A_230, %mul3A_54 : i32
        %get3A_232 = arith.index_cast %add3A_231 : i32 to index
        %get3A_233 = tpu.vector_load %arg12[%get3A_232] {strides = array<i32>} : memref<3328xf32, #tpu.memory_space<vmem>>, vector<16xf32>,
        %add3A_234 = arith.addf %add3A_227, %get3A_233 : vector<16xf32>
        %mul3A_235 = arith.mulf %get3A_233, %get3A_233 : vector<16xf32>
        %add3A_236 = arith.addf %add3A_229, %mul3A_235 : vector<16xf32>
        %mul3A_237 = arith.mulf %add3A_234, %add3A_234 : vector<16xf32>
        %sub3A = arith.subf %mul3A_237, %add3A_236 : vector<16xf32>
        %mul3A_238 = arith.constant 5.000000e-01 : f32
        %mul3A_239 = vector.broadcast %mul3A_238 : f32 to vector<16xf32>
        %mul3A_240 = arith.mulf %mul3A_239, %sub3A : vector<16xf32>
        %add3A_241 = arith.addf %get3A_56, %mul3A_240 : vector<16xf32>
        %add3A_242 = arith.constant 0 : i32
        %add3A_243 = arith.addi %add3A_242, %mul3A_54 : i32
        %get3A_244 = arith.index_cast %add3A_243 : i32 to index
        %get3A_245 = tpu.vector_load %arg13[%get3A_244] {strides = array<i32>} : memref<3328xf32, #tpu.memory_space<vmem>>, vector<16xf32>,
        %mul3A_246 = arith.mulf %get3A_245, %get3A_245 : vector<16xf32>
        %add3A_247 = arith.constant 128 : i32
        %add3A_248 = arith.addi %add3A_247, %mul3A_54 : i32
        %get3A_249 = arith.index_cast %add3A_248 : i32 to index
        %get3A_250 = tpu.vector_load %arg13[%get3A_249] {strides = array<i32>} : memref<3328xf32, #tpu.memory_space<vmem>>, vector<16xf32>,
        %add3A_251 = arith.addf %get3A_245, %get3A_250 : vector<16xf32>
        %mul3A_252 = arith.mulf %get3A_250, %get3A_250 : vector<16xf32>
        %add3A_253 = arith.addf %mul3A_246, %mul3A_252 : vector<16xf32>
        %add3A_254 = arith.constant 256 : i32
        %add3A_255 = arith.addi %add3A_254, %mul3A_54 : i32
        %get3A_256 = arith.index_cast %add3A_255 : i32 to index
        %get3A_257 = tpu.vector_load %arg13[%get3A_256] {strides = array<i32>} : memref<3328xf32, #tpu.memory_space<vmem>>, vector<16xf32>,
        %add3A_258 = arith.addf %add3A_251, %get3A_257 : vector<16xf32>
        %mul3A_259 = arith.mulf %get3A_257, %get3A_257 : vector<16xf32>
        %add3A_260 = arith.addf %add3A_253, %mul3A_259 : vector<16xf32>
        %add3A_261 = arith.constant 384 : i32
        %add3A_262 = arith.addi %add3A_261, %mul3A_54 : i32
        %get3A_263 = arith.index_cast %add3A_262 : i32 to index
        %get3A_264 = tpu.vector_load %arg13[%get3A_263] {strides = array<i32>} : memref<3328xf32, #tpu.memory_space<vmem>>, vector<16xf32>,
        %add3A_265 = arith.addf %add3A_258, %get3A_264 : vector<16xf32>
        %mul3A_266 = arith.mulf %get3A_264, %get3A_264 : vector<16xf32>
        %add3A_267 = arith.addf %add3A_260, %mul3A_266 : vector<16xf32>
        %add3A_268 = arith.constant 512 : i32
        %add3A_269 = arith.addi %add3A_268, %mul3A_54 : i32
        %get3A_270 = arith.index_cast %add3A_269 : i32 to index
        %get3A_271 = tpu.vector_load %arg13[%get3A_270] {strides = array<i32>} : memref<3328xf32, #tpu.memory_space<vmem>>, vector<16xf32>,
        %add3A_272 = arith.addf %add3A_265, %get3A_271 : vector<16xf32>
        %mul3A_273 = arith.mulf %get3A_271, %get3A_271 : vector<16xf32>
        %add3A_274 = arith.addf %add3A_267, %mul3A_273 : vector<16xf32>
        %add3A_275 = arith.constant 640 : i32
        %add3A_276 = arith.addi %add3A_275, %mul3A_54 : i32
        %get3A_277 = arith.index_cast %add3A_276 : i32 to index
        %get3A_278 = tpu.vector_load %arg13[%get3A_277] {strides = array<i32>} : memref<3328xf32, #tpu.memory_space<vmem>>, vector<16xf32>,
        %add3A_279 = arith.addf %add3A_272, %get3A_278 : vector<16xf32>
        %mul3A_280 = arith.mulf %get3A_278, %get3A_278 : vector<16xf32>
        %add3A_281 = arith.addf %add3A_274, %mul3A_280 : vector<16xf32>
        %add3A_282 = arith.constant 768 : i32
        %add3A_283 = arith.addi %add3A_282, %mul3A_54 : i32
        %get3A_284 = arith.index_cast %add3A_283 : i32 to index
        %get3A_285 = tpu.vector_load %arg13[%get3A_284] {strides = array<i32>} : memref<3328xf32, #tpu.memory_space<vmem>>, vector<16xf32>,
        %add3A_286 = arith.addf %add3A_279, %get3A_285 : vector<16xf32>
        %mul3A_287 = arith.mulf %get3A_285, %get3A_285 : vector<16xf32>
        %add3A_288 = arith.addf %add3A_281, %mul3A_287 : vector<16xf32>
        %add3A_289 = arith.constant 896 : i32
        %add3A_290 = arith.addi %add3A_289, %mul3A_54 : i32
        %get3A_291 = arith.index_cast %add3A_290 : i32 to index
        %get3A_292 = tpu.vector_load %arg13[%get3A_291] {strides = array<i32>} : memref<3328xf32, #tpu.memory_space<vmem>>, vector<16xf32>,
        %add3A_293 = arith.addf %add3A_286, %get3A_292 : vector<16xf32>
        %mul3A_294 = arith.mulf %get3A_292, %get3A_292 : vector<16xf32>
        %add3A_295 = arith.addf %add3A_288, %mul3A_294 : vector<16xf32>
        %add3A_296 = arith.constant 1024 : i32
        %add3A_297 = arith.addi %add3A_296, %mul3A_54 : i32
        %get3A_298 = arith.index_cast %add3A_297 : i32 to index
        %get3A_299 = tpu.vector_load %arg13[%get3A_298] {strides = array<i32>} : memref<3328xf32, #tpu.memory_space<vmem>>, vector<16xf32>,
        %add3A_300 = arith.addf %add3A_293, %get3A_299 : vector<16xf32>
        %mul3A_301 = arith.mulf %get3A_299, %get3A_299 : vector<16xf32>
        %add3A_302 = arith.addf %add3A_295, %mul3A_301 : vector<16xf32>
        %add3A_303 = arith.constant 1152 : i32
        %add3A_304 = arith.addi %add3A_303, %mul3A_54 : i32
        %get3A_305 = arith.index_cast %add3A_304 : i32 to index
        %get3A_306 = tpu.vector_load %arg13[%get3A_305] {strides = array<i32>} : memref<3328xf32, #tpu.memory_space<vmem>>, vector<16xf32>,
        %add3A_307 = arith.addf %add3A_300, %get3A_306 : vector<16xf32>
        %mul3A_308 = arith.mulf %get3A_306, %get3A_306 : vector<16xf32>
        %add3A_309 = arith.addf %add3A_302, %mul3A_308 : vector<16xf32>
        %add3A_310 = arith.constant 1280 : i32
        %add3A_311 = arith.addi %add3A_310, %mul3A_54 : i32
        %get3A_312 = arith.index_cast %add3A_311 : i32 to index
        %get3A_313 = tpu.vector_load %arg13[%get3A_312] {strides = array<i32>} : memref<3328xf32, #tpu.memory_space<vmem>>, vector<16xf32>,
        %add3A_314 = arith.addf %add3A_307, %get3A_313 : vector<16xf32>
        %mul3A_315 = arith.mulf %get3A_313, %get3A_313 : vector<16xf32>
        %add3A_316 = arith.addf %add3A_309, %mul3A_315 : vector<16xf32>
        %add3A_317 = arith.constant 1408 : i32
        %add3A_318 = arith.addi %add3A_317, %mul3A_54 : i32
        %get3A_319 = arith.index_cast %add3A_318 : i32 to index
        %get3A_320 = tpu.vector_load %arg13[%get3A_319] {strides = array<i32>} : memref<3328xf32, #tpu.memory_space<vmem>>, vector<16xf32>,
        %add3A_321 = arith.addf %add3A_314, %get3A_320 : vector<16xf32>
        %mul3A_322 = arith.mulf %get3A_320, %get3A_320 : vector<16xf32>
        %add3A_323 = arith.addf %add3A_316, %mul3A_322 : vector<16xf32>
        %add3A_324 = arith.constant 1536 : i32
        %add3A_325 = arith.addi %add3A_324, %mul3A_54 : i32
        %get3A_326 = arith.index_cast %add3A_325 : i32 to index
        %get3A_327 = tpu.vector_load %arg13[%get3A_326] {strides = array<i32>} : memref<3328xf32, #tpu.memory_space<vmem>>, vector<16xf32>,
        %add3A_328 = arith.addf %add3A_321, %get3A_327 : vector<16xf32>
        %mul3A_329 = arith.mulf %get3A_327, %get3A_327 : vector<16xf32>
        %add3A_330 = arith.addf %add3A_323, %mul3A_329 : vector<16xf32>
        %add3A_331 = arith.constant 1664 : i32
        %add3A_332 = arith.addi %add3A_331, %mul3A_54 : i32
        %get3A_333 = arith.index_cast %add3A_332 : i32 to index
        %get3A_334 = tpu.vector_load %arg13[%get3A_333] {strides = array<i32>} : memref<3328xf32, #tpu.memory_space<vmem>>, vector<16xf32>,
        %add3A_335 = arith.addf %add3A_328, %get3A_334 : vector<16xf32>
        %mul3A_336 = arith.mulf %get3A_334, %get3A_334 : vector<16xf32>
        %add3A_337 = arith.addf %add3A_330, %mul3A_336 : vector<16xf32>
        %add3A_338 = arith.constant 1792 : i32
        %add3A_339 = arith.addi %add3A_338, %mul3A_54 : i32
        %get3A_340 = arith.index_cast %add3A_339 : i32 to index
        %get3A_341 = tpu.vector_load %arg13[%get3A_340] {strides = array<i32>} : memref<3328xf32, #tpu.memory_space<vmem>>, vector<16xf32>,
        %add3A_342 = arith.addf %add3A_335, %get3A_341 : vector<16xf32>
        %mul3A_343 = arith.mulf %get3A_341, %get3A_341 : vector<16xf32>
        %add3A_344 = arith.addf %add3A_337, %mul3A_343 : vector<16xf32>
        %add3A_345 = arith.constant 1920 : i32
        %add3A_346 = arith.addi %add3A_345, %mul3A_54 : i32
        %get3A_347 = arith.index_cast %add3A_346 : i32 to index
        %get3A_348 = tpu.vector_load %arg13[%get3A_347] {strides = array<i32>} : memref<3328xf32, #tpu.memory_space<vmem>>, vector<16xf32>,
        %add3A_349 = arith.addf %add3A_342, %get3A_348 : vector<16xf32>
        %mul3A_350 = arith.mulf %get3A_348, %get3A_348 : vector<16xf32>
        %add3A_351 = arith.addf %add3A_344, %mul3A_350 : vector<16xf32>
        %add3A_352 = arith.constant 2048 : i32
        %add3A_353 = arith.addi %add3A_352, %mul3A_54 : i32
        %get3A_354 = arith.index_cast %add3A_353 : i32 to index
        %get3A_355 = tpu.vector_load %arg13[%get3A_354] {strides = array<i32>} : memref<3328xf32, #tpu.memory_space<vmem>>, vector<16xf32>,
        %add3A_356 = arith.addf %add3A_349, %get3A_355 : vector<16xf32>
        %mul3A_357 = arith.mulf %get3A_355, %get3A_355 : vector<16xf32>
        %add3A_358 = arith.addf %add3A_351, %mul3A_357 : vector<16xf32>
        %add3A_359 = arith.constant 2176 : i32
        %add3A_360 = arith.addi %add3A_359, %mul3A_54 : i32
        %get3A_361 = arith.index_cast %add3A_360 : i32 to index
        %get3A_362 = tpu.vector_load %arg13[%get3A_361] {strides = array<i32>} : memref<3328xf32, #tpu.memory_space<vmem>>, vector<16xf32>,
        %add3A_363 = arith.addf %add3A_356, %get3A_362 : vector<16xf32>
        %mul3A_364 = arith.mulf %get3A_362, %get3A_362 : vector<16xf32>
        %add3A_365 = arith.addf %add3A_358, %mul3A_364 : vector<16xf32>
        %add3A_366 = arith.constant 2304 : i32
        %add3A_367 = arith.addi %add3A_366, %mul3A_54 : i32
        %get3A_368 = arith.index_cast %add3A_367 : i32 to index
        %get3A_369 = tpu.vector_load %arg13[%get3A_368] {strides = array<i32>} : memref<3328xf32, #tpu.memory_space<vmem>>, vector<16xf32>,
        %add3A_370 = arith.addf %add3A_363, %get3A_369 : vector<16xf32>
        %mul3A_371 = arith.mulf %get3A_369, %get3A_369 : vector<16xf32>
        %add3A_372 = arith.addf %add3A_365, %mul3A_371 : vector<16xf32>
        %add3A_373 = arith.constant 2432 : i32
        %add3A_374 = arith.addi %add3A_373, %mul3A_54 : i32
        %get3A_375 = arith.index_cast %add3A_374 : i32 to index
        %get3A_376 = tpu.vector_load %arg13[%get3A_375] {strides = array<i32>} : memref<3328xf32, #tpu.memory_space<vmem>>, vector<16xf32>,
        %add3A_377 = arith.addf %add3A_370, %get3A_376 : vector<16xf32>
        %mul3A_378 = arith.mulf %get3A_376, %get3A_376 : vector<16xf32>
        %add3A_379 = arith.addf %add3A_372, %mul3A_378 : vector<16xf32>
        %add3A_380 = arith.constant 2560 : i32
        %add3A_381 = arith.addi %add3A_380, %mul3A_54 : i32
        %get3A_382 = arith.index_cast %add3A_381 : i32 to index
        %get3A_383 = tpu.vector_load %arg13[%get3A_382] {strides = array<i32>} : memref<3328xf32, #tpu.memory_space<vmem>>, vector<16xf32>,
        %add3A_384 = arith.addf %add3A_377, %get3A_383 : vector<16xf32>
        %mul3A_385 = arith.mulf %get3A_383, %get3A_383 : vector<16xf32>
        %add3A_386 = arith.addf %add3A_379, %mul3A_385 : vector<16xf32>
        %add3A_387 = arith.constant 2688 : i32
        %add3A_388 = arith.addi %add3A_387, %mul3A_54 : i32
        %get3A_389 = arith.index_cast %add3A_388 : i32 to index
        %get3A_390 = tpu.vector_load %arg13[%get3A_389] {strides = array<i32>} : memref<3328xf32, #tpu.memory_space<vmem>>, vector<16xf32>,
        %add3A_391 = arith.addf %add3A_384, %get3A_390 : vector<16xf32>
        %mul3A_392 = arith.mulf %get3A_390, %get3A_390 : vector<16xf32>
        %add3A_393 = arith.addf %add3A_386, %mul3A_392 : vector<16xf32>
        %add3A_394 = arith.constant 2816 : i32
        %add3A_395 = arith.addi %add3A_394, %mul3A_54 : i32
        %get3A_396 = arith.index_cast %add3A_395 : i32 to index
        %get3A_397 = tpu.vector_load %arg13[%get3A_396] {strides = array<i32>} : memref<3328xf32, #tpu.memory_space<vmem>>, vector<16xf32>,
        %add3A_398 = arith.addf %add3A_391, %get3A_397 : vector<16xf32>
        %mul3A_399 = arith.mulf %get3A_397, %get3A_397 : vector<16xf32>
        %add3A_400 = arith.addf %add3A_393, %mul3A_399 : vector<16xf32>
        %add3A_401 = arith.constant 2944 : i32
        %add3A_402 = arith.addi %add3A_401, %mul3A_54 : i32
        %get3A_403 = arith.index_cast %add3A_402 : i32 to index
        %get3A_404 = tpu.vector_load %arg13[%get3A_403] {strides = array<i32>} : memref<3328xf32, #tpu.memory_space<vmem>>, vector<16xf32>,
        %add3A_405 = arith.addf %add3A_398, %get3A_404 : vector<16xf32>
        %mul3A_406 = arith.mulf %get3A_404, %get3A_404 : vector<16xf32>
        %add3A_407 = arith.addf %add3A_400, %mul3A_406 : vector<16xf32>
        %add3A_408 = arith.constant 3072 : i32
        %add3A_409 = arith.addi %add3A_408, %mul3A_54 : i32
        %get3A_410 = arith.index_cast %add3A_409 : i32 to index
        %get3A_411 = tpu.vector_load %arg13[%get3A_410] {strides = array<i32>} : memref<3328xf32, #tpu.memory_space<vmem>>, vector<16xf32>,
        %add3A_412 = arith.addf %add3A_405, %get3A_411 : vector<16xf32>
        %mul3A_413 = arith.mulf %get3A_411, %get3A_411 : vector<16xf32>
        %add3A_414 = arith.addf %add3A_407, %mul3A_413 : vector<16xf32>
        %add3A_415 = arith.constant 3200 : i32
        %add3A_416 = arith.addi %add3A_415, %mul3A_54 : i32
        %get3A_417 = arith.index_cast %add3A_416 : i32 to index
        %get3A_418 = tpu.vector_load %arg13[%get3A_417] {strides = array<i32>} : memref<3328xf32, #tpu.memory_space<vmem>>, vector<16xf32>,
        %add3A_419 = arith.addf %add3A_412, %get3A_418 : vector<16xf32>
        %mul3A_420 = arith.mulf %get3A_418, %get3A_418 : vector<16xf32>
        %add3A_421 = arith.addf %add3A_414, %mul3A_420 : vector<16xf32>
        %mul3A_422 = arith.mulf %add3A_419, %add3A_419 : vector<16xf32>
        %sub3A_423 = arith.subf %mul3A_422, %add3A_421 : vector<16xf32>
        %mul3A_424 = arith.constant 5.000000e-01 : f32
        %mul3A_425 = vector.broadcast %mul3A_424 : f32 to vector<16xf32>
        %mul3A_426 = arith.mulf %mul3A_425, %sub3A_423 : vector<16xf32>
        %add3A_427 = arith.addf %add3A_241, %mul3A_426 : vector<16xf32>
        %add3A_428 = arith.constant 0 : i32
        %add3A_429 = arith.addi %add3A_428, %mul3A_54 : i32
        %get3A_430 = arith.index_cast %add3A_429 : i32 to index
        %get3A_431 = tpu.vector_load %arg14[%get3A_430] {strides = array<i32>} : memref<3328xf32, #tpu.memory_space<vmem>>, vector<16xf32>,
        %mul3A_432 = arith.mulf %get3A_431, %get3A_431 : vector<16xf32>
        %add3A_433 = arith.constant 128 : i32
        %add3A_434 = arith.addi %add3A_433, %mul3A_54 : i32
        %get3A_435 = arith.index_cast %add3A_434 : i32 to index
        %get3A_436 = tpu.vector_load %arg14[%get3A_435] {strides = array<i32>} : memref<3328xf32, #tpu.memory_space<vmem>>, vector<16xf32>,
        %add3A_437 = arith.addf %get3A_431, %get3A_436 : vector<16xf32>
        %mul3A_438 = arith.mulf %get3A_436, %get3A_436 : vector<16xf32>
        %add3A_439 = arith.addf %mul3A_432, %mul3A_438 : vector<16xf32>
        %add3A_440 = arith.constant 256 : i32
        %add3A_441 = arith.addi %add3A_440, %mul3A_54 : i32
        %get3A_442 = arith.index_cast %add3A_441 : i32 to index
        %get3A_443 = tpu.vector_load %arg14[%get3A_442] {strides = array<i32>} : memref<3328xf32, #tpu.memory_space<vmem>>, vector<16xf32>,
        %add3A_444 = arith.addf %add3A_437, %get3A_443 : vector<16xf32>
        %mul3A_445 = arith.mulf %get3A_443, %get3A_443 : vector<16xf32>
        %add3A_446 = arith.addf %add3A_439, %mul3A_445 : vector<16xf32>
        %add3A_447 = arith.constant 384 : i32
        %add3A_448 = arith.addi %add3A_447, %mul3A_54 : i32
        %get3A_449 = arith.index_cast %add3A_448 : i32 to index
        %get3A_450 = tpu.vector_load %arg14[%get3A_449] {strides = array<i32>} : memref<3328xf32, #tpu.memory_space<vmem>>, vector<16xf32>,
        %add3A_451 = arith.addf %add3A_444, %get3A_450 : vector<16xf32>
        %mul3A_452 = arith.mulf %get3A_450, %get3A_450 : vector<16xf32>
        %add3A_453 = arith.addf %add3A_446, %mul3A_452 : vector<16xf32>
        %add3A_454 = arith.constant 512 : i32
        %add3A_455 = arith.addi %add3A_454, %mul3A_54 : i32
        %get3A_456 = arith.index_cast %add3A_455 : i32 to index
        %get3A_457 = tpu.vector_load %arg14[%get3A_456] {strides = array<i32>} : memref<3328xf32, #tpu.memory_space<vmem>>, vector<16xf32>,
        %add3A_458 = arith.addf %add3A_451, %get3A_457 : vector<16xf32>
        %mul3A_459 = arith.mulf %get3A_457, %get3A_457 : vector<16xf32>
        %add3A_460 = arith.addf %add3A_453, %mul3A_459 : vector<16xf32>
        %add3A_461 = arith.constant 640 : i32
        %add3A_462 = arith.addi %add3A_461, %mul3A_54 : i32
        %get3A_463 = arith.index_cast %add3A_462 : i32 to index
        %get3A_464 = tpu.vector_load %arg14[%get3A_463] {strides = array<i32>} : memref<3328xf32, #tpu.memory_space<vmem>>, vector<16xf32>,
        %add3A_465 = arith.addf %add3A_458, %get3A_464 : vector<16xf32>
        %mul3A_466 = arith.mulf %get3A_464, %get3A_464 : vector<16xf32>
        %add3A_467 = arith.addf %add3A_460, %mul3A_466 : vector<16xf32>
        %add3A_468 = arith.constant 768 : i32
        %add3A_469 = arith.addi %add3A_468, %mul3A_54 : i32
        %get3A_470 = arith.index_cast %add3A_469 : i32 to index
        %get3A_471 = tpu.vector_load %arg14[%get3A_470] {strides = array<i32>} : memref<3328xf32, #tpu.memory_space<vmem>>, vector<16xf32>,
        %add3A_472 = arith.addf %add3A_465, %get3A_471 : vector<16xf32>
        %mul3A_473 = arith.mulf %get3A_471, %get3A_471 : vector<16xf32>
        %add3A_474 = arith.addf %add3A_467, %mul3A_473 : vector<16xf32>
        %add3A_475 = arith.constant 896 : i32
        %add3A_476 = arith.addi %add3A_475, %mul3A_54 : i32
        %get3A_477 = arith.index_cast %add3A_476 : i32 to index
        %get3A_478 = tpu.vector_load %arg14[%get3A_477] {strides = array<i32>} : memref<3328xf32, #tpu.memory_space<vmem>>, vector<16xf32>,
        %add3A_479 = arith.addf %add3A_472, %get3A_478 : vector<16xf32>
        %mul3A_480 = arith.mulf %get3A_478, %get3A_478 : vector<16xf32>
        %add3A_481 = arith.addf %add3A_474, %mul3A_480 : vector<16xf32>
        %add3A_482 = arith.constant 1024 : i32
        %add3A_483 = arith.addi %add3A_482, %mul3A_54 : i32
        %get3A_484 = arith.index_cast %add3A_483 : i32 to index
        %get3A_485 = tpu.vector_load %arg14[%get3A_484] {strides = array<i32>} : memref<3328xf32, #tpu.memory_space<vmem>>, vector<16xf32>,
        %add3A_486 = arith.addf %add3A_479, %get3A_485 : vector<16xf32>
        %mul3A_487 = arith.mulf %get3A_485, %get3A_485 : vector<16xf32>
        %add3A_488 = arith.addf %add3A_481, %mul3A_487 : vector<16xf32>
        %add3A_489 = arith.constant 1152 : i32
        %add3A_490 = arith.addi %add3A_489, %mul3A_54 : i32
        %get3A_491 = arith.index_cast %add3A_490 : i32 to index
        %get3A_492 = tpu.vector_load %arg14[%get3A_491] {strides = array<i32>} : memref<3328xf32, #tpu.memory_space<vmem>>, vector<16xf32>,
        %add3A_493 = arith.addf %add3A_486, %get3A_492 : vector<16xf32>
        %mul3A_494 = arith.mulf %get3A_492, %get3A_492 : vector<16xf32>
        %add3A_495 = arith.addf %add3A_488, %mul3A_494 : vector<16xf32>
        %add3A_496 = arith.constant 1280 : i32
        %add3A_497 = arith.addi %add3A_496, %mul3A_54 : i32
        %get3A_498 = arith.index_cast %add3A_497 : i32 to index
        %get3A_499 = tpu.vector_load %arg14[%get3A_498] {strides = array<i32>} : memref<3328xf32, #tpu.memory_space<vmem>>, vector<16xf32>,
        %add3A_500 = arith.addf %add3A_493, %get3A_499 : vector<16xf32>
        %mul3A_501 = arith.mulf %get3A_499, %get3A_499 : vector<16xf32>
        %add3A_502 = arith.addf %add3A_495, %mul3A_501 : vector<16xf32>
        %add3A_503 = arith.constant 1408 : i32
        %add3A_504 = arith.addi %add3A_503, %mul3A_54 : i32
        %get3A_505 = arith.index_cast %add3A_504 : i32 to index
        %get3A_506 = tpu.vector_load %arg14[%get3A_505] {strides = array<i32>} : memref<3328xf32, #tpu.memory_space<vmem>>, vector<16xf32>,
        %add3A_507 = arith.addf %add3A_500, %get3A_506 : vector<16xf32>
        %mul3A_508 = arith.mulf %get3A_506, %get3A_506 : vector<16xf32>
        %add3A_509 = arith.addf %add3A_502, %mul3A_508 : vector<16xf32>
        %add3A_510 = arith.constant 1536 : i32
        %add3A_511 = arith.addi %add3A_510, %mul3A_54 : i32
        %get3A_512 = arith.index_cast %add3A_511 : i32 to index
        %get3A_513 = tpu.vector_load %arg14[%get3A_512] {strides = array<i32>} : memref<3328xf32, #tpu.memory_space<vmem>>, vector<16xf32>,
        %add3A_514 = arith.addf %add3A_507, %get3A_513 : vector<16xf32>
        %mul3A_515 = arith.mulf %get3A_513, %get3A_513 : vector<16xf32>
        %add3A_516 = arith.addf %add3A_509, %mul3A_515 : vector<16xf32>
        %add3A_517 = arith.constant 1664 : i32
        %add3A_518 = arith.addi %add3A_517, %mul3A_54 : i32
        %get3A_519 = arith.index_cast %add3A_518 : i32 to index
        %get3A_520 = tpu.vector_load %arg14[%get3A_519] {strides = array<i32>} : memref<3328xf32, #tpu.memory_space<vmem>>, vector<16xf32>,
        %add3A_521 = arith.addf %add3A_514, %get3A_520 : vector<16xf32>
        %mul3A_522 = arith.mulf %get3A_520, %get3A_520 : vector<16xf32>
        %add3A_523 = arith.addf %add3A_516, %mul3A_522 : vector<16xf32>
        %add3A_524 = arith.constant 1792 : i32
        %add3A_525 = arith.addi %add3A_524, %mul3A_54 : i32
        %get3A_526 = arith.index_cast %add3A_525 : i32 to index
        %get3A_527 = tpu.vector_load %arg14[%get3A_526] {strides = array<i32>} : memref<3328xf32, #tpu.memory_space<vmem>>, vector<16xf32>,
        %add3A_528 = arith.addf %add3A_521, %get3A_527 : vector<16xf32>
        %mul3A_529 = arith.mulf %get3A_527, %get3A_527 : vector<16xf32>
        %add3A_530 = arith.addf %add3A_523, %mul3A_529 : vector<16xf32>
        %add3A_531 = arith.constant 1920 : i32
        %add3A_532 = arith.addi %add3A_531, %mul3A_54 : i32
        %get3A_533 = arith.index_cast %add3A_532 : i32 to index
        %get3A_534 = tpu.vector_load %arg14[%get3A_533] {strides = array<i32>} : memref<3328xf32, #tpu.memory_space<vmem>>, vector<16xf32>,
        %add3A_535 = arith.addf %add3A_528, %get3A_534 : vector<16xf32>
        %mul3A_536 = arith.mulf %get3A_534, %get3A_534 : vector<16xf32>
        %add3A_537 = arith.addf %add3A_530, %mul3A_536 : vector<16xf32>
        %add3A_538 = arith.constant 2048 : i32
        %add3A_539 = arith.addi %add3A_538, %mul3A_54 : i32
        %get3A_540 = arith.index_cast %add3A_539 : i32 to index
        %get3A_541 = tpu.vector_load %arg14[%get3A_540] {strides = array<i32>} : memref<3328xf32, #tpu.memory_space<vmem>>, vector<16xf32>,
        %add3A_542 = arith.addf %add3A_535, %get3A_541 : vector<16xf32>
        %mul3A_543 = arith.mulf %get3A_541, %get3A_541 : vector<16xf32>
        %add3A_544 = arith.addf %add3A_537, %mul3A_543 : vector<16xf32>
        %add3A_545 = arith.constant 2176 : i32
        %add3A_546 = arith.addi %add3A_545, %mul3A_54 : i32
        %get3A_547 = arith.index_cast %add3A_546 : i32 to index
        %get3A_548 = tpu.vector_load %arg14[%get3A_547] {strides = array<i32>} : memref<3328xf32, #tpu.memory_space<vmem>>, vector<16xf32>,
        %add3A_549 = arith.addf %add3A_542, %get3A_548 : vector<16xf32>
        %mul3A_550 = arith.mulf %get3A_548, %get3A_548 : vector<16xf32>
        %add3A_551 = arith.addf %add3A_544, %mul3A_550 : vector<16xf32>
        %add3A_552 = arith.constant 2304 : i32
        %add3A_553 = arith.addi %add3A_552, %mul3A_54 : i32
        %get3A_554 = arith.index_cast %add3A_553 : i32 to index
        %get3A_555 = tpu.vector_load %arg14[%get3A_554] {strides = array<i32>} : memref<3328xf32, #tpu.memory_space<vmem>>, vector<16xf32>,
        %add3A_556 = arith.addf %add3A_549, %get3A_555 : vector<16xf32>
        %mul3A_557 = arith.mulf %get3A_555, %get3A_555 : vector<16xf32>
        %add3A_558 = arith.addf %add3A_551, %mul3A_557 : vector<16xf32>
        %add3A_559 = arith.constant 2432 : i32
        %add3A_560 = arith.addi %add3A_559, %mul3A_54 : i32
        %get3A_561 = arith.index_cast %add3A_560 : i32 to index
        %get3A_562 = tpu.vector_load %arg14[%get3A_561] {strides = array<i32>} : memref<3328xf32, #tpu.memory_space<vmem>>, vector<16xf32>,
        %add3A_563 = arith.addf %add3A_556, %get3A_562 : vector<16xf32>
        %mul3A_564 = arith.mulf %get3A_562, %get3A_562 : vector<16xf32>
        %add3A_565 = arith.addf %add3A_558, %mul3A_564 : vector<16xf32>
        %add3A_566 = arith.constant 2560 : i32
        %add3A_567 = arith.addi %add3A_566, %mul3A_54 : i32
        %get3A_568 = arith.index_cast %add3A_567 : i32 to index
        %get3A_569 = tpu.vector_load %arg14[%get3A_568] {strides = array<i32>} : memref<3328xf32, #tpu.memory_space<vmem>>, vector<16xf32>,
        %add3A_570 = arith.addf %add3A_563, %get3A_569 : vector<16xf32>
        %mul3A_571 = arith.mulf %get3A_569, %get3A_569 : vector<16xf32>
        %add3A_572 = arith.addf %add3A_565, %mul3A_571 : vector<16xf32>
        %add3A_573 = arith.constant 2688 : i32
        %add3A_574 = arith.addi %add3A_573, %mul3A_54 : i32
        %get3A_575 = arith.index_cast %add3A_574 : i32 to index
        %get3A_576 = tpu.vector_load %arg14[%get3A_575] {strides = array<i32>} : memref<3328xf32, #tpu.memory_space<vmem>>, vector<16xf32>,
        %add3A_577 = arith.addf %add3A_570, %get3A_576 : vector<16xf32>
        %mul3A_578 = arith.mulf %get3A_576, %get3A_576 : vector<16xf32>
        %add3A_579 = arith.addf %add3A_572, %mul3A_578 : vector<16xf32>
        %add3A_580 = arith.constant 2816 : i32
        %add3A_581 = arith.addi %add3A_580, %mul3A_54 : i32
        %get3A_582 = arith.index_cast %add3A_581 : i32 to index
        %get3A_583 = tpu.vector_load %arg14[%get3A_582] {strides = array<i32>} : memref<3328xf32, #tpu.memory_space<vmem>>, vector<16xf32>,
        %add3A_584 = arith.addf %add3A_577, %get3A_583 : vector<16xf32>
        %mul3A_585 = arith.mulf %get3A_583, %get3A_583 : vector<16xf32>
        %add3A_586 = arith.addf %add3A_579, %mul3A_585 : vector<16xf32>
        %add3A_587 = arith.constant 2944 : i32
        %add3A_588 = arith.addi %add3A_587, %mul3A_54 : i32
        %get3A_589 = arith.index_cast %add3A_588 : i32 to index
        %get3A_590 = tpu.vector_load %arg14[%get3A_589] {strides = array<i32>} : memref<3328xf32, #tpu.memory_space<vmem>>, vector<16xf32>,
        %add3A_591 = arith.addf %add3A_584, %get3A_590 : vector<16xf32>
        %mul3A_592 = arith.mulf %get3A_590, %get3A_590 : vector<16xf32>
        %add3A_593 = arith.addf %add3A_586, %mul3A_592 : vector<16xf32>
        %add3A_594 = arith.constant 3072 : i32
        %add3A_595 = arith.addi %add3A_594, %mul3A_54 : i32
        %get3A_596 = arith.index_cast %add3A_595 : i32 to index
        %get3A_597 = tpu.vector_load %arg14[%get3A_596] {strides = array<i32>} : memref<3328xf32, #tpu.memory_space<vmem>>, vector<16xf32>,
        %add3A_598 = arith.addf %add3A_591, %get3A_597 : vector<16xf32>
        %mul3A_599 = arith.mulf %get3A_597, %get3A_597 : vector<16xf32>
        %add3A_600 = arith.addf %add3A_593, %mul3A_599 : vector<16xf32>
        %add3A_601 = arith.constant 3200 : i32
        %add3A_602 = arith.addi %add3A_601, %mul3A_54 : i32
        %get3A_603 = arith.index_cast %add3A_602 : i32 to index
        %get3A_604 = tpu.vector_load %arg14[%get3A_603] {strides = array<i32>} : memref<3328xf32, #tpu.memory_space<vmem>>, vector<16xf32>,
        %add3A_605 = arith.addf %add3A_598, %get3A_604 : vector<16xf32>
        %mul3A_606 = arith.mulf %get3A_604, %get3A_604 : vector<16xf32>
        %add3A_607 = arith.addf %add3A_600, %mul3A_606 : vector<16xf32>
        %mul3A_608 = arith.mulf %add3A_605, %add3A_605 : vector<16xf32>
        %sub3A_609 = arith.subf %mul3A_608, %add3A_607 : vector<16xf32>
        %mul3A_610 = arith.constant 5.000000e-01 : f32
        %mul3A_611 = vector.broadcast %mul3A_610 : f32 to vector<16xf32>
        %mul3A_612 = arith.mulf %mul3A_611, %sub3A_609 : vector<16xf32>
        %add3A_613 = arith.addf %add3A_427, %mul3A_612 : vector<16xf32>
        %add3A_614 = arith.constant 0 : i32
        %add3A_615 = arith.addi %add3A_614, %mul3A_54 : i32
        %get3A_616 = arith.index_cast %add3A_615 : i32 to index
        %get3A_617 = tpu.vector_load %arg15[%get3A_616] {strides = array<i32>} : memref<3328xf32, #tpu.memory_space<vmem>>, vector<16xf32>,
        %mul3A_618 = arith.mulf %get3A_617, %get3A_617 : vector<16xf32>
        %add3A_619 = arith.constant 128 : i32
        %add3A_620 = arith.addi %add3A_619, %mul3A_54 : i32
        %get3A_621 = arith.index_cast %add3A_620 : i32 to index
        %get3A_622 = tpu.vector_load %arg15[%get3A_621] {strides = array<i32>} : memref<3328xf32, #tpu.memory_space<vmem>>, vector<16xf32>,
        %add3A_623 = arith.addf %get3A_617, %get3A_622 : vector<16xf32>
        %mul3A_624 = arith.mulf %get3A_622, %get3A_622 : vector<16xf32>
        %add3A_625 = arith.addf %mul3A_618, %mul3A_624 : vector<16xf32>
        %add3A_626 = arith.constant 256 : i32
        %add3A_627 = arith.addi %add3A_626, %mul3A_54 : i32
        %get3A_628 = arith.index_cast %add3A_627 : i32 to index
        %get3A_629 = tpu.vector_load %arg15[%get3A_628] {strides = array<i32>} : memref<3328xf32, #tpu.memory_space<vmem>>, vector<16xf32>,
        %add3A_630 = arith.addf %add3A_623, %get3A_629 : vector<16xf32>
        %mul3A_631 = arith.mulf %get3A_629, %get3A_629 : vector<16xf32>
        %add3A_632 = arith.addf %add3A_625, %mul3A_631 : vector<16xf32>
        %add3A_633 = arith.constant 384 : i32
        %add3A_634 = arith.addi %add3A_633, %mul3A_54 : i32
        %get3A_635 = arith.index_cast %add3A_634 : i32 to index
        %get3A_636 = tpu.vector_load %arg15[%get3A_635] {strides = array<i32>} : memref<3328xf32, #tpu.memory_space<vmem>>, vector<16xf32>,
        %add3A_637 = arith.addf %add3A_630, %get3A_636 : vector<16xf32>
        %mul3A_638 = arith.mulf %get3A_636, %get3A_636 : vector<16xf32>
        %add3A_639 = arith.addf %add3A_632, %mul3A_638 : vector<16xf32>
        %add3A_640 = arith.constant 512 : i32
        %add3A_641 = arith.addi %add3A_640, %mul3A_54 : i32
        %get3A_642 = arith.index_cast %add3A_641 : i32 to index
        %get3A_643 = tpu.vector_load %arg15[%get3A_642] {strides = array<i32>} : memref<3328xf32, #tpu.memory_space<vmem>>, vector<16xf32>,
        %add3A_644 = arith.addf %add3A_637, %get3A_643 : vector<16xf32>
        %mul3A_645 = arith.mulf %get3A_643, %get3A_643 : vector<16xf32>
        %add3A_646 = arith.addf %add3A_639, %mul3A_645 : vector<16xf32>
        %add3A_647 = arith.constant 640 : i32
        %add3A_648 = arith.addi %add3A_647, %mul3A_54 : i32
        %get3A_649 = arith.index_cast %add3A_648 : i32 to index
        %get3A_650 = tpu.vector_load %arg15[%get3A_649] {strides = array<i32>} : memref<3328xf32, #tpu.memory_space<vmem>>, vector<16xf32>,
        %add3A_651 = arith.addf %add3A_644, %get3A_650 : vector<16xf32>
        %mul3A_652 = arith.mulf %get3A_650, %get3A_650 : vector<16xf32>
        %add3A_653 = arith.addf %add3A_646, %mul3A_652 : vector<16xf32>
        %add3A_654 = arith.constant 768 : i32
        %add3A_655 = arith.addi %add3A_654, %mul3A_54 : i32
        %get3A_656 = arith.index_cast %add3A_655 : i32 to index
        %get3A_657 = tpu.vector_load %arg15[%get3A_656] {strides = array<i32>} : memref<3328xf32, #tpu.memory_space<vmem>>, vector<16xf32>,
        %add3A_658 = arith.addf %add3A_651, %get3A_657 : vector<16xf32>
        %mul3A_659 = arith.mulf %get3A_657, %get3A_657 : vector<16xf32>
        %add3A_660 = arith.addf %add3A_653, %mul3A_659 : vector<16xf32>
        %add3A_661 = arith.constant 896 : i32
        %add3A_662 = arith.addi %add3A_661, %mul3A_54 : i32
        %get3A_663 = arith.index_cast %add3A_662 : i32 to index
        %get3A_664 = tpu.vector_load %arg15[%get3A_663] {strides = array<i32>} : memref<3328xf32, #tpu.memory_space<vmem>>, vector<16xf32>,
        %add3A_665 = arith.addf %add3A_658, %get3A_664 : vector<16xf32>
        %mul3A_666 = arith.mulf %get3A_664, %get3A_664 : vector<16xf32>
        %add3A_667 = arith.addf %add3A_660, %mul3A_666 : vector<16xf32>
        %add3A_668 = arith.constant 1024 : i32
        %add3A_669 = arith.addi %add3A_668, %mul3A_54 : i32
        %get3A_670 = arith.index_cast %add3A_669 : i32 to index
        %get3A_671 = tpu.vector_load %arg15[%get3A_670] {strides = array<i32>} : memref<3328xf32, #tpu.memory_space<vmem>>, vector<16xf32>,
        %add3A_672 = arith.addf %add3A_665, %get3A_671 : vector<16xf32>
        %mul3A_673 = arith.mulf %get3A_671, %get3A_671 : vector<16xf32>
        %add3A_674 = arith.addf %add3A_667, %mul3A_673 : vector<16xf32>
        %add3A_675 = arith.constant 1152 : i32
        %add3A_676 = arith.addi %add3A_675, %mul3A_54 : i32
        %get3A_677 = arith.index_cast %add3A_676 : i32 to index
        %get3A_678 = tpu.vector_load %arg15[%get3A_677] {strides = array<i32>} : memref<3328xf32, #tpu.memory_space<vmem>>, vector<16xf32>,
        %add3A_679 = arith.addf %add3A_672, %get3A_678 : vector<16xf32>
        %mul3A_680 = arith.mulf %get3A_678, %get3A_678 : vector<16xf32>
        %add3A_681 = arith.addf %add3A_674, %mul3A_680 : vector<16xf32>
        %add3A_682 = arith.constant 1280 : i32
        %add3A_683 = arith.addi %add3A_682, %mul3A_54 : i32
        %get3A_684 = arith.index_cast %add3A_683 : i32 to index
        %get3A_685 = tpu.vector_load %arg15[%get3A_684] {strides = array<i32>} : memref<3328xf32, #tpu.memory_space<vmem>>, vector<16xf32>,
        %add3A_686 = arith.addf %add3A_679, %get3A_685 : vector<16xf32>
        %mul3A_687 = arith.mulf %get3A_685, %get3A_685 : vector<16xf32>
        %add3A_688 = arith.addf %add3A_681, %mul3A_687 : vector<16xf32>
        %add3A_689 = arith.constant 1408 : i32
        %add3A_690 = arith.addi %add3A_689, %mul3A_54 : i32
        %get3A_691 = arith.index_cast %add3A_690 : i32 to index
        %get3A_692 = tpu.vector_load %arg15[%get3A_691] {strides = array<i32>} : memref<3328xf32, #tpu.memory_space<vmem>>, vector<16xf32>,
        %add3A_693 = arith.addf %add3A_686, %get3A_692 : vector<16xf32>
        %mul3A_694 = arith.mulf %get3A_692, %get3A_692 : vector<16xf32>
        %add3A_695 = arith.addf %add3A_688, %mul3A_694 : vector<16xf32>
        %add3A_696 = arith.constant 1536 : i32
        %add3A_697 = arith.addi %add3A_696, %mul3A_54 : i32
        %get3A_698 = arith.index_cast %add3A_697 : i32 to index
        %get3A_699 = tpu.vector_load %arg15[%get3A_698] {strides = array<i32>} : memref<3328xf32, #tpu.memory_space<vmem>>, vector<16xf32>,
        %add3A_700 = arith.addf %add3A_693, %get3A_699 : vector<16xf32>
        %mul3A_701 = arith.mulf %get3A_699, %get3A_699 : vector<16xf32>
        %add3A_702 = arith.addf %add3A_695, %mul3A_701 : vector<16xf32>
        %add3A_703 = arith.constant 1664 : i32
        %add3A_704 = arith.addi %add3A_703, %mul3A_54 : i32
        %get3A_705 = arith.index_cast %add3A_704 : i32 to index
        %get3A_706 = tpu.vector_load %arg15[%get3A_705] {strides = array<i32>} : memref<3328xf32, #tpu.memory_space<vmem>>, vector<16xf32>,
        %add3A_707 = arith.addf %add3A_700, %get3A_706 : vector<16xf32>
        %mul3A_708 = arith.mulf %get3A_706, %get3A_706 : vector<16xf32>
        %add3A_709 = arith.addf %add3A_702, %mul3A_708 : vector<16xf32>
        %add3A_710 = arith.constant 1792 : i32
        %add3A_711 = arith.addi %add3A_710, %mul3A_54 : i32
        %get3A_712 = arith.index_cast %add3A_711 : i32 to index
        %get3A_713 = tpu.vector_load %arg15[%get3A_712] {strides = array<i32>} : memref<3328xf32, #tpu.memory_space<vmem>>, vector<16xf32>,
        %add3A_714 = arith.addf %add3A_707, %get3A_713 : vector<16xf32>
        %mul3A_715 = arith.mulf %get3A_713, %get3A_713 : vector<16xf32>
        %add3A_716 = arith.addf %add3A_709, %mul3A_715 : vector<16xf32>
        %add3A_717 = arith.constant 1920 : i32
        %add3A_718 = arith.addi %add3A_717, %mul3A_54 : i32
        %get3A_719 = arith.index_cast %add3A_718 : i32 to index
        %get3A_720 = tpu.vector_load %arg15[%get3A_719] {strides = array<i32>} : memref<3328xf32, #tpu.memory_space<vmem>>, vector<16xf32>,
        %add3A_721 = arith.addf %add3A_714, %get3A_720 : vector<16xf32>
        %mul3A_722 = arith.mulf %get3A_720, %get3A_720 : vector<16xf32>
        %add3A_723 = arith.addf %add3A_716, %mul3A_722 : vector<16xf32>
        %add3A_724 = arith.constant 2048 : i32
        %add3A_725 = arith.addi %add3A_724, %mul3A_54 : i32
        %get3A_726 = arith.index_cast %add3A_725 : i32 to index
        %get3A_727 = tpu.vector_load %arg15[%get3A_726] {strides = array<i32>} : memref<3328xf32, #tpu.memory_space<vmem>>, vector<16xf32>,
        %add3A_728 = arith.addf %add3A_721, %get3A_727 : vector<16xf32>
        %mul3A_729 = arith.mulf %get3A_727, %get3A_727 : vector<16xf32>
        %add3A_730 = arith.addf %add3A_723, %mul3A_729 : vector<16xf32>
        %add3A_731 = arith.constant 2176 : i32
        %add3A_732 = arith.addi %add3A_731, %mul3A_54 : i32
        %get3A_733 = arith.index_cast %add3A_732 : i32 to index
        %get3A_734 = tpu.vector_load %arg15[%get3A_733] {strides = array<i32>} : memref<3328xf32, #tpu.memory_space<vmem>>, vector<16xf32>,
        %add3A_735 = arith.addf %add3A_728, %get3A_734 : vector<16xf32>
        %mul3A_736 = arith.mulf %get3A_734, %get3A_734 : vector<16xf32>
        %add3A_737 = arith.addf %add3A_730, %mul3A_736 : vector<16xf32>
        %add3A_738 = arith.constant 2304 : i32
        %add3A_739 = arith.addi %add3A_738, %mul3A_54 : i32
        %get3A_740 = arith.index_cast %add3A_739 : i32 to index
        %get3A_741 = tpu.vector_load %arg15[%get3A_740] {strides = array<i32>} : memref<3328xf32, #tpu.memory_space<vmem>>, vector<16xf32>,
        %add3A_742 = arith.addf %add3A_735, %get3A_741 : vector<16xf32>
        %mul3A_743 = arith.mulf %get3A_741, %get3A_741 : vector<16xf32>
        %add3A_744 = arith.addf %add3A_737, %mul3A_743 : vector<16xf32>
        %add3A_745 = arith.constant 2432 : i32
        %add3A_746 = arith.addi %add3A_745, %mul3A_54 : i32
        %get3A_747 = arith.index_cast %add3A_746 : i32 to index
        %get3A_748 = tpu.vector_load %arg15[%get3A_747] {strides = array<i32>} : memref<3328xf32, #tpu.memory_space<vmem>>, vector<16xf32>,
        %add3A_749 = arith.addf %add3A_742, %get3A_748 : vector<16xf32>
        %mul3A_750 = arith.mulf %get3A_748, %get3A_748 : vector<16xf32>
        %add3A_751 = arith.addf %add3A_744, %mul3A_750 : vector<16xf32>
        %add3A_752 = arith.constant 2560 : i32
        %add3A_753 = arith.addi %add3A_752, %mul3A_54 : i32
        %get3A_754 = arith.index_cast %add3A_753 : i32 to index
        %get3A_755 = tpu.vector_load %arg15[%get3A_754] {strides = array<i32>} : memref<3328xf32, #tpu.memory_space<vmem>>, vector<16xf32>,
        %add3A_756 = arith.addf %add3A_749, %get3A_755 : vector<16xf32>
        %mul3A_757 = arith.mulf %get3A_755, %get3A_755 : vector<16xf32>
        %add3A_758 = arith.addf %add3A_751, %mul3A_757 : vector<16xf32>
        %add3A_759 = arith.constant 2688 : i32
        %add3A_760 = arith.addi %add3A_759, %mul3A_54 : i32
        %get3A_761 = arith.index_cast %add3A_760 : i32 to index
        %get3A_762 = tpu.vector_load %arg15[%get3A_761] {strides = array<i32>} : memref<3328xf32, #tpu.memory_space<vmem>>, vector<16xf32>,
        %add3A_763 = arith.addf %add3A_756, %get3A_762 : vector<16xf32>
        %mul3A_764 = arith.mulf %get3A_762, %get3A_762 : vector<16xf32>
        %add3A_765 = arith.addf %add3A_758, %mul3A_764 : vector<16xf32>
        %add3A_766 = arith.constant 2816 : i32
        %add3A_767 = arith.addi %add3A_766, %mul3A_54 : i32
        %get3A_768 = arith.index_cast %add3A_767 : i32 to index
        %get3A_769 = tpu.vector_load %arg15[%get3A_768] {strides = array<i32>} : memref<3328xf32, #tpu.memory_space<vmem>>, vector<16xf32>,
        %add3A_770 = arith.addf %add3A_763, %get3A_769 : vector<16xf32>
        %mul3A_771 = arith.mulf %get3A_769, %get3A_769 : vector<16xf32>
        %add3A_772 = arith.addf %add3A_765, %mul3A_771 : vector<16xf32>
        %add3A_773 = arith.constant 2944 : i32
        %add3A_774 = arith.addi %add3A_773, %mul3A_54 : i32
        %get3A_775 = arith.index_cast %add3A_774 : i32 to index
        %get3A_776 = tpu.vector_load %arg15[%get3A_775] {strides = array<i32>} : memref<3328xf32, #tpu.memory_space<vmem>>, vector<16xf32>,
        %add3A_777 = arith.addf %add3A_770, %get3A_776 : vector<16xf32>
        %mul3A_778 = arith.mulf %get3A_776, %get3A_776 : vector<16xf32>
        %add3A_779 = arith.addf %add3A_772, %mul3A_778 : vector<16xf32>
        %add3A_780 = arith.constant 3072 : i32
        %add3A_781 = arith.addi %add3A_780, %mul3A_54 : i32
        %get3A_782 = arith.index_cast %add3A_781 : i32 to index
        %get3A_783 = tpu.vector_load %arg15[%get3A_782] {strides = array<i32>} : memref<3328xf32, #tpu.memory_space<vmem>>, vector<16xf32>,
        %add3A_784 = arith.addf %add3A_777, %get3A_783 : vector<16xf32>
        %mul3A_785 = arith.mulf %get3A_783, %get3A_783 : vector<16xf32>
        %add3A_786 = arith.addf %add3A_779, %mul3A_785 : vector<16xf32>
        %add3A_787 = arith.constant 3200 : i32
        %add3A_788 = arith.addi %add3A_787, %mul3A_54 : i32
        %get3A_789 = arith.index_cast %add3A_788 : i32 to index
        %get3A_790 = tpu.vector_load %arg15[%get3A_789] {strides = array<i32>} : memref<3328xf32, #tpu.memory_space<vmem>>, vector<16xf32>,
        %add3A_791 = arith.addf %add3A_784, %get3A_790 : vector<16xf32>
        %mul3A_792 = arith.mulf %get3A_790, %get3A_790 : vector<16xf32>
        %add3A_793 = arith.addf %add3A_786, %mul3A_792 : vector<16xf32>
        %mul3A_794 = arith.mulf %add3A_791, %add3A_791 : vector<16xf32>
        %sub3A_795 = arith.subf %mul3A_794, %add3A_793 : vector<16xf32>
        %mul3A_796 = arith.constant 5.000000e-01 : f32
        %mul3A_797 = vector.broadcast %mul3A_796 : f32 to vector<16xf32>
        %mul3A_798 = arith.mulf %mul3A_797, %sub3A_795 : vector<16xf32>
        %add3A_799 = arith.addf %add3A_613, %mul3A_798 : vector<16xf32>
        %mul3A_800 = arith.constant 128 : i32
        %mul3A_801 = arith.muli %scan3A_10, %mul3A_800 : i32
        %add3A_802 = arith.addi %mul3A_801, %mul3A_54 : i32
        %swap3A = arith.index_cast %add3A_802 : i32 to index
        %swap3A_803 = tpu.vector_load %arg17[%swap3A] {strides = array<i32>} : memref<512xf32, #tpu.memory_space<vmem>>, vector<16xf32>,
        tpu.vector_store %arg17[%swap3A], %add3A_799 {strides = array<i32>} : memref<512xf32, #tpu.memory_space<vmem>>, vector<16xf32>,
        %scan3A_804 = arith.constant 0 : i32
        scf.yield %scan3A_804 : i32
      }
      %scan3A_49 = arith.constant 8 : i32
      %scan3A_50 = arith.constant 0 : i32
      scf.yield %scan3A_50 : i32
    }
    %scan3A_7 = arith.constant 4 : i32
    %mul3A_8 = arith.constant 512 : i32
    %mul3A_9 = arith.muli %add3A, %mul3A_8 : i32
    "tpu.region"() ({
      %run_scoped3A = tpu.sem_alloc : memref<!tpu.dma_semaphore, #tpu.memory_space<semaphore_mem>>
      %dma_start3A = tpu.memref_slice %arg9[%mul3A_9] : memref<16384xf32, #tpu.memory_space<hbm>> -> memref<512xf32, #tpu.memory_space<hbm>>
      %dma_start3A_10 = tpu.memref_slice %arg9[%mul3A_9] : memref<16384xf32, #tpu.memory_space<hbm>> -> memref<512xf32, #tpu.memory_space<hbm>>
      tpu.enqueue_dma source(%arg17 : memref<512xf32, #tpu.memory_space<vmem>>) target(%dma_start3A_10 : memref<512xf32, #tpu.memory_space<hbm>>) target_semaphore(%run_scoped3A : memref<!tpu.dma_semaphore, #tpu.memory_space<semaphore_mem>>)
      %dma_wait3A = tpu.memref_slice %arg9[%mul3A_9] : memref<16384xf32, #tpu.memory_space<hbm>> -> memref<512xf32, #tpu.memory_space<hbm>>
      %dma_wait3A_11 = tpu.memref_slice %arg9[%mul3A_9] : memref<16384xf32, #tpu.memory_space<hbm>> -> memref<512xf32, #tpu.memory_space<hbm>>
      tpu.wait_dma2 semaphore(%run_scoped3A : memref<!tpu.dma_semaphore, #tpu.memory_space<semaphore_mem>>) src(%arg17 : memref<512xf32, #tpu.memory_space<vmem>>) dst(%dma_wait3A_11 : memref<512xf32, #tpu.memory_space<hbm>>)
      tpu.yield
    }) : () -> ()
    return
  }
}

#map = affine_map<(d0, d1) -> (0)>
module attributes {stable_mosaic.version = 14 : i64} {
  func.func @fm(%arg0: i32, %arg1: i32, %arg2: memref<2600000xf32, #tpu.memory_space<hbm>>, %arg3: memref<2600000xf32, #tpu.memory_space<hbm>>, %arg4: memref<2600000xf32, #tpu.memory_space<hbm>>, %arg5: memref<2600000xf32, #tpu.memory_space<hbm>>, %arg6: memref<16384xf32, #tpu.memory_space<hbm>>, %arg7: memref<425984xi32, #tpu.memory_space<hbm>>, %arg8: memref<16xf32, #tpu.memory_space<hbm>>, %arg9: memref<16384xf32, #tpu.memory_space<hbm>>, %arg10: memref<3328xi32, #tpu.memory_space<vmem>>, %arg11: memref<3328xi32, #tpu.memory_space<vmem>>, %arg12: memref<3328xf32, #tpu.memory_space<vmem>>, %arg13: memref<3328xf32, #tpu.memory_space<vmem>>, %arg14: memref<3328xf32, #tpu.memory_space<vmem>>, %arg15: memref<3328xf32, #tpu.memory_space<vmem>>, %arg16: memref<3328xf32, #tpu.memory_space<vmem>>, %arg17: memref<512xf32, #tpu.memory_space<vmem>>, %arg18: memref<16xf32, #tpu.memory_space<vmem>>, %arg19: memref<!tpu.dma_semaphore, #tpu.memory_space<semaphore_mem>>) attributes {dimension_semantics = [#tpu.dimension_semantics<core_parallel>, #tpu.dimension_semantics<subcore_parallel>], iteration_bounds = array<i64: 2, 16>, scalar_prefetch = 0 : i64, scratch_operands = 10 : i64, tpu.core_type = #tpu.core_type<sc_vector_subcore>, window_params = [{transform_indices = #map}, {transform_indices = #map}, {transform_indices = #map}, {transform_indices = #map}, {transform_indices = #map}, {transform_indices = #map}, {transform_indices = #map}, {transform_indices = #map}]} {
    %mul3A = arith.constant 2 : i32
    %mul3A_0 = arith.muli %arg1, %mul3A : i32
    %add3A = arith.addi %mul3A_0, %arg0 : i32
    "tpu.region"() ({
      %run_scoped3A = tpu.sem_alloc : memref<!tpu.dma_semaphore, #tpu.memory_space<semaphore_mem>>
      tpu.enqueue_dma source(%arg8 : memref<16xf32, #tpu.memory_space<hbm>>) target(%arg18 : memref<16xf32, #tpu.memory_space<vmem>>) target_semaphore(%run_scoped3A : memref<!tpu.dma_semaphore, #tpu.memory_space<semaphore_mem>>)
      tpu.wait_dma2 semaphore(%run_scoped3A : memref<!tpu.dma_semaphore, #tpu.memory_space<semaphore_mem>>) src(%arg8 : memref<16xf32, #tpu.memory_space<hbm>>) dst(%arg18 : memref<16xf32, #tpu.memory_space<vmem>>)
      tpu.yield
    }) : () -> ()
    %get3A = arith.constant 0 : index
    %get3A_1 = tpu.vector_load %arg18[%get3A] {strides = array<i32>} : memref<16xf32, #tpu.memory_space<vmem>>, vector<16xf32>,
    %scan3A = arith.constant 0 : i32
    %scan3A_2 = arith.constant 0 : i32
    %scan3A_3 = arith.constant 4 : i32
    %scan3A_4 = arith.addi %scan3A_2, %scan3A_3 : i32
    %scan3A_5 = arith.constant 1 : i32
    %scan3A_6 = scf.for %scan3A_10 = %scan3A_2 to %scan3A_4 step %scan3A_5 iter_args(%scan3A_11 = %scan3A) -> (i32)  : i32 {
      %mul3A_12 = arith.constant 4 : i32
      %mul3A_13 = arith.muli %add3A, %mul3A_12 : i32
      %add3A_14 = arith.addi %mul3A_13, %scan3A_10 : i32
      %mul3A_15 = arith.constant 3328 : i32
      %mul3A_16 = arith.muli %add3A_14, %mul3A_15 : i32
      "tpu.region"() ({
        %run_scoped3A = tpu.sem_alloc : memref<!tpu.dma_semaphore, #tpu.memory_space<semaphore_mem>>
        %dma_start3A_51 = tpu.memref_slice %arg7[%mul3A_16] : memref<425984xi32, #tpu.memory_space<hbm>> -> memref<3328xi32, #tpu.memory_space<hbm>>
        %dma_start3A_52 = tpu.memref_slice %arg7[%mul3A_16] : memref<425984xi32, #tpu.memory_space<hbm>> -> memref<3328xi32, #tpu.memory_space<hbm>>
        tpu.enqueue_dma source(%dma_start3A_52 : memref<3328xi32, #tpu.memory_space<hbm>>) target(%arg10 : memref<3328xi32, #tpu.memory_space<vmem>>) target_semaphore(%run_scoped3A : memref<!tpu.dma_semaphore, #tpu.memory_space<semaphore_mem>>)
        %dma_wait3A_53 = tpu.memref_slice %arg7[%mul3A_16] : memref<425984xi32, #tpu.memory_space<hbm>> -> memref<3328xi32, #tpu.memory_space<hbm>>
        %dma_wait3A_54 = tpu.memref_slice %arg7[%mul3A_16] : memref<425984xi32, #tpu.memory_space<hbm>> -> memref<3328xi32, #tpu.memory_space<hbm>>
        tpu.wait_dma2 semaphore(%run_scoped3A : memref<!tpu.dma_semaphore, #tpu.memory_space<semaphore_mem>>) src(%dma_wait3A_54 : memref<3328xi32, #tpu.memory_space<hbm>>) dst(%arg10 : memref<3328xi32, #tpu.memory_space<vmem>>)
        tpu.yield
      }) : () -> ()
      %scan3A_17 = arith.constant 0 : i32
      %scan3A_18 = arith.constant 0 : i32
      %scan3A_19 = arith.constant 208 : i32
      %scan3A_20 = arith.addi %scan3A_18, %scan3A_19 : i32
      %scan3A_21 = arith.constant 1 : i32
      %scan3A_22 = scf.for %scan3A_51 = %scan3A_18 to %scan3A_20 step %scan3A_21 iter_args(%scan3A_52 = %scan3A_17) -> (i32)  : i32 {
        %mul3A_53 = arith.constant 16 : i32
        %mul3A_54 = arith.muli %scan3A_51, %mul3A_53 : i32
        %multiple_of3A = tpu.assume_multiple %mul3A_54, 16 : i32
        %get3A_55 = arith.index_cast %multiple_of3A : i32 to index
        %get3A_56 = tpu.vector_load %arg10[%get3A_55] {strides = array<i32>} : memref<3328xi32, #tpu.memory_space<vmem>>, vector<16xi32>,
        %shift_right_arithmetic3A = arith.constant 3 : i32
        %shift_right_arithmetic3A_57 = arith.shrsi %scan3A_51, %shift_right_arithmetic3A : i32
        %mul3A_58 = arith.constant 100000 : i32
        %mul3A_59 = arith.muli %shift_right_arithmetic3A_57, %mul3A_58 : i32
        %add3A_60 = vector.broadcast %mul3A_59 : i32 to vector<16xi32>
        %add3A_61 = arith.addi %get3A_56, %add3A_60 : vector<16xi32>
        %swap3A = arith.index_cast %multiple_of3A : i32 to index
        %swap3A_62 = tpu.vector_load %arg11[%swap3A] {strides = array<i32>} : memref<3328xi32, #tpu.memory_space<vmem>>, vector<16xi32>,
        tpu.vector_store %arg11[%swap3A], %add3A_61 {strides = array<i32>} : memref<3328xi32, #tpu.memory_space<vmem>>, vector<16xi32>,
        %scan3A_63 = arith.constant 0 : i32
        scf.yield %scan3A_63 : i32
      }
      %scan3A_23 = arith.constant 208 : i32
      %mul3A_24 = arith.constant 4 : i32
      %mul3A_25 = arith.muli %add3A, %mul3A_24 : i32
      %add3A_26 = arith.addi %mul3A_25, %scan3A_10 : i32
      %mul3A_27 = arith.constant 128 : i32
      %mul3A_28 = arith.muli %add3A_26, %mul3A_27 : i32
      "tpu.region"() ({
        %run_scoped3A = tpu.sem_alloc : memref<!tpu.dma_semaphore, #tpu.memory_space<semaphore_mem>>
        %dma_start3A_51 = arith.constant 0 : i32
        %dma_start3A_52 = tpu.memref_slice %arg16[%dma_start3A_51] : memref<3328xf32, #tpu.memory_space<vmem>> -> memref<128xf32, #tpu.memory_space<vmem>>
        %dma_start3A_53 = tpu.memref_slice %arg6[%mul3A_28] : memref<16384xf32, #tpu.memory_space<hbm>> -> memref<128xf32, #tpu.memory_space<hbm>>
        %dma_start3A_54 = arith.constant 0 : i32
        %dma_start3A_55 = tpu.memref_slice %arg16[%dma_start3A_54] : memref<3328xf32, #tpu.memory_space<vmem>> -> memref<128xf32, #tpu.memory_space<vmem>>
        %dma_start3A_56 = tpu.memref_slice %arg6[%mul3A_28] : memref<16384xf32, #tpu.memory_space<hbm>> -> memref<128xf32, #tpu.memory_space<hbm>>
        tpu.enqueue_dma source(%dma_start3A_56 : memref<128xf32, #tpu.memory_space<hbm>>) target(%dma_start3A_55 : memref<128xf32, #tpu.memory_space<vmem>>) target_semaphore(%run_scoped3A : memref<!tpu.dma_semaphore, #tpu.memory_space<semaphore_mem>>)
        %dma_wait3A_57 = arith.constant 0 : i32
        %dma_wait3A_58 = tpu.memref_slice %arg16[%dma_wait3A_57] : memref<3328xf32, #tpu.memory_space<vmem>> -> memref<128xf32, #tpu.memory_space<vmem>>
        %dma_wait3A_59 = tpu.memref_slice %arg6[%mul3A_28] : memref<16384xf32, #tpu.memory_space<hbm>> -> memref<128xf32, #tpu.memory_space<hbm>>
        %dma_wait3A_60 = arith.constant 0 : i32
        %dma_wait3A_61 = tpu.memref_slice %arg16[%dma_wait3A_60] : memref<3328xf32, #tpu.memory_space<vmem>> -> memref<128xf32, #tpu.memory_space<vmem>>
        %dma_wait3A_62 = tpu.memref_slice %arg6[%mul3A_28] : memref<16384xf32, #tpu.memory_space<hbm>> -> memref<128xf32, #tpu.memory_space<hbm>>
        tpu.wait_dma2 semaphore(%run_scoped3A : memref<!tpu.dma_semaphore, #tpu.memory_space<semaphore_mem>>) src(%dma_wait3A_62 : memref<128xf32, #tpu.memory_space<hbm>>) dst(%dma_wait3A_61 : memref<128xf32, #tpu.memory_space<vmem>>)
        tpu.yield
      }) : () -> ()
      %dma_start3A = arith.constant 0 : i32
      %dma_start3A_29 = tpu.memref_slice %arg2[%dma_start3A] : memref<2600000xf32, #tpu.memory_space<hbm>> -> memref<2600000xf32, #tpu.memory_space<hbm>>
      tpu.enqueue_indirect_dma source(%dma_start3A_29 : memref<2600000xf32, #tpu.memory_space<hbm>>) target(%arg12 : memref<3328xf32, #tpu.memory_space<vmem>>) offsets(%arg11 : memref<3328xi32, #tpu.memory_space<vmem>>) semaphore(%arg19 : memref<!tpu.dma_semaphore, #tpu.memory_space<semaphore_mem>>)
      %dma_start3A_30 = arith.constant 0 : i32
      %dma_start3A_31 = tpu.memref_slice %arg3[%dma_start3A_30] : memref<2600000xf32, #tpu.memory_space<hbm>> -> memref<2600000xf32, #tpu.memory_space<hbm>>
      tpu.enqueue_indirect_dma source(%dma_start3A_31 : memref<2600000xf32, #tpu.memory_space<hbm>>) target(%arg13 : memref<3328xf32, #tpu.memory_space<vmem>>) offsets(%arg11 : memref<3328xi32, #tpu.memory_space<vmem>>) semaphore(%arg19 : memref<!tpu.dma_semaphore, #tpu.memory_space<semaphore_mem>>)
      %dma_start3A_32 = arith.constant 0 : i32
      %dma_start3A_33 = tpu.memref_slice %arg4[%dma_start3A_32] : memref<2600000xf32, #tpu.memory_space<hbm>> -> memref<2600000xf32, #tpu.memory_space<hbm>>
      tpu.enqueue_indirect_dma source(%dma_start3A_33 : memref<2600000xf32, #tpu.memory_space<hbm>>) target(%arg14 : memref<3328xf32, #tpu.memory_space<vmem>>) offsets(%arg11 : memref<3328xi32, #tpu.memory_space<vmem>>) semaphore(%arg19 : memref<!tpu.dma_semaphore, #tpu.memory_space<semaphore_mem>>)
      %dma_start3A_34 = arith.constant 0 : i32
      %dma_start3A_35 = tpu.memref_slice %arg5[%dma_start3A_34] : memref<2600000xf32, #tpu.memory_space<hbm>> -> memref<2600000xf32, #tpu.memory_space<hbm>>
      tpu.enqueue_indirect_dma source(%dma_start3A_35 : memref<2600000xf32, #tpu.memory_space<hbm>>) target(%arg15 : memref<3328xf32, #tpu.memory_space<vmem>>) offsets(%arg11 : memref<3328xi32, #tpu.memory_space<vmem>>) semaphore(%arg19 : memref<!tpu.dma_semaphore, #tpu.memory_space<semaphore_mem>>)
      %dma_wait3A = arith.constant 0 : i32
      %dma_wait3A_36 = tpu.memref_slice %arg2[%dma_wait3A] : memref<2600000xf32, #tpu.memory_space<hbm>> -> memref<2600000xf32, #tpu.memory_space<hbm>>
      tpu.wait_indirect_dma semaphore(%arg19 : memref<!tpu.dma_semaphore, #tpu.memory_space<semaphore_mem>>) src(%dma_wait3A_36 : memref<2600000xf32, #tpu.memory_space<hbm>>) dst(%arg12 : memref<3328xf32, #tpu.memory_space<vmem>>)
      %dma_wait3A_37 = arith.constant 0 : i32
      %dma_wait3A_38 = tpu.memref_slice %arg3[%dma_wait3A_37] : memref<2600000xf32, #tpu.memory_space<hbm>> -> memref<2600000xf32, #tpu.memory_space<hbm>>
      tpu.wait_indirect_dma semaphore(%arg19 : memref<!tpu.dma_semaphore, #tpu.memory_space<semaphore_mem>>) src(%dma_wait3A_38 : memref<2600000xf32, #tpu.memory_space<hbm>>) dst(%arg13 : memref<3328xf32, #tpu.memory_space<vmem>>)
      %dma_wait3A_39 = arith.constant 0 : i32
      %dma_wait3A_40 = tpu.memref_slice %arg4[%dma_wait3A_39] : memref<2600000xf32, #tpu.memory_space<hbm>> -> memref<2600000xf32, #tpu.memory_space<hbm>>
      tpu.wait_indirect_dma semaphore(%arg19 : memref<!tpu.dma_semaphore, #tpu.memory_space<semaphore_mem>>) src(%dma_wait3A_40 : memref<2600000xf32, #tpu.memory_space<hbm>>) dst(%arg14 : memref<3328xf32, #tpu.memory_space<vmem>>)
      %dma_wait3A_41 = arith.constant 0 : i32
      %dma_wait3A_42 = tpu.memref_slice %arg5[%dma_wait3A_41] : memref<2600000xf32, #tpu.memory_space<hbm>> -> memref<2600000xf32, #tpu.memory_space<hbm>>
      tpu.wait_indirect_dma semaphore(%arg19 : memref<!tpu.dma_semaphore, #tpu.memory_space<semaphore_mem>>) src(%dma_wait3A_42 : memref<2600000xf32, #tpu.memory_space<hbm>>) dst(%arg15 : memref<3328xf32, #tpu.memory_space<vmem>>)
      %scan3A_43 = arith.constant 0 : i32
      %scan3A_44 = arith.constant 0 : i32
      %scan3A_45 = arith.constant 8 : i32
      %scan3A_46 = arith.addi %scan3A_44, %scan3A_45 : i32
      %scan3A_47 = arith.constant 1 : i32
      %scan3A_48 = scf.for %scan3A_51 = %scan3A_44 to %scan3A_46 step %scan3A_47 iter_args(%scan3A_52 = %scan3A_43) -> (i32)  : i32 {
        %mul3A_53 = arith.constant 16 : i32
        %mul3A_54 = arith.muli %scan3A_51, %mul3A_53 : i32
        %get3A_55 = arith.index_cast %mul3A_54 : i32 to index
        %get3A_56 = tpu.vector_load %arg16[%get3A_55] {strides = array<i32>} : memref<3328xf32, #tpu.memory_space<vmem>>, vector<16xf32>,
        %add3A_57 = arith.constant 0 : i32
        %add3A_58 = arith.addi %add3A_57, %mul3A_54 : i32
        %get3A_59 = arith.index_cast %add3A_58 : i32 to index
        %get3A_60 = tpu.vector_load %arg12[%get3A_59] {strides = array<i32>} : memref<3328xf32, #tpu.memory_space<vmem>>, vector<16xf32>,
        %mul3A_61 = arith.mulf %get3A_60, %get3A_60 : vector<16xf32>
        %add3A_62 = arith.constant 128 : i32
        %add3A_63 = arith.addi %add3A_62, %mul3A_54 : i32
        %get3A_64 = arith.index_cast %add3A_63 : i32 to index
        %get3A_65 = tpu.vector_load %arg12[%get3A_64] {strides = array<i32>} : memref<3328xf32, #tpu.memory_space<vmem>>, vector<16xf32>,
        %add3A_66 = arith.addf %get3A_60, %get3A_65 : vector<16xf32>
        %mul3A_67 = arith.mulf %get3A_65, %get3A_65 : vector<16xf32>
        %add3A_68 = arith.addf %mul3A_61, %mul3A_67 : vector<16xf32>
        %add3A_69 = arith.constant 256 : i32
        %add3A_70 = arith.addi %add3A_69, %mul3A_54 : i32
        %get3A_71 = arith.index_cast %add3A_70 : i32 to index
        %get3A_72 = tpu.vector_load %arg12[%get3A_71] {strides = array<i32>} : memref<3328xf32, #tpu.memory_space<vmem>>, vector<16xf32>,
        %add3A_73 = arith.addf %add3A_66, %get3A_72 : vector<16xf32>
        %mul3A_74 = arith.mulf %get3A_72, %get3A_72 : vector<16xf32>
        %add3A_75 = arith.addf %add3A_68, %mul3A_74 : vector<16xf32>
        %add3A_76 = arith.constant 384 : i32
        %add3A_77 = arith.addi %add3A_76, %mul3A_54 : i32
        %get3A_78 = arith.index_cast %add3A_77 : i32 to index
        %get3A_79 = tpu.vector_load %arg12[%get3A_78] {strides = array<i32>} : memref<3328xf32, #tpu.memory_space<vmem>>, vector<16xf32>,
        %add3A_80 = arith.addf %add3A_73, %get3A_79 : vector<16xf32>
        %mul3A_81 = arith.mulf %get3A_79, %get3A_79 : vector<16xf32>
        %add3A_82 = arith.addf %add3A_75, %mul3A_81 : vector<16xf32>
        %add3A_83 = arith.constant 512 : i32
        %add3A_84 = arith.addi %add3A_83, %mul3A_54 : i32
        %get3A_85 = arith.index_cast %add3A_84 : i32 to index
        %get3A_86 = tpu.vector_load %arg12[%get3A_85] {strides = array<i32>} : memref<3328xf32, #tpu.memory_space<vmem>>, vector<16xf32>,
        %add3A_87 = arith.addf %add3A_80, %get3A_86 : vector<16xf32>
        %mul3A_88 = arith.mulf %get3A_86, %get3A_86 : vector<16xf32>
        %add3A_89 = arith.addf %add3A_82, %mul3A_88 : vector<16xf32>
        %add3A_90 = arith.constant 640 : i32
        %add3A_91 = arith.addi %add3A_90, %mul3A_54 : i32
        %get3A_92 = arith.index_cast %add3A_91 : i32 to index
        %get3A_93 = tpu.vector_load %arg12[%get3A_92] {strides = array<i32>} : memref<3328xf32, #tpu.memory_space<vmem>>, vector<16xf32>,
        %add3A_94 = arith.addf %add3A_87, %get3A_93 : vector<16xf32>
        %mul3A_95 = arith.mulf %get3A_93, %get3A_93 : vector<16xf32>
        %add3A_96 = arith.addf %add3A_89, %mul3A_95 : vector<16xf32>
        %add3A_97 = arith.constant 768 : i32
        %add3A_98 = arith.addi %add3A_97, %mul3A_54 : i32
        %get3A_99 = arith.index_cast %add3A_98 : i32 to index
        %get3A_100 = tpu.vector_load %arg12[%get3A_99] {strides = array<i32>} : memref<3328xf32, #tpu.memory_space<vmem>>, vector<16xf32>,
        %add3A_101 = arith.addf %add3A_94, %get3A_100 : vector<16xf32>
        %mul3A_102 = arith.mulf %get3A_100, %get3A_100 : vector<16xf32>
        %add3A_103 = arith.addf %add3A_96, %mul3A_102 : vector<16xf32>
        %add3A_104 = arith.constant 896 : i32
        %add3A_105 = arith.addi %add3A_104, %mul3A_54 : i32
        %get3A_106 = arith.index_cast %add3A_105 : i32 to index
        %get3A_107 = tpu.vector_load %arg12[%get3A_106] {strides = array<i32>} : memref<3328xf32, #tpu.memory_space<vmem>>, vector<16xf32>,
        %add3A_108 = arith.addf %add3A_101, %get3A_107 : vector<16xf32>
        %mul3A_109 = arith.mulf %get3A_107, %get3A_107 : vector<16xf32>
        %add3A_110 = arith.addf %add3A_103, %mul3A_109 : vector<16xf32>
        %add3A_111 = arith.constant 1024 : i32
        %add3A_112 = arith.addi %add3A_111, %mul3A_54 : i32
        %get3A_113 = arith.index_cast %add3A_112 : i32 to index
        %get3A_114 = tpu.vector_load %arg12[%get3A_113] {strides = array<i32>} : memref<3328xf32, #tpu.memory_space<vmem>>, vector<16xf32>,
        %add3A_115 = arith.addf %add3A_108, %get3A_114 : vector<16xf32>
        %mul3A_116 = arith.mulf %get3A_114, %get3A_114 : vector<16xf32>
        %add3A_117 = arith.addf %add3A_110, %mul3A_116 : vector<16xf32>
        %add3A_118 = arith.constant 1152 : i32
        %add3A_119 = arith.addi %add3A_118, %mul3A_54 : i32
        %get3A_120 = arith.index_cast %add3A_119 : i32 to index
        %get3A_121 = tpu.vector_load %arg12[%get3A_120] {strides = array<i32>} : memref<3328xf32, #tpu.memory_space<vmem>>, vector<16xf32>,
        %add3A_122 = arith.addf %add3A_115, %get3A_121 : vector<16xf32>
        %mul3A_123 = arith.mulf %get3A_121, %get3A_121 : vector<16xf32>
        %add3A_124 = arith.addf %add3A_117, %mul3A_123 : vector<16xf32>
        %add3A_125 = arith.constant 1280 : i32
        %add3A_126 = arith.addi %add3A_125, %mul3A_54 : i32
        %get3A_127 = arith.index_cast %add3A_126 : i32 to index
        %get3A_128 = tpu.vector_load %arg12[%get3A_127] {strides = array<i32>} : memref<3328xf32, #tpu.memory_space<vmem>>, vector<16xf32>,
        %add3A_129 = arith.addf %add3A_122, %get3A_128 : vector<16xf32>
        %mul3A_130 = arith.mulf %get3A_128, %get3A_128 : vector<16xf32>
        %add3A_131 = arith.addf %add3A_124, %mul3A_130 : vector<16xf32>
        %add3A_132 = arith.constant 1408 : i32
        %add3A_133 = arith.addi %add3A_132, %mul3A_54 : i32
        %get3A_134 = arith.index_cast %add3A_133 : i32 to index
        %get3A_135 = tpu.vector_load %arg12[%get3A_134] {strides = array<i32>} : memref<3328xf32, #tpu.memory_space<vmem>>, vector<16xf32>,
        %add3A_136 = arith.addf %add3A_129, %get3A_135 : vector<16xf32>
        %mul3A_137 = arith.mulf %get3A_135, %get3A_135 : vector<16xf32>
        %add3A_138 = arith.addf %add3A_131, %mul3A_137 : vector<16xf32>
        %add3A_139 = arith.constant 1536 : i32
        %add3A_140 = arith.addi %add3A_139, %mul3A_54 : i32
        %get3A_141 = arith.index_cast %add3A_140 : i32 to index
        %get3A_142 = tpu.vector_load %arg12[%get3A_141] {strides = array<i32>} : memref<3328xf32, #tpu.memory_space<vmem>>, vector<16xf32>,
        %add3A_143 = arith.addf %add3A_136, %get3A_142 : vector<16xf32>
        %mul3A_144 = arith.mulf %get3A_142, %get3A_142 : vector<16xf32>
        %add3A_145 = arith.addf %add3A_138, %mul3A_144 : vector<16xf32>
        %add3A_146 = arith.constant 1664 : i32
        %add3A_147 = arith.addi %add3A_146, %mul3A_54 : i32
        %get3A_148 = arith.index_cast %add3A_147 : i32 to index
        %get3A_149 = tpu.vector_load %arg12[%get3A_148] {strides = array<i32>} : memref<3328xf32, #tpu.memory_space<vmem>>, vector<16xf32>,
        %add3A_150 = arith.addf %add3A_143, %get3A_149 : vector<16xf32>
        %mul3A_151 = arith.mulf %get3A_149, %get3A_149 : vector<16xf32>
        %add3A_152 = arith.addf %add3A_145, %mul3A_151 : vector<16xf32>
        %add3A_153 = arith.constant 1792 : i32
        %add3A_154 = arith.addi %add3A_153, %mul3A_54 : i32
        %get3A_155 = arith.index_cast %add3A_154 : i32 to index
        %get3A_156 = tpu.vector_load %arg12[%get3A_155] {strides = array<i32>} : memref<3328xf32, #tpu.memory_space<vmem>>, vector<16xf32>,
        %add3A_157 = arith.addf %add3A_150, %get3A_156 : vector<16xf32>
        %mul3A_158 = arith.mulf %get3A_156, %get3A_156 : vector<16xf32>
        %add3A_159 = arith.addf %add3A_152, %mul3A_158 : vector<16xf32>
        %add3A_160 = arith.constant 1920 : i32
        %add3A_161 = arith.addi %add3A_160, %mul3A_54 : i32
        %get3A_162 = arith.index_cast %add3A_161 : i32 to index
        %get3A_163 = tpu.vector_load %arg12[%get3A_162] {strides = array<i32>} : memref<3328xf32, #tpu.memory_space<vmem>>, vector<16xf32>,
        %add3A_164 = arith.addf %add3A_157, %get3A_163 : vector<16xf32>
        %mul3A_165 = arith.mulf %get3A_163, %get3A_163 : vector<16xf32>
        %add3A_166 = arith.addf %add3A_159, %mul3A_165 : vector<16xf32>
        %add3A_167 = arith.constant 2048 : i32
        %add3A_168 = arith.addi %add3A_167, %mul3A_54 : i32
        %get3A_169 = arith.index_cast %add3A_168 : i32 to index
        %get3A_170 = tpu.vector_load %arg12[%get3A_169] {strides = array<i32>} : memref<3328xf32, #tpu.memory_space<vmem>>, vector<16xf32>,
        %add3A_171 = arith.addf %add3A_164, %get3A_170 : vector<16xf32>
        %mul3A_172 = arith.mulf %get3A_170, %get3A_170 : vector<16xf32>
        %add3A_173 = arith.addf %add3A_166, %mul3A_172 : vector<16xf32>
        %add3A_174 = arith.constant 2176 : i32
        %add3A_175 = arith.addi %add3A_174, %mul3A_54 : i32
        %get3A_176 = arith.index_cast %add3A_175 : i32 to index
        %get3A_177 = tpu.vector_load %arg12[%get3A_176] {strides = array<i32>} : memref<3328xf32, #tpu.memory_space<vmem>>, vector<16xf32>,
        %add3A_178 = arith.addf %add3A_171, %get3A_177 : vector<16xf32>
        %mul3A_179 = arith.mulf %get3A_177, %get3A_177 : vector<16xf32>
        %add3A_180 = arith.addf %add3A_173, %mul3A_179 : vector<16xf32>
        %add3A_181 = arith.constant 2304 : i32
        %add3A_182 = arith.addi %add3A_181, %mul3A_54 : i32
        %get3A_183 = arith.index_cast %add3A_182 : i32 to index
        %get3A_184 = tpu.vector_load %arg12[%get3A_183] {strides = array<i32>} : memref<3328xf32, #tpu.memory_space<vmem>>, vector<16xf32>,
        %add3A_185 = arith.addf %add3A_178, %get3A_184 : vector<16xf32>
        %mul3A_186 = arith.mulf %get3A_184, %get3A_184 : vector<16xf32>
        %add3A_187 = arith.addf %add3A_180, %mul3A_186 : vector<16xf32>
        %add3A_188 = arith.constant 2432 : i32
        %add3A_189 = arith.addi %add3A_188, %mul3A_54 : i32
        %get3A_190 = arith.index_cast %add3A_189 : i32 to index
        %get3A_191 = tpu.vector_load %arg12[%get3A_190] {strides = array<i32>} : memref<3328xf32, #tpu.memory_space<vmem>>, vector<16xf32>,
        %add3A_192 = arith.addf %add3A_185, %get3A_191 : vector<16xf32>
        %mul3A_193 = arith.mulf %get3A_191, %get3A_191 : vector<16xf32>
        %add3A_194 = arith.addf %add3A_187, %mul3A_193 : vector<16xf32>
        %add3A_195 = arith.constant 2560 : i32
        %add3A_196 = arith.addi %add3A_195, %mul3A_54 : i32
        %get3A_197 = arith.index_cast %add3A_196 : i32 to index
        %get3A_198 = tpu.vector_load %arg12[%get3A_197] {strides = array<i32>} : memref<3328xf32, #tpu.memory_space<vmem>>, vector<16xf32>,
        %add3A_199 = arith.addf %add3A_192, %get3A_198 : vector<16xf32>
        %mul3A_200 = arith.mulf %get3A_198, %get3A_198 : vector<16xf32>
        %add3A_201 = arith.addf %add3A_194, %mul3A_200 : vector<16xf32>
        %add3A_202 = arith.constant 2688 : i32
        %add3A_203 = arith.addi %add3A_202, %mul3A_54 : i32
        %get3A_204 = arith.index_cast %add3A_203 : i32 to index
        %get3A_205 = tpu.vector_load %arg12[%get3A_204] {strides = array<i32>} : memref<3328xf32, #tpu.memory_space<vmem>>, vector<16xf32>,
        %add3A_206 = arith.addf %add3A_199, %get3A_205 : vector<16xf32>
        %mul3A_207 = arith.mulf %get3A_205, %get3A_205 : vector<16xf32>
        %add3A_208 = arith.addf %add3A_201, %mul3A_207 : vector<16xf32>
        %add3A_209 = arith.constant 2816 : i32
        %add3A_210 = arith.addi %add3A_209, %mul3A_54 : i32
        %get3A_211 = arith.index_cast %add3A_210 : i32 to index
        %get3A_212 = tpu.vector_load %arg12[%get3A_211] {strides = array<i32>} : memref<3328xf32, #tpu.memory_space<vmem>>, vector<16xf32>,
        %add3A_213 = arith.addf %add3A_206, %get3A_212 : vector<16xf32>
        %mul3A_214 = arith.mulf %get3A_212, %get3A_212 : vector<16xf32>
        %add3A_215 = arith.addf %add3A_208, %mul3A_214 : vector<16xf32>
        %add3A_216 = arith.constant 2944 : i32
        %add3A_217 = arith.addi %add3A_216, %mul3A_54 : i32
        %get3A_218 = arith.index_cast %add3A_217 : i32 to index
        %get3A_219 = tpu.vector_load %arg12[%get3A_218] {strides = array<i32>} : memref<3328xf32, #tpu.memory_space<vmem>>, vector<16xf32>,
        %add3A_220 = arith.addf %add3A_213, %get3A_219 : vector<16xf32>
        %mul3A_221 = arith.mulf %get3A_219, %get3A_219 : vector<16xf32>
        %add3A_222 = arith.addf %add3A_215, %mul3A_221 : vector<16xf32>
        %add3A_223 = arith.constant 3072 : i32
        %add3A_224 = arith.addi %add3A_223, %mul3A_54 : i32
        %get3A_225 = arith.index_cast %add3A_224 : i32 to index
        %get3A_226 = tpu.vector_load %arg12[%get3A_225] {strides = array<i32>} : memref<3328xf32, #tpu.memory_space<vmem>>, vector<16xf32>,
        %add3A_227 = arith.addf %add3A_220, %get3A_226 : vector<16xf32>
        %mul3A_228 = arith.mulf %get3A_226, %get3A_226 : vector<16xf32>
        %add3A_229 = arith.addf %add3A_222, %mul3A_228 : vector<16xf32>
        %add3A_230 = arith.constant 3200 : i32
        %add3A_231 = arith.addi %add3A_230, %mul3A_54 : i32
        %get3A_232 = arith.index_cast %add3A_231 : i32 to index
        %get3A_233 = tpu.vector_load %arg12[%get3A_232] {strides = array<i32>} : memref<3328xf32, #tpu.memory_space<vmem>>, vector<16xf32>,
        %add3A_234 = arith.addf %add3A_227, %get3A_233 : vector<16xf32>
        %mul3A_235 = arith.mulf %get3A_233, %get3A_233 : vector<16xf32>
        %add3A_236 = arith.addf %add3A_229, %mul3A_235 : vector<16xf32>
        %mul3A_237 = arith.mulf %add3A_234, %add3A_234 : vector<16xf32>
        %sub3A = arith.subf %mul3A_237, %add3A_236 : vector<16xf32>
        %mul3A_238 = arith.constant 5.000000e-01 : f32
        %mul3A_239 = vector.broadcast %mul3A_238 : f32 to vector<16xf32>
        %mul3A_240 = arith.mulf %mul3A_239, %sub3A : vector<16xf32>
        %add3A_241 = arith.addf %get3A_56, %mul3A_240 : vector<16xf32>
        %add3A_242 = arith.constant 0 : i32
        %add3A_243 = arith.addi %add3A_242, %mul3A_54 : i32
        %get3A_244 = arith.index_cast %add3A_243 : i32 to index
        %get3A_245 = tpu.vector_load %arg13[%get3A_244] {strides = array<i32>} : memref<3328xf32, #tpu.memory_space<vmem>>, vector<16xf32>,
        %mul3A_246 = arith.mulf %get3A_245, %get3A_245 : vector<16xf32>
        %add3A_247 = arith.constant 128 : i32
        %add3A_248 = arith.addi %add3A_247, %mul3A_54 : i32
        %get3A_249 = arith.index_cast %add3A_248 : i32 to index
        %get3A_250 = tpu.vector_load %arg13[%get3A_249] {strides = array<i32>} : memref<3328xf32, #tpu.memory_space<vmem>>, vector<16xf32>,
        %add3A_251 = arith.addf %get3A_245, %get3A_250 : vector<16xf32>
        %mul3A_252 = arith.mulf %get3A_250, %get3A_250 : vector<16xf32>
        %add3A_253 = arith.addf %mul3A_246, %mul3A_252 : vector<16xf32>
        %add3A_254 = arith.constant 256 : i32
        %add3A_255 = arith.addi %add3A_254, %mul3A_54 : i32
        %get3A_256 = arith.index_cast %add3A_255 : i32 to index
        %get3A_257 = tpu.vector_load %arg13[%get3A_256] {strides = array<i32>} : memref<3328xf32, #tpu.memory_space<vmem>>, vector<16xf32>,
        %add3A_258 = arith.addf %add3A_251, %get3A_257 : vector<16xf32>
        %mul3A_259 = arith.mulf %get3A_257, %get3A_257 : vector<16xf32>
        %add3A_260 = arith.addf %add3A_253, %mul3A_259 : vector<16xf32>
        %add3A_261 = arith.constant 384 : i32
        %add3A_262 = arith.addi %add3A_261, %mul3A_54 : i32
        %get3A_263 = arith.index_cast %add3A_262 : i32 to index
        %get3A_264 = tpu.vector_load %arg13[%get3A_263] {strides = array<i32>} : memref<3328xf32, #tpu.memory_space<vmem>>, vector<16xf32>,
        %add3A_265 = arith.addf %add3A_258, %get3A_264 : vector<16xf32>
        %mul3A_266 = arith.mulf %get3A_264, %get3A_264 : vector<16xf32>
        %add3A_267 = arith.addf %add3A_260, %mul3A_266 : vector<16xf32>
        %add3A_268 = arith.constant 512 : i32
        %add3A_269 = arith.addi %add3A_268, %mul3A_54 : i32
        %get3A_270 = arith.index_cast %add3A_269 : i32 to index
        %get3A_271 = tpu.vector_load %arg13[%get3A_270] {strides = array<i32>} : memref<3328xf32, #tpu.memory_space<vmem>>, vector<16xf32>,
        %add3A_272 = arith.addf %add3A_265, %get3A_271 : vector<16xf32>
        %mul3A_273 = arith.mulf %get3A_271, %get3A_271 : vector<16xf32>
        %add3A_274 = arith.addf %add3A_267, %mul3A_273 : vector<16xf32>
        %add3A_275 = arith.constant 640 : i32
        %add3A_276 = arith.addi %add3A_275, %mul3A_54 : i32
        %get3A_277 = arith.index_cast %add3A_276 : i32 to index
        %get3A_278 = tpu.vector_load %arg13[%get3A_277] {strides = array<i32>} : memref<3328xf32, #tpu.memory_space<vmem>>, vector<16xf32>,
        %add3A_279 = arith.addf %add3A_272, %get3A_278 : vector<16xf32>
        %mul3A_280 = arith.mulf %get3A_278, %get3A_278 : vector<16xf32>
        %add3A_281 = arith.addf %add3A_274, %mul3A_280 : vector<16xf32>
        %add3A_282 = arith.constant 768 : i32
        %add3A_283 = arith.addi %add3A_282, %mul3A_54 : i32
        %get3A_284 = arith.index_cast %add3A_283 : i32 to index
        %get3A_285 = tpu.vector_load %arg13[%get3A_284] {strides = array<i32>} : memref<3328xf32, #tpu.memory_space<vmem>>, vector<16xf32>,
        %add3A_286 = arith.addf %add3A_279, %get3A_285 : vector<16xf32>
        %mul3A_287 = arith.mulf %get3A_285, %get3A_285 : vector<16xf32>
        %add3A_288 = arith.addf %add3A_281, %mul3A_287 : vector<16xf32>
        %add3A_289 = arith.constant 896 : i32
        %add3A_290 = arith.addi %add3A_289, %mul3A_54 : i32
        %get3A_291 = arith.index_cast %add3A_290 : i32 to index
        %get3A_292 = tpu.vector_load %arg13[%get3A_291] {strides = array<i32>} : memref<3328xf32, #tpu.memory_space<vmem>>, vector<16xf32>,
        %add3A_293 = arith.addf %add3A_286, %get3A_292 : vector<16xf32>
        %mul3A_294 = arith.mulf %get3A_292, %get3A_292 : vector<16xf32>
        %add3A_295 = arith.addf %add3A_288, %mul3A_294 : vector<16xf32>
        %add3A_296 = arith.constant 1024 : i32
        %add3A_297 = arith.addi %add3A_296, %mul3A_54 : i32
        %get3A_298 = arith.index_cast %add3A_297 : i32 to index
        %get3A_299 = tpu.vector_load %arg13[%get3A_298] {strides = array<i32>} : memref<3328xf32, #tpu.memory_space<vmem>>, vector<16xf32>,
        %add3A_300 = arith.addf %add3A_293, %get3A_299 : vector<16xf32>
        %mul3A_301 = arith.mulf %get3A_299, %get3A_299 : vector<16xf32>
        %add3A_302 = arith.addf %add3A_295, %mul3A_301 : vector<16xf32>
        %add3A_303 = arith.constant 1152 : i32
        %add3A_304 = arith.addi %add3A_303, %mul3A_54 : i32
        %get3A_305 = arith.index_cast %add3A_304 : i32 to index
        %get3A_306 = tpu.vector_load %arg13[%get3A_305] {strides = array<i32>} : memref<3328xf32, #tpu.memory_space<vmem>>, vector<16xf32>,
        %add3A_307 = arith.addf %add3A_300, %get3A_306 : vector<16xf32>
        %mul3A_308 = arith.mulf %get3A_306, %get3A_306 : vector<16xf32>
        %add3A_309 = arith.addf %add3A_302, %mul3A_308 : vector<16xf32>
        %add3A_310 = arith.constant 1280 : i32
        %add3A_311 = arith.addi %add3A_310, %mul3A_54 : i32
        %get3A_312 = arith.index_cast %add3A_311 : i32 to index
        %get3A_313 = tpu.vector_load %arg13[%get3A_312] {strides = array<i32>} : memref<3328xf32, #tpu.memory_space<vmem>>, vector<16xf32>,
        %add3A_314 = arith.addf %add3A_307, %get3A_313 : vector<16xf32>
        %mul3A_315 = arith.mulf %get3A_313, %get3A_313 : vector<16xf32>
        %add3A_316 = arith.addf %add3A_309, %mul3A_315 : vector<16xf32>
        %add3A_317 = arith.constant 1408 : i32
        %add3A_318 = arith.addi %add3A_317, %mul3A_54 : i32
        %get3A_319 = arith.index_cast %add3A_318 : i32 to index
        %get3A_320 = tpu.vector_load %arg13[%get3A_319] {strides = array<i32>} : memref<3328xf32, #tpu.memory_space<vmem>>, vector<16xf32>,
        %add3A_321 = arith.addf %add3A_314, %get3A_320 : vector<16xf32>
        %mul3A_322 = arith.mulf %get3A_320, %get3A_320 : vector<16xf32>
        %add3A_323 = arith.addf %add3A_316, %mul3A_322 : vector<16xf32>
        %add3A_324 = arith.constant 1536 : i32
        %add3A_325 = arith.addi %add3A_324, %mul3A_54 : i32
        %get3A_326 = arith.index_cast %add3A_325 : i32 to index
        %get3A_327 = tpu.vector_load %arg13[%get3A_326] {strides = array<i32>} : memref<3328xf32, #tpu.memory_space<vmem>>, vector<16xf32>,
        %add3A_328 = arith.addf %add3A_321, %get3A_327 : vector<16xf32>
        %mul3A_329 = arith.mulf %get3A_327, %get3A_327 : vector<16xf32>
        %add3A_330 = arith.addf %add3A_323, %mul3A_329 : vector<16xf32>
        %add3A_331 = arith.constant 1664 : i32
        %add3A_332 = arith.addi %add3A_331, %mul3A_54 : i32
        %get3A_333 = arith.index_cast %add3A_332 : i32 to index
        %get3A_334 = tpu.vector_load %arg13[%get3A_333] {strides = array<i32>} : memref<3328xf32, #tpu.memory_space<vmem>>, vector<16xf32>,
        %add3A_335 = arith.addf %add3A_328, %get3A_334 : vector<16xf32>
        %mul3A_336 = arith.mulf %get3A_334, %get3A_334 : vector<16xf32>
        %add3A_337 = arith.addf %add3A_330, %mul3A_336 : vector<16xf32>
        %add3A_338 = arith.constant 1792 : i32
        %add3A_339 = arith.addi %add3A_338, %mul3A_54 : i32
        %get3A_340 = arith.index_cast %add3A_339 : i32 to index
        %get3A_341 = tpu.vector_load %arg13[%get3A_340] {strides = array<i32>} : memref<3328xf32, #tpu.memory_space<vmem>>, vector<16xf32>,
        %add3A_342 = arith.addf %add3A_335, %get3A_341 : vector<16xf32>
        %mul3A_343 = arith.mulf %get3A_341, %get3A_341 : vector<16xf32>
        %add3A_344 = arith.addf %add3A_337, %mul3A_343 : vector<16xf32>
        %add3A_345 = arith.constant 1920 : i32
        %add3A_346 = arith.addi %add3A_345, %mul3A_54 : i32
        %get3A_347 = arith.index_cast %add3A_346 : i32 to index
        %get3A_348 = tpu.vector_load %arg13[%get3A_347] {strides = array<i32>} : memref<3328xf32, #tpu.memory_space<vmem>>, vector<16xf32>,
        %add3A_349 = arith.addf %add3A_342, %get3A_348 : vector<16xf32>
        %mul3A_350 = arith.mulf %get3A_348, %get3A_348 : vector<16xf32>
        %add3A_351 = arith.addf %add3A_344, %mul3A_350 : vector<16xf32>
        %add3A_352 = arith.constant 2048 : i32
        %add3A_353 = arith.addi %add3A_352, %mul3A_54 : i32
        %get3A_354 = arith.index_cast %add3A_353 : i32 to index
        %get3A_355 = tpu.vector_load %arg13[%get3A_354] {strides = array<i32>} : memref<3328xf32, #tpu.memory_space<vmem>>, vector<16xf32>,
        %add3A_356 = arith.addf %add3A_349, %get3A_355 : vector<16xf32>
        %mul3A_357 = arith.mulf %get3A_355, %get3A_355 : vector<16xf32>
        %add3A_358 = arith.addf %add3A_351, %mul3A_357 : vector<16xf32>
        %add3A_359 = arith.constant 2176 : i32
        %add3A_360 = arith.addi %add3A_359, %mul3A_54 : i32
        %get3A_361 = arith.index_cast %add3A_360 : i32 to index
        %get3A_362 = tpu.vector_load %arg13[%get3A_361] {strides = array<i32>} : memref<3328xf32, #tpu.memory_space<vmem>>, vector<16xf32>,
        %add3A_363 = arith.addf %add3A_356, %get3A_362 : vector<16xf32>
        %mul3A_364 = arith.mulf %get3A_362, %get3A_362 : vector<16xf32>
        %add3A_365 = arith.addf %add3A_358, %mul3A_364 : vector<16xf32>
        %add3A_366 = arith.constant 2304 : i32
        %add3A_367 = arith.addi %add3A_366, %mul3A_54 : i32
        %get3A_368 = arith.index_cast %add3A_367 : i32 to index
        %get3A_369 = tpu.vector_load %arg13[%get3A_368] {strides = array<i32>} : memref<3328xf32, #tpu.memory_space<vmem>>, vector<16xf32>,
        %add3A_370 = arith.addf %add3A_363, %get3A_369 : vector<16xf32>
        %mul3A_371 = arith.mulf %get3A_369, %get3A_369 : vector<16xf32>
        %add3A_372 = arith.addf %add3A_365, %mul3A_371 : vector<16xf32>
        %add3A_373 = arith.constant 2432 : i32
        %add3A_374 = arith.addi %add3A_373, %mul3A_54 : i32
        %get3A_375 = arith.index_cast %add3A_374 : i32 to index
        %get3A_376 = tpu.vector_load %arg13[%get3A_375] {strides = array<i32>} : memref<3328xf32, #tpu.memory_space<vmem>>, vector<16xf32>,
        %add3A_377 = arith.addf %add3A_370, %get3A_376 : vector<16xf32>
        %mul3A_378 = arith.mulf %get3A_376, %get3A_376 : vector<16xf32>
        %add3A_379 = arith.addf %add3A_372, %mul3A_378 : vector<16xf32>
        %add3A_380 = arith.constant 2560 : i32
        %add3A_381 = arith.addi %add3A_380, %mul3A_54 : i32
        %get3A_382 = arith.index_cast %add3A_381 : i32 to index
        %get3A_383 = tpu.vector_load %arg13[%get3A_382] {strides = array<i32>} : memref<3328xf32, #tpu.memory_space<vmem>>, vector<16xf32>,
        %add3A_384 = arith.addf %add3A_377, %get3A_383 : vector<16xf32>
        %mul3A_385 = arith.mulf %get3A_383, %get3A_383 : vector<16xf32>
        %add3A_386 = arith.addf %add3A_379, %mul3A_385 : vector<16xf32>
        %add3A_387 = arith.constant 2688 : i32
        %add3A_388 = arith.addi %add3A_387, %mul3A_54 : i32
        %get3A_389 = arith.index_cast %add3A_388 : i32 to index
        %get3A_390 = tpu.vector_load %arg13[%get3A_389] {strides = array<i32>} : memref<3328xf32, #tpu.memory_space<vmem>>, vector<16xf32>,
        %add3A_391 = arith.addf %add3A_384, %get3A_390 : vector<16xf32>
        %mul3A_392 = arith.mulf %get3A_390, %get3A_390 : vector<16xf32>
        %add3A_393 = arith.addf %add3A_386, %mul3A_392 : vector<16xf32>
        %add3A_394 = arith.constant 2816 : i32
        %add3A_395 = arith.addi %add3A_394, %mul3A_54 : i32
        %get3A_396 = arith.index_cast %add3A_395 : i32 to index
        %get3A_397 = tpu.vector_load %arg13[%get3A_396] {strides = array<i32>} : memref<3328xf32, #tpu.memory_space<vmem>>, vector<16xf32>,
        %add3A_398 = arith.addf %add3A_391, %get3A_397 : vector<16xf32>
        %mul3A_399 = arith.mulf %get3A_397, %get3A_397 : vector<16xf32>
        %add3A_400 = arith.addf %add3A_393, %mul3A_399 : vector<16xf32>
        %add3A_401 = arith.constant 2944 : i32
        %add3A_402 = arith.addi %add3A_401, %mul3A_54 : i32
        %get3A_403 = arith.index_cast %add3A_402 : i32 to index
        %get3A_404 = tpu.vector_load %arg13[%get3A_403] {strides = array<i32>} : memref<3328xf32, #tpu.memory_space<vmem>>, vector<16xf32>,
        %add3A_405 = arith.addf %add3A_398, %get3A_404 : vector<16xf32>
        %mul3A_406 = arith.mulf %get3A_404, %get3A_404 : vector<16xf32>
        %add3A_407 = arith.addf %add3A_400, %mul3A_406 : vector<16xf32>
        %add3A_408 = arith.constant 3072 : i32
        %add3A_409 = arith.addi %add3A_408, %mul3A_54 : i32
        %get3A_410 = arith.index_cast %add3A_409 : i32 to index
        %get3A_411 = tpu.vector_load %arg13[%get3A_410] {strides = array<i32>} : memref<3328xf32, #tpu.memory_space<vmem>>, vector<16xf32>,
        %add3A_412 = arith.addf %add3A_405, %get3A_411 : vector<16xf32>
        %mul3A_413 = arith.mulf %get3A_411, %get3A_411 : vector<16xf32>
        %add3A_414 = arith.addf %add3A_407, %mul3A_413 : vector<16xf32>
        %add3A_415 = arith.constant 3200 : i32
        %add3A_416 = arith.addi %add3A_415, %mul3A_54 : i32
        %get3A_417 = arith.index_cast %add3A_416 : i32 to index
        %get3A_418 = tpu.vector_load %arg13[%get3A_417] {strides = array<i32>} : memref<3328xf32, #tpu.memory_space<vmem>>, vector<16xf32>,
        %add3A_419 = arith.addf %add3A_412, %get3A_418 : vector<16xf32>
        %mul3A_420 = arith.mulf %get3A_418, %get3A_418 : vector<16xf32>
        %add3A_421 = arith.addf %add3A_414, %mul3A_420 : vector<16xf32>
        %mul3A_422 = arith.mulf %add3A_419, %add3A_419 : vector<16xf32>
        %sub3A_423 = arith.subf %mul3A_422, %add3A_421 : vector<16xf32>
        %mul3A_424 = arith.constant 5.000000e-01 : f32
        %mul3A_425 = vector.broadcast %mul3A_424 : f32 to vector<16xf32>
        %mul3A_426 = arith.mulf %mul3A_425, %sub3A_423 : vector<16xf32>
        %add3A_427 = arith.addf %add3A_241, %mul3A_426 : vector<16xf32>
        %add3A_428 = arith.constant 0 : i32
        %add3A_429 = arith.addi %add3A_428, %mul3A_54 : i32
        %get3A_430 = arith.index_cast %add3A_429 : i32 to index
        %get3A_431 = tpu.vector_load %arg14[%get3A_430] {strides = array<i32>} : memref<3328xf32, #tpu.memory_space<vmem>>, vector<16xf32>,
        %mul3A_432 = arith.mulf %get3A_431, %get3A_431 : vector<16xf32>
        %add3A_433 = arith.constant 128 : i32
        %add3A_434 = arith.addi %add3A_433, %mul3A_54 : i32
        %get3A_435 = arith.index_cast %add3A_434 : i32 to index
        %get3A_436 = tpu.vector_load %arg14[%get3A_435] {strides = array<i32>} : memref<3328xf32, #tpu.memory_space<vmem>>, vector<16xf32>,
        %add3A_437 = arith.addf %get3A_431, %get3A_436 : vector<16xf32>
        %mul3A_438 = arith.mulf %get3A_436, %get3A_436 : vector<16xf32>
        %add3A_439 = arith.addf %mul3A_432, %mul3A_438 : vector<16xf32>
        %add3A_440 = arith.constant 256 : i32
        %add3A_441 = arith.addi %add3A_440, %mul3A_54 : i32
        %get3A_442 = arith.index_cast %add3A_441 : i32 to index
        %get3A_443 = tpu.vector_load %arg14[%get3A_442] {strides = array<i32>} : memref<3328xf32, #tpu.memory_space<vmem>>, vector<16xf32>,
        %add3A_444 = arith.addf %add3A_437, %get3A_443 : vector<16xf32>
        %mul3A_445 = arith.mulf %get3A_443, %get3A_443 : vector<16xf32>
        %add3A_446 = arith.addf %add3A_439, %mul3A_445 : vector<16xf32>
        %add3A_447 = arith.constant 384 : i32
        %add3A_448 = arith.addi %add3A_447, %mul3A_54 : i32
        %get3A_449 = arith.index_cast %add3A_448 : i32 to index
        %get3A_450 = tpu.vector_load %arg14[%get3A_449] {strides = array<i32>} : memref<3328xf32, #tpu.memory_space<vmem>>, vector<16xf32>,
        %add3A_451 = arith.addf %add3A_444, %get3A_450 : vector<16xf32>
        %mul3A_452 = arith.mulf %get3A_450, %get3A_450 : vector<16xf32>
        %add3A_453 = arith.addf %add3A_446, %mul3A_452 : vector<16xf32>
        %add3A_454 = arith.constant 512 : i32
        %add3A_455 = arith.addi %add3A_454, %mul3A_54 : i32
        %get3A_456 = arith.index_cast %add3A_455 : i32 to index
        %get3A_457 = tpu.vector_load %arg14[%get3A_456] {strides = array<i32>} : memref<3328xf32, #tpu.memory_space<vmem>>, vector<16xf32>,
        %add3A_458 = arith.addf %add3A_451, %get3A_457 : vector<16xf32>
        %mul3A_459 = arith.mulf %get3A_457, %get3A_457 : vector<16xf32>
        %add3A_460 = arith.addf %add3A_453, %mul3A_459 : vector<16xf32>
        %add3A_461 = arith.constant 640 : i32
        %add3A_462 = arith.addi %add3A_461, %mul3A_54 : i32
        %get3A_463 = arith.index_cast %add3A_462 : i32 to index
        %get3A_464 = tpu.vector_load %arg14[%get3A_463] {strides = array<i32>} : memref<3328xf32, #tpu.memory_space<vmem>>, vector<16xf32>,
        %add3A_465 = arith.addf %add3A_458, %get3A_464 : vector<16xf32>
        %mul3A_466 = arith.mulf %get3A_464, %get3A_464 : vector<16xf32>
        %add3A_467 = arith.addf %add3A_460, %mul3A_466 : vector<16xf32>
        %add3A_468 = arith.constant 768 : i32
        %add3A_469 = arith.addi %add3A_468, %mul3A_54 : i32
        %get3A_470 = arith.index_cast %add3A_469 : i32 to index
        %get3A_471 = tpu.vector_load %arg14[%get3A_470] {strides = array<i32>} : memref<3328xf32, #tpu.memory_space<vmem>>, vector<16xf32>,
        %add3A_472 = arith.addf %add3A_465, %get3A_471 : vector<16xf32>
        %mul3A_473 = arith.mulf %get3A_471, %get3A_471 : vector<16xf32>
        %add3A_474 = arith.addf %add3A_467, %mul3A_473 : vector<16xf32>
        %add3A_475 = arith.constant 896 : i32
        %add3A_476 = arith.addi %add3A_475, %mul3A_54 : i32
        %get3A_477 = arith.index_cast %add3A_476 : i32 to index
        %get3A_478 = tpu.vector_load %arg14[%get3A_477] {strides = array<i32>} : memref<3328xf32, #tpu.memory_space<vmem>>, vector<16xf32>,
        %add3A_479 = arith.addf %add3A_472, %get3A_478 : vector<16xf32>
        %mul3A_480 = arith.mulf %get3A_478, %get3A_478 : vector<16xf32>
        %add3A_481 = arith.addf %add3A_474, %mul3A_480 : vector<16xf32>
        %add3A_482 = arith.constant 1024 : i32
        %add3A_483 = arith.addi %add3A_482, %mul3A_54 : i32
        %get3A_484 = arith.index_cast %add3A_483 : i32 to index
        %get3A_485 = tpu.vector_load %arg14[%get3A_484] {strides = array<i32>} : memref<3328xf32, #tpu.memory_space<vmem>>, vector<16xf32>,
        %add3A_486 = arith.addf %add3A_479, %get3A_485 : vector<16xf32>
        %mul3A_487 = arith.mulf %get3A_485, %get3A_485 : vector<16xf32>
        %add3A_488 = arith.addf %add3A_481, %mul3A_487 : vector<16xf32>
        %add3A_489 = arith.constant 1152 : i32
        %add3A_490 = arith.addi %add3A_489, %mul3A_54 : i32
        %get3A_491 = arith.index_cast %add3A_490 : i32 to index
        %get3A_492 = tpu.vector_load %arg14[%get3A_491] {strides = array<i32>} : memref<3328xf32, #tpu.memory_space<vmem>>, vector<16xf32>,
        %add3A_493 = arith.addf %add3A_486, %get3A_492 : vector<16xf32>
        %mul3A_494 = arith.mulf %get3A_492, %get3A_492 : vector<16xf32>
        %add3A_495 = arith.addf %add3A_488, %mul3A_494 : vector<16xf32>
        %add3A_496 = arith.constant 1280 : i32
        %add3A_497 = arith.addi %add3A_496, %mul3A_54 : i32
        %get3A_498 = arith.index_cast %add3A_497 : i32 to index
        %get3A_499 = tpu.vector_load %arg14[%get3A_498] {strides = array<i32>} : memref<3328xf32, #tpu.memory_space<vmem>>, vector<16xf32>,
        %add3A_500 = arith.addf %add3A_493, %get3A_499 : vector<16xf32>
        %mul3A_501 = arith.mulf %get3A_499, %get3A_499 : vector<16xf32>
        %add3A_502 = arith.addf %add3A_495, %mul3A_501 : vector<16xf32>
        %add3A_503 = arith.constant 1408 : i32
        %add3A_504 = arith.addi %add3A_503, %mul3A_54 : i32
        %get3A_505 = arith.index_cast %add3A_504 : i32 to index
        %get3A_506 = tpu.vector_load %arg14[%get3A_505] {strides = array<i32>} : memref<3328xf32, #tpu.memory_space<vmem>>, vector<16xf32>,
        %add3A_507 = arith.addf %add3A_500, %get3A_506 : vector<16xf32>
        %mul3A_508 = arith.mulf %get3A_506, %get3A_506 : vector<16xf32>
        %add3A_509 = arith.addf %add3A_502, %mul3A_508 : vector<16xf32>
        %add3A_510 = arith.constant 1536 : i32
        %add3A_511 = arith.addi %add3A_510, %mul3A_54 : i32
        %get3A_512 = arith.index_cast %add3A_511 : i32 to index
        %get3A_513 = tpu.vector_load %arg14[%get3A_512] {strides = array<i32>} : memref<3328xf32, #tpu.memory_space<vmem>>, vector<16xf32>,
        %add3A_514 = arith.addf %add3A_507, %get3A_513 : vector<16xf32>
        %mul3A_515 = arith.mulf %get3A_513, %get3A_513 : vector<16xf32>
        %add3A_516 = arith.addf %add3A_509, %mul3A_515 : vector<16xf32>
        %add3A_517 = arith.constant 1664 : i32
        %add3A_518 = arith.addi %add3A_517, %mul3A_54 : i32
        %get3A_519 = arith.index_cast %add3A_518 : i32 to index
        %get3A_520 = tpu.vector_load %arg14[%get3A_519] {strides = array<i32>} : memref<3328xf32, #tpu.memory_space<vmem>>, vector<16xf32>,
        %add3A_521 = arith.addf %add3A_514, %get3A_520 : vector<16xf32>
        %mul3A_522 = arith.mulf %get3A_520, %get3A_520 : vector<16xf32>
        %add3A_523 = arith.addf %add3A_516, %mul3A_522 : vector<16xf32>
        %add3A_524 = arith.constant 1792 : i32
        %add3A_525 = arith.addi %add3A_524, %mul3A_54 : i32
        %get3A_526 = arith.index_cast %add3A_525 : i32 to index
        %get3A_527 = tpu.vector_load %arg14[%get3A_526] {strides = array<i32>} : memref<3328xf32, #tpu.memory_space<vmem>>, vector<16xf32>,
        %add3A_528 = arith.addf %add3A_521, %get3A_527 : vector<16xf32>
        %mul3A_529 = arith.mulf %get3A_527, %get3A_527 : vector<16xf32>
        %add3A_530 = arith.addf %add3A_523, %mul3A_529 : vector<16xf32>
        %add3A_531 = arith.constant 1920 : i32
        %add3A_532 = arith.addi %add3A_531, %mul3A_54 : i32
        %get3A_533 = arith.index_cast %add3A_532 : i32 to index
        %get3A_534 = tpu.vector_load %arg14[%get3A_533] {strides = array<i32>} : memref<3328xf32, #tpu.memory_space<vmem>>, vector<16xf32>,
        %add3A_535 = arith.addf %add3A_528, %get3A_534 : vector<16xf32>
        %mul3A_536 = arith.mulf %get3A_534, %get3A_534 : vector<16xf32>
        %add3A_537 = arith.addf %add3A_530, %mul3A_536 : vector<16xf32>
        %add3A_538 = arith.constant 2048 : i32
        %add3A_539 = arith.addi %add3A_538, %mul3A_54 : i32
        %get3A_540 = arith.index_cast %add3A_539 : i32 to index
        %get3A_541 = tpu.vector_load %arg14[%get3A_540] {strides = array<i32>} : memref<3328xf32, #tpu.memory_space<vmem>>, vector<16xf32>,
        %add3A_542 = arith.addf %add3A_535, %get3A_541 : vector<16xf32>
        %mul3A_543 = arith.mulf %get3A_541, %get3A_541 : vector<16xf32>
        %add3A_544 = arith.addf %add3A_537, %mul3A_543 : vector<16xf32>
        %add3A_545 = arith.constant 2176 : i32
        %add3A_546 = arith.addi %add3A_545, %mul3A_54 : i32
        %get3A_547 = arith.index_cast %add3A_546 : i32 to index
        %get3A_548 = tpu.vector_load %arg14[%get3A_547] {strides = array<i32>} : memref<3328xf32, #tpu.memory_space<vmem>>, vector<16xf32>,
        %add3A_549 = arith.addf %add3A_542, %get3A_548 : vector<16xf32>
        %mul3A_550 = arith.mulf %get3A_548, %get3A_548 : vector<16xf32>
        %add3A_551 = arith.addf %add3A_544, %mul3A_550 : vector<16xf32>
        %add3A_552 = arith.constant 2304 : i32
        %add3A_553 = arith.addi %add3A_552, %mul3A_54 : i32
        %get3A_554 = arith.index_cast %add3A_553 : i32 to index
        %get3A_555 = tpu.vector_load %arg14[%get3A_554] {strides = array<i32>} : memref<3328xf32, #tpu.memory_space<vmem>>, vector<16xf32>,
        %add3A_556 = arith.addf %add3A_549, %get3A_555 : vector<16xf32>
        %mul3A_557 = arith.mulf %get3A_555, %get3A_555 : vector<16xf32>
        %add3A_558 = arith.addf %add3A_551, %mul3A_557 : vector<16xf32>
        %add3A_559 = arith.constant 2432 : i32
        %add3A_560 = arith.addi %add3A_559, %mul3A_54 : i32
        %get3A_561 = arith.index_cast %add3A_560 : i32 to index
        %get3A_562 = tpu.vector_load %arg14[%get3A_561] {strides = array<i32>} : memref<3328xf32, #tpu.memory_space<vmem>>, vector<16xf32>,
        %add3A_563 = arith.addf %add3A_556, %get3A_562 : vector<16xf32>
        %mul3A_564 = arith.mulf %get3A_562, %get3A_562 : vector<16xf32>
        %add3A_565 = arith.addf %add3A_558, %mul3A_564 : vector<16xf32>
        %add3A_566 = arith.constant 2560 : i32
        %add3A_567 = arith.addi %add3A_566, %mul3A_54 : i32
        %get3A_568 = arith.index_cast %add3A_567 : i32 to index
        %get3A_569 = tpu.vector_load %arg14[%get3A_568] {strides = array<i32>} : memref<3328xf32, #tpu.memory_space<vmem>>, vector<16xf32>,
        %add3A_570 = arith.addf %add3A_563, %get3A_569 : vector<16xf32>
        %mul3A_571 = arith.mulf %get3A_569, %get3A_569 : vector<16xf32>
        %add3A_572 = arith.addf %add3A_565, %mul3A_571 : vector<16xf32>
        %add3A_573 = arith.constant 2688 : i32
        %add3A_574 = arith.addi %add3A_573, %mul3A_54 : i32
        %get3A_575 = arith.index_cast %add3A_574 : i32 to index
        %get3A_576 = tpu.vector_load %arg14[%get3A_575] {strides = array<i32>} : memref<3328xf32, #tpu.memory_space<vmem>>, vector<16xf32>,
        %add3A_577 = arith.addf %add3A_570, %get3A_576 : vector<16xf32>
        %mul3A_578 = arith.mulf %get3A_576, %get3A_576 : vector<16xf32>
        %add3A_579 = arith.addf %add3A_572, %mul3A_578 : vector<16xf32>
        %add3A_580 = arith.constant 2816 : i32
        %add3A_581 = arith.addi %add3A_580, %mul3A_54 : i32
        %get3A_582 = arith.index_cast %add3A_581 : i32 to index
        %get3A_583 = tpu.vector_load %arg14[%get3A_582] {strides = array<i32>} : memref<3328xf32, #tpu.memory_space<vmem>>, vector<16xf32>,
        %add3A_584 = arith.addf %add3A_577, %get3A_583 : vector<16xf32>
        %mul3A_585 = arith.mulf %get3A_583, %get3A_583 : vector<16xf32>
        %add3A_586 = arith.addf %add3A_579, %mul3A_585 : vector<16xf32>
        %add3A_587 = arith.constant 2944 : i32
        %add3A_588 = arith.addi %add3A_587, %mul3A_54 : i32
        %get3A_589 = arith.index_cast %add3A_588 : i32 to index
        %get3A_590 = tpu.vector_load %arg14[%get3A_589] {strides = array<i32>} : memref<3328xf32, #tpu.memory_space<vmem>>, vector<16xf32>,
        %add3A_591 = arith.addf %add3A_584, %get3A_590 : vector<16xf32>
        %mul3A_592 = arith.mulf %get3A_590, %get3A_590 : vector<16xf32>
        %add3A_593 = arith.addf %add3A_586, %mul3A_592 : vector<16xf32>
        %add3A_594 = arith.constant 3072 : i32
        %add3A_595 = arith.addi %add3A_594, %mul3A_54 : i32
        %get3A_596 = arith.index_cast %add3A_595 : i32 to index
        %get3A_597 = tpu.vector_load %arg14[%get3A_596] {strides = array<i32>} : memref<3328xf32, #tpu.memory_space<vmem>>, vector<16xf32>,
        %add3A_598 = arith.addf %add3A_591, %get3A_597 : vector<16xf32>
        %mul3A_599 = arith.mulf %get3A_597, %get3A_597 : vector<16xf32>
        %add3A_600 = arith.addf %add3A_593, %mul3A_599 : vector<16xf32>
        %add3A_601 = arith.constant 3200 : i32
        %add3A_602 = arith.addi %add3A_601, %mul3A_54 : i32
        %get3A_603 = arith.index_cast %add3A_602 : i32 to index
        %get3A_604 = tpu.vector_load %arg14[%get3A_603] {strides = array<i32>} : memref<3328xf32, #tpu.memory_space<vmem>>, vector<16xf32>,
        %add3A_605 = arith.addf %add3A_598, %get3A_604 : vector<16xf32>
        %mul3A_606 = arith.mulf %get3A_604, %get3A_604 : vector<16xf32>
        %add3A_607 = arith.addf %add3A_600, %mul3A_606 : vector<16xf32>
        %mul3A_608 = arith.mulf %add3A_605, %add3A_605 : vector<16xf32>
        %sub3A_609 = arith.subf %mul3A_608, %add3A_607 : vector<16xf32>
        %mul3A_610 = arith.constant 5.000000e-01 : f32
        %mul3A_611 = vector.broadcast %mul3A_610 : f32 to vector<16xf32>
        %mul3A_612 = arith.mulf %mul3A_611, %sub3A_609 : vector<16xf32>
        %add3A_613 = arith.addf %add3A_427, %mul3A_612 : vector<16xf32>
        %add3A_614 = arith.constant 0 : i32
        %add3A_615 = arith.addi %add3A_614, %mul3A_54 : i32
        %get3A_616 = arith.index_cast %add3A_615 : i32 to index
        %get3A_617 = tpu.vector_load %arg15[%get3A_616] {strides = array<i32>} : memref<3328xf32, #tpu.memory_space<vmem>>, vector<16xf32>,
        %mul3A_618 = arith.mulf %get3A_617, %get3A_617 : vector<16xf32>
        %add3A_619 = arith.constant 128 : i32
        %add3A_620 = arith.addi %add3A_619, %mul3A_54 : i32
        %get3A_621 = arith.index_cast %add3A_620 : i32 to index
        %get3A_622 = tpu.vector_load %arg15[%get3A_621] {strides = array<i32>} : memref<3328xf32, #tpu.memory_space<vmem>>, vector<16xf32>,
        %add3A_623 = arith.addf %get3A_617, %get3A_622 : vector<16xf32>
        %mul3A_624 = arith.mulf %get3A_622, %get3A_622 : vector<16xf32>
        %add3A_625 = arith.addf %mul3A_618, %mul3A_624 : vector<16xf32>
        %add3A_626 = arith.constant 256 : i32
        %add3A_627 = arith.addi %add3A_626, %mul3A_54 : i32
        %get3A_628 = arith.index_cast %add3A_627 : i32 to index
        %get3A_629 = tpu.vector_load %arg15[%get3A_628] {strides = array<i32>} : memref<3328xf32, #tpu.memory_space<vmem>>, vector<16xf32>,
        %add3A_630 = arith.addf %add3A_623, %get3A_629 : vector<16xf32>
        %mul3A_631 = arith.mulf %get3A_629, %get3A_629 : vector<16xf32>
        %add3A_632 = arith.addf %add3A_625, %mul3A_631 : vector<16xf32>
        %add3A_633 = arith.constant 384 : i32
        %add3A_634 = arith.addi %add3A_633, %mul3A_54 : i32
        %get3A_635 = arith.index_cast %add3A_634 : i32 to index
        %get3A_636 = tpu.vector_load %arg15[%get3A_635] {strides = array<i32>} : memref<3328xf32, #tpu.memory_space<vmem>>, vector<16xf32>,
        %add3A_637 = arith.addf %add3A_630, %get3A_636 : vector<16xf32>
        %mul3A_638 = arith.mulf %get3A_636, %get3A_636 : vector<16xf32>
        %add3A_639 = arith.addf %add3A_632, %mul3A_638 : vector<16xf32>
        %add3A_640 = arith.constant 512 : i32
        %add3A_641 = arith.addi %add3A_640, %mul3A_54 : i32
        %get3A_642 = arith.index_cast %add3A_641 : i32 to index
        %get3A_643 = tpu.vector_load %arg15[%get3A_642] {strides = array<i32>} : memref<3328xf32, #tpu.memory_space<vmem>>, vector<16xf32>,
        %add3A_644 = arith.addf %add3A_637, %get3A_643 : vector<16xf32>
        %mul3A_645 = arith.mulf %get3A_643, %get3A_643 : vector<16xf32>
        %add3A_646 = arith.addf %add3A_639, %mul3A_645 : vector<16xf32>
        %add3A_647 = arith.constant 640 : i32
        %add3A_648 = arith.addi %add3A_647, %mul3A_54 : i32
        %get3A_649 = arith.index_cast %add3A_648 : i32 to index
        %get3A_650 = tpu.vector_load %arg15[%get3A_649] {strides = array<i32>} : memref<3328xf32, #tpu.memory_space<vmem>>, vector<16xf32>,
        %add3A_651 = arith.addf %add3A_644, %get3A_650 : vector<16xf32>
        %mul3A_652 = arith.mulf %get3A_650, %get3A_650 : vector<16xf32>
        %add3A_653 = arith.addf %add3A_646, %mul3A_652 : vector<16xf32>
        %add3A_654 = arith.constant 768 : i32
        %add3A_655 = arith.addi %add3A_654, %mul3A_54 : i32
        %get3A_656 = arith.index_cast %add3A_655 : i32 to index
        %get3A_657 = tpu.vector_load %arg15[%get3A_656] {strides = array<i32>} : memref<3328xf32, #tpu.memory_space<vmem>>, vector<16xf32>,
        %add3A_658 = arith.addf %add3A_651, %get3A_657 : vector<16xf32>
        %mul3A_659 = arith.mulf %get3A_657, %get3A_657 : vector<16xf32>
        %add3A_660 = arith.addf %add3A_653, %mul3A_659 : vector<16xf32>
        %add3A_661 = arith.constant 896 : i32
        %add3A_662 = arith.addi %add3A_661, %mul3A_54 : i32
        %get3A_663 = arith.index_cast %add3A_662 : i32 to index
        %get3A_664 = tpu.vector_load %arg15[%get3A_663] {strides = array<i32>} : memref<3328xf32, #tpu.memory_space<vmem>>, vector<16xf32>,
        %add3A_665 = arith.addf %add3A_658, %get3A_664 : vector<16xf32>
        %mul3A_666 = arith.mulf %get3A_664, %get3A_664 : vector<16xf32>
        %add3A_667 = arith.addf %add3A_660, %mul3A_666 : vector<16xf32>
        %add3A_668 = arith.constant 1024 : i32
        %add3A_669 = arith.addi %add3A_668, %mul3A_54 : i32
        %get3A_670 = arith.index_cast %add3A_669 : i32 to index
        %get3A_671 = tpu.vector_load %arg15[%get3A_670] {strides = array<i32>} : memref<3328xf32, #tpu.memory_space<vmem>>, vector<16xf32>,
        %add3A_672 = arith.addf %add3A_665, %get3A_671 : vector<16xf32>
        %mul3A_673 = arith.mulf %get3A_671, %get3A_671 : vector<16xf32>
        %add3A_674 = arith.addf %add3A_667, %mul3A_673 : vector<16xf32>
        %add3A_675 = arith.constant 1152 : i32
        %add3A_676 = arith.addi %add3A_675, %mul3A_54 : i32
        %get3A_677 = arith.index_cast %add3A_676 : i32 to index
        %get3A_678 = tpu.vector_load %arg15[%get3A_677] {strides = array<i32>} : memref<3328xf32, #tpu.memory_space<vmem>>, vector<16xf32>,
        %add3A_679 = arith.addf %add3A_672, %get3A_678 : vector<16xf32>
        %mul3A_680 = arith.mulf %get3A_678, %get3A_678 : vector<16xf32>
        %add3A_681 = arith.addf %add3A_674, %mul3A_680 : vector<16xf32>
        %add3A_682 = arith.constant 1280 : i32
        %add3A_683 = arith.addi %add3A_682, %mul3A_54 : i32
        %get3A_684 = arith.index_cast %add3A_683 : i32 to index
        %get3A_685 = tpu.vector_load %arg15[%get3A_684] {strides = array<i32>} : memref<3328xf32, #tpu.memory_space<vmem>>, vector<16xf32>,
        %add3A_686 = arith.addf %add3A_679, %get3A_685 : vector<16xf32>
        %mul3A_687 = arith.mulf %get3A_685, %get3A_685 : vector<16xf32>
        %add3A_688 = arith.addf %add3A_681, %mul3A_687 : vector<16xf32>
        %add3A_689 = arith.constant 1408 : i32
        %add3A_690 = arith.addi %add3A_689, %mul3A_54 : i32
        %get3A_691 = arith.index_cast %add3A_690 : i32 to index
        %get3A_692 = tpu.vector_load %arg15[%get3A_691] {strides = array<i32>} : memref<3328xf32, #tpu.memory_space<vmem>>, vector<16xf32>,
        %add3A_693 = arith.addf %add3A_686, %get3A_692 : vector<16xf32>
        %mul3A_694 = arith.mulf %get3A_692, %get3A_692 : vector<16xf32>
        %add3A_695 = arith.addf %add3A_688, %mul3A_694 : vector<16xf32>
        %add3A_696 = arith.constant 1536 : i32
        %add3A_697 = arith.addi %add3A_696, %mul3A_54 : i32
        %get3A_698 = arith.index_cast %add3A_697 : i32 to index
        %get3A_699 = tpu.vector_load %arg15[%get3A_698] {strides = array<i32>} : memref<3328xf32, #tpu.memory_space<vmem>>, vector<16xf32>,
        %add3A_700 = arith.addf %add3A_693, %get3A_699 : vector<16xf32>
        %mul3A_701 = arith.mulf %get3A_699, %get3A_699 : vector<16xf32>
        %add3A_702 = arith.addf %add3A_695, %mul3A_701 : vector<16xf32>
        %add3A_703 = arith.constant 1664 : i32
        %add3A_704 = arith.addi %add3A_703, %mul3A_54 : i32
        %get3A_705 = arith.index_cast %add3A_704 : i32 to index
        %get3A_706 = tpu.vector_load %arg15[%get3A_705] {strides = array<i32>} : memref<3328xf32, #tpu.memory_space<vmem>>, vector<16xf32>,
        %add3A_707 = arith.addf %add3A_700, %get3A_706 : vector<16xf32>
        %mul3A_708 = arith.mulf %get3A_706, %get3A_706 : vector<16xf32>
        %add3A_709 = arith.addf %add3A_702, %mul3A_708 : vector<16xf32>
        %add3A_710 = arith.constant 1792 : i32
        %add3A_711 = arith.addi %add3A_710, %mul3A_54 : i32
        %get3A_712 = arith.index_cast %add3A_711 : i32 to index
        %get3A_713 = tpu.vector_load %arg15[%get3A_712] {strides = array<i32>} : memref<3328xf32, #tpu.memory_space<vmem>>, vector<16xf32>,
        %add3A_714 = arith.addf %add3A_707, %get3A_713 : vector<16xf32>
        %mul3A_715 = arith.mulf %get3A_713, %get3A_713 : vector<16xf32>
        %add3A_716 = arith.addf %add3A_709, %mul3A_715 : vector<16xf32>
        %add3A_717 = arith.constant 1920 : i32
        %add3A_718 = arith.addi %add3A_717, %mul3A_54 : i32
        %get3A_719 = arith.index_cast %add3A_718 : i32 to index
        %get3A_720 = tpu.vector_load %arg15[%get3A_719] {strides = array<i32>} : memref<3328xf32, #tpu.memory_space<vmem>>, vector<16xf32>,
        %add3A_721 = arith.addf %add3A_714, %get3A_720 : vector<16xf32>
        %mul3A_722 = arith.mulf %get3A_720, %get3A_720 : vector<16xf32>
        %add3A_723 = arith.addf %add3A_716, %mul3A_722 : vector<16xf32>
        %add3A_724 = arith.constant 2048 : i32
        %add3A_725 = arith.addi %add3A_724, %mul3A_54 : i32
        %get3A_726 = arith.index_cast %add3A_725 : i32 to index
        %get3A_727 = tpu.vector_load %arg15[%get3A_726] {strides = array<i32>} : memref<3328xf32, #tpu.memory_space<vmem>>, vector<16xf32>,
        %add3A_728 = arith.addf %add3A_721, %get3A_727 : vector<16xf32>
        %mul3A_729 = arith.mulf %get3A_727, %get3A_727 : vector<16xf32>
        %add3A_730 = arith.addf %add3A_723, %mul3A_729 : vector<16xf32>
        %add3A_731 = arith.constant 2176 : i32
        %add3A_732 = arith.addi %add3A_731, %mul3A_54 : i32
        %get3A_733 = arith.index_cast %add3A_732 : i32 to index
        %get3A_734 = tpu.vector_load %arg15[%get3A_733] {strides = array<i32>} : memref<3328xf32, #tpu.memory_space<vmem>>, vector<16xf32>,
        %add3A_735 = arith.addf %add3A_728, %get3A_734 : vector<16xf32>
        %mul3A_736 = arith.mulf %get3A_734, %get3A_734 : vector<16xf32>
        %add3A_737 = arith.addf %add3A_730, %mul3A_736 : vector<16xf32>
        %add3A_738 = arith.constant 2304 : i32
        %add3A_739 = arith.addi %add3A_738, %mul3A_54 : i32
        %get3A_740 = arith.index_cast %add3A_739 : i32 to index
        %get3A_741 = tpu.vector_load %arg15[%get3A_740] {strides = array<i32>} : memref<3328xf32, #tpu.memory_space<vmem>>, vector<16xf32>,
        %add3A_742 = arith.addf %add3A_735, %get3A_741 : vector<16xf32>
        %mul3A_743 = arith.mulf %get3A_741, %get3A_741 : vector<16xf32>
        %add3A_744 = arith.addf %add3A_737, %mul3A_743 : vector<16xf32>
        %add3A_745 = arith.constant 2432 : i32
        %add3A_746 = arith.addi %add3A_745, %mul3A_54 : i32
        %get3A_747 = arith.index_cast %add3A_746 : i32 to index
        %get3A_748 = tpu.vector_load %arg15[%get3A_747] {strides = array<i32>} : memref<3328xf32, #tpu.memory_space<vmem>>, vector<16xf32>,
        %add3A_749 = arith.addf %add3A_742, %get3A_748 : vector<16xf32>
        %mul3A_750 = arith.mulf %get3A_748, %get3A_748 : vector<16xf32>
        %add3A_751 = arith.addf %add3A_744, %mul3A_750 : vector<16xf32>
        %add3A_752 = arith.constant 2560 : i32
        %add3A_753 = arith.addi %add3A_752, %mul3A_54 : i32
        %get3A_754 = arith.index_cast %add3A_753 : i32 to index
        %get3A_755 = tpu.vector_load %arg15[%get3A_754] {strides = array<i32>} : memref<3328xf32, #tpu.memory_space<vmem>>, vector<16xf32>,
        %add3A_756 = arith.addf %add3A_749, %get3A_755 : vector<16xf32>
        %mul3A_757 = arith.mulf %get3A_755, %get3A_755 : vector<16xf32>
        %add3A_758 = arith.addf %add3A_751, %mul3A_757 : vector<16xf32>
        %add3A_759 = arith.constant 2688 : i32
        %add3A_760 = arith.addi %add3A_759, %mul3A_54 : i32
        %get3A_761 = arith.index_cast %add3A_760 : i32 to index
        %get3A_762 = tpu.vector_load %arg15[%get3A_761] {strides = array<i32>} : memref<3328xf32, #tpu.memory_space<vmem>>, vector<16xf32>,
        %add3A_763 = arith.addf %add3A_756, %get3A_762 : vector<16xf32>
        %mul3A_764 = arith.mulf %get3A_762, %get3A_762 : vector<16xf32>
        %add3A_765 = arith.addf %add3A_758, %mul3A_764 : vector<16xf32>
        %add3A_766 = arith.constant 2816 : i32
        %add3A_767 = arith.addi %add3A_766, %mul3A_54 : i32
        %get3A_768 = arith.index_cast %add3A_767 : i32 to index
        %get3A_769 = tpu.vector_load %arg15[%get3A_768] {strides = array<i32>} : memref<3328xf32, #tpu.memory_space<vmem>>, vector<16xf32>,
        %add3A_770 = arith.addf %add3A_763, %get3A_769 : vector<16xf32>
        %mul3A_771 = arith.mulf %get3A_769, %get3A_769 : vector<16xf32>
        %add3A_772 = arith.addf %add3A_765, %mul3A_771 : vector<16xf32>
        %add3A_773 = arith.constant 2944 : i32
        %add3A_774 = arith.addi %add3A_773, %mul3A_54 : i32
        %get3A_775 = arith.index_cast %add3A_774 : i32 to index
        %get3A_776 = tpu.vector_load %arg15[%get3A_775] {strides = array<i32>} : memref<3328xf32, #tpu.memory_space<vmem>>, vector<16xf32>,
        %add3A_777 = arith.addf %add3A_770, %get3A_776 : vector<16xf32>
        %mul3A_778 = arith.mulf %get3A_776, %get3A_776 : vector<16xf32>
        %add3A_779 = arith.addf %add3A_772, %mul3A_778 : vector<16xf32>
        %add3A_780 = arith.constant 3072 : i32
        %add3A_781 = arith.addi %add3A_780, %mul3A_54 : i32
        %get3A_782 = arith.index_cast %add3A_781 : i32 to index
        %get3A_783 = tpu.vector_load %arg15[%get3A_782] {strides = array<i32>} : memref<3328xf32, #tpu.memory_space<vmem>>, vector<16xf32>,
        %add3A_784 = arith.addf %add3A_777, %get3A_783 : vector<16xf32>
        %mul3A_785 = arith.mulf %get3A_783, %get3A_783 : vector<16xf32>
        %add3A_786 = arith.addf %add3A_779, %mul3A_785 : vector<16xf32>
        %add3A_787 = arith.constant 3200 : i32
        %add3A_788 = arith.addi %add3A_787, %mul3A_54 : i32
        %get3A_789 = arith.index_cast %add3A_788 : i32 to index
        %get3A_790 = tpu.vector_load %arg15[%get3A_789] {strides = array<i32>} : memref<3328xf32, #tpu.memory_space<vmem>>, vector<16xf32>,
        %add3A_791 = arith.addf %add3A_784, %get3A_790 : vector<16xf32>
        %mul3A_792 = arith.mulf %get3A_790, %get3A_790 : vector<16xf32>
        %add3A_793 = arith.addf %add3A_786, %mul3A_792 : vector<16xf32>
        %mul3A_794 = arith.mulf %add3A_791, %add3A_791 : vector<16xf32>
        %sub3A_795 = arith.subf %mul3A_794, %add3A_793 : vector<16xf32>
        %mul3A_796 = arith.constant 5.000000e-01 : f32
        %mul3A_797 = vector.broadcast %mul3A_796 : f32 to vector<16xf32>
        %mul3A_798 = arith.mulf %mul3A_797, %sub3A_795 : vector<16xf32>
        %add3A_799 = arith.addf %add3A_613, %mul3A_798 : vector<16xf32>
        %mul3A_800 = arith.constant 128 : i32
        %mul3A_801 = arith.muli %scan3A_10, %mul3A_800 : i32
        %add3A_802 = arith.addi %mul3A_801, %mul3A_54 : i32
        %swap3A = arith.index_cast %add3A_802 : i32 to index
        %swap3A_803 = tpu.vector_load %arg17[%swap3A] {strides = array<i32>} : memref<512xf32, #tpu.memory_space<vmem>>, vector<16xf32>,
        tpu.vector_store %arg17[%swap3A], %add3A_799 {strides = array<i32>} : memref<512xf32, #tpu.memory_space<vmem>>, vector<16xf32>,
        %scan3A_804 = arith.constant 0 : i32
        scf.yield %scan3A_804 : i32
      }
      %scan3A_49 = arith.constant 8 : i32
      %scan3A_50 = arith.constant 0 : i32
      scf.yield %scan3A_50 : i32
    }
    %scan3A_7 = arith.constant 4 : i32
    %mul3A_8 = arith.constant 512 : i32
    %mul3A_9 = arith.muli %add3A, %mul3A_8 : i32
    "tpu.region"() ({
      %run_scoped3A = tpu.sem_alloc : memref<!tpu.dma_semaphore, #tpu.memory_space<semaphore_mem>>
      %dma_start3A = tpu.memref_slice %arg9[%mul3A_9] : memref<16384xf32, #tpu.memory_space<hbm>> -> memref<512xf32, #tpu.memory_space<hbm>>
      %dma_start3A_10 = tpu.memref_slice %arg9[%mul3A_9] : memref<16384xf32, #tpu.memory_space<hbm>> -> memref<512xf32, #tpu.memory_space<hbm>>
      tpu.enqueue_dma source(%arg17 : memref<512xf32, #tpu.memory_space<vmem>>) target(%dma_start3A_10 : memref<512xf32, #tpu.memory_space<hbm>>) target_semaphore(%run_scoped3A : memref<!tpu.dma_semaphore, #tpu.memory_space<semaphore_mem>>)
      %dma_wait3A = tpu.memref_slice %arg9[%mul3A_9] : memref<16384xf32, #tpu.memory_space<hbm>> -> memref<512xf32, #tpu.memory_space<hbm>>
      %dma_wait3A_11 = tpu.memref_slice %arg9[%mul3A_9] : memref<16384xf32, #tpu.memory_space<hbm>> -> memref<512xf32, #tpu.memory_space<hbm>>
      tpu.wait_dma2 semaphore(%run_scoped3A : memref<!tpu.dma_semaphore, #tpu.memory_space<semaphore_mem>>) src(%arg17 : memref<512xf32, #tpu.memory_space<vmem>>) dst(%dma_wait3A_11 : memref<512xf32, #tpu.memory_space<hbm>>)
      tpu.yield
    }) : () -> ()
    return
  }
}

</mosaic_0001>

<sc_bundles>
// kernel: kernel.12.cloned.1.call-start
scs
__scs_entry_jumppad:
0x0: {  	(pc) =	sbr.rel $0x88, $3  }
0x1: {  	(tag) =	ssettag $0x0;
	lr =	simm.s32 $0x1  }
0x2: {  	[smem:$0x3F9D] =	sst lr;
	_ =	strace $0xD0000000  }
0x3: {  	_ = 	snop  }
0x4: {  	_ = 	snop  }
0x5: {  	_ = 	snop  }
0x6: {  	_ = 	snop  }
0x7: {  	_ = 	snop  }
__scs_overlays_trampoline_lowered:
0x8: {  	[smem:$0x3FAC] =	sst s0  }
0x9: {  	[smem:$0x3FAD] =	sst s1  }
0xa: {  	[smem:$0x3FAE] =	sst s2  }
0xb: {  	[smem:$0x3FAF] =	sst s3  }
0xc: {  	[smem:$0x3FB0] =	sst s4  }
0xd: {  	[smem:$0x3FB1] =	sst s5  }
0xe: {  	[smem:$0x3FB2] =	sst s6  }
0xf: {  	[smem:$0x3FB3] =	sst s7  }
0x10: {  	[smem:$0x3FB4] =	sst s8  }
0x11: {  	[smem:$0x3FB5] =	sst s9;
	s0 =	simm.s32 @!p0 $0x0  }
0x12: {  	s1 =	sld [smem:$0x3F9B];
	s0 =	simm.s32 @p0 $0x1  }
0x13: {  	[smem:$0x3FB6] =	sst s0;
	s0 =	simm.s32 @!p1 $0x0  }
0x14: {  	s2 =	sld [smem:$0x3F9A];
	s0 =	simm.s32 @p1 $0x1  }
0x15: {  	[smem:$0x3FB7] =	sst s0;
	s0 =	simm.s32 @!p2 $0x0  }
0x16: {  	s3 =	sld [smem:$0x3FDB];
	s0 =	simm.s32 @p2 $0x1  }
0x17: {  	s4 =	simm.s32 $0x1BF5;
	[smem:$0x3FB9] =	sst s0  }
0x18: {  	s0 =	sld [smem:$0x3F9C];
	_ =	swait.ge [sflag:s4], $0x0  }
0x19: {  	s7 =	sld [smem:$0x3F9D]  }
0x1a: {  	s8 =	sadd.s32 $0xFFFFE003, lr  }
0x1b: {  	s9 =	sadd.s32 $0xFFFFFEF7, lr;
	s5 =	simm.s32 $0xFFFFFFFF;
	p2 =	slt.u32 s8, $0xFFFFF086  }
0x1c: {  	p1 =	slt.u32 s9, $0xF7A;
	s5 =	simm.s32 @!p2 $0x0  }
0x1d: {  	s5 =	simm.s32 @p1 $0x1;
	p0 =	seq.s32 s7, s2  }
0x1e: {  	s7 =	smul.u32 @!p0 $0xF7A, s2;
	p2 =	seq.s32 @!p0 s5, $0x0  }
0x1f: {  	s9 =	smul.u32 $0xF7A, s1;
	s8 =	simm.s32 @!p0 $0x1BF5;
	p2 =	por !p2, p0  }
0x20: {  	[sflag:s8] =	ssyncset.s32 @!p0 $0xFFFFF086;
	s6 =	sadd.s32 @!p0 s3, s7;
	s7 =	simm.s32 @!p0 $0x108  }
0x21: {  	s3 =	sadd.s32 s3, s9;
	s6 =	sadd.s32 @!p0 $0x88, s6;
	s7 =	simm.s32 @p2 $0x1082  }
0x22: {  	[simem:s7], [sflag:s8] =	dma.local @!p0 [hbm:s6], $0xF7A  }
0x23: {  	s9 =	sor.u32 $0xD0000000, s2;
	s6 =	simm.s32 $0x108;
	_ =	swait.ge @!p0 [sflag:s8], $0x0  }
0x24: {  	s3 =	sadd.s32 $0x88, s3;
	s6 =	simm.s32 @!p1 $0x1082;
	[sflag:s4] =	ssyncset.s32 $0xFFFFF086  }
0x25: {  	[simem:s6], [sflag:s4] =	dma.local [hbm:s3], $0xF7A  }
0x26: {  	[smem:$0x3F9D] =	sst s1;
	(tag) =	ssettag s2;
	_ =	strace s9  }
0x27: {  	s1 =	sld [smem:$0x3FAD]  }
0x28: {  	s2 =	sld [smem:$0x3FAE]  }
0x29: {  	s4 =	sld [smem:$0x3FB0]  }
0x2a: {  	p0 =	seq.s32 s5, $0x0;
	s5 =	sld [smem:$0x3FB1]  }
0x2b: {  	s6 =	sld [smem:$0x3FB2]  }
0x2c: {  	s7 =	sld [smem:$0x3FB3]  }
0x2d: {  	s3 =	simm.s32 $0x108;
	s8 =	sld [smem:$0x3FB4]  }
0x2e: {  	s3 =	simm.s32 @!p0 $0x1082;
	s9 =	sld [smem:$0x3FB5]  }
0x2f: {  	lr =	sadd.s32 s0, s3;
	s0 =	sld [smem:$0x3FAC]  }
0x30: {  	s3 =	sld [smem:$0x3FAF]  }
0x31: {  	[smem:$0x3FB8] =	sst s10  }
0x32: {  	s10 =	sld [smem:$0x3FB6];
	_ =	sdelay $0x3  }
0x33: {  	p0 =	seq.s32 s10, $0x1;
	s10 =	sld [smem:$0x3FB8];
	_ =	sdelay $0x3  }
0x34: {  	[smem:$0x3FB8] =	sst s10  }
0x35: {  	s10 =	sld [smem:$0x3FB7];
	_ =	sdelay $0x3  }
0x36: {  	p1 =	seq.s32 s10, $0x1;
	s10 =	sld [smem:$0x3FB8];
	_ =	sdelay $0x3  }
0x37: {  	[smem:$0x3FB8] =	sst s10  }
0x38: {  	s10 =	sld [smem:$0x3FB9]  }
0x39: {  	_ = 	snop;
	(pc) =	sbr.ind lr, $3  }
0x3a: {  	_ = 	snop  }
0x3b: {  	_ = 	snop  }
0x3c: {  	p2 =	seq.s32 s10, $0x1;
	s10 =	sld [smem:$0x3FB8]  }
0x3d: {  	_ =	shalt  }
0x3e: {  	_ =	shalt  }
0x3f: {  	_ =	shalt  }
0x40: {  	_ =	shalt  }
0x41: {  	_ =	shalt  }
0x42: {  	_ =	shalt  }
0x43: {  	_ =	shalt  }
0x44: {  	_ =	shalt  }
0x45: {  	_ =	shalt  }
0x46: {  	_ =	shalt  }
0x47: {  	_ =	shalt  }
0x48: {  	_ =	shalt  }
0x49: {  	_ =	shalt  }
0x4a: {  	_ =	shalt  }
0x4b: {  	_ =	shalt  }
0x4c: {  	_ =	shalt  }
0x4d: {  	_ =	shalt  }
0x4e: {  	_ =	shalt  }
0x4f: {  	_ =	shalt  }
0x50: {  	_ =	shalt  }
0x51: {  	_ =	shalt  }
0x52: {  	_ =	shalt  }
0x53: {  	_ =	shalt  }
0x54: {  	_ =	shalt  }
0x55: {  	_ =	shalt  }
0x56: {  	_ =	shalt  }
0x57: {  	_ =	shalt  }
0x58: {  	_ =	shalt  }
0x59: {  	_ =	shalt  }
0x5a: {  	_ =	shalt  }
0x5b: {  	_ =	shalt  }
0x5c: {  	_ =	shalt  }
0x5d: {  	_ =	shalt  }
0x5e: {  	_ =	shalt  }
0x5f: {  	_ =	shalt  }
0x60: {  	_ =	shalt  }
0x61: {  	_ =	shalt  }
0x62: {  	_ =	shalt  }
0x63: {  	_ =	shalt  }
0x64: {  	_ =	shalt  }
0x65: {  	_ =	shalt  }
0x66: {  	_ =	shalt  }
0x67: {  	_ =	shalt  }
0x68: {  	_ =	shalt  }
0x69: {  	_ =	shalt  }
0x6a: {  	_ =	shalt  }
0x6b: {  	_ =	shalt  }
0x6c: {  	_ =	shalt  }
0x6d: {  	_ =	shalt  }
0x6e: {  	_ =	shalt  }
0x6f: {  	_ =	shalt  }
0x70: {  	_ =	shalt  }
0x71: {  	_ =	shalt  }
0x72: {  	_ =	shalt  }
0x73: {  	_ =	shalt  }
0x74: {  	_ =	shalt  }
0x75: {  	_ =	shalt  }
0x76: {  	_ =	shalt  }
0x77: {  	_ =	shalt  }
0x78: {  	_ =	shalt  }
0x79: {  	_ =	shalt  }
0x7a: {  	_ =	shalt  }
0x7b: {  	_ =	shalt  }
0x7c: {  	_ =	shalt  }
0x7d: {  	_ =	shalt  }
0x7e: {  	_ =	shalt  }
0x7f: {  	_ =	shalt  }
0x80: {  	_ =	shalt  }
0x81: {  	_ =	shalt  }
0x82: {  	_ =	shalt  }
0x83: {  	_ =	shalt  }
0x84: {  	_ =	shalt  }
0x85: {  	_ =	shalt  }
0x86: {  	_ =	shalt  }
0x87: {  	_ =	shalt  }
.Lfunc_end0:
.L_simem_size_0:
called_computation.2_lowered:
.L_overlay_start_0:
0x88: {  	s2 =	sld [smem:$0x3FD9]  }
0x89: {  	s3 =	sld [smem:$0x3FFE];
	_ =	sdelay $0x1  }
0x8a: {  	s1 =	srdreg.scid  }
0x8b: {  	s0 =	sand.u32 $0x1, s1  }
0x8c: {  	s17 =	sshll.u32 s0, $0xA;
	s2 =	sadd.s32 s3, s2  }
0x8d: {  	s2 =	sadd.s32 s2, s17  }
0x8e: {  	[smem:$0x3FC4] =	sst s2  }
0x8f: {  	_ = 	snop  }
0x90: {  	s2 =	sld [smem:$0x3FD0];
	(tm) =	ssettm $0x1  }
0x91: {  	s18 =	sld [smem:$0x3FFB];
	_ =	sdelay $0x3  }
0x92: {  	_ =	strace s18  }
0x93: {  	s3 =	sld [smem:$0x3FFC];
	_ =	sdelay $0x3  }
0x94: {  	_ =	strace s3  }
0x95: {  	s3 =	sld [smem:$0x3FFD];
	_ =	sdelay $0x3  }
0x96: {  	_ =	strace s3  }
0x97: {  	_ =	strace $0x8FFFFFFF  }
0x98: {  	s19 =	sld [smem:$0x3FDB];
	_ =	sdelay $0x1  }
0x99: {  	s4 =	simm.s32 $_scs_section_size  }
0x9a: {  	s5 =	simm.s32 $_size__tile_overlayer_lowered;
	s6 =	simm.s32 $_tile_overlayer_lowered  }
0x9b: {  	s22 =	simm.s32 $0x1BFF;
	s21 =	sshll.u32 s6, $0x1;
	s3 =	sadd.s32 s4, s19  }
0x9c: {  	s7 =	simm.s32 $0x0;
	s20 =	sshll.u32 s5, $0x1;
	s5 =	sadd.s32 s21, s3  }
0x9d: {  	[timem:s7], [sflag:s22] =	dma.local [hbm:s5], s20  }
0x9e: {  	_ =	swait.ge [sflag:s22], s20  }
0x9f: {  	s4 =	ssub.s32 $0x0, s20;
	[sflag:s22] =	ssyncset.done $0x0  }
0xa0: {  	[sflag:s22] =	ssyncadd.s32 s4;
	_ =	sdelay $0x1  }
0xa1: {  	s23 =	simm.s32 $0x1B8B  }
0xa2: {  	_ =	swait.ge [sflag:s23], $0x1  }
0xa3: {  	[sflag:s23] =	ssyncset.done $0x0  }
0xa4: {  	s25 =	simm.s32 $0x1B8E;
	s24 =	sld [smem:$0x3FFE];
	[sflag:s23] =	ssyncadd.s32 $0xFFFFFFFF  }
0xa5: {  	s26 =	simm.s32 $execute0_lowered;
	[smem:$0x3FD2] =	sst s25  }
0xa6: {  	s5 =	sshll.u32 s26, $0x1;
	_ =	strace $0x8000004C;
	[dreg:$0x1] =	wrdreg $0xFFFFFFFF  }
0xa7: {  	s28 =	simm.s32 $_size_execute0_lowered;
	s3 =	sadd.s32 s3, s5;
	[dreg:$0x0] =	wrdreg $0x0  }
0xa8: {  	s5 =	sshll.u32 s28, $0x1;
	[dreg:$0x2] =	wrdreg s3  }
0xa9: {  	[dreg:$0x3] =	wrdreg s5  }
0xaa: {  	[dreg:$0x4] =	wrdreg $0xC0  }
0xab: {  	_ =	task [dreg:s7], $0x5FFFF  }
0xac: {  	[dreg:$0x1] =	wrdreg $0xFFFFFFFF  }
0xad: {  	[dreg:$0x0] =	wrdreg $0x60  }
0xae: {  	[dreg:$0x2] =	wrdreg s24  }
0xaf: {  	[dreg:$0x3] =	wrdreg s2  }
0xb0: {  	[dreg:$0x4] =	wrdreg $0x9  }
0xb1: {  	_ =	task.clear_ibuf [dreg:s7], $0x5FFFF;
	_ =	strace $0x9000004C  }
0xb2: {  	s29 =	simm.s32 $0x9;
	_ =	strace $0x8000004E  }
0xb3: {  	_ =	swait.ge [sflag:s29], $0x1  }
0xb4: {  	[sflag:s29] =	ssyncadd.s32 $0xFFFFFFFF  }
0xb5: {  	_ =	strace $0x9000004E  }
0xb6: {  	_ =	sfence  }
0xb7: {  	s30 =	sld [smem:$0x0];
	_ =	sdelay $0x2  }
0xb8: {  	s31 =	sshll.u32 s1, $0xD;
	s1 =	sshrl.u32 s1, $0x2  }
0xb9: {  	s3 =	sand.u32 $0x4000, s31;
	s1 =	sadd.s32 s1, s30  }
0xba: {  	s0 =	sor.u32 s3, s0;
	s1 =	sshll.u32 s1, $0x11  }
0xbb: {  	s0 =	sor.u32 s1, s0  }
0xbc: {  	s0 =	sadd.s32 $0x8F2B, s0  }
0xbd: {  	[sflag:s0] =	ssyncadd.remote.s32 $0x1  }
0xbe: {  	_ =	sfence.sel $0xFFFF  }
0xbf: {  	[dreg:$0x0] =	wrdreg $0xFFFFFFFF;
	(pc) =	sbr.abs _section_cstart, $3  }
0xc0: {  	[dreg:$0x1] =	wrdreg $0xFFFFFFFF  }
0xc1: {  	_ =	task.clear_ibuf [dreg:s7], $0x2FFFF;
	_ =	strace $0x9FFFFFFF  }
0xc2: {  	(tm) =	ssettm $0x7FFFFFFF  }
0xc3: {  	_ =	shalt  }
tec
execute0_lowered:
.L_overlay_start_1:
0x0: {  	(tag) =	ssettag $0x1  }
0x1: {  	s1 =	rddreg [dreg:$0x0]  }
0x2: {  	s2 =	rddreg [dreg:$0x1];
	s4 =	simm.s32 $0x0;
	s6 =	srdreg.scid  }
0x3: {  	s3 =	stileid.u32;
	s14 =	simm.s32 $0x2;
	s15 =	simm.s32 $0x4E00  }
0x4: {  	s16 =	simm.s32 $0xD00;
	s17 =	simm.s32 $0x1A00;
	s18 =	simm.s32 $0x2700  }
0x5: {  	s19 =	simm.s32 $0x3400;
	s20 =	simm.s32 $0x4100;
	s21 =	simm.s32 $0x1  }
0x6: {  	s22 =	simm.s32 $0x5B00;
	s23 =	simm.s32 $0x0;
	[smem:$0x7FF] =	sst s4  }
0x7: {  	s5 =	sadd.s32 $0x14A800, s1;
	s9 =	sand.u32 $0x1, s6;
	s8 =	sshll.u32 s3, $0x1  }
0x8: {  	s6 =	sadd.s32 $0x9EC00, s1;
	s7 =	sadd.s32 $0x4F600, s1;
	_ =	strace $0x8000004D  }
0x9: {  	s10 =	sor.u32 s9, s8;
	s8 =	sadd.s32 $0x13D800, s1;
	s12 =	ssub.s32 $0x2, s9  }
0xa: {  	s9 =	sadd.s32 $0x199E00, s1;
	s11 =	sshll.u32 s10, $0x6;
	s13 =	sshrl.u32 s12, $0x1  }
0xb: {  	s10 =	sshll.u32 s10, $0x2;
	s11 =	sadd.s32 s11, s1;
	s12 =	ssub.s32 s12, s13  }
0xc: {  	s13 =	simm.s32 $0x5D00;
	s11 =	sadd.s32 $0xEE200, s11;
	s12 =	smax.u32 s12, $0x1  }
.LBB2_1:
0xd: {  	[tilespmem:s13], [sflag:$0x2] =	stream.linear.gather [hbm4b:s9+s4], $0x10, $0x38;
	[tilespmem:$0x5D10] =	vst v63  }
0xe: {  	_ =	swait.ge [sflag:s14], $0x10  }
0xf: {  	[sflag:s14] =	ssyncset.done $0x0  }
0x10: {  	s24 =	simm.s32 $0x5B00;
	s25 =	simm.s32 $0x0;
	[sflag:s14] =	ssyncadd.s32 $0xFFFFFFF0  }
.LBB2_2:
0x11: {  	s26 =	sadd.s32 s10, s25  }
0x12: {  	s28 =	smul.u32 $0x1A0, s26;
	_ =	sdelay $0x1  }
0x13: {  	s29 =	simm.s32 $0x0;
	s28 =	sadd.s32 s8, s28  }
0x14: {  	[tilespmem:s29], [sflag:$0x2] =	stream.linear.gather [hbm4b:s28+s29], $0xD00, $0x38;
	[tilespmem:$0x5D10] =	vst v63  }
0x15: {  	_ =	swait.ge [sflag:s14], $0xD00  }
0x16: {  	[sflag:s14] =	ssyncset.done $0x0  }
0x17: {  	[sflag:s14] =	ssyncadd.s32 $0xFFFFF300  }
0x18: {  	v0 =	vld [tilespmem:s29+$0x0];
	_ =	sdelay $0x1  }
0x19: {  	s28 =	simm.s32 $0x0  }
0x1a: {  	s29 =	smul.u32 $0x186A0, s28;
	_ =	sdelay $0x1  }
0x1b: {  	s28 =	simm.s32 $0xD00;
	v0 =	vadd.s32 s29, v0  }
0x1c: {  	s29 =	simm.s32 $0x10;
	[tilespmem:s28+$0x0] =	vst v0  }
0x1d: {  	s30 =	simm.s32 $0x1;
	s31 =	simm.s32 $0x2;
	v0 =	vld [tilespmem:s29+$0x0]  }
.LBB2_3:
0x1e: {  	p0 =	sne.s32 s31, $0xCF;
	s0 =	sshrl.u32 s30, $0x3  }
0x1f: {  	s30 =	smov.u32 s31;
	s0 =	smul.u32 $0x186A0, s0  }
.Ltmp0:
0x20: {  	(pc) =	sbr.rel @p0 .LBB2_3-.Ltmp0, $4  }
0x21: {  	_ = 	snop  }
0x22: {  	s28 =	sadd.s32 $0x10, s28;
	v0 =	vadd.s32 s0, v0  }
0x23: {  	s29 =	sadd.s32 $0x10, s29;
	[tilespmem:s28+$0x0] =	vst v0  }
0x24: {  	s31 =	sadd.s32 $0x1, s31;
	v0 =	vld [tilespmem:s29+$0x0]  }
0x25: {  	_ = 	snop  }
0x26: {  	s0 =	sshrl.u32 s30, $0x3  }
0x27: {  	s0 =	smul.u32 $0x186A0, s0;
	_ =	sdelay $0x1  }
0x28: {  	s29 =	sadd.s32 $0x10, s28;
	s26 =	sshll.u32 s26, $0x4;
	v0 =	vadd.s32 s0, v0  }
0x29: {  	s31 =	simm.s32 $0x0;
	s30 =	sadd.s32 s2, s26;
	[tilespmem:s29+$0x0] =	vst v0  }
0x2a: {  	[tilespmem:s15], [sflag:$0x2] =	stream.linear.gather [hbm4b:s30+s31], $0x80, $0x38;
	[tilespmem:$0x5D10] =	vst v63  }
0x2b: {  	_ =	swait.ge [sflag:s14], $0x80  }
0x2c: {  	[sflag:s14] =	ssyncset.done $0x0  }
0x2d: {  	[sflag:s14] =	ssyncadd.s32 $0xFFFFFF80  }
0x2e: {  	[tilespmem:s17], [sflag:$0x1] =	stream.indirect.gather [hbm4b:s1+s16], $0x1, s16, s16, $0xb8;
	[tilespmem:$0x5D10] =	vst v63  }
0x2f: {  	_ = 	snop  }
0x30: {  	[tilespmem:s18], [sflag:$0x1] =	stream.indirect.gather [hbm4b:s5+s16], $0x1, s16, s16, $0xb8;
	[tilespmem:$0x5D10] =	vst v63  }
0x31: {  	_ = 	snop  }
0x32: {  	[tilespmem:s19], [sflag:$0x1] =	stream.indirect.gather [hbm4b:s6+s16], $0x1, s16, s16, $0xb8;
	[tilespmem:$0x5D10] =	vst v63  }
0x33: {  	_ = 	snop  }
0x34: {  	[tilespmem:s20], [sflag:$0x1] =	stream.indirect.gather [hbm4b:s7+s16], $0x1, s16, s16, $0xb8;
	[tilespmem:$0x5D10] =	vst v63  }
0x35: {  	_ =	swait.ge [sflag:s21], $0xD00  }
0x36: {  	[sflag:s21] =	ssyncset.done $0x0  }
0x37: {  	[sflag:s21] =	ssyncadd.s32 $0xFFFFF300  }
0x38: {  	_ =	swait.ge [sflag:s21], $0xD00  }
0x39: {  	[sflag:s21] =	ssyncset.done $0x0  }
0x3a: {  	[sflag:s21] =	ssyncadd.s32 $0xFFFFF300  }
0x3b: {  	_ =	swait.ge [sflag:s21], $0xD00  }
0x3c: {  	[sflag:s21] =	ssyncset.done $0x0  }
0x3d: {  	[sflag:s21] =	ssyncadd.s32 $0xFFFFF300  }
0x3e: {  	_ =	swait.ge [sflag:s21], $0xD00  }
0x3f: {  	[sflag:s21] =	ssyncset.done $0x0  }
0x40: {  	s26 =	simm.s32 $0x0;
	[sflag:s21] =	ssyncadd.s32 $0xFFFFF300  }
0x41: {  	v1 =	vld [tilespmem:s26+$0x3380]  }
0x42: {  	v0 =	vld [tilespmem:s26+$0x4100]  }
0x43: {  	v2 =	vld [tilespmem:s26+$0x4180]  }
0x44: {  	v3 =	vld [tilespmem:s26+$0x4200]  }
0x45: {  	v4 =	vld [tilespmem:s26+$0x3400]  }
0x46: {  	v5 =	vld [tilespmem:s26+$0x3480]  }
0x47: {  	v6 =	vld [tilespmem:s26+$0x4280]  }
0x48: {  	v7 =	vld [tilespmem:s26+$0x3500];
	v8 =	vmul.f32 v0, v0;
	v9 =	vmul.f32 v2, v2  }
0x49: {  	v10 =	vld [tilespmem:s26+$0x4300]  }
0x4a: {  	v11 =	vld [tilespmem:s26+$0x3580];
	v2 =	vadd.f32 v2, v0;
	v8 =	vadd.f32 v9, v8;
	v9 =	vmul.f32 v3, v3  }
0x4b: {  	v14 =	vld [tilespmem:s26+$0x4380];
	v0 =	vmov s24;
	v12 =	vmul.f32 v4, v4;
	v13 =	vmul.f32 v5, v5  }
0x4c: {  	v15 =	vld [tilespmem:s26+$0x3600];
	v2 =	vadd.f32 v3, v2;
	v3 =	vadd.f32 v9, v8;
	v8 =	vmul.f32 v6, v6  }
0x4d: {  	v4 =	vadd.f32 v5, v4;
	v5 =	vadd.f32 v13, v12;
	v12 =	vld [tilespmem:s26+$0x4400];
	v9 =	vmul.f32 v7, v7  }
0x4e: {  	v13 =	vld [tilespmem:s26+$0x3680];
	v2 =	vadd.f32 v6, v2;
	v6 =	vmul.f32 v10, v10;
	v3 =	vadd.f32 v8, v3  }
0x4f: {  	v4 =	vadd.f32 v7, v4;
	v7 =	vmul.f32 v11, v11;
	v5 =	vadd.f32 v9, v5;
	v8 =	vld [tilespmem:s26+$0x4480]  }
0x50: {  	v9 =	vld [tilespmem:s26+$0x3700];
	v2 =	vadd.f32 v10, v2;
	v3 =	vadd.f32 v6, v3;
	v6 =	vmul.f32 v14, v14  }
0x51: {  	v4 =	vadd.f32 v11, v4;
	v10 =	vld [tilespmem:s26+$0x4500];
	v5 =	vadd.f32 v7, v5;
	v7 =	vmul.f32 v15, v15  }
0x52: {  	v11 =	vld [tilespmem:s26+$0x3780];
	v2 =	vadd.f32 v14, v2;
	v3 =	vadd.f32 v6, v3;
	v6 =	vmul.f32 v12, v12  }
0x53: {  	v4 =	vadd.f32 v15, v4;
	v14 =	vld [tilespmem:s26+$0x4580];
	v5 =	vadd.f32 v7, v5;
	v7 =	vmul.f32 v13, v13  }
0x54: {  	v15 =	vld [tilespmem:s26+$0x3800];
	v2 =	vadd.f32 v12, v2;
	v3 =	vadd.f32 v6, v3;
	v6 =	vmul.f32 v8, v8  }
0x55: {  	v4 =	vadd.f32 v13, v4;
	v12 =	vld [tilespmem:s26+$0x4600];
	v5 =	vadd.f32 v7, v5;
	v7 =	vmul.f32 v9, v9  }
0x56: {  	v13 =	vld [tilespmem:s26+$0x3880];
	v2 =	vadd.f32 v8, v2;
	v3 =	vadd.f32 v6, v3;
	v6 =	vmul.f32 v10, v10  }
0x57: {  	v4 =	vadd.f32 v9, v4;
	v8 =	vld [tilespmem:s26+$0x4680];
	v5 =	vadd.f32 v7, v5;
	v7 =	vmul.f32 v11, v11  }
0x58: {  	v9 =	vld [tilespmem:s26+$0x3900];
	v2 =	vadd.f32 v10, v2;
	v3 =	vadd.f32 v6, v3;
	v6 =	vmul.f32 v14, v14  }
0x59: {  	v4 =	vadd.f32 v11, v4;
	v10 =	vld [tilespmem:s26+$0x4700];
	v5 =	vadd.f32 v7, v5;
	v7 =	vmul.f32 v15, v15  }
0x5a: {  	v11 =	vld [tilespmem:s26+$0x3980];
	v2 =	vadd.f32 v14, v2;
	v3 =	vadd.f32 v6, v3;
	v6 =	vmul.f32 v12, v12  }
0x5b: {  	v4 =	vadd.f32 v15, v4;
	v14 =	vld [tilespmem:s26+$0x4780];
	v5 =	vadd.f32 v7, v5;
	v7 =	vmul.f32 v13, v13  }
0x5c: {  	v15 =	vld [tilespmem:s26+$0x3A00];
	v2 =	vadd.f32 v12, v2;
	v3 =	vadd.f32 v6, v3;
	v6 =	vmul.f32 v8, v8  }
0x5d: {  	v4 =	vadd.f32 v13, v4;
	v12 =	vld [tilespmem:s26+$0x4800];
	v5 =	vadd.f32 v7, v5;
	v7 =	vmul.f32 v9, v9  }
0x5e: {  	v13 =	vld [tilespmem:s26+$0x3A80];
	v2 =	vadd.f32 v8, v2;
	v3 =	vadd.f32 v6, v3;
	v6 =	vmul.f32 v10, v10  }
0x5f: {  	v4 =	vadd.f32 v9, v4;
	v8 =	vld [tilespmem:s26+$0x4880];
	v5 =	vadd.f32 v7, v5;
	v7 =	vmul.f32 v11, v11  }
0x60: {  	v9 =	vld [tilespmem:s26+$0x3B00];
	v2 =	vadd.f32 v10, v2;
	v3 =	vadd.f32 v6, v3;
	v6 =	vmul.f32 v14, v14  }
0x61: {  	v4 =	vadd.f32 v11, v4;
	v10 =	vld [tilespmem:s26+$0x4900];
	v5 =	vadd.f32 v7, v5;
	v7 =	vmul.f32 v15, v15  }
0x62: {  	v11 =	vld [tilespmem:s26+$0x3B80];
	v2 =	vadd.f32 v14, v2;
	v3 =	vadd.f32 v6, v3;
	v6 =	vmul.f32 v12, v12  }
0x63: {  	v4 =	vadd.f32 v15, v4;
	v14 =	vld [tilespmem:s26+$0x4980];
	v5 =	vadd.f32 v7, v5;
	v7 =	vmul.f32 v13, v13  }
0x64: {  	v15 =	vld [tilespmem:s26+$0x3C00];
	v2 =	vadd.f32 v12, v2;
	v3 =	vadd.f32 v6, v3;
	v6 =	vmul.f32 v8, v8  }
0x65: {  	v4 =	vadd.f32 v13, v4;
	v12 =	vld [tilespmem:s26+$0x4A00];
	v5 =	vadd.f32 v7, v5;
	v7 =	vmul.f32 v9, v9  }
0x66: {  	v13 =	vld [tilespmem:s26+$0x3C80];
	v2 =	vadd.f32 v8, v2;
	v3 =	vadd.f32 v6, v3;
	v6 =	vmul.f32 v10, v10  }
0x67: {  	v4 =	vadd.f32 v9, v4;
	v8 =	vld [tilespmem:s26+$0x4A80];
	v5 =	vadd.f32 v7, v5;
	v7 =	vmul.f32 v11, v11  }
0x68: {  	v9 =	vld [tilespmem:s26+$0x3D00];
	v2 =	vadd.f32 v10, v2;
	v3 =	vadd.f32 v6, v3;
	v6 =	vmul.f32 v14, v14  }
0x69: {  	v4 =	vadd.f32 v11, v4;
	v10 =	vld [tilespmem:s26+$0x4B00];
	v5 =	vadd.f32 v7, v5;
	v7 =	vmul.f32 v15, v15  }
0x6a: {  	v11 =	vld [tilespmem:s26+$0x3D80];
	v2 =	vadd.f32 v14, v2;
	v3 =	vadd.f32 v6, v3;
	v6 =	vmul.f32 v12, v12  }
0x6b: {  	v4 =	vadd.f32 v15, v4;
	v14 =	vld [tilespmem:s26+$0x4B80];
	v5 =	vadd.f32 v7, v5;
	v7 =	vmul.f32 v13, v13  }
0x6c: {  	v15 =	vld [tilespmem:s26+$0x3E00];
	v12 =	vadd.f32 v12, v2;
	v3 =	vadd.f32 v6, v3;
	v6 =	vmul.f32 v8, v8  }
0x6d: {  	v16 =	vld [tilespmem:s26+$0x4C00];
	v4 =	vadd.f32 v13, v4;
	v5 =	vadd.f32 v7, v5;
	v7 =	vmul.f32 v9, v9  }
0x6e: {  	v2 =	vld [tilespmem:s26+$0x3E80];
	v8 =	vadd.f32 v8, v12;
	v12 =	vmul.f32 v10, v10;
	v6 =	vadd.f32 v6, v3  }
0x6f: {  	v9 =	vadd.f32 v9, v4;
	v4 =	vld [tilespmem:s26+$0x4C80];
	v5 =	vadd.f32 v7, v5;
	v7 =	vmul.f32 v11, v11  }
0x70: {  	v3 =	vld [tilespmem:s26+$0x3F00];
	v8 =	vadd.f32 v10, v8;
	v10 =	vadd.f32 v12, v6;
	v12 =	vmul.f32 v14, v14  }
0x71: {  	v13 =	vmul.f32 v15, v15;
	v9 =	vadd.f32 v11, v9;
	v11 =	vadd.f32 v7, v5;
	v6 =	vld [tilespmem:s26+$0x4D00]  }
0x72: {  	v17 =	vmul.f32 v16, v16;
	v5 =	vld [tilespmem:s26+$0x3F80];
	v14 =	vadd.f32 v14, v8;
	v12 =	vadd.f32 v12, v10  }
0x73: {  	v7 =	vld [tilespmem:s26+$0x2700];
	v9 =	vadd.f32 v15, v9;
	v10 =	vadd.f32 v13, v11;
	v13 =	vmul.f32 v2, v2  }
0x74: {  	s28 =	simm.s32 $0x40;
	v8 =	vld [tilespmem:s26+$0x1A00];
	v11 =	vadd.f32 v16, v14;
	v14 =	vmul.f32 v4, v4;
	v12 =	vadd.f32 v17, v12  }
.LBB2_5:
0x75: {  	p0 =	sne.s32 s28, $0x1C0;
	v15 =	vld [tilespmem:s26+$0x1A80];
	v2 =	vadd.f32 v2, v9;
	v9 =	vadd.f32 v13, v10;
	v10 =	vmul.f32 v3, v3  }
0x76: {  	v13 =	vld [tilespmem:s26+$0x2780];
	v4 =	vadd.f32 v4, v11;
	v11 =	vadd.f32 v14, v12;
	v12 =	vmul.f32 v6, v6  }
0x77: {  	v14 =	vld [tilespmem:s26+$0x1B00];
	v16 =	vadd.f32 v3, v2;
	v9 =	vadd.f32 v10, v9;
	v10 =	vmul.f32 v5, v5  }
0x78: {  	v17 =	vld [tilespmem:s26+$0x2800];
	v3 =	vadd.f32 v6, v4;
	v2 =	vadd.f32 v12, v11  }
0x79: {  	v4 =	vmul.f32 v1, v1;
	v11 =	vld [tilespmem:s26+$0x1B80];
	v6 =	vadd.f32 v5, v16;
	v5 =	vadd.f32 v10, v9  }
0x7a: {  	v9 =	vmul.f32 v8, v8;
	v8 =	vadd.f32 v15, v8;
	v10 =	vmul.f32 v15, v15;
	v12 =	vld [tilespmem:s26+$0x2880]  }
0x7b: {  	v16 =	vmul.f32 v7, v7;
	v15 =	vld [tilespmem:s26+$0x1C00];
	v7 =	vadd.f32 v13, v7;
	v13 =	vmul.f32 v13, v13  }
0x7c: {  	v9 =	vadd.f32 v10, v9;
	v8 =	vadd.f32 v14, v8;
	v10 =	vmul.f32 v14, v14;
	v14 =	vld [tilespmem:s26+$0x2900]  }
0x7d: {  	v18 =	vld [tilespmem:s26+$0x1C80];
	v13 =	vadd.f32 v13, v16;
	v7 =	vadd.f32 v17, v7;
	v16 =	vmul.f32 v17, v17  }
0x7e: {  	v9 =	vadd.f32 v10, v9;
	v8 =	vadd.f32 v11, v8;
	v10 =	vmul.f32 v11, v11;
	v11 =	vld [tilespmem:s26+$0x2980]  }
0x7f: {  	v17 =	vld [tilespmem:s26+$0x1D00];
	v13 =	vadd.f32 v16, v13;
	v7 =	vadd.f32 v12, v7;
	v12 =	vmul.f32 v12, v12  }
0x80: {  	v9 =	vadd.f32 v10, v9;
	v8 =	vadd.f32 v15, v8;
	v10 =	vmul.f32 v15, v15;
	v15 =	vld [tilespmem:s26+$0x2A00]  }
0x81: {  	v16 =	vld [tilespmem:s26+$0x1D80];
	v12 =	vadd.f32 v12, v13;
	v7 =	vadd.f32 v14, v7;
	v13 =	vmul.f32 v14, v14  }
0x82: {  	v9 =	vadd.f32 v10, v9;
	v8 =	vadd.f32 v18, v8;
	v10 =	vmul.f32 v18, v18;
	v14 =	vld [tilespmem:s26+$0x2A80]  }
0x83: {  	v18 =	vld [tilespmem:s26+$0x1E00];
	v12 =	vadd.f32 v13, v12;
	v7 =	vadd.f32 v11, v7;
	v11 =	vmul.f32 v11, v11  }
0x84: {  	v9 =	vadd.f32 v10, v9;
	v8 =	vadd.f32 v17, v8;
	v10 =	vmul.f32 v17, v17;
	v13 =	vld [tilespmem:s26+$0x2B00]  }
0x85: {  	v17 =	vld [tilespmem:s26+$0x1E80];
	v11 =	vadd.f32 v11, v12;
	v7 =	vadd.f32 v15, v7;
	v12 =	vmul.f32 v15, v15  }
0x86: {  	v9 =	vadd.f32 v10, v9;
	v8 =	vadd.f32 v16, v8;
	v10 =	vmul.f32 v16, v16;
	v15 =	vld [tilespmem:s26+$0x2B80]  }
0x87: {  	v16 =	vld [tilespmem:s26+$0x1F00];
	v11 =	vadd.f32 v12, v11;
	v7 =	vadd.f32 v14, v7;
	v12 =	vmul.f32 v14, v14  }
0x88: {  	v9 =	vadd.f32 v10, v9;
	v8 =	vadd.f32 v18, v8;
	v10 =	vmul.f32 v18, v18;
	v14 =	vld [tilespmem:s26+$0x2C00]  }
0x89: {  	v18 =	vld [tilespmem:s26+$0x1F80];
	v11 =	vadd.f32 v12, v11;
	v7 =	vadd.f32 v13, v7;
	v12 =	vmul.f32 v13, v13  }
0x8a: {  	v9 =	vadd.f32 v10, v9;
	v8 =	vadd.f32 v17, v8;
	v10 =	vmul.f32 v17, v17;
	v13 =	vld [tilespmem:s26+$0x2C80]  }
0x8b: {  	v17 =	vld [tilespmem:s26+$0x2000];
	v11 =	vadd.f32 v12, v11;
	v7 =	vadd.f32 v15, v7;
	v12 =	vmul.f32 v15, v15  }
0x8c: {  	v9 =	vadd.f32 v10, v9;
	v8 =	vadd.f32 v16, v8;
	v10 =	vmul.f32 v16, v16;
	v15 =	vld [tilespmem:s26+$0x2D00]  }
0x8d: {  	v16 =	vld [tilespmem:s26+$0x2080];
	v11 =	vadd.f32 v12, v11;
	v7 =	vadd.f32 v14, v7;
	v12 =	vmul.f32 v14, v14  }
0x8e: {  	v9 =	vadd.f32 v10, v9;
	v8 =	vadd.f32 v18, v8;
	v10 =	vmul.f32 v18, v18;
	v14 =	vld [tilespmem:s26+$0x2D80]  }
0x8f: {  	v18 =	vld [tilespmem:s26+$0x2100];
	v11 =	vadd.f32 v12, v11;
	v7 =	vadd.f32 v13, v7;
	v12 =	vmul.f32 v13, v13  }
0x90: {  	v9 =	vadd.f32 v10, v9;
	v8 =	vadd.f32 v17, v8;
	v10 =	vmul.f32 v17, v17;
	v13 =	vld [tilespmem:s26+$0x2E00]  }
0x91: {  	v17 =	vld [tilespmem:s26+$0x2180];
	v11 =	vadd.f32 v12, v11;
	v7 =	vadd.f32 v15, v7;
	v12 =	vmul.f32 v15, v15  }
0x92: {  	v9 =	vadd.f32 v10, v9;
	v8 =	vadd.f32 v16, v8;
	v10 =	vmul.f32 v16, v16;
	v15 =	vld [tilespmem:s26+$0x2E80]  }
0x93: {  	v16 =	vld [tilespmem:s26+$0x2200];
	v11 =	vadd.f32 v12, v11;
	v7 =	vadd.f32 v14, v7;
	v12 =	vmul.f32 v14, v14  }
0x94: {  	v9 =	vadd.f32 v10, v9;
	v8 =	vadd.f32 v18, v8;
	v10 =	vmul.f32 v18, v18;
	v14 =	vld [tilespmem:s26+$0x2F00]  }
0x95: {  	v18 =	vld [tilespmem:s26+$0x2280];
	v11 =	vadd.f32 v12, v11;
	v7 =	vadd.f32 v13, v7;
	v12 =	vmul.f32 v13, v13  }
0x96: {  	v9 =	vadd.f32 v10, v9;
	v8 =	vadd.f32 v17, v8;
	v10 =	vmul.f32 v17, v17;
	v13 =	vld [tilespmem:s26+$0x2F80]  }
0x97: {  	v17 =	vld [tilespmem:s26+$0x2300];
	v11 =	vadd.f32 v12, v11;
	v7 =	vadd.f32 v15, v7;
	v12 =	vmul.f32 v15, v15  }
0x98: {  	v9 =	vadd.f32 v10, v9;
	v8 =	vadd.f32 v16, v8;
	v10 =	vmul.f32 v16, v16;
	v15 =	vld [tilespmem:s26+$0x3000]  }
0x99: {  	v16 =	vld [tilespmem:s26+$0x2380];
	v11 =	vadd.f32 v12, v11;
	v7 =	vadd.f32 v14, v7;
	v12 =	vmul.f32 v14, v14  }
0x9a: {  	v9 =	vadd.f32 v10, v9;
	v8 =	vadd.f32 v18, v8;
	v10 =	vmul.f32 v18, v18;
	v14 =	vld [tilespmem:s26+$0x3080]  }
0x9b: {  	v18 =	vld [tilespmem:s26+$0x2400];
	v11 =	vadd.f32 v12, v11;
	v7 =	vadd.f32 v13, v7;
	v12 =	vmul.f32 v13, v13  }
0x9c: {  	v9 =	vadd.f32 v10, v9;
	v8 =	vadd.f32 v17, v8;
	v10 =	vmul.f32 v17, v17;
	v13 =	vld [tilespmem:s26+$0x3100]  }
0x9d: {  	v17 =	vld [tilespmem:s26+$0x2480];
	v11 =	vadd.f32 v12, v11;
	v7 =	vadd.f32 v15, v7;
	v12 =	vmul.f32 v15, v15  }
0x9e: {  	v9 =	vadd.f32 v10, v9;
	v8 =	vadd.f32 v16, v8;
	v10 =	vmul.f32 v16, v16;
	v15 =	vld [tilespmem:s26+$0x3180]  }
0x9f: {  	v16 =	vld [tilespmem:s26+$0x2500];
	v11 =	vadd.f32 v12, v11;
	v7 =	vadd.f32 v14, v7;
	v12 =	vmul.f32 v14, v14  }
0xa0: {  	v9 =	vadd.f32 v10, v9;
	v8 =	vadd.f32 v18, v8;
	v10 =	vmul.f32 v18, v18;
	v14 =	vld [tilespmem:s26+$0x3200]  }
0xa1: {  	v18 =	vld [tilespmem:s26+$0x2580];
	v11 =	vadd.f32 v12, v11;
	v7 =	vadd.f32 v13, v7;
	v12 =	vmul.f32 v13, v13  }
0xa2: {  	v9 =	vadd.f32 v10, v9;
	v8 =	vadd.f32 v17, v8;
	v10 =	vmul.f32 v17, v17;
	v13 =	vld [tilespmem:s26+$0x3280]  }
0xa3: {  	v17 =	vld [tilespmem:s26+$0x2600];
	v11 =	vadd.f32 v12, v11;
	v7 =	vadd.f32 v15, v7;
	v12 =	vmul.f32 v15, v15  }
0xa4: {  	v9 =	vadd.f32 v10, v9;
	v8 =	vadd.f32 v16, v8;
	v10 =	vmul.f32 v16, v16;
	v15 =	vld [tilespmem:s26+$0x3300]  }
0xa5: {  	v16 =	vld [tilespmem:s26+$0x2680];
	v11 =	vadd.f32 v12, v11;
	v7 =	vadd.f32 v14, v7;
	v12 =	vmul.f32 v14, v14  }
0xa6: {  	v9 =	vadd.f32 v10, v9;
	v8 =	vadd.f32 v18, v8;
	v10 =	vmul.f32 v18, v18;
	v14 =	vld [tilespmem:s26+$0x4000]  }
0xa7: {  	v11 =	vadd.f32 v12, v11;
	v7 =	vadd.f32 v13, v7;
	v12 =	vmul.f32 v13, v13  }
0xa8: {  	v9 =	vadd.f32 v10, v9;
	v8 =	vadd.f32 v17, v8;
	v10 =	vmul.f32 v17, v17;
	v13 =	vld [tilespmem:s26+$0x4080]  }
0xa9: {  	v11 =	vadd.f32 v12, v11;
	v7 =	vadd.f32 v15, v7;
	v12 =	vmul.f32 v15, v15  }
0xaa: {  	v9 =	vadd.f32 v10, v9;
	v8 =	vadd.f32 v16, v8;
	v10 =	vmul.f32 v16, v16;
	v15 =	vld [tilespmem:s26+$0x4D80]  }
0xab: {  	v11 =	vadd.f32 v12, v11;
	v6 =	vadd.f32 v14, v6;
	v12 =	vmul.f32 v14, v14  }
0xac: {  	v1 =	vadd.f32 v1, v7;
	v9 =	vadd.f32 v10, v9;
	v8 =	vmul.f32 v8, v8  }
0xad: {  	v7 =	vld [tilespmem:s26+$0x4E00];
	v5 =	vadd.f32 v12, v5;
	v6 =	vadd.f32 v13, v6;
	v10 =	vmul.f32 v13, v13  }
0xae: {  	v4 =	vadd.f32 v4, v11;
	v1 =	vmul.f32 v1, v1;
	v8 =	vsub.f32 v8, v9  }
0xaf: {  	v5 =	vadd.f32 v10, v5;
	v3 =	vadd.f32 v15, v3;
	v9 =	vmul.f32 v15, v15  }
0xb0: {  	v1 =	vsub.f32 v1, v4;
	v4 =	vmul.f32 v6, v6;
	v8 =	vmul.f32 $5.000000000e-01, v8  }
0xb1: {  	v2 =	vadd.f32 v9, v2;
	v3 =	vmul.f32 v3, v3  }
0xb2: {  	v1 =	vmul.f32 $5.000000000e-01, v1;
	v4 =	vsub.f32 v4, v5;
	v6 =	vadd.f32 v8, v7;
	_ =	sdelay $0x1  }
0xb3: {  	v4 =	vmul.f32 $5.000000000e-01, v4;
	v2 =	vsub.f32 v3, v2;
	v1 =	vadd.f32 v1, v6;
	_ =	sdelay $0x1  }
0xb4: {  	v2 =	vmul.f32 $5.000000000e-01, v2;
	v1 =	vadd.f32 v4, v1;
	_ =	sdelay $0x1  }
0xb5: {  	v1 =	vadd.f32 v2, v1;
	_ =	sdelay $0x1  }
0xb6: {  	[tilespmem:v0+s26+$0x0 ss:$0x1] =	vst.idx.msk $0xffff, v1;
	s26 =	sshra.s32 s28, $0x2  }
0xb7: {  	v1 =	vld [tilespmem:s26+$0x3380]  }
0xb8: {  	v2 =	vld [tilespmem:s26+$0x4100]  }
0xb9: {  	v3 =	vld [tilespmem:s26+$0x4180]  }
0xba: {  	v4 =	vld [tilespmem:s26+$0x4200]  }
0xbb: {  	v5 =	vld [tilespmem:s26+$0x3400]  }
0xbc: {  	v6 =	vld [tilespmem:s26+$0x3480]  }
0xbd: {  	v7 =	vld [tilespmem:s26+$0x4280]  }
0xbe: {  	v9 =	vmul.f32 v2, v2;
	v8 =	vld [tilespmem:s26+$0x3500];
	v10 =	vmul.f32 v3, v3  }
0xbf: {  	v11 =	vld [tilespmem:s26+$0x4300]  }
0xc0: {  	v2 =	vadd.f32 v3, v2;
	v12 =	vld [tilespmem:s26+$0x3580];
	v3 =	vadd.f32 v10, v9;
	v9 =	vmul.f32 v4, v4  }
0xc1: {  	v10 =	vmul.f32 v5, v5;
	v13 =	vmul.f32 v6, v6;
	v14 =	vld [tilespmem:s26+$0x4380]  }
0xc2: {  	v2 =	vadd.f32 v4, v2;
	v15 =	vld [tilespmem:s26+$0x3600];
	v3 =	vadd.f32 v9, v3;
	v4 =	vmul.f32 v7, v7  }
0xc3: {  	v5 =	vadd.f32 v6, v5;
	v6 =	vadd.f32 v13, v10;
	v9 =	vmul.f32 v8, v8;
	v10 =	vld [tilespmem:s26+$0x4400]  }
0xc4: {  	v2 =	vadd.f32 v7, v2;
	v13 =	vld [tilespmem:s26+$0x3680];
	v3 =	vadd.f32 v4, v3;
	v4 =	vmul.f32 v11, v11  }
0xc5: {  	v5 =	vadd.f32 v8, v5;
	v6 =	vadd.f32 v9, v6;
	v7 =	vmul.f32 v12, v12;
	v8 =	vld [tilespmem:s26+$0x4480]  }
0xc6: {  	v2 =	vadd.f32 v11, v2;
	v9 =	vld [tilespmem:s26+$0x3700];
	v3 =	vadd.f32 v4, v3;
	v4 =	vmul.f32 v14, v14  }
0xc7: {  	v5 =	vadd.f32 v12, v5;
	v6 =	vadd.f32 v7, v6;
	v7 =	vmul.f32 v15, v15;
	v11 =	vld [tilespmem:s26+$0x4500]  }
0xc8: {  	v2 =	vadd.f32 v14, v2;
	v12 =	vld [tilespmem:s26+$0x3780];
	v3 =	vadd.f32 v4, v3;
	v4 =	vmul.f32 v10, v10  }
0xc9: {  	v5 =	vadd.f32 v15, v5;
	v6 =	vadd.f32 v7, v6;
	v7 =	vmul.f32 v13, v13;
	v14 =	vld [tilespmem:s26+$0x4580]  }
0xca: {  	v2 =	vadd.f32 v10, v2;
	v15 =	vld [tilespmem:s26+$0x3800];
	v3 =	vadd.f32 v4, v3;
	v4 =	vmul.f32 v8, v8  }
0xcb: {  	v5 =	vadd.f32 v13, v5;
	v6 =	vadd.f32 v7, v6;
	v7 =	vmul.f32 v9, v9;
	v10 =	vld [tilespmem:s26+$0x4600]  }
0xcc: {  	v2 =	vadd.f32 v8, v2;
	v13 =	vld [tilespmem:s26+$0x3880];
	v3 =	vadd.f32 v4, v3;
	v4 =	vmul.f32 v11, v11  }
0xcd: {  	v5 =	vadd.f32 v9, v5;
	v6 =	vadd.f32 v7, v6;
	v7 =	vmul.f32 v12, v12;
	v8 =	vld [tilespmem:s26+$0x4680]  }
0xce: {  	v2 =	vadd.f32 v11, v2;
	v9 =	vld [tilespmem:s26+$0x3900];
	v3 =	vadd.f32 v4, v3;
	v4 =	vmul.f32 v14, v14  }
0xcf: {  	v5 =	vadd.f32 v12, v5;
	v6 =	vadd.f32 v7, v6;
	v7 =	vmul.f32 v15, v15;
	v11 =	vld [tilespmem:s26+$0x4700]  }
0xd0: {  	v2 =	vadd.f32 v14, v2;
	v12 =	vld [tilespmem:s26+$0x3980];
	v3 =	vadd.f32 v4, v3;
	v4 =	vmul.f32 v10, v10  }
0xd1: {  	v5 =	vadd.f32 v15, v5;
	v6 =	vadd.f32 v7, v6;
	v7 =	vmul.f32 v13, v13;
	v14 =	vld [tilespmem:s26+$0x4780]  }
0xd2: {  	v2 =	vadd.f32 v10, v2;
	v15 =	vld [tilespmem:s26+$0x3A00];
	v3 =	vadd.f32 v4, v3;
	v4 =	vmul.f32 v8, v8  }
0xd3: {  	v5 =	vadd.f32 v13, v5;
	v6 =	vadd.f32 v7, v6;
	v7 =	vmul.f32 v9, v9;
	v10 =	vld [tilespmem:s26+$0x4800]  }
0xd4: {  	v2 =	vadd.f32 v8, v2;
	v13 =	vld [tilespmem:s26+$0x3A80];
	v3 =	vadd.f32 v4, v3;
	v4 =	vmul.f32 v11, v11  }
0xd5: {  	v5 =	vadd.f32 v9, v5;
	v6 =	vadd.f32 v7, v6;
	v7 =	vmul.f32 v12, v12;
	v8 =	vld [tilespmem:s26+$0x4880]  }
0xd6: {  	v2 =	vadd.f32 v11, v2;
	v9 =	vld [tilespmem:s26+$0x3B00];
	v3 =	vadd.f32 v4, v3;
	v4 =	vmul.f32 v14, v14  }
0xd7: {  	v5 =	vadd.f32 v12, v5;
	v6 =	vadd.f32 v7, v6;
	v7 =	vmul.f32 v15, v15;
	v11 =	vld [tilespmem:s26+$0x4900]  }
0xd8: {  	v2 =	vadd.f32 v14, v2;
	v12 =	vld [tilespmem:s26+$0x3B80];
	v3 =	vadd.f32 v4, v3;
	v4 =	vmul.f32 v10, v10  }
0xd9: {  	v5 =	vadd.f32 v15, v5;
	v6 =	vadd.f32 v7, v6;
	v7 =	vmul.f32 v13, v13;
	v14 =	vld [tilespmem:s26+$0x4980]  }
0xda: {  	v2 =	vadd.f32 v10, v2;
	v15 =	vld [tilespmem:s26+$0x3C00];
	v3 =	vadd.f32 v4, v3;
	v4 =	vmul.f32 v8, v8  }
0xdb: {  	v5 =	vadd.f32 v13, v5;
	v6 =	vadd.f32 v7, v6;
	v7 =	vmul.f32 v9, v9;
	v10 =	vld [tilespmem:s26+$0x4A00]  }
0xdc: {  	v2 =	vadd.f32 v8, v2;
	v13 =	vld [tilespmem:s26+$0x3C80];
	v3 =	vadd.f32 v4, v3;
	v4 =	vmul.f32 v11, v11  }
0xdd: {  	v5 =	vadd.f32 v9, v5;
	v6 =	vadd.f32 v7, v6;
	v7 =	vmul.f32 v12, v12;
	v8 =	vld [tilespmem:s26+$0x4A80]  }
0xde: {  	v2 =	vadd.f32 v11, v2;
	v9 =	vld [tilespmem:s26+$0x3D00];
	v3 =	vadd.f32 v4, v3;
	v4 =	vmul.f32 v14, v14  }
0xdf: {  	v5 =	vadd.f32 v12, v5;
	v6 =	vadd.f32 v7, v6;
	v7 =	vmul.f32 v15, v15;
	v11 =	vld [tilespmem:s26+$0x4B00]  }
0xe0: {  	v2 =	vadd.f32 v14, v2;
	v12 =	vld [tilespmem:s26+$0x3D80];
	v3 =	vadd.f32 v4, v3;
	v4 =	vmul.f32 v10, v10  }
0xe1: {  	v5 =	vadd.f32 v15, v5;
	v6 =	vadd.f32 v7, v6;
	v7 =	vmul.f32 v13, v13;
	v14 =	vld [tilespmem:s26+$0x4B80]  }
0xe2: {  	v10 =	vadd.f32 v10, v2;
	v15 =	vld [tilespmem:s26+$0x3E00];
	v3 =	vadd.f32 v4, v3;
	v4 =	vmul.f32 v8, v8  }
0xe3: {  	v5 =	vadd.f32 v13, v5;
	v6 =	vadd.f32 v7, v6;
	v7 =	vmul.f32 v9, v9;
	v16 =	vld [tilespmem:s26+$0x4C00]  }
0xe4: {  	v8 =	vadd.f32 v8, v10;
	v2 =	vld [tilespmem:s26+$0x3E80];
	v10 =	vadd.f32 v4, v3;
	v13 =	vmul.f32 v11, v11  }
0xe5: {  	v5 =	vadd.f32 v9, v5;
	v6 =	vadd.f32 v7, v6;
	v7 =	vmul.f32 v12, v12;
	v4 =	vld [tilespmem:s26+$0x4C80]  }
.Ltmp1:
0xe6: {  	v8 =	vadd.f32 v11, v8;
	v3 =	vld [tilespmem:s26+$0x3F00];
	v9 =	vadd.f32 v13, v10;
	v10 =	vmul.f32 v14, v14;
	(pc) =	sbr.rel @p0 .LBB2_5-.Ltmp1, $4  }
0xe7: {  	v11 =	vadd.f32 v12, v5;
	v12 =	vadd.f32 v7, v6;
	v13 =	vmul.f32 v15, v15;
	v6 =	vld [tilespmem:s26+$0x4D00]  }
0xe8: {  	v14 =	vadd.f32 v14, v8;
	v5 =	vld [tilespmem:s26+$0x3F80];
	v17 =	vadd.f32 v10, v9;
	v18 =	vmul.f32 v16, v16  }
0xe9: {  	v9 =	vadd.f32 v15, v11;
	v7 =	vld [tilespmem:s26+$0x2700];
	v10 =	vadd.f32 v13, v12;
	v13 =	vmul.f32 v2, v2  }
0xea: {  	s28 =	sadd.s32 $0x40, s28;
	v11 =	vadd.f32 v16, v14;
	v8 =	vld [tilespmem:s26+$0x1A00];
	v12 =	vadd.f32 v18, v17;
	v14 =	vmul.f32 v4, v4  }
0xeb: {  	v15 =	vld [tilespmem:s26+$0x1A80];
	v2 =	vadd.f32 v2, v9;
	v40 =	vadd.f32 v13, v10;
	v41 =	vmul.f32 v3, v3  }
0xec: {  	v42 =	vld [tilespmem:s26+$0x2780];
	v4 =	vadd.f32 v4, v11;
	v43 =	vadd.f32 v14, v12;
	v44 =	vmul.f32 v6, v6  }
0xed: {  	v45 =	vld [tilespmem:s26+$0x1B00];
	v16 =	vadd.f32 v3, v2;
	v9 =	vadd.f32 v41, v40  }
0xee: {  	v17 =	vld [tilespmem:s26+$0x2800];
	v46 =	vmul.f32 v5, v5;
	v3 =	vadd.f32 v6, v4;
	v2 =	vadd.f32 v44, v43  }
0xef: {  	v47 =	vld [tilespmem:s26+$0x1B80];
	v4 =	vmul.f32 v1, v1;
	v53 =	vmul.f32 v7, v7;
	v6 =	vadd.f32 v5, v16  }
0xf0: {  	v51 =	vld [tilespmem:s26+$0x2880];
	v48 =	vmul.f32 v8, v8;
	v49 =	vadd.f32 v15, v8;
	v50 =	vmul.f32 v15, v15  }
0xf1: {  	v52 =	vld [tilespmem:s26+$0x1C00];
	v5 =	vadd.f32 v46, v9;
	v54 =	vadd.f32 v42, v7;
	v13 =	vmul.f32 v42, v42  }
0xf2: {  	v56 =	vld [tilespmem:s26+$0x2900];
	v55 =	vmul.f32 v45, v45;
	v9 =	vadd.f32 v50, v48;
	v8 =	vadd.f32 v45, v49  }
0xf3: {  	v18 =	vld [tilespmem:s26+$0x1C80];
	v57 =	vmul.f32 v17, v17;
	v13 =	vadd.f32 v13, v53;
	v7 =	vadd.f32 v17, v54  }
0xf4: {  	v59 =	vld [tilespmem:s26+$0x2980];
	v58 =	vmul.f32 v47, v47;
	v9 =	vadd.f32 v55, v9;
	v8 =	vadd.f32 v47, v8  }
0xf5: {  	v60 =	vld [tilespmem:s26+$0x1D00];
	v12 =	vmul.f32 v51, v51;
	v13 =	vadd.f32 v57, v13;
	v7 =	vadd.f32 v51, v7  }
0xf6: {  	v62 =	vld [tilespmem:s26+$0x2A00];
	v61 =	vmul.f32 v52, v52;
	v9 =	vadd.f32 v58, v9;
	v8 =	vadd.f32 v52, v8  }
0xf7: {  	v63 =	vld [tilespmem:s26+$0x1D80];
	v21 =	vmul.f32 v56, v56;
	v12 =	vadd.f32 v12, v13;
	v7 =	vadd.f32 v56, v7  }
0xf8: {  	v23 =	vld [tilespmem:s26+$0x2A80];
	v22 =	vmul.f32 v18, v18;
	v9 =	vadd.f32 v61, v9;
	v8 =	vadd.f32 v18, v8  }
0xf9: {  	v24 =	vld [tilespmem:s26+$0x1E00];
	v11 =	vmul.f32 v59, v59;
	v12 =	vadd.f32 v21, v12;
	v7 =	vadd.f32 v59, v7  }
0xfa: {  	v26 =	vld [tilespmem:s26+$0x2B00];
	v25 =	vmul.f32 v60, v60;
	v9 =	vadd.f32 v22, v9;
	v8 =	vadd.f32 v60, v8  }
0xfb: {  	v27 =	vld [tilespmem:s26+$0x1E80];
	v28 =	vmul.f32 v62, v62;
	v11 =	vadd.f32 v11, v12;
	v7 =	vadd.f32 v62, v7  }
0xfc: {  	v30 =	vld [tilespmem:s26+$0x2B80];
	v29 =	vmul.f32 v63, v63;
	v9 =	vadd.f32 v25, v9;
	v8 =	vadd.f32 v63, v8  }
0xfd: {  	v31 =	vld [tilespmem:s26+$0x1F00];
	v32 =	vmul.f32 v23, v23;
	v11 =	vadd.f32 v28, v11;
	v7 =	vadd.f32 v23, v7  }
0xfe: {  	v34 =	vld [tilespmem:s26+$0x2C00];
	v33 =	vmul.f32 v24, v24;
	v9 =	vadd.f32 v29, v9;
	v8 =	vadd.f32 v24, v8  }
0xff: {  	v35 =	vld [tilespmem:s26+$0x1F80];
	v36 =	vmul.f32 v26, v26;
	v11 =	vadd.f32 v32, v11;
	v7 =	vadd.f32 v26, v7  }
0x100: {  	v38 =	vld [tilespmem:s26+$0x2C80];
	v37 =	vmul.f32 v27, v27;
	v9 =	vadd.f32 v33, v9;
	v8 =	vadd.f32 v27, v8  }
0x101: {  	v39 =	vld [tilespmem:s26+$0x2000];
	v40 =	vmul.f32 v30, v30;
	v11 =	vadd.f32 v36, v11;
	v7 =	vadd.f32 v30, v7  }
0x102: {  	v41 =	vmul.f32 v31, v31;
	v42 =	vld [tilespmem:s26+$0x2D00];
	v9 =	vadd.f32 v37, v9;
	v8 =	vadd.f32 v31, v8  }
0x103: {  	v43 =	vld [tilespmem:s26+$0x2080];
	v44 =	vmul.f32 v34, v34;
	v11 =	vadd.f32 v40, v11;
	v7 =	vadd.f32 v34, v7  }
0x104: {  	v46 =	vld [tilespmem:s26+$0x2D80];
	v45 =	vmul.f32 v35, v35;
	v9 =	vadd.f32 v41, v9;
	v8 =	vadd.f32 v35, v8  }
0x105: {  	v48 =	vmul.f32 v38, v38;
	v47 =	vld [tilespmem:s26+$0x2100];
	v11 =	vadd.f32 v44, v11;
	v7 =	vadd.f32 v38, v7  }
0x106: {  	v49 =	vmul.f32 v39, v39;
	v50 =	vld [tilespmem:s26+$0x2E00];
	v9 =	vadd.f32 v45, v9;
	v8 =	vadd.f32 v39, v8  }
0x107: {  	v51 =	vld [tilespmem:s26+$0x2180];
	v52 =	vmul.f32 v42, v42;
	v11 =	vadd.f32 v48, v11;
	v7 =	vadd.f32 v42, v7  }
0x108: {  	v54 =	vld [tilespmem:s26+$0x2E80];
	v53 =	vmul.f32 v43, v43;
	v9 =	vadd.f32 v49, v9;
	v8 =	vadd.f32 v43, v8  }
0x109: {  	v55 =	vld [tilespmem:s26+$0x2200];
	v56 =	vmul.f32 v46, v46;
	v11 =	vadd.f32 v52, v11;
	v7 =	vadd.f32 v46, v7  }
0x10a: {  	v58 =	vld [tilespmem:s26+$0x2F00];
	v57 =	vmul.f32 v47, v47;
	v9 =	vadd.f32 v53, v9;
	v8 =	vadd.f32 v47, v8  }
0x10b: {  	v59 =	vld [tilespmem:s26+$0x2280];
	v60 =	vmul.f32 v50, v50;
	v11 =	vadd.f32 v56, v11;
	v7 =	vadd.f32 v50, v7  }
0x10c: {  	v61 =	vmul.f32 v51, v51;
	v62 =	vld [tilespmem:s26+$0x2F80];
	v9 =	vadd.f32 v57, v9;
	v8 =	vadd.f32 v51, v8  }
0x10d: {  	v20 =	vmul.f32 v54, v54;
	v63 =	vld [tilespmem:s26+$0x2300];
	v11 =	vadd.f32 v60, v11;
	v7 =	vadd.f32 v54, v7  }
0x10e: {  	v21 =	vmul.f32 v55, v55;
	v22 =	vld [tilespmem:s26+$0x3000];
	v9 =	vadd.f32 v61, v9;
	v8 =	vadd.f32 v55, v8  }
0x10f: {  	v23 =	vld [tilespmem:s26+$0x2380];
	v24 =	vmul.f32 v58, v58;
	v11 =	vadd.f32 v20, v11;
	v7 =	vadd.f32 v58, v7  }
0x110: {  	v25 =	vmul.f32 v59, v59;
	v26 =	vld [tilespmem:s26+$0x3080];
	v9 =	vadd.f32 v21, v9;
	v8 =	vadd.f32 v59, v8  }
0x111: {  	v28 =	vmul.f32 v62, v62;
	v27 =	vld [tilespmem:s26+$0x2400];
	v11 =	vadd.f32 v24, v11;
	v7 =	vadd.f32 v62, v7  }
0x112: {  	v30 =	vld [tilespmem:s26+$0x3100];
	v29 =	vmul.f32 v63, v63;
	v9 =	vadd.f32 v25, v9;
	v8 =	vadd.f32 v63, v8  }
0x113: {  	v32 =	vmul.f32 v22, v22;
	v31 =	vld [tilespmem:s26+$0x2480];
	v11 =	vadd.f32 v28, v11;
	v7 =	vadd.f32 v22, v7  }
0x114: {  	v33 =	vmul.f32 v23, v23;
	v34 =	vld [tilespmem:s26+$0x3180];
	v9 =	vadd.f32 v29, v9;
	v8 =	vadd.f32 v23, v8  }
0x115: {  	v36 =	vmul.f32 v26, v26;
	v35 =	vld [tilespmem:s26+$0x2500];
	v11 =	vadd.f32 v32, v11;
	v7 =	vadd.f32 v26, v7  }
0x116: {  	v38 =	vld [tilespmem:s26+$0x3200];
	v37 =	vmul.f32 v27, v27;
	v9 =	vadd.f32 v33, v9;
	v8 =	vadd.f32 v27, v8  }
0x117: {  	v40 =	vmul.f32 v30, v30;
	v39 =	vld [tilespmem:s26+$0x2580];
	v11 =	vadd.f32 v36, v11;
	v7 =	vadd.f32 v30, v7  }
0x118: {  	v42 =	vld [tilespmem:s26+$0x3280];
	v41 =	vmul.f32 v31, v31;
	v9 =	vadd.f32 v37, v9;
	v8 =	vadd.f32 v31, v8  }
0x119: {  	v44 =	vmul.f32 v34, v34;
	v43 =	vld [tilespmem:s26+$0x2600];
	v11 =	vadd.f32 v40, v11;
	v7 =	vadd.f32 v34, v7  }
0x11a: {  	v46 =	vld [tilespmem:s26+$0x3300];
	v45 =	vmul.f32 v35, v35;
	v9 =	vadd.f32 v41, v9;
	v8 =	vadd.f32 v35, v8  }
0x11b: {  	v48 =	vmul.f32 v38, v38;
	v47 =	vld [tilespmem:s26+$0x2680];
	v11 =	vadd.f32 v44, v11;
	v7 =	vadd.f32 v38, v7  }
0x11c: {  	v50 =	vld [tilespmem:s26+$0x4000];
	v49 =	vmul.f32 v39, v39;
	v9 =	vadd.f32 v45, v9;
	v8 =	vadd.f32 v39, v8  }
0x11d: {  	v51 =	vmul.f32 v42, v42;
	v11 =	vadd.f32 v48, v11;
	v7 =	vadd.f32 v42, v7  }
0x11e: {  	v53 =	vld [tilespmem:s26+$0x4080];
	v52 =	vmul.f32 v43, v43;
	v9 =	vadd.f32 v49, v9;
	v8 =	vadd.f32 v43, v8  }
0x11f: {  	v54 =	vmul.f32 v46, v46;
	v11 =	vadd.f32 v51, v11;
	v7 =	vadd.f32 v46, v7  }
0x120: {  	v56 =	vld [tilespmem:s26+$0x4D80];
	v55 =	vmul.f32 v47, v47;
	v9 =	vadd.f32 v52, v9;
	v8 =	vadd.f32 v47, v8  }
0x121: {  	v6 =	vadd.f32 v50, v6;
	v57 =	vmul.f32 v50, v50;
	v11 =	vadd.f32 v54, v11  }
0x122: {  	v58 =	vadd.f32 v1, v7;
	v9 =	vadd.f32 v55, v9;
	v8 =	vmul.f32 v8, v8  }
0x123: {  	v60 =	vmul.f32 v53, v53;
	v59 =	vld [tilespmem:s26+$0x4E00];
	v5 =	vadd.f32 v57, v5;
	v6 =	vadd.f32 v53, v6  }
0x124: {  	v4 =	vadd.f32 v4, v11;
	v1 =	vmul.f32 v58, v58;
	v8 =	vsub.f32 v8, v9  }
0x125: {  	v3 =	vadd.f32 v56, v3;
	v61 =	vmul.f32 v56, v56;
	v5 =	vadd.f32 v60, v5  }
0x126: {  	v62 =	vmul.f32 v6, v6;
	v1 =	vsub.f32 v1, v4;
	v8 =	vmul.f32 $5.000000000e-01, v8  }
0x127: {  	v2 =	vadd.f32 v61, v2;
	v3 =	vmul.f32 v3, v3  }
0x128: {  	v4 =	vsub.f32 v62, v5;
	v1 =	vmul.f32 $5.000000000e-01, v1;
	v63 =	vadd.f32 v8, v59;
	_ =	sdelay $0x1  }
0x129: {  	s25 =	sadd.s32 $0x1, s25;
	v2 =	vsub.f32 v3, v2;
	v4 =	vmul.f32 $5.000000000e-01, v4;
	v1 =	vadd.f32 v1, v63  }
0x12a: {  	p0 =	sne.s32 s25, $0x4  }
.Ltmp2:
0x12b: {  	v2 =	vmul.f32 $5.000000000e-01, v2;
	v1 =	vadd.f32 v4, v1;
	(pc) =	sbr.rel @p0 .LBB2_2-.Ltmp2, $3  }
0x12c: {  	_ = 	snop  }
0x12d: {  	v1 =	vadd.f32 v2, v1;
	_ =	sdelay $0x1  }
0x12e: {  	s24 =	sadd.s32 $0x80, s24;
	[tilespmem:v0+s26+$0x0 ss:$0x1] =	vst.idx.msk $0xffff, v1  }
0x12f: {  	s23 =	sadd.s32 $0x1, s23  }
0x130: {  	p0 =	sne.s32 s23, s12  }
.Ltmp3:
0x131: {  	_ = 	snop;
	(pc) =	sbr.rel @p0 .LBB2_1-.Ltmp3, $4  }
0x132: {  	[hbm4b:s11+s4] =	stream.linear.scatter [tilespmem:s22], [sflag:$0x2], $0x200, $0x38;
	[tilespmem:$0x5D10] =	vst v63  }
0x133: {  	_ =	swait.ge [sflag:s14], $0x200  }
0x134: {  	[sflag:s14] =	ssyncset.done $0x0  }
0x135: {  	[sflag:s14] =	ssyncadd.s32 $0xFFFFFE00  }
0x136: {  	_ =	sfence.sel $0x180000  }
0x137: {  	[bflag:$0x0] =	sbarrier.arrive $0xFFFF  }
0x138: {  	_ =	strace $0x9000004D  }
0x139: {  	[bflag:$0x2] =	sbarrier.arrive $0xFFFF  }
0x13a: {  	p0 =	sne.s32 s3, $0x0;
	s0 =	rddreg [dreg:$0x2]  }
0x13b: {  	s0 =	sadd.s32 @!p0 $0x100000, s0  }
0x13c: {  	[sflag:s0] =	ssyncadd.tile.s32 @!p0 $0x1;
	_ =	shalt  }
.Lfunc_end2:
_tile_overlayer_lowered:
.L_overlay_start_2:
0x13d: {  	(tag) =	ssettag $0x2  }
0x13e: {  	s0 =	rddreg [dreg:$0x0];
	s2 =	stileid.u32  }
0x13f: {  	s1 =	rddreg [dreg:$0x1];
	p0 =	sne.s32 s2, $0x0  }
0x140: {  	s3 =	rddreg [dreg:$0x2];
	[bflag:$0x3] =	sbarrier.arrive $0xFFFF;
	s2 =	simm.s32 @!p0 $0x1C02  }
0x141: {  	[timem:s3], [sflag:s2] =	dma.local @!p0 [hbm:s0], s1  }
0x142: {  	s0 =	simm.s32 @!p0 $0x2  }
0x143: {  	_ =	swait.ge @!p0 [sflag:s0], s1  }
0x144: {  	s1 =	ssub.s32 @!p0 $0x0, s1;
	[sflag:s0] =	ssyncset.done @!p0 $0x0  }
0x145: {  	[sflag:s0] =	ssyncadd.s32 @!p0 s1  }
0x146: {  	[bflag:$0x3] =	sbarrier.arrive $0xFFFF  }
0x147: {  	_ =	shalt  }

// kernel: kernel.15.cloned.1.call-start
scs
__scs_entry_jumppad:
0x0: {  	(pc) =	sbr.rel $0x88, $3  }
0x1: {  	(tag) =	ssettag $0x0;
	lr =	simm.s32 $0x1  }
0x2: {  	[smem:$0x3F9D] =	sst lr;
	_ =	strace $0xD0000000  }
0x3: {  	_ = 	snop  }
0x4: {  	_ = 	snop  }
0x5: {  	_ = 	snop  }
0x6: {  	_ = 	snop  }
0x7: {  	_ = 	snop  }
__scs_overlays_trampoline_lowered:
0x8: {  	[smem:$0x3FAC] =	sst s0  }
0x9: {  	[smem:$0x3FAD] =	sst s1  }
0xa: {  	[smem:$0x3FAE] =	sst s2  }
0xb: {  	[smem:$0x3FAF] =	sst s3  }
0xc: {  	[smem:$0x3FB0] =	sst s4  }
0xd: {  	[smem:$0x3FB1] =	sst s5  }
0xe: {  	[smem:$0x3FB2] =	sst s6  }
0xf: {  	[smem:$0x3FB3] =	sst s7  }
0x10: {  	[smem:$0x3FB4] =	sst s8  }
0x11: {  	[smem:$0x3FB5] =	sst s9;
	s0 =	simm.s32 @!p0 $0x0  }
0x12: {  	s1 =	sld [smem:$0x3F9B];
	s0 =	simm.s32 @p0 $0x1  }
0x13: {  	[smem:$0x3FB6] =	sst s0;
	s0 =	simm.s32 @!p1 $0x0  }
0x14: {  	s2 =	sld [smem:$0x3F9A];
	s0 =	simm.s32 @p1 $0x1  }
0x15: {  	[smem:$0x3FB7] =	sst s0;
	s0 =	simm.s32 @!p2 $0x0  }
0x16: {  	s3 =	sld [smem:$0x3FDB];
	s0 =	simm.s32 @p2 $0x1  }
0x17: {  	s4 =	simm.s32 $0x1BF5;
	[smem:$0x3FB9] =	sst s0  }
0x18: {  	s0 =	sld [smem:$0x3F9C];
	_ =	swait.ge [sflag:s4], $0x0  }
0x19: {  	s7 =	sld [smem:$0x3F9D]  }
0x1a: {  	s8 =	sadd.s32 $0xFFFFE003, lr  }
0x1b: {  	s9 =	sadd.s32 $0xFFFFFEF7, lr;
	s5 =	simm.s32 $0xFFFFFFFF;
	p2 =	slt.u32 s8, $0xFFFFF086  }
0x1c: {  	p1 =	slt.u32 s9, $0xF7A;
	s5 =	simm.s32 @!p2 $0x0  }
0x1d: {  	s5 =	simm.s32 @p1 $0x1;
	p0 =	seq.s32 s7, s2  }
0x1e: {  	s7 =	smul.u32 @!p0 $0xF7A, s2;
	p2 =	seq.s32 @!p0 s5, $0x0  }
0x1f: {  	s9 =	smul.u32 $0xF7A, s1;
	s8 =	simm.s32 @!p0 $0x1BF5;
	p2 =	por !p2, p0  }
0x20: {  	[sflag:s8] =	ssyncset.s32 @!p0 $0xFFFFF086;
	s6 =	sadd.s32 @!p0 s3, s7;
	s7 =	simm.s32 @!p0 $0x108  }
0x21: {  	s3 =	sadd.s32 s3, s9;
	s6 =	sadd.s32 @!p0 $0x88, s6;
	s7 =	simm.s32 @p2 $0x1082  }
0x22: {  	[simem:s7], [sflag:s8] =	dma.local @!p0 [hbm:s6], $0xF7A  }
0x23: {  	s9 =	sor.u32 $0xD0000000, s2;
	s6 =	simm.s32 $0x108;
	_ =	swait.ge @!p0 [sflag:s8], $0x0  }
0x24: {  	s3 =	sadd.s32 $0x88, s3;
	s6 =	simm.s32 @!p1 $0x1082;
	[sflag:s4] =	ssyncset.s32 $0xFFFFF086  }
0x25: {  	[simem:s6], [sflag:s4] =	dma.local [hbm:s3], $0xF7A  }
0x26: {  	[smem:$0x3F9D] =	sst s1;
	(tag) =	ssettag s2;
	_ =	strace s9  }
0x27: {  	s1 =	sld [smem:$0x3FAD]  }
0x28: {  	s2 =	sld [smem:$0x3FAE]  }
0x29: {  	s4 =	sld [smem:$0x3FB0]  }
0x2a: {  	p0 =	seq.s32 s5, $0x0;
	s5 =	sld [smem:$0x3FB1]  }
0x2b: {  	s6 =	sld [smem:$0x3FB2]  }
0x2c: {  	s7 =	sld [smem:$0x3FB3]  }
0x2d: {  	s3 =	simm.s32 $0x108;
	s8 =	sld [smem:$0x3FB4]  }
0x2e: {  	s3 =	simm.s32 @!p0 $0x1082;
	s9 =	sld [smem:$0x3FB5]  }
0x2f: {  	lr =	sadd.s32 s0, s3;
	s0 =	sld [smem:$0x3FAC]  }
0x30: {  	s3 =	sld [smem:$0x3FAF]  }
0x31: {  	[smem:$0x3FB8] =	sst s10  }
0x32: {  	s10 =	sld [smem:$0x3FB6];
	_ =	sdelay $0x3  }
0x33: {  	p0 =	seq.s32 s10, $0x1;
	s10 =	sld [smem:$0x3FB8];
	_ =	sdelay $0x3  }
0x34: {  	[smem:$0x3FB8] =	sst s10  }
0x35: {  	s10 =	sld [smem:$0x3FB7];
	_ =	sdelay $0x3  }
0x36: {  	p1 =	seq.s32 s10, $0x1;
	s10 =	sld [smem:$0x3FB8];
	_ =	sdelay $0x3  }
0x37: {  	[smem:$0x3FB8] =	sst s10  }
0x38: {  	s10 =	sld [smem:$0x3FB9]  }
0x39: {  	_ = 	snop;
	(pc) =	sbr.ind lr, $3  }
0x3a: {  	_ = 	snop  }
0x3b: {  	_ = 	snop  }
0x3c: {  	p2 =	seq.s32 s10, $0x1;
	s10 =	sld [smem:$0x3FB8]  }
0x3d: {  	_ =	shalt  }
0x3e: {  	_ =	shalt  }
0x3f: {  	_ =	shalt  }
0x40: {  	_ =	shalt  }
0x41: {  	_ =	shalt  }
0x42: {  	_ =	shalt  }
0x43: {  	_ =	shalt  }
0x44: {  	_ =	shalt  }
0x45: {  	_ =	shalt  }
0x46: {  	_ =	shalt  }
0x47: {  	_ =	shalt  }
0x48: {  	_ =	shalt  }
0x49: {  	_ =	shalt  }
0x4a: {  	_ =	shalt  }
0x4b: {  	_ =	shalt  }
0x4c: {  	_ =	shalt  }
0x4d: {  	_ =	shalt  }
0x4e: {  	_ =	shalt  }
0x4f: {  	_ =	shalt  }
0x50: {  	_ =	shalt  }
0x51: {  	_ =	shalt  }
0x52: {  	_ =	shalt  }
0x53: {  	_ =	shalt  }
0x54: {  	_ =	shalt  }
0x55: {  	_ =	shalt  }
0x56: {  	_ =	shalt  }
0x57: {  	_ =	shalt  }
0x58: {  	_ =	shalt  }
0x59: {  	_ =	shalt  }
0x5a: {  	_ =	shalt  }
0x5b: {  	_ =	shalt  }
0x5c: {  	_ =	shalt  }
0x5d: {  	_ =	shalt  }
0x5e: {  	_ =	shalt  }
0x5f: {  	_ =	shalt  }
0x60: {  	_ =	shalt  }
0x61: {  	_ =	shalt  }
0x62: {  	_ =	shalt  }
0x63: {  	_ =	shalt  }
0x64: {  	_ =	shalt  }
0x65: {  	_ =	shalt  }
0x66: {  	_ =	shalt  }
0x67: {  	_ =	shalt  }
0x68: {  	_ =	shalt  }
0x69: {  	_ =	shalt  }
0x6a: {  	_ =	shalt  }
0x6b: {  	_ =	shalt  }
0x6c: {  	_ =	shalt  }
0x6d: {  	_ =	shalt  }
0x6e: {  	_ =	shalt  }
0x6f: {  	_ =	shalt  }
0x70: {  	_ =	shalt  }
0x71: {  	_ =	shalt  }
0x72: {  	_ =	shalt  }
0x73: {  	_ =	shalt  }
0x74: {  	_ =	shalt  }
0x75: {  	_ =	shalt  }
0x76: {  	_ =	shalt  }
0x77: {  	_ =	shalt  }
0x78: {  	_ =	shalt  }
0x79: {  	_ =	shalt  }
0x7a: {  	_ =	shalt  }
0x7b: {  	_ =	shalt  }
0x7c: {  	_ =	shalt  }
0x7d: {  	_ =	shalt  }
0x7e: {  	_ =	shalt  }
0x7f: {  	_ =	shalt  }
0x80: {  	_ =	shalt  }
0x81: {  	_ =	shalt  }
0x82: {  	_ =	shalt  }
0x83: {  	_ =	shalt  }
0x84: {  	_ =	shalt  }
0x85: {  	_ =	shalt  }
0x86: {  	_ =	shalt  }
0x87: {  	_ =	shalt  }
.Lfunc_end0:
.L_simem_size_0:
called_computation.3_lowered:
.L_overlay_start_0:
0x88: {  	s2 =	sld [smem:$0x3FD9]  }
0x89: {  	s3 =	sld [smem:$0x3FFE];
	_ =	sdelay $0x1  }
0x8a: {  	s1 =	srdreg.scid  }
0x8b: {  	s0 =	sand.u32 $0x1, s1  }
0x8c: {  	s17 =	sshll.u32 s0, $0xA;
	s2 =	sadd.s32 s3, s2  }
0x8d: {  	s2 =	sadd.s32 s2, s17  }
0x8e: {  	[smem:$0x3FC4] =	sst s2  }
0x8f: {  	_ = 	snop  }
0x90: {  	s2 =	sld [smem:$0x3FD0];
	(tm) =	ssettm $0x1  }
0x91: {  	s18 =	sld [smem:$0x3FFB];
	_ =	sdelay $0x3  }
0x92: {  	_ =	strace s18  }
0x93: {  	s3 =	sld [smem:$0x3FFC];
	_ =	sdelay $0x3  }
0x94: {  	_ =	strace s3  }
0x95: {  	s3 =	sld [smem:$0x3FFD];
	_ =	sdelay $0x3  }
0x96: {  	_ =	strace s3  }
0x97: {  	_ =	strace $0x8FFFFFFF  }
0x98: {  	s19 =	sld [smem:$0x3FDB];
	_ =	sdelay $0x1  }
0x99: {  	s4 =	simm.s32 $_scs_section_size  }
0x9a: {  	s5 =	simm.s32 $_size__tile_overlayer_lowered;
	s6 =	simm.s32 $_tile_overlayer_lowered  }
0x9b: {  	s22 =	simm.s32 $0x1BFF;
	s21 =	sshll.u32 s6, $0x1;
	s3 =	sadd.s32 s4, s19  }
0x9c: {  	s7 =	simm.s32 $0x0;
	s20 =	sshll.u32 s5, $0x1;
	s5 =	sadd.s32 s21, s3  }
0x9d: {  	[timem:s7], [sflag:s22] =	dma.local [hbm:s5], s20  }
0x9e: {  	_ =	swait.ge [sflag:s22], s20  }
0x9f: {  	s4 =	ssub.s32 $0x0, s20;
	[sflag:s22] =	ssyncset.done $0x0  }
0xa0: {  	[sflag:s22] =	ssyncadd.s32 s4;
	_ =	sdelay $0x1  }
0xa1: {  	s23 =	simm.s32 $0x1B8B  }
0xa2: {  	_ =	swait.ge [sflag:s23], $0x1  }
0xa3: {  	[sflag:s23] =	ssyncset.done $0x0  }
0xa4: {  	s25 =	simm.s32 $0x1B8E;
	s24 =	sld [smem:$0x3FFE];
	[sflag:s23] =	ssyncadd.s32 $0xFFFFFFFF  }
0xa5: {  	s26 =	simm.s32 $execute0_lowered;
	[smem:$0x3FD2] =	sst s25  }
0xa6: {  	s5 =	sshll.u32 s26, $0x1;
	_ =	strace $0x8000004F;
	[dreg:$0x1] =	wrdreg $0xFFFFFFFF  }
0xa7: {  	s28 =	simm.s32 $_size_execute0_lowered;
	s3 =	sadd.s32 s3, s5;
	[dreg:$0x0] =	wrdreg $0x0  }
0xa8: {  	s5 =	sshll.u32 s28, $0x1;
	[dreg:$0x2] =	wrdreg s3  }
0xa9: {  	[dreg:$0x3] =	wrdreg s5  }
0xaa: {  	[dreg:$0x4] =	wrdreg $0xC0  }
0xab: {  	_ =	task [dreg:s7], $0x5FFFF  }
0xac: {  	[dreg:$0x1] =	wrdreg $0xFFFFFFFF  }
0xad: {  	[dreg:$0x0] =	wrdreg $0x60  }
0xae: {  	[dreg:$0x2] =	wrdreg s24  }
0xaf: {  	[dreg:$0x3] =	wrdreg s2  }
0xb0: {  	[dreg:$0x4] =	wrdreg $0x9  }
0xb1: {  	_ =	task.clear_ibuf [dreg:s7], $0x5FFFF;
	_ =	strace $0x9000004F  }
0xb2: {  	s29 =	simm.s32 $0x9;
	_ =	strace $0x80000051  }
0xb3: {  	_ =	swait.ge [sflag:s29], $0x1  }
0xb4: {  	[sflag:s29] =	ssyncadd.s32 $0xFFFFFFFF  }
0xb5: {  	_ =	strace $0x90000051  }
0xb6: {  	_ =	sfence  }
0xb7: {  	s30 =	sld [smem:$0x0];
	_ =	sdelay $0x2  }
0xb8: {  	s31 =	sshll.u32 s1, $0xD;
	s1 =	sshrl.u32 s1, $0x2  }
0xb9: {  	s3 =	sand.u32 $0x4000, s31;
	s1 =	sadd.s32 s1, s30  }
0xba: {  	s0 =	sor.u32 s3, s0;
	s1 =	sshll.u32 s1, $0x11  }
0xbb: {  	s0 =	sor.u32 s1, s0  }
0xbc: {  	s0 =	sadd.s32 $0x8F2B, s0  }
0xbd: {  	[sflag:s0] =	ssyncadd.remote.s32 $0x1  }
0xbe: {  	_ =	sfence.sel $0xFFFF  }
0xbf: {  	[dreg:$0x0] =	wrdreg $0xFFFFFFFF;
	(pc) =	sbr.abs _section_cstart, $3  }
0xc0: {  	[dreg:$0x1] =	wrdreg $0xFFFFFFFF  }
0xc1: {  	_ =	task.clear_ibuf [dreg:s7], $0x2FFFF;
	_ =	strace $0x9FFFFFFF  }
0xc2: {  	(tm) =	ssettm $0x7FFFFFFF  }
0xc3: {  	_ =	shalt  }
tec
execute0_lowered:
.L_overlay_start_1:
0x0: {  	(tag) =	ssettag $0x1  }
0x1: {  	s9 =	rddreg [dreg:$0x0]  }
0x2: {  	s11 =	rddreg [dreg:$0x1]  }
0x3: {  	s1 =	simm.s32 $0x0;
	s8 =	srdreg.scid;
	s3 =	stileid.u32  }
0x4: {  	s15 =	simm.s32 $0x4E00;
	s16 =	simm.s32 $0xD00;
	s17 =	simm.s32 $0x1A00  }
0x5: {  	s18 =	simm.s32 $0x2700;
	s19 =	simm.s32 $0x3400;
	s20 =	simm.s32 $0x4100  }
0x6: {  	s21 =	simm.s32 $0x1;
	s22 =	simm.s32 $0x5B00;
	[smem:$0x7FF] =	sst s1  }
0x7: {  	s23 =	simm.s32 $0x0;
	s2 =	sadd.s32 $0x1E9600, s9;
	s5 =	sadd.s32 $0x288200, s9  }
0x8: {  	s4 =	sadd.s32 $0x19A000, s9;
	s6 =	sadd.s32 $0x238C00, s9;
	s7 =	sadd.s32 $0xEE200, s9  }
0x9: {  	s10 =	sand.u32 $0x1, s8;
	s12 =	sshll.u32 s3, $0x1;
	s8 =	sadd.s32 $0x13D800, s9  }
0xa: {  	s9 =	sadd.s32 $0x199E00, s9;
	s13 =	ssub.s32 $0x2, s10;
	s10 =	sor.u32 s10, s12  }
0xb: {  	_ =	strace $0x80000050;
	s31 =	sshrl.u32 s13, $0x1;
	s14 =	sshll.u32 s10, $0x6  }
0xc: {  	s10 =	sshll.u32 s10, $0x2;
	s12 =	ssub.s32 s13, s31;
	s11 =	sadd.s32 s11, s14  }
0xd: {  	s13 =	simm.s32 $0x5D00;
	s14 =	simm.s32 $0x2;
	s12 =	smax.u32 s12, $0x1  }
.LBB2_1:
0xe: {  	[tilespmem:s13], [sflag:$0x2] =	stream.linear.gather [hbm4b:s9+s1], $0x10, $0x38;
	[tilespmem:$0x5D10] =	vst v63  }
0xf: {  	_ =	swait.ge [sflag:s14], $0x10  }
0x10: {  	[sflag:s14] =	ssyncset.done $0x0  }
0x11: {  	s24 =	simm.s32 $0x5B00;
	s25 =	simm.s32 $0x0;
	[sflag:s14] =	ssyncadd.s32 $0xFFFFFFF0  }
.LBB2_2:
0x12: {  	s26 =	sadd.s32 s10, s25  }
0x13: {  	s28 =	smul.u32 $0x1A0, s26;
	_ =	sdelay $0x1  }
0x14: {  	s29 =	simm.s32 $0x0;
	s28 =	sadd.s32 s8, s28  }
0x15: {  	[tilespmem:s29], [sflag:$0x2] =	stream.linear.gather [hbm4b:s28+s29], $0xD00, $0x38;
	[tilespmem:$0x5D10] =	vst v63  }
0x16: {  	_ =	swait.ge [sflag:s14], $0xD00  }
0x17: {  	[sflag:s14] =	ssyncset.done $0x0  }
0x18: {  	[sflag:s14] =	ssyncadd.s32 $0xFFFFF300  }
0x19: {  	v0 =	vld [tilespmem:s29+$0x0];
	_ =	sdelay $0x1  }
0x1a: {  	s28 =	simm.s32 $0x0  }
0x1b: {  	s29 =	smul.u32 $0x186A0, s28;
	_ =	sdelay $0x1  }
0x1c: {  	s28 =	simm.s32 $0xD00;
	v0 =	vadd.s32 s29, v0  }
0x1d: {  	s29 =	simm.s32 $0x10;
	[tilespmem:s28+$0x0] =	vst v0  }
0x1e: {  	s30 =	simm.s32 $0x1;
	s31 =	simm.s32 $0x2;
	v0 =	vld [tilespmem:s29+$0x0]  }
.LBB2_3:
0x1f: {  	p0 =	sne.s32 s31, $0xCF;
	s0 =	sshrl.u32 s30, $0x3  }
0x20: {  	s30 =	smov.u32 s31;
	s0 =	smul.u32 $0x186A0, s0  }
.Ltmp0:
0x21: {  	(pc) =	sbr.rel @p0 .LBB2_3-.Ltmp0, $4  }
0x22: {  	_ = 	snop  }
0x23: {  	s28 =	sadd.s32 $0x10, s28;
	v0 =	vadd.s32 s0, v0  }
0x24: {  	s29 =	sadd.s32 $0x10, s29;
	[tilespmem:s28+$0x0] =	vst v0  }
0x25: {  	s31 =	sadd.s32 $0x1, s31;
	v0 =	vld [tilespmem:s29+$0x0]  }
0x26: {  	_ = 	snop  }
0x27: {  	s0 =	sshrl.u32 s30, $0x3  }
0x28: {  	s0 =	smul.u32 $0x186A0, s0;
	_ =	sdelay $0x1  }
0x29: {  	s29 =	sadd.s32 $0x10, s28;
	s26 =	sshll.u32 s26, $0x4;
	v0 =	vadd.s32 s0, v0  }
0x2a: {  	s31 =	simm.s32 $0x0;
	s30 =	sadd.s32 s7, s26;
	[tilespmem:s29+$0x0] =	vst v0  }
0x2b: {  	[tilespmem:s15], [sflag:$0x2] =	stream.linear.gather [hbm4b:s30+s31], $0x80, $0x38;
	[tilespmem:$0x5D10] =	vst v63  }
0x2c: {  	_ =	swait.ge [sflag:s14], $0x80  }
0x2d: {  	[sflag:s14] =	ssyncset.done $0x0  }
0x2e: {  	[sflag:s14] =	ssyncadd.s32 $0xFFFFFF80  }
0x2f: {  	[tilespmem:s17], [sflag:$0x1] =	stream.indirect.gather [hbm4b:s2+s16], $0x1, s16, s16, $0xb8;
	[tilespmem:$0x5D10] =	vst v63  }
0x30: {  	_ = 	snop  }
0x31: {  	[tilespmem:s18], [sflag:$0x1] =	stream.indirect.gather [hbm4b:s4+s16], $0x1, s16, s16, $0xb8;
	[tilespmem:$0x5D10] =	vst v63  }
0x32: {  	_ = 	snop  }
0x33: {  	[tilespmem:s19], [sflag:$0x1] =	stream.indirect.gather [hbm4b:s5+s16], $0x1, s16, s16, $0xb8;
	[tilespmem:$0x5D10] =	vst v63  }
0x34: {  	_ = 	snop  }
0x35: {  	[tilespmem:s20], [sflag:$0x1] =	stream.indirect.gather [hbm4b:s6+s16], $0x1, s16, s16, $0xb8;
	[tilespmem:$0x5D10] =	vst v63  }
0x36: {  	_ =	swait.ge [sflag:s21], $0xD00  }
0x37: {  	[sflag:s21] =	ssyncset.done $0x0  }
0x38: {  	[sflag:s21] =	ssyncadd.s32 $0xFFFFF300  }
0x39: {  	_ =	swait.ge [sflag:s21], $0xD00  }
0x3a: {  	[sflag:s21] =	ssyncset.done $0x0  }
0x3b: {  	[sflag:s21] =	ssyncadd.s32 $0xFFFFF300  }
0x3c: {  	_ =	swait.ge [sflag:s21], $0xD00  }
0x3d: {  	[sflag:s21] =	ssyncset.done $0x0  }
0x3e: {  	[sflag:s21] =	ssyncadd.s32 $0xFFFFF300  }
0x3f: {  	_ =	swait.ge [sflag:s21], $0xD00  }
0x40: {  	[sflag:s21] =	ssyncset.done $0x0  }
0x41: {  	s26 =	simm.s32 $0x0;
	[sflag:s21] =	ssyncadd.s32 $0xFFFFF300  }
0x42: {  	v1 =	vld [tilespmem:s26+$0x3380]  }
0x43: {  	v0 =	vld [tilespmem:s26+$0x4100]  }
0x44: {  	v2 =	vld [tilespmem:s26+$0x4180]  }
0x45: {  	v3 =	vld [tilespmem:s26+$0x4200]  }
0x46: {  	v4 =	vld [tilespmem:s26+$0x3400]  }
0x47: {  	v5 =	vld [tilespmem:s26+$0x3480]  }
0x48: {  	v6 =	vld [tilespmem:s26+$0x4280]  }
0x49: {  	v7 =	vld [tilespmem:s26+$0x3500];
	v8 =	vmul.f32 v0, v0;
	v9 =	vmul.f32 v2, v2  }
0x4a: {  	v10 =	vld [tilespmem:s26+$0x4300]  }
0x4b: {  	v11 =	vld [tilespmem:s26+$0x3580];
	v2 =	vadd.f32 v2, v0;
	v8 =	vadd.f32 v9, v8;
	v9 =	vmul.f32 v3, v3  }
0x4c: {  	v14 =	vld [tilespmem:s26+$0x4380];
	v0 =	vmov s24;
	v12 =	vmul.f32 v4, v4;
	v13 =	vmul.f32 v5, v5  }
0x4d: {  	v15 =	vld [tilespmem:s26+$0x3600];
	v2 =	vadd.f32 v3, v2;
	v3 =	vadd.f32 v9, v8;
	v8 =	vmul.f32 v6, v6  }
0x4e: {  	v4 =	vadd.f32 v5, v4;
	v5 =	vadd.f32 v13, v12;
	v12 =	vld [tilespmem:s26+$0x4400];
	v9 =	vmul.f32 v7, v7  }
0x4f: {  	v13 =	vld [tilespmem:s26+$0x3680];
	v2 =	vadd.f32 v6, v2;
	v6 =	vmul.f32 v10, v10;
	v3 =	vadd.f32 v8, v3  }
0x50: {  	v4 =	vadd.f32 v7, v4;
	v7 =	vmul.f32 v11, v11;
	v5 =	vadd.f32 v9, v5;
	v8 =	vld [tilespmem:s26+$0x4480]  }
0x51: {  	v9 =	vld [tilespmem:s26+$0x3700];
	v2 =	vadd.f32 v10, v2;
	v3 =	vadd.f32 v6, v3;
	v6 =	vmul.f32 v14, v14  }
0x52: {  	v4 =	vadd.f32 v11, v4;
	v10 =	vld [tilespmem:s26+$0x4500];
	v5 =	vadd.f32 v7, v5;
	v7 =	vmul.f32 v15, v15  }
0x53: {  	v11 =	vld [tilespmem:s26+$0x3780];
	v2 =	vadd.f32 v14, v2;
	v3 =	vadd.f32 v6, v3;
	v6 =	vmul.f32 v12, v12  }
0x54: {  	v4 =	vadd.f32 v15, v4;
	v14 =	vld [tilespmem:s26+$0x4580];
	v5 =	vadd.f32 v7, v5;
	v7 =	vmul.f32 v13, v13  }
0x55: {  	v15 =	vld [tilespmem:s26+$0x3800];
	v2 =	vadd.f32 v12, v2;
	v3 =	vadd.f32 v6, v3;
	v6 =	vmul.f32 v8, v8  }
0x56: {  	v4 =	vadd.f32 v13, v4;
	v12 =	vld [tilespmem:s26+$0x4600];
	v5 =	vadd.f32 v7, v5;
	v7 =	vmul.f32 v9, v9  }
0x57: {  	v13 =	vld [tilespmem:s26+$0x3880];
	v2 =	vadd.f32 v8, v2;
	v3 =	vadd.f32 v6, v3;
	v6 =	vmul.f32 v10, v10  }
0x58: {  	v4 =	vadd.f32 v9, v4;
	v8 =	vld [tilespmem:s26+$0x4680];
	v5 =	vadd.f32 v7, v5;
	v7 =	vmul.f32 v11, v11  }
0x59: {  	v9 =	vld [tilespmem:s26+$0x3900];
	v2 =	vadd.f32 v10, v2;
	v3 =	vadd.f32 v6, v3;
	v6 =	vmul.f32 v14, v14  }
0x5a: {  	v4 =	vadd.f32 v11, v4;
	v10 =	vld [tilespmem:s26+$0x4700];
	v5 =	vadd.f32 v7, v5;
	v7 =	vmul.f32 v15, v15  }
0x5b: {  	v11 =	vld [tilespmem:s26+$0x3980];
	v2 =	vadd.f32 v14, v2;
	v3 =	vadd.f32 v6, v3;
	v6 =	vmul.f32 v12, v12  }
0x5c: {  	v4 =	vadd.f32 v15, v4;
	v14 =	vld [tilespmem:s26+$0x4780];
	v5 =	vadd.f32 v7, v5;
	v7 =	vmul.f32 v13, v13  }
0x5d: {  	v15 =	vld [tilespmem:s26+$0x3A00];
	v2 =	vadd.f32 v12, v2;
	v3 =	vadd.f32 v6, v3;
	v6 =	vmul.f32 v8, v8  }
0x5e: {  	v4 =	vadd.f32 v13, v4;
	v12 =	vld [tilespmem:s26+$0x4800];
	v5 =	vadd.f32 v7, v5;
	v7 =	vmul.f32 v9, v9  }
0x5f: {  	v13 =	vld [tilespmem:s26+$0x3A80];
	v2 =	vadd.f32 v8, v2;
	v3 =	vadd.f32 v6, v3;
	v6 =	vmul.f32 v10, v10  }
0x60: {  	v4 =	vadd.f32 v9, v4;
	v8 =	vld [tilespmem:s26+$0x4880];
	v5 =	vadd.f32 v7, v5;
	v7 =	vmul.f32 v11, v11  }
0x61: {  	v9 =	vld [tilespmem:s26+$0x3B00];
	v2 =	vadd.f32 v10, v2;
	v3 =	vadd.f32 v6, v3;
	v6 =	vmul.f32 v14, v14  }
0x62: {  	v4 =	vadd.f32 v11, v4;
	v10 =	vld [tilespmem:s26+$0x4900];
	v5 =	vadd.f32 v7, v5;
	v7 =	vmul.f32 v15, v15  }
0x63: {  	v11 =	vld [tilespmem:s26+$0x3B80];
	v2 =	vadd.f32 v14, v2;
	v3 =	vadd.f32 v6, v3;
	v6 =	vmul.f32 v12, v12  }
0x64: {  	v4 =	vadd.f32 v15, v4;
	v14 =	vld [tilespmem:s26+$0x4980];
	v5 =	vadd.f32 v7, v5;
	v7 =	vmul.f32 v13, v13  }
0x65: {  	v15 =	vld [tilespmem:s26+$0x3C00];
	v2 =	vadd.f32 v12, v2;
	v3 =	vadd.f32 v6, v3;
	v6 =	vmul.f32 v8, v8  }
0x66: {  	v4 =	vadd.f32 v13, v4;
	v12 =	vld [tilespmem:s26+$0x4A00];
	v5 =	vadd.f32 v7, v5;
	v7 =	vmul.f32 v9, v9  }
0x67: {  	v13 =	vld [tilespmem:s26+$0x3C80];
	v2 =	vadd.f32 v8, v2;
	v3 =	vadd.f32 v6, v3;
	v6 =	vmul.f32 v10, v10  }
0x68: {  	v4 =	vadd.f32 v9, v4;
	v8 =	vld [tilespmem:s26+$0x4A80];
	v5 =	vadd.f32 v7, v5;
	v7 =	vmul.f32 v11, v11  }
0x69: {  	v9 =	vld [tilespmem:s26+$0x3D00];
	v2 =	vadd.f32 v10, v2;
	v3 =	vadd.f32 v6, v3;
	v6 =	vmul.f32 v14, v14  }
0x6a: {  	v4 =	vadd.f32 v11, v4;
	v10 =	vld [tilespmem:s26+$0x4B00];
	v5 =	vadd.f32 v7, v5;
	v7 =	vmul.f32 v15, v15  }
0x6b: {  	v11 =	vld [tilespmem:s26+$0x3D80];
	v2 =	vadd.f32 v14, v2;
	v3 =	vadd.f32 v6, v3;
	v6 =	vmul.f32 v12, v12  }
0x6c: {  	v4 =	vadd.f32 v15, v4;
	v14 =	vld [tilespmem:s26+$0x4B80];
	v5 =	vadd.f32 v7, v5;
	v7 =	vmul.f32 v13, v13  }
0x6d: {  	v15 =	vld [tilespmem:s26+$0x3E00];
	v12 =	vadd.f32 v12, v2;
	v3 =	vadd.f32 v6, v3;
	v6 =	vmul.f32 v8, v8  }
0x6e: {  	v16 =	vld [tilespmem:s26+$0x4C00];
	v4 =	vadd.f32 v13, v4;
	v5 =	vadd.f32 v7, v5;
	v7 =	vmul.f32 v9, v9  }
0x6f: {  	v2 =	vld [tilespmem:s26+$0x3E80];
	v8 =	vadd.f32 v8, v12;
	v12 =	vmul.f32 v10, v10;
	v6 =	vadd.f32 v6, v3  }
0x70: {  	v9 =	vadd.f32 v9, v4;
	v4 =	vld [tilespmem:s26+$0x4C80];
	v5 =	vadd.f32 v7, v5;
	v7 =	vmul.f32 v11, v11  }
0x71: {  	v3 =	vld [tilespmem:s26+$0x3F00];
	v8 =	vadd.f32 v10, v8;
	v10 =	vadd.f32 v12, v6;
	v12 =	vmul.f32 v14, v14  }
0x72: {  	v13 =	vmul.f32 v15, v15;
	v9 =	vadd.f32 v11, v9;
	v11 =	vadd.f32 v7, v5;
	v6 =	vld [tilespmem:s26+$0x4D00]  }
0x73: {  	v17 =	vmul.f32 v16, v16;
	v5 =	vld [tilespmem:s26+$0x3F80];
	v14 =	vadd.f32 v14, v8;
	v12 =	vadd.f32 v12, v10  }
0x74: {  	v7 =	vld [tilespmem:s26+$0x2700];
	v9 =	vadd.f32 v15, v9;
	v10 =	vadd.f32 v13, v11;
	v13 =	vmul.f32 v2, v2  }
0x75: {  	s28 =	simm.s32 $0x40;
	v8 =	vld [tilespmem:s26+$0x1A00];
	v11 =	vadd.f32 v16, v14;
	v14 =	vmul.f32 v4, v4;
	v12 =	vadd.f32 v17, v12  }
.LBB2_5:
0x76: {  	p0 =	sne.s32 s28, $0x1C0;
	v15 =	vld [tilespmem:s26+$0x1A80];
	v2 =	vadd.f32 v2, v9;
	v9 =	vadd.f32 v13, v10;
	v10 =	vmul.f32 v3, v3  }
0x77: {  	v13 =	vld [tilespmem:s26+$0x2780];
	v4 =	vadd.f32 v4, v11;
	v11 =	vadd.f32 v14, v12;
	v12 =	vmul.f32 v6, v6  }
0x78: {  	v14 =	vld [tilespmem:s26+$0x1B00];
	v16 =	vadd.f32 v3, v2;
	v9 =	vadd.f32 v10, v9;
	v10 =	vmul.f32 v5, v5  }
0x79: {  	v17 =	vld [tilespmem:s26+$0x2800];
	v3 =	vadd.f32 v6, v4;
	v2 =	vadd.f32 v12, v11  }
0x7a: {  	v4 =	vmul.f32 v1, v1;
	v11 =	vld [tilespmem:s26+$0x1B80];
	v6 =	vadd.f32 v5, v16;
	v5 =	vadd.f32 v10, v9  }
0x7b: {  	v9 =	vmul.f32 v8, v8;
	v8 =	vadd.f32 v15, v8;
	v10 =	vmul.f32 v15, v15;
	v12 =	vld [tilespmem:s26+$0x2880]  }
0x7c: {  	v16 =	vmul.f32 v7, v7;
	v15 =	vld [tilespmem:s26+$0x1C00];
	v7 =	vadd.f32 v13, v7;
	v13 =	vmul.f32 v13, v13  }
0x7d: {  	v9 =	vadd.f32 v10, v9;
	v8 =	vadd.f32 v14, v8;
	v10 =	vmul.f32 v14, v14;
	v14 =	vld [tilespmem:s26+$0x2900]  }
0x7e: {  	v18 =	vld [tilespmem:s26+$0x1C80];
	v13 =	vadd.f32 v13, v16;
	v7 =	vadd.f32 v17, v7;
	v16 =	vmul.f32 v17, v17  }
0x7f: {  	v9 =	vadd.f32 v10, v9;
	v8 =	vadd.f32 v11, v8;
	v10 =	vmul.f32 v11, v11;
	v11 =	vld [tilespmem:s26+$0x2980]  }
0x80: {  	v17 =	vld [tilespmem:s26+$0x1D00];
	v13 =	vadd.f32 v16, v13;
	v7 =	vadd.f32 v12, v7;
	v12 =	vmul.f32 v12, v12  }
0x81: {  	v9 =	vadd.f32 v10, v9;
	v8 =	vadd.f32 v15, v8;
	v10 =	vmul.f32 v15, v15;
	v15 =	vld [tilespmem:s26+$0x2A00]  }
0x82: {  	v16 =	vld [tilespmem:s26+$0x1D80];
	v12 =	vadd.f32 v12, v13;
	v7 =	vadd.f32 v14, v7;
	v13 =	vmul.f32 v14, v14  }
0x83: {  	v9 =	vadd.f32 v10, v9;
	v8 =	vadd.f32 v18, v8;
	v10 =	vmul.f32 v18, v18;
	v14 =	vld [tilespmem:s26+$0x2A80]  }
0x84: {  	v18 =	vld [tilespmem:s26+$0x1E00];
	v12 =	vadd.f32 v13, v12;
	v7 =	vadd.f32 v11, v7;
	v11 =	vmul.f32 v11, v11  }
0x85: {  	v9 =	vadd.f32 v10, v9;
	v8 =	vadd.f32 v17, v8;
	v10 =	vmul.f32 v17, v17;
	v13 =	vld [tilespmem:s26+$0x2B00]  }
0x86: {  	v17 =	vld [tilespmem:s26+$0x1E80];
	v11 =	vadd.f32 v11, v12;
	v7 =	vadd.f32 v15, v7;
	v12 =	vmul.f32 v15, v15  }
0x87: {  	v9 =	vadd.f32 v10, v9;
	v8 =	vadd.f32 v16, v8;
	v10 =	vmul.f32 v16, v16;
	v15 =	vld [tilespmem:s26+$0x2B80]  }
0x88: {  	v16 =	vld [tilespmem:s26+$0x1F00];
	v11 =	vadd.f32 v12, v11;
	v7 =	vadd.f32 v14, v7;
	v12 =	vmul.f32 v14, v14  }
0x89: {  	v9 =	vadd.f32 v10, v9;
	v8 =	vadd.f32 v18, v8;
	v10 =	vmul.f32 v18, v18;
	v14 =	vld [tilespmem:s26+$0x2C00]  }
0x8a: {  	v18 =	vld [tilespmem:s26+$0x1F80];
	v11 =	vadd.f32 v12, v11;
	v7 =	vadd.f32 v13, v7;
	v12 =	vmul.f32 v13, v13  }
0x8b: {  	v9 =	vadd.f32 v10, v9;
	v8 =	vadd.f32 v17, v8;
	v10 =	vmul.f32 v17, v17;
	v13 =	vld [tilespmem:s26+$0x2C80]  }
0x8c: {  	v17 =	vld [tilespmem:s26+$0x2000];
	v11 =	vadd.f32 v12, v11;
	v7 =	vadd.f32 v15, v7;
	v12 =	vmul.f32 v15, v15  }
0x8d: {  	v9 =	vadd.f32 v10, v9;
	v8 =	vadd.f32 v16, v8;
	v10 =	vmul.f32 v16, v16;
	v15 =	vld [tilespmem:s26+$0x2D00]  }
0x8e: {  	v16 =	vld [tilespmem:s26+$0x2080];
	v11 =	vadd.f32 v12, v11;
	v7 =	vadd.f32 v14, v7;
	v12 =	vmul.f32 v14, v14  }
0x8f: {  	v9 =	vadd.f32 v10, v9;
	v8 =	vadd.f32 v18, v8;
	v10 =	vmul.f32 v18, v18;
	v14 =	vld [tilespmem:s26+$0x2D80]  }
0x90: {  	v18 =	vld [tilespmem:s26+$0x2100];
	v11 =	vadd.f32 v12, v11;
	v7 =	vadd.f32 v13, v7;
	v12 =	vmul.f32 v13, v13  }
0x91: {  	v9 =	vadd.f32 v10, v9;
	v8 =	vadd.f32 v17, v8;
	v10 =	vmul.f32 v17, v17;
	v13 =	vld [tilespmem:s26+$0x2E00]  }
0x92: {  	v17 =	vld [tilespmem:s26+$0x2180];
	v11 =	vadd.f32 v12, v11;
	v7 =	vadd.f32 v15, v7;
	v12 =	vmul.f32 v15, v15  }
0x93: {  	v9 =	vadd.f32 v10, v9;
	v8 =	vadd.f32 v16, v8;
	v10 =	vmul.f32 v16, v16;
	v15 =	vld [tilespmem:s26+$0x2E80]  }
0x94: {  	v16 =	vld [tilespmem:s26+$0x2200];
	v11 =	vadd.f32 v12, v11;
	v7 =	vadd.f32 v14, v7;
	v12 =	vmul.f32 v14, v14  }
0x95: {  	v9 =	vadd.f32 v10, v9;
	v8 =	vadd.f32 v18, v8;
	v10 =	vmul.f32 v18, v18;
	v14 =	vld [tilespmem:s26+$0x2F00]  }
0x96: {  	v18 =	vld [tilespmem:s26+$0x2280];
	v11 =	vadd.f32 v12, v11;
	v7 =	vadd.f32 v13, v7;
	v12 =	vmul.f32 v13, v13  }
0x97: {  	v9 =	vadd.f32 v10, v9;
	v8 =	vadd.f32 v17, v8;
	v10 =	vmul.f32 v17, v17;
	v13 =	vld [tilespmem:s26+$0x2F80]  }
0x98: {  	v17 =	vld [tilespmem:s26+$0x2300];
	v11 =	vadd.f32 v12, v11;
	v7 =	vadd.f32 v15, v7;
	v12 =	vmul.f32 v15, v15  }
0x99: {  	v9 =	vadd.f32 v10, v9;
	v8 =	vadd.f32 v16, v8;
	v10 =	vmul.f32 v16, v16;
	v15 =	vld [tilespmem:s26+$0x3000]  }
0x9a: {  	v16 =	vld [tilespmem:s26+$0x2380];
	v11 =	vadd.f32 v12, v11;
	v7 =	vadd.f32 v14, v7;
	v12 =	vmul.f32 v14, v14  }
0x9b: {  	v9 =	vadd.f32 v10, v9;
	v8 =	vadd.f32 v18, v8;
	v10 =	vmul.f32 v18, v18;
	v14 =	vld [tilespmem:s26+$0x3080]  }
0x9c: {  	v18 =	vld [tilespmem:s26+$0x2400];
	v11 =	vadd.f32 v12, v11;
	v7 =	vadd.f32 v13, v7;
	v12 =	vmul.f32 v13, v13  }
0x9d: {  	v9 =	vadd.f32 v10, v9;
	v8 =	vadd.f32 v17, v8;
	v10 =	vmul.f32 v17, v17;
	v13 =	vld [tilespmem:s26+$0x3100]  }
0x9e: {  	v17 =	vld [tilespmem:s26+$0x2480];
	v11 =	vadd.f32 v12, v11;
	v7 =	vadd.f32 v15, v7;
	v12 =	vmul.f32 v15, v15  }
0x9f: {  	v9 =	vadd.f32 v10, v9;
	v8 =	vadd.f32 v16, v8;
	v10 =	vmul.f32 v16, v16;
	v15 =	vld [tilespmem:s26+$0x3180]  }
0xa0: {  	v16 =	vld [tilespmem:s26+$0x2500];
	v11 =	vadd.f32 v12, v11;
	v7 =	vadd.f32 v14, v7;
	v12 =	vmul.f32 v14, v14  }
0xa1: {  	v9 =	vadd.f32 v10, v9;
	v8 =	vadd.f32 v18, v8;
	v10 =	vmul.f32 v18, v18;
	v14 =	vld [tilespmem:s26+$0x3200]  }
0xa2: {  	v18 =	vld [tilespmem:s26+$0x2580];
	v11 =	vadd.f32 v12, v11;
	v7 =	vadd.f32 v13, v7;
	v12 =	vmul.f32 v13, v13  }
0xa3: {  	v9 =	vadd.f32 v10, v9;
	v8 =	vadd.f32 v17, v8;
	v10 =	vmul.f32 v17, v17;
	v13 =	vld [tilespmem:s26+$0x3280]  }
0xa4: {  	v17 =	vld [tilespmem:s26+$0x2600];
	v11 =	vadd.f32 v12, v11;
	v7 =	vadd.f32 v15, v7;
	v12 =	vmul.f32 v15, v15  }
0xa5: {  	v9 =	vadd.f32 v10, v9;
	v8 =	vadd.f32 v16, v8;
	v10 =	vmul.f32 v16, v16;
	v15 =	vld [tilespmem:s26+$0x3300]  }
0xa6: {  	v16 =	vld [tilespmem:s26+$0x2680];
	v11 =	vadd.f32 v12, v11;
	v7 =	vadd.f32 v14, v7;
	v12 =	vmul.f32 v14, v14  }
0xa7: {  	v9 =	vadd.f32 v10, v9;
	v8 =	vadd.f32 v18, v8;
	v10 =	vmul.f32 v18, v18;
	v14 =	vld [tilespmem:s26+$0x4000]  }
0xa8: {  	v11 =	vadd.f32 v12, v11;
	v7 =	vadd.f32 v13, v7;
	v12 =	vmul.f32 v13, v13  }
0xa9: {  	v9 =	vadd.f32 v10, v9;
	v8 =	vadd.f32 v17, v8;
	v10 =	vmul.f32 v17, v17;
	v13 =	vld [tilespmem:s26+$0x4080]  }
0xaa: {  	v11 =	vadd.f32 v12, v11;
	v7 =	vadd.f32 v15, v7;
	v12 =	vmul.f32 v15, v15  }
0xab: {  	v9 =	vadd.f32 v10, v9;
	v8 =	vadd.f32 v16, v8;
	v10 =	vmul.f32 v16, v16;
	v15 =	vld [tilespmem:s26+$0x4D80]  }
0xac: {  	v11 =	vadd.f32 v12, v11;
	v6 =	vadd.f32 v14, v6;
	v12 =	vmul.f32 v14, v14  }
0xad: {  	v1 =	vadd.f32 v1, v7;
	v9 =	vadd.f32 v10, v9;
	v8 =	vmul.f32 v8, v8  }
0xae: {  	v7 =	vld [tilespmem:s26+$0x4E00];
	v5 =	vadd.f32 v12, v5;
	v6 =	vadd.f32 v13, v6;
	v10 =	vmul.f32 v13, v13  }
0xaf: {  	v4 =	vadd.f32 v4, v11;
	v1 =	vmul.f32 v1, v1;
	v8 =	vsub.f32 v8, v9  }
0xb0: {  	v5 =	vadd.f32 v10, v5;
	v3 =	vadd.f32 v15, v3;
	v9 =	vmul.f32 v15, v15  }
0xb1: {  	v1 =	vsub.f32 v1, v4;
	v4 =	vmul.f32 v6, v6;
	v8 =	vmul.f32 $5.000000000e-01, v8  }
0xb2: {  	v2 =	vadd.f32 v9, v2;
	v3 =	vmul.f32 v3, v3  }
0xb3: {  	v1 =	vmul.f32 $5.000000000e-01, v1;
	v4 =	vsub.f32 v4, v5;
	v6 =	vadd.f32 v8, v7;
	_ =	sdelay $0x1  }
0xb4: {  	v4 =	vmul.f32 $5.000000000e-01, v4;
	v2 =	vsub.f32 v3, v2;
	v1 =	vadd.f32 v1, v6;
	_ =	sdelay $0x1  }
0xb5: {  	v2 =	vmul.f32 $5.000000000e-01, v2;
	v1 =	vadd.f32 v4, v1;
	_ =	sdelay $0x1  }
0xb6: {  	v1 =	vadd.f32 v2, v1;
	_ =	sdelay $0x1  }
0xb7: {  	v1 =	vsub.f32 $0.0e+00, v1;
	_ =	sdelay $0x1  }
0xb8: {  	v1 =	vmul.f32 $1.442695020e+00, v1;
	_ =	sdelay $0x1  }
0xb9: {  	(erf) = vpow2.f32 v1;
	_ =	sdelay $0x8  }
0xba: {  	v1 =	vpop (erf)  }
0xbb: {  	v1 =	vadd.f32 $1.000000000e+00, v1;
	_ =	sdelay $0x1  }
0xbc: {  	(erf) = vrcp.f32 v1;
	_ =	sdelay $0x8  }
0xbd: {  	v1 =	vpop (erf)  }
0xbe: {  	[tilespmem:v0+s26+$0x0 ss:$0x1] =	vst.idx.msk $0xffff, v1;
	s26 =	sshra.s32 s28, $0x2  }
0xbf: {  	v1 =	vld [tilespmem:s26+$0x3380]  }
0xc0: {  	v2 =	vld [tilespmem:s26+$0x4100]  }
0xc1: {  	v3 =	vld [tilespmem:s26+$0x4180]  }
0xc2: {  	v4 =	vld [tilespmem:s26+$0x4200]  }
0xc3: {  	v5 =	vld [tilespmem:s26+$0x3400]  }
0xc4: {  	v6 =	vld [tilespmem:s26+$0x3480]  }
0xc5: {  	v7 =	vld [tilespmem:s26+$0x4280]  }
0xc6: {  	v9 =	vmul.f32 v2, v2;
	v8 =	vld [tilespmem:s26+$0x3500];
	v10 =	vmul.f32 v3, v3  }
0xc7: {  	v11 =	vld [tilespmem:s26+$0x4300]  }
0xc8: {  	v2 =	vadd.f32 v3, v2;
	v12 =	vld [tilespmem:s26+$0x3580];
	v3 =	vadd.f32 v10, v9;
	v9 =	vmul.f32 v4, v4  }
0xc9: {  	v10 =	vmul.f32 v5, v5;
	v13 =	vmul.f32 v6, v6;
	v14 =	vld [tilespmem:s26+$0x4380]  }
0xca: {  	v2 =	vadd.f32 v4, v2;
	v15 =	vld [tilespmem:s26+$0x3600];
	v3 =	vadd.f32 v9, v3;
	v4 =	vmul.f32 v7, v7  }
0xcb: {  	v5 =	vadd.f32 v6, v5;
	v6 =	vadd.f32 v13, v10;
	v9 =	vmul.f32 v8, v8;
	v10 =	vld [tilespmem:s26+$0x4400]  }
0xcc: {  	v2 =	vadd.f32 v7, v2;
	v13 =	vld [tilespmem:s26+$0x3680];
	v3 =	vadd.f32 v4, v3;
	v4 =	vmul.f32 v11, v11  }
0xcd: {  	v5 =	vadd.f32 v8, v5;
	v6 =	vadd.f32 v9, v6;
	v7 =	vmul.f32 v12, v12;
	v8 =	vld [tilespmem:s26+$0x4480]  }
0xce: {  	v2 =	vadd.f32 v11, v2;
	v9 =	vld [tilespmem:s26+$0x3700];
	v3 =	vadd.f32 v4, v3;
	v4 =	vmul.f32 v14, v14  }
0xcf: {  	v5 =	vadd.f32 v12, v5;
	v6 =	vadd.f32 v7, v6;
	v7 =	vmul.f32 v15, v15;
	v11 =	vld [tilespmem:s26+$0x4500]  }
0xd0: {  	v2 =	vadd.f32 v14, v2;
	v12 =	vld [tilespmem:s26+$0x3780];
	v3 =	vadd.f32 v4, v3;
	v4 =	vmul.f32 v10, v10  }
0xd1: {  	v5 =	vadd.f32 v15, v5;
	v6 =	vadd.f32 v7, v6;
	v7 =	vmul.f32 v13, v13;
	v14 =	vld [tilespmem:s26+$0x4580]  }
0xd2: {  	v2 =	vadd.f32 v10, v2;
	v15 =	vld [tilespmem:s26+$0x3800];
	v3 =	vadd.f32 v4, v3;
	v4 =	vmul.f32 v8, v8  }
0xd3: {  	v5 =	vadd.f32 v13, v5;
	v6 =	vadd.f32 v7, v6;
	v7 =	vmul.f32 v9, v9;
	v10 =	vld [tilespmem:s26+$0x4600]  }
0xd4: {  	v2 =	vadd.f32 v8, v2;
	v13 =	vld [tilespmem:s26+$0x3880];
	v3 =	vadd.f32 v4, v3;
	v4 =	vmul.f32 v11, v11  }
0xd5: {  	v5 =	vadd.f32 v9, v5;
	v6 =	vadd.f32 v7, v6;
	v7 =	vmul.f32 v12, v12;
	v8 =	vld [tilespmem:s26+$0x4680]  }
0xd6: {  	v2 =	vadd.f32 v11, v2;
	v9 =	vld [tilespmem:s26+$0x3900];
	v3 =	vadd.f32 v4, v3;
	v4 =	vmul.f32 v14, v14  }
0xd7: {  	v5 =	vadd.f32 v12, v5;
	v6 =	vadd.f32 v7, v6;
	v7 =	vmul.f32 v15, v15;
	v11 =	vld [tilespmem:s26+$0x4700]  }
0xd8: {  	v2 =	vadd.f32 v14, v2;
	v12 =	vld [tilespmem:s26+$0x3980];
	v3 =	vadd.f32 v4, v3;
	v4 =	vmul.f32 v10, v10  }
0xd9: {  	v5 =	vadd.f32 v15, v5;
	v6 =	vadd.f32 v7, v6;
	v7 =	vmul.f32 v13, v13;
	v14 =	vld [tilespmem:s26+$0x4780]  }
0xda: {  	v2 =	vadd.f32 v10, v2;
	v15 =	vld [tilespmem:s26+$0x3A00];
	v3 =	vadd.f32 v4, v3;
	v4 =	vmul.f32 v8, v8  }
0xdb: {  	v5 =	vadd.f32 v13, v5;
	v6 =	vadd.f32 v7, v6;
	v7 =	vmul.f32 v9, v9;
	v10 =	vld [tilespmem:s26+$0x4800]  }
0xdc: {  	v2 =	vadd.f32 v8, v2;
	v13 =	vld [tilespmem:s26+$0x3A80];
	v3 =	vadd.f32 v4, v3;
	v4 =	vmul.f32 v11, v11  }
0xdd: {  	v5 =	vadd.f32 v9, v5;
	v6 =	vadd.f32 v7, v6;
	v7 =	vmul.f32 v12, v12;
	v8 =	vld [tilespmem:s26+$0x4880]  }
0xde: {  	v2 =	vadd.f32 v11, v2;
	v9 =	vld [tilespmem:s26+$0x3B00];
	v3 =	vadd.f32 v4, v3;
	v4 =	vmul.f32 v14, v14  }
0xdf: {  	v5 =	vadd.f32 v12, v5;
	v6 =	vadd.f32 v7, v6;
	v7 =	vmul.f32 v15, v15;
	v11 =	vld [tilespmem:s26+$0x4900]  }
0xe0: {  	v2 =	vadd.f32 v14, v2;
	v12 =	vld [tilespmem:s26+$0x3B80];
	v3 =	vadd.f32 v4, v3;
	v4 =	vmul.f32 v10, v10  }
0xe1: {  	v5 =	vadd.f32 v15, v5;
	v6 =	vadd.f32 v7, v6;
	v7 =	vmul.f32 v13, v13;
	v14 =	vld [tilespmem:s26+$0x4980]  }
0xe2: {  	v2 =	vadd.f32 v10, v2;
	v15 =	vld [tilespmem:s26+$0x3C00];
	v3 =	vadd.f32 v4, v3;
	v4 =	vmul.f32 v8, v8  }
0xe3: {  	v5 =	vadd.f32 v13, v5;
	v6 =	vadd.f32 v7, v6;
	v7 =	vmul.f32 v9, v9;
	v10 =	vld [tilespmem:s26+$0x4A00]  }
0xe4: {  	v2 =	vadd.f32 v8, v2;
	v13 =	vld [tilespmem:s26+$0x3C80];
	v3 =	vadd.f32 v4, v3;
	v4 =	vmul.f32 v11, v11  }
0xe5: {  	v5 =	vadd.f32 v9, v5;
	v6 =	vadd.f32 v7, v6;
	v7 =	vmul.f32 v12, v12;
	v8 =	vld [tilespmem:s26+$0x4A80]  }
0xe6: {  	v2 =	vadd.f32 v11, v2;
	v9 =	vld [tilespmem:s26+$0x3D00];
	v3 =	vadd.f32 v4, v3;
	v4 =	vmul.f32 v14, v14  }
0xe7: {  	v5 =	vadd.f32 v12, v5;
	v6 =	vadd.f32 v7, v6;
	v7 =	vmul.f32 v15, v15;
	v11 =	vld [tilespmem:s26+$0x4B00]  }
0xe8: {  	v2 =	vadd.f32 v14, v2;
	v12 =	vld [tilespmem:s26+$0x3D80];
	v3 =	vadd.f32 v4, v3;
	v4 =	vmul.f32 v10, v10  }
0xe9: {  	v5 =	vadd.f32 v15, v5;
	v6 =	vadd.f32 v7, v6;
	v7 =	vmul.f32 v13, v13;
	v14 =	vld [tilespmem:s26+$0x4B80]  }
0xea: {  	v10 =	vadd.f32 v10, v2;
	v15 =	vld [tilespmem:s26+$0x3E00];
	v3 =	vadd.f32 v4, v3;
	v4 =	vmul.f32 v8, v8  }
0xeb: {  	v5 =	vadd.f32 v13, v5;
	v6 =	vadd.f32 v7, v6;
	v7 =	vmul.f32 v9, v9;
	v16 =	vld [tilespmem:s26+$0x4C00]  }
0xec: {  	v8 =	vadd.f32 v8, v10;
	v2 =	vld [tilespmem:s26+$0x3E80];
	v10 =	vadd.f32 v4, v3;
	v13 =	vmul.f32 v11, v11  }
0xed: {  	v5 =	vadd.f32 v9, v5;
	v6 =	vadd.f32 v7, v6;
	v7 =	vmul.f32 v12, v12;
	v4 =	vld [tilespmem:s26+$0x4C80]  }
.Ltmp1:
0xee: {  	v8 =	vadd.f32 v11, v8;
	v3 =	vld [tilespmem:s26+$0x3F00];
	v9 =	vadd.f32 v13, v10;
	v10 =	vmul.f32 v14, v14;
	(pc) =	sbr.rel @p0 .LBB2_5-.Ltmp1, $4  }
0xef: {  	v11 =	vadd.f32 v12, v5;
	v12 =	vadd.f32 v7, v6;
	v13 =	vmul.f32 v15, v15;
	v6 =	vld [tilespmem:s26+$0x4D00]  }
0xf0: {  	v14 =	vadd.f32 v14, v8;
	v5 =	vld [tilespmem:s26+$0x3F80];
	v17 =	vadd.f32 v10, v9;
	v18 =	vmul.f32 v16, v16  }
0xf1: {  	v9 =	vadd.f32 v15, v11;
	v7 =	vld [tilespmem:s26+$0x2700];
	v10 =	vadd.f32 v13, v12;
	v13 =	vmul.f32 v2, v2  }
0xf2: {  	s28 =	sadd.s32 $0x40, s28;
	v11 =	vadd.f32 v16, v14;
	v8 =	vld [tilespmem:s26+$0x1A00];
	v12 =	vadd.f32 v18, v17;
	v14 =	vmul.f32 v4, v4  }
0xf3: {  	v15 =	vld [tilespmem:s26+$0x1A80];
	v2 =	vadd.f32 v2, v9;
	v40 =	vadd.f32 v13, v10;
	v41 =	vmul.f32 v3, v3  }
0xf4: {  	v42 =	vld [tilespmem:s26+$0x2780];
	v4 =	vadd.f32 v4, v11;
	v43 =	vadd.f32 v14, v12;
	v44 =	vmul.f32 v6, v6  }
0xf5: {  	v45 =	vld [tilespmem:s26+$0x1B00];
	v16 =	vadd.f32 v3, v2;
	v9 =	vadd.f32 v41, v40  }
0xf6: {  	v17 =	vld [tilespmem:s26+$0x2800];
	v46 =	vmul.f32 v5, v5;
	v3 =	vadd.f32 v6, v4;
	v2 =	vadd.f32 v44, v43  }
0xf7: {  	v47 =	vld [tilespmem:s26+$0x1B80];
	v4 =	vmul.f32 v1, v1;
	v53 =	vmul.f32 v7, v7;
	v6 =	vadd.f32 v5, v16  }
0xf8: {  	v51 =	vld [tilespmem:s26+$0x2880];
	v48 =	vmul.f32 v8, v8;
	v49 =	vadd.f32 v15, v8;
	v50 =	vmul.f32 v15, v15  }
0xf9: {  	v52 =	vld [tilespmem:s26+$0x1C00];
	v5 =	vadd.f32 v46, v9;
	v54 =	vadd.f32 v42, v7;
	v13 =	vmul.f32 v42, v42  }
0xfa: {  	v56 =	vld [tilespmem:s26+$0x2900];
	v55 =	vmul.f32 v45, v45;
	v9 =	vadd.f32 v50, v48;
	v8 =	vadd.f32 v45, v49  }
0xfb: {  	v18 =	vld [tilespmem:s26+$0x1C80];
	v57 =	vmul.f32 v17, v17;
	v13 =	vadd.f32 v13, v53;
	v7 =	vadd.f32 v17, v54  }
0xfc: {  	v59 =	vld [tilespmem:s26+$0x2980];
	v58 =	vmul.f32 v47, v47;
	v9 =	vadd.f32 v55, v9;
	v8 =	vadd.f32 v47, v8  }
0xfd: {  	v60 =	vld [tilespmem:s26+$0x1D00];
	v12 =	vmul.f32 v51, v51;
	v13 =	vadd.f32 v57, v13;
	v7 =	vadd.f32 v51, v7  }
0xfe: {  	v62 =	vld [tilespmem:s26+$0x2A00];
	v61 =	vmul.f32 v52, v52;
	v9 =	vadd.f32 v58, v9;
	v8 =	vadd.f32 v52, v8  }
0xff: {  	v63 =	vld [tilespmem:s26+$0x1D80];
	v21 =	vmul.f32 v56, v56;
	v12 =	vadd.f32 v12, v13;
	v7 =	vadd.f32 v56, v7  }
0x100: {  	v23 =	vld [tilespmem:s26+$0x2A80];
	v22 =	vmul.f32 v18, v18;
	v9 =	vadd.f32 v61, v9;
	v8 =	vadd.f32 v18, v8  }
0x101: {  	v24 =	vld [tilespmem:s26+$0x1E00];
	v11 =	vmul.f32 v59, v59;
	v12 =	vadd.f32 v21, v12;
	v7 =	vadd.f32 v59, v7  }
0x102: {  	v26 =	vld [tilespmem:s26+$0x2B00];
	v25 =	vmul.f32 v60, v60;
	v9 =	vadd.f32 v22, v9;
	v8 =	vadd.f32 v60, v8  }
0x103: {  	v27 =	vld [tilespmem:s26+$0x1E80];
	v28 =	vmul.f32 v62, v62;
	v11 =	vadd.f32 v11, v12;
	v7 =	vadd.f32 v62, v7  }
0x104: {  	v30 =	vld [tilespmem:s26+$0x2B80];
	v29 =	vmul.f32 v63, v63;
	v9 =	vadd.f32 v25, v9;
	v8 =	vadd.f32 v63, v8  }
0x105: {  	v31 =	vld [tilespmem:s26+$0x1F00];
	v32 =	vmul.f32 v23, v23;
	v11 =	vadd.f32 v28, v11;
	v7 =	vadd.f32 v23, v7  }
0x106: {  	v34 =	vld [tilespmem:s26+$0x2C00];
	v33 =	vmul.f32 v24, v24;
	v9 =	vadd.f32 v29, v9;
	v8 =	vadd.f32 v24, v8  }
0x107: {  	v35 =	vld [tilespmem:s26+$0x1F80];
	v36 =	vmul.f32 v26, v26;
	v11 =	vadd.f32 v32, v11;
	v7 =	vadd.f32 v26, v7  }
0x108: {  	v38 =	vld [tilespmem:s26+$0x2C80];
	v37 =	vmul.f32 v27, v27;
	v9 =	vadd.f32 v33, v9;
	v8 =	vadd.f32 v27, v8  }
0x109: {  	v39 =	vld [tilespmem:s26+$0x2000];
	v40 =	vmul.f32 v30, v30;
	v11 =	vadd.f32 v36, v11;
	v7 =	vadd.f32 v30, v7  }
0x10a: {  	v41 =	vmul.f32 v31, v31;
	v42 =	vld [tilespmem:s26+$0x2D00];
	v9 =	vadd.f32 v37, v9;
	v8 =	vadd.f32 v31, v8  }
0x10b: {  	v43 =	vld [tilespmem:s26+$0x2080];
	v44 =	vmul.f32 v34, v34;
	v11 =	vadd.f32 v40, v11;
	v7 =	vadd.f32 v34, v7  }
0x10c: {  	v46 =	vld [tilespmem:s26+$0x2D80];
	v45 =	vmul.f32 v35, v35;
	v9 =	vadd.f32 v41, v9;
	v8 =	vadd.f32 v35, v8  }
0x10d: {  	v48 =	vmul.f32 v38, v38;
	v47 =	vld [tilespmem:s26+$0x2100];
	v11 =	vadd.f32 v44, v11;
	v7 =	vadd.f32 v38, v7  }
0x10e: {  	v49 =	vmul.f32 v39, v39;
	v50 =	vld [tilespmem:s26+$0x2E00];
	v9 =	vadd.f32 v45, v9;
	v8 =	vadd.f32 v39, v8  }
0x10f: {  	v51 =	vld [tilespmem:s26+$0x2180];
	v52 =	vmul.f32 v42, v42;
	v11 =	vadd.f32 v48, v11;
	v7 =	vadd.f32 v42, v7  }
0x110: {  	v54 =	vld [tilespmem:s26+$0x2E80];
	v53 =	vmul.f32 v43, v43;
	v9 =	vadd.f32 v49, v9;
	v8 =	vadd.f32 v43, v8  }
0x111: {  	v55 =	vld [tilespmem:s26+$0x2200];
	v56 =	vmul.f32 v46, v46;
	v11 =	vadd.f32 v52, v11;
	v7 =	vadd.f32 v46, v7  }
0x112: {  	v58 =	vld [tilespmem:s26+$0x2F00];
	v57 =	vmul.f32 v47, v47;
	v9 =	vadd.f32 v53, v9;
	v8 =	vadd.f32 v47, v8  }
0x113: {  	v59 =	vld [tilespmem:s26+$0x2280];
	v60 =	vmul.f32 v50, v50;
	v11 =	vadd.f32 v56, v11;
	v7 =	vadd.f32 v50, v7  }
0x114: {  	v61 =	vmul.f32 v51, v51;
	v62 =	vld [tilespmem:s26+$0x2F80];
	v9 =	vadd.f32 v57, v9;
	v8 =	vadd.f32 v51, v8  }
0x115: {  	v20 =	vmul.f32 v54, v54;
	v63 =	vld [tilespmem:s26+$0x2300];
	v11 =	vadd.f32 v60, v11;
	v7 =	vadd.f32 v54, v7  }
0x116: {  	v21 =	vmul.f32 v55, v55;
	v22 =	vld [tilespmem:s26+$0x3000];
	v9 =	vadd.f32 v61, v9;
	v8 =	vadd.f32 v55, v8  }
0x117: {  	v23 =	vld [tilespmem:s26+$0x2380];
	v24 =	vmul.f32 v58, v58;
	v11 =	vadd.f32 v20, v11;
	v7 =	vadd.f32 v58, v7  }
0x118: {  	v25 =	vmul.f32 v59, v59;
	v26 =	vld [tilespmem:s26+$0x3080];
	v9 =	vadd.f32 v21, v9;
	v8 =	vadd.f32 v59, v8  }
0x119: {  	v28 =	vmul.f32 v62, v62;
	v27 =	vld [tilespmem:s26+$0x2400];
	v11 =	vadd.f32 v24, v11;
	v7 =	vadd.f32 v62, v7  }
0x11a: {  	v30 =	vld [tilespmem:s26+$0x3100];
	v29 =	vmul.f32 v63, v63;
	v9 =	vadd.f32 v25, v9;
	v8 =	vadd.f32 v63, v8  }
0x11b: {  	v32 =	vmul.f32 v22, v22;
	v31 =	vld [tilespmem:s26+$0x2480];
	v11 =	vadd.f32 v28, v11;
	v7 =	vadd.f32 v22, v7  }
0x11c: {  	v33 =	vmul.f32 v23, v23;
	v34 =	vld [tilespmem:s26+$0x3180];
	v9 =	vadd.f32 v29, v9;
	v8 =	vadd.f32 v23, v8  }
0x11d: {  	v36 =	vmul.f32 v26, v26;
	v35 =	vld [tilespmem:s26+$0x2500];
	v11 =	vadd.f32 v32, v11;
	v7 =	vadd.f32 v26, v7  }
0x11e: {  	v38 =	vld [tilespmem:s26+$0x3200];
	v37 =	vmul.f32 v27, v27;
	v9 =	vadd.f32 v33, v9;
	v8 =	vadd.f32 v27, v8  }
0x11f: {  	v40 =	vmul.f32 v30, v30;
	v39 =	vld [tilespmem:s26+$0x2580];
	v11 =	vadd.f32 v36, v11;
	v7 =	vadd.f32 v30, v7  }
0x120: {  	v42 =	vld [tilespmem:s26+$0x3280];
	v41 =	vmul.f32 v31, v31;
	v9 =	vadd.f32 v37, v9;
	v8 =	vadd.f32 v31, v8  }
0x121: {  	v44 =	vmul.f32 v34, v34;
	v43 =	vld [tilespmem:s26+$0x2600];
	v11 =	vadd.f32 v40, v11;
	v7 =	vadd.f32 v34, v7  }
0x122: {  	v46 =	vld [tilespmem:s26+$0x3300];
	v45 =	vmul.f32 v35, v35;
	v9 =	vadd.f32 v41, v9;
	v8 =	vadd.f32 v35, v8  }
0x123: {  	v48 =	vmul.f32 v38, v38;
	v47 =	vld [tilespmem:s26+$0x2680];
	v11 =	vadd.f32 v44, v11;
	v7 =	vadd.f32 v38, v7  }
0x124: {  	v50 =	vld [tilespmem:s26+$0x4000];
	v49 =	vmul.f32 v39, v39;
	v9 =	vadd.f32 v45, v9;
	v8 =	vadd.f32 v39, v8  }
0x125: {  	v51 =	vmul.f32 v42, v42;
	v11 =	vadd.f32 v48, v11;
	v7 =	vadd.f32 v42, v7  }
0x126: {  	v53 =	vld [tilespmem:s26+$0x4080];
	v52 =	vmul.f32 v43, v43;
	v9 =	vadd.f32 v49, v9;
	v8 =	vadd.f32 v43, v8  }
0x127: {  	v54 =	vmul.f32 v46, v46;
	v11 =	vadd.f32 v51, v11;
	v7 =	vadd.f32 v46, v7  }
0x128: {  	v56 =	vld [tilespmem:s26+$0x4D80];
	v55 =	vmul.f32 v47, v47;
	v9 =	vadd.f32 v52, v9;
	v8 =	vadd.f32 v47, v8  }
0x129: {  	v6 =	vadd.f32 v50, v6;
	v57 =	vmul.f32 v50, v50;
	v11 =	vadd.f32 v54, v11  }
0x12a: {  	v58 =	vadd.f32 v1, v7;
	v9 =	vadd.f32 v55, v9;
	v8 =	vmul.f32 v8, v8  }
0x12b: {  	v60 =	vmul.f32 v53, v53;
	v59 =	vld [tilespmem:s26+$0x4E00];
	v5 =	vadd.f32 v57, v5;
	v6 =	vadd.f32 v53, v6  }
0x12c: {  	v4 =	vadd.f32 v4, v11;
	v1 =	vmul.f32 v58, v58;
	v8 =	vsub.f32 v8, v9  }
0x12d: {  	v3 =	vadd.f32 v56, v3;
	v61 =	vmul.f32 v56, v56;
	v5 =	vadd.f32 v60, v5  }
0x12e: {  	v62 =	vmul.f32 v6, v6;
	v1 =	vsub.f32 v1, v4;
	v8 =	vmul.f32 $5.000000000e-01, v8  }
0x12f: {  	v2 =	vadd.f32 v61, v2;
	v3 =	vmul.f32 v3, v3  }
0x130: {  	v4 =	vsub.f32 v62, v5;
	v1 =	vmul.f32 $5.000000000e-01, v1;
	v63 =	vadd.f32 v8, v59;
	_ =	sdelay $0x1  }
0x131: {  	v2 =	vsub.f32 v3, v2;
	v4 =	vmul.f32 $5.000000000e-01, v4;
	v1 =	vadd.f32 v1, v63;
	_ =	sdelay $0x1  }
0x132: {  	v2 =	vmul.f32 $5.000000000e-01, v2;
	v1 =	vadd.f32 v4, v1;
	_ =	sdelay $0x1  }
0x133: {  	v1 =	vadd.f32 v2, v1;
	_ =	sdelay $0x1  }
0x134: {  	v1 =	vsub.f32 $0.0e+00, v1;
	_ =	sdelay $0x1  }
0x135: {  	v1 =	vmul.f32 $1.442695020e+00, v1;
	_ =	sdelay $0x1  }
0x136: {  	(erf) = vpow2.f32 v1;
	_ =	sdelay $0x8  }
0x137: {  	v1 =	vpop (erf)  }
0x138: {  	v1 =	vadd.f32 $1.000000000e+00, v1;
	_ =	sdelay $0x1  }
0x139: {  	(erf) = vrcp.f32 v1;
	_ =	sdelay $0x3  }
0x13a: {  	s25 =	sadd.s32 $0x1, s25  }
0x13b: {  	p0 =	sne.s32 s25, $0x4  }
.Ltmp2:
0x13c: {  	_ = 	snop;
	(pc) =	sbr.rel @p0 .LBB2_2-.Ltmp2, $3  }
0x13d: {  	_ =	sdelay $0x1  }
0x13e: {  	v1 =	vpop (erf)  }
0x13f: {  	s24 =	sadd.s32 $0x80, s24;
	[tilespmem:v0+s26+$0x0 ss:$0x1] =	vst.idx.msk $0xffff, v1  }
0x140: {  	s23 =	sadd.s32 $0x1, s23  }
0x141: {  	p0 =	sne.s32 s23, s12  }
.Ltmp3:
0x142: {  	_ = 	snop;
	(pc) =	sbr.rel @p0 .LBB2_1-.Ltmp3, $4  }
0x143: {  	[hbm4b:s11+s1] =	stream.linear.scatter [tilespmem:s22], [sflag:$0x2], $0x200, $0x38;
	[tilespmem:$0x5D10] =	vst v63  }
0x144: {  	_ =	swait.ge [sflag:s14], $0x200  }
0x145: {  	[sflag:s14] =	ssyncset.done $0x0  }
0x146: {  	[sflag:s14] =	ssyncadd.s32 $0xFFFFFE00  }
0x147: {  	_ =	sfence.sel $0x180000  }
0x148: {  	[bflag:$0x0] =	sbarrier.arrive $0xFFFF  }
0x149: {  	_ =	strace $0x90000050  }
0x14a: {  	[bflag:$0x2] =	sbarrier.arrive $0xFFFF  }
0x14b: {  	p0 =	sne.s32 s3, $0x0;
	s0 =	rddreg [dreg:$0x2]  }
0x14c: {  	s0 =	sadd.s32 @!p0 $0x100000, s0  }
0x14d: {  	[sflag:s0] =	ssyncadd.tile.s32 @!p0 $0x1;
	_ =	shalt  }
.Lfunc_end2:
_tile_overlayer_lowered:
.L_overlay_start_2:
0x14e: {  	(tag) =	ssettag $0x2  }
0x14f: {  	s0 =	rddreg [dreg:$0x0];
	s2 =	stileid.u32  }
0x150: {  	s1 =	rddreg [dreg:$0x1];
	p0 =	sne.s32 s2, $0x0  }
0x151: {  	s3 =	rddreg [dreg:$0x2];
	[bflag:$0x3] =	sbarrier.arrive $0xFFFF;
	s2 =	simm.s32 @!p0 $0x1C02  }
0x152: {  	[timem:s3], [sflag:s2] =	dma.local @!p0 [hbm:s0], s1  }
0x153: {  	s0 =	simm.s32 @!p0 $0x2  }
0x154: {  	_ =	swait.ge @!p0 [sflag:s0], s1  }
0x155: {  	s1 =	ssub.s32 @!p0 $0x0, s1;
	[sflag:s0] =	ssyncset.done @!p0 $0x0  }
0x156: {  	[sflag:s0] =	ssyncadd.s32 @!p0 s1  }
0x157: {  	[bflag:$0x3] =	sbarrier.arrive $0xFFFF  }
0x158: {  	_ =	shalt  }

// kernel: kernel.6.cloned.1.call-start
scs
__scs_entry_jumppad:
0x0: {  	(pc) =	sbr.rel $0x88, $3  }
0x1: {  	(tag) =	ssettag $0x0;
	lr =	simm.s32 $0x1  }
0x2: {  	[smem:$0x3F9D] =	sst lr;
	_ =	strace $0xD0000000  }
0x3: {  	_ = 	snop  }
0x4: {  	_ = 	snop  }
0x5: {  	_ = 	snop  }
0x6: {  	_ = 	snop  }
0x7: {  	_ = 	snop  }
__scs_overlays_trampoline_lowered:
0x8: {  	[smem:$0x3FAC] =	sst s0  }
0x9: {  	[smem:$0x3FAD] =	sst s1  }
0xa: {  	[smem:$0x3FAE] =	sst s2  }
0xb: {  	[smem:$0x3FAF] =	sst s3  }
0xc: {  	[smem:$0x3FB0] =	sst s4  }
0xd: {  	[smem:$0x3FB1] =	sst s5  }
0xe: {  	[smem:$0x3FB2] =	sst s6  }
0xf: {  	[smem:$0x3FB3] =	sst s7  }
0x10: {  	[smem:$0x3FB4] =	sst s8  }
0x11: {  	[smem:$0x3FB5] =	sst s9;
	s0 =	simm.s32 @!p0 $0x0  }
0x12: {  	s1 =	sld [smem:$0x3F9B];
	s0 =	simm.s32 @p0 $0x1  }
0x13: {  	[smem:$0x3FB6] =	sst s0;
	s0 =	simm.s32 @!p1 $0x0  }
0x14: {  	s2 =	sld [smem:$0x3F9A];
	s0 =	simm.s32 @p1 $0x1  }
0x15: {  	[smem:$0x3FB7] =	sst s0;
	s0 =	simm.s32 @!p2 $0x0  }
0x16: {  	s3 =	sld [smem:$0x3FDB];
	s0 =	simm.s32 @p2 $0x1  }
0x17: {  	s4 =	simm.s32 $0x1BF5;
	[smem:$0x3FB9] =	sst s0  }
0x18: {  	s0 =	sld [smem:$0x3F9C];
	_ =	swait.ge [sflag:s4], $0x0  }
0x19: {  	s7 =	sld [smem:$0x3F9D]  }
0x1a: {  	s8 =	sadd.s32 $0xFFFFE003, lr  }
0x1b: {  	s9 =	sadd.s32 $0xFFFFFEF7, lr;
	s5 =	simm.s32 $0xFFFFFFFF;
	p2 =	slt.u32 s8, $0xFFFFF086  }
0x1c: {  	p1 =	slt.u32 s9, $0xF7A;
	s5 =	simm.s32 @!p2 $0x0  }
0x1d: {  	s5 =	simm.s32 @p1 $0x1;
	p0 =	seq.s32 s7, s2  }
0x1e: {  	s7 =	smul.u32 @!p0 $0xF7A, s2;
	p2 =	seq.s32 @!p0 s5, $0x0  }
0x1f: {  	s9 =	smul.u32 $0xF7A, s1;
	s8 =	simm.s32 @!p0 $0x1BF5;
	p2 =	por !p2, p0  }
0x20: {  	[sflag:s8] =	ssyncset.s32 @!p0 $0xFFFFF086;
	s6 =	sadd.s32 @!p0 s3, s7;
	s7 =	simm.s32 @!p0 $0x108  }
0x21: {  	s3 =	sadd.s32 s3, s9;
	s6 =	sadd.s32 @!p0 $0x88, s6;
	s7 =	simm.s32 @p2 $0x1082  }
0x22: {  	[simem:s7], [sflag:s8] =	dma.local @!p0 [hbm:s6], $0xF7A  }
0x23: {  	s9 =	sor.u32 $0xD0000000, s2;
	s6 =	simm.s32 $0x108;
	_ =	swait.ge @!p0 [sflag:s8], $0x0  }
0x24: {  	s3 =	sadd.s32 $0x88, s3;
	s6 =	simm.s32 @!p1 $0x1082;
	[sflag:s4] =	ssyncset.s32 $0xFFFFF086  }
0x25: {  	[simem:s6], [sflag:s4] =	dma.local [hbm:s3], $0xF7A  }
0x26: {  	[smem:$0x3F9D] =	sst s1;
	(tag) =	ssettag s2;
	_ =	strace s9  }
0x27: {  	s1 =	sld [smem:$0x3FAD]  }
0x28: {  	s2 =	sld [smem:$0x3FAE]  }
0x29: {  	s4 =	sld [smem:$0x3FB0]  }
0x2a: {  	p0 =	seq.s32 s5, $0x0;
	s5 =	sld [smem:$0x3FB1]  }
0x2b: {  	s6 =	sld [smem:$0x3FB2]  }
0x2c: {  	s7 =	sld [smem:$0x3FB3]  }
0x2d: {  	s3 =	simm.s32 $0x108;
	s8 =	sld [smem:$0x3FB4]  }
0x2e: {  	s3 =	simm.s32 @!p0 $0x1082;
	s9 =	sld [smem:$0x3FB5]  }
0x2f: {  	lr =	sadd.s32 s0, s3;
	s0 =	sld [smem:$0x3FAC]  }
0x30: {  	s3 =	sld [smem:$0x3FAF]  }
0x31: {  	[smem:$0x3FB8] =	sst s10  }
0x32: {  	s10 =	sld [smem:$0x3FB6];
	_ =	sdelay $0x3  }
0x33: {  	p0 =	seq.s32 s10, $0x1;
	s10 =	sld [smem:$0x3FB8];
	_ =	sdelay $0x3  }
0x34: {  	[smem:$0x3FB8] =	sst s10  }
0x35: {  	s10 =	sld [smem:$0x3FB7];
	_ =	sdelay $0x3  }
0x36: {  	p1 =	seq.s32 s10, $0x1;
	s10 =	sld [smem:$0x3FB8];
	_ =	sdelay $0x3  }
0x37: {  	[smem:$0x3FB8] =	sst s10  }
0x38: {  	s10 =	sld [smem:$0x3FB9]  }
0x39: {  	_ = 	snop;
	(pc) =	sbr.ind lr, $3  }
0x3a: {  	_ = 	snop  }
0x3b: {  	_ = 	snop  }
0x3c: {  	p2 =	seq.s32 s10, $0x1;
	s10 =	sld [smem:$0x3FB8]  }
0x3d: {  	_ =	shalt  }
0x3e: {  	_ =	shalt  }
0x3f: {  	_ =	shalt  }
0x40: {  	_ =	shalt  }
0x41: {  	_ =	shalt  }
0x42: {  	_ =	shalt  }
0x43: {  	_ =	shalt  }
0x44: {  	_ =	shalt  }
0x45: {  	_ =	shalt  }
0x46: {  	_ =	shalt  }
0x47: {  	_ =	shalt  }
0x48: {  	_ =	shalt  }
0x49: {  	_ =	shalt  }
0x4a: {  	_ =	shalt  }
0x4b: {  	_ =	shalt  }
0x4c: {  	_ =	shalt  }
0x4d: {  	_ =	shalt  }
0x4e: {  	_ =	shalt  }
0x4f: {  	_ =	shalt  }
0x50: {  	_ =	shalt  }
0x51: {  	_ =	shalt  }
0x52: {  	_ =	shalt  }
0x53: {  	_ =	shalt  }
0x54: {  	_ =	shalt  }
0x55: {  	_ =	shalt  }
0x56: {  	_ =	shalt  }
0x57: {  	_ =	shalt  }
0x58: {  	_ =	shalt  }
0x59: {  	_ =	shalt  }
0x5a: {  	_ =	shalt  }
0x5b: {  	_ =	shalt  }
0x5c: {  	_ =	shalt  }
0x5d: {  	_ =	shalt  }
0x5e: {  	_ =	shalt  }
0x5f: {  	_ =	shalt  }
0x60: {  	_ =	shalt  }
0x61: {  	_ =	shalt  }
0x62: {  	_ =	shalt  }
0x63: {  	_ =	shalt  }
0x64: {  	_ =	shalt  }
0x65: {  	_ =	shalt  }
0x66: {  	_ =	shalt  }
0x67: {  	_ =	shalt  }
0x68: {  	_ =	shalt  }
0x69: {  	_ =	shalt  }
0x6a: {  	_ =	shalt  }
0x6b: {  	_ =	shalt  }
0x6c: {  	_ =	shalt  }
0x6d: {  	_ =	shalt  }
0x6e: {  	_ =	shalt  }
0x6f: {  	_ =	shalt  }
0x70: {  	_ =	shalt  }
0x71: {  	_ =	shalt  }
0x72: {  	_ =	shalt  }
0x73: {  	_ =	shalt  }
0x74: {  	_ =	shalt  }
0x75: {  	_ =	shalt  }
0x76: {  	_ =	shalt  }
0x77: {  	_ =	shalt  }
0x78: {  	_ =	shalt  }
0x79: {  	_ =	shalt  }
0x7a: {  	_ =	shalt  }
0x7b: {  	_ =	shalt  }
0x7c: {  	_ =	shalt  }
0x7d: {  	_ =	shalt  }
0x7e: {  	_ =	shalt  }
0x7f: {  	_ =	shalt  }
0x80: {  	_ =	shalt  }
0x81: {  	_ =	shalt  }
0x82: {  	_ =	shalt  }
0x83: {  	_ =	shalt  }
0x84: {  	_ =	shalt  }
0x85: {  	_ =	shalt  }
0x86: {  	_ =	shalt  }
0x87: {  	_ =	shalt  }
.Lfunc_end0:
.L_simem_size_0:
called_computation_lowered:
.L_overlay_start_0:
0x88: {  	s2 =	sld [smem:$0x3FD9]  }
0x89: {  	s3 =	sld [smem:$0x3FFE];
	_ =	sdelay $0x1  }
0x8a: {  	s1 =	srdreg.scid  }
0x8b: {  	s0 =	sand.u32 $0x1, s1  }
0x8c: {  	s16 =	sshll.u32 s0, $0xA;
	s2 =	sadd.s32 s3, s2  }
0x8d: {  	s2 =	sadd.s32 s2, s16  }
0x8e: {  	[smem:$0x3FC4] =	sst s2  }
0x8f: {  	_ = 	snop  }
0x90: {  	(tm) =	ssettm $0x1  }
0x91: {  	s17 =	sld [smem:$0x3FFB];
	_ =	sdelay $0x3  }
0x92: {  	_ =	strace s17  }
0x93: {  	s2 =	sld [smem:$0x3FFC];
	_ =	sdelay $0x3  }
0x94: {  	_ =	strace s2  }
0x95: {  	s2 =	sld [smem:$0x3FFD];
	_ =	sdelay $0x3  }
0x96: {  	_ =	strace s2  }
0x97: {  	_ =	strace $0x8FFFFFFF  }
0x98: {  	s18 =	sld [smem:$0x3FDB];
	_ =	sdelay $0x1  }
0x99: {  	s19 =	simm.s32 $_scs_section_size  }
0x9a: {  	s4 =	simm.s32 $_size__tile_overlayer_lowered;
	s5 =	simm.s32 $_tile_overlayer_lowered  }
0x9b: {  	s22 =	simm.s32 $0x1BFF;
	s21 =	sshll.u32 s5, $0x1;
	s2 =	sadd.s32 s19, s18  }
0x9c: {  	s6 =	simm.s32 $0x0;
	s20 =	sshll.u32 s4, $0x1;
	s4 =	sadd.s32 s21, s2  }
0x9d: {  	[timem:s6], [sflag:s22] =	dma.local [hbm:s4], s20  }
0x9e: {  	_ =	swait.ge [sflag:s22], s20  }
0x9f: {  	s3 =	ssub.s32 $0x0, s20;
	[sflag:s22] =	ssyncset.done $0x0  }
0xa0: {  	[sflag:s22] =	ssyncadd.s32 s3;
	_ =	sdelay $0x1  }
0xa1: {  	s23 =	simm.s32 $0x1B8B  }
0xa2: {  	_ =	swait.ge [sflag:s23], $0x1  }
0xa3: {  	[sflag:s23] =	ssyncset.done $0x0  }
0xa4: {  	s25 =	simm.s32 $0x1B8E;
	s24 =	sld [smem:$0x3FFE];
	[sflag:s23] =	ssyncadd.s32 $0xFFFFFFFF  }
0xa5: {  	s26 =	simm.s32 $execute0_lowered;
	[smem:$0x3FD2] =	sst s25  }
0xa6: {  	s4 =	sshll.u32 s26, $0x1;
	_ =	strace $0x80000046;
	[dreg:$0x1] =	wrdreg $0xFFFFFFFF  }
0xa7: {  	s28 =	simm.s32 $_size_execute0_lowered;
	s2 =	sadd.s32 s2, s4;
	[dreg:$0x0] =	wrdreg $0x0  }
0xa8: {  	s4 =	sshll.u32 s28, $0x1;
	[dreg:$0x2] =	wrdreg s2  }
0xa9: {  	[dreg:$0x3] =	wrdreg s4  }
0xaa: {  	[dreg:$0x4] =	wrdreg $0xC0  }
0xab: {  	_ =	task [dreg:s6], $0x5FFFF  }
0xac: {  	[dreg:$0x1] =	wrdreg $0xFFFFFFFF  }
0xad: {  	[dreg:$0x0] =	wrdreg $0x60  }
0xae: {  	[dreg:$0x2] =	wrdreg s24  }
0xaf: {  	[dreg:$0x3] =	wrdreg $0x9  }
0xb0: {  	_ =	task.clear_ibuf [dreg:s6], $0x4FFFF;
	_ =	strace $0x90000046  }
0xb1: {  	s29 =	simm.s32 $0x9;
	_ =	strace $0x80000048  }
0xb2: {  	_ =	swait.ge [sflag:s29], $0x1  }
0xb3: {  	[sflag:s29] =	ssyncadd.s32 $0xFFFFFFFF  }
0xb4: {  	_ =	strace $0x90000048  }
0xb5: {  	_ =	sfence  }
0xb6: {  	s30 =	sld [smem:$0x0];
	_ =	sdelay $0x2  }
0xb7: {  	s31 =	sshll.u32 s1, $0xD;
	s1 =	sshrl.u32 s1, $0x2  }
0xb8: {  	s3 =	sand.u32 $0x4000, s31;
	s1 =	sadd.s32 s1, s30  }
0xb9: {  	s0 =	sor.u32 s3, s0;
	s1 =	sshll.u32 s1, $0x11  }
0xba: {  	s0 =	sor.u32 s1, s0  }
0xbb: {  	s0 =	sadd.s32 $0x8F2B, s0  }
0xbc: {  	[sflag:s0] =	ssyncadd.remote.s32 $0x1  }
0xbd: {  	_ =	sfence.sel $0xFFFF  }
0xbe: {  	[dreg:$0x0] =	wrdreg $0xFFFFFFFF;
	(pc) =	sbr.abs _section_cstart, $3  }
0xbf: {  	[dreg:$0x1] =	wrdreg $0xFFFFFFFF  }
0xc0: {  	_ =	task.clear_ibuf [dreg:s6], $0x2FFFF;
	_ =	strace $0x9FFFFFFF  }
0xc1: {  	(tm) =	ssettm $0x7FFFFFFF  }
tec
execute0_lowered:
.L_overlay_start_1:
0x0: {  	(tag) =	ssettag $0x1  }
0x1: {  	s1 =	rddreg [dreg:$0x0]  }
0x2: {  	s0 =	rddreg [dreg:$0x1]  }
0x3: {  	s2 =	simm.s32 $0x0;
	s6 =	srdreg.scid;
	s3 =	stileid.u32  }
0x4: {  	s14 =	simm.s32 $0x2;
	s15 =	simm.s32 $0xD00;
	s16 =	simm.s32 $0x4E00  }
0x5: {  	s17 =	simm.s32 $0x1A00;
	s18 =	simm.s32 $0x2700;
	s19 =	simm.s32 $0x3400  }
0x6: {  	s20 =	simm.s32 $0x4100;
	s21 =	simm.s32 $0x1;
	s22 =	simm.s32 $0x5B00  }
0x7: {  	s23 =	simm.s32 $0x0;
	[smem:$0x7FF] =	sst s2;
	s4 =	sadd.s32 $0xEE200, s1  }
0x8: {  	s5 =	sadd.s32 $0x9EC00, s1;
	s9 =	sand.u32 $0x1, s6;
	s6 =	sadd.s32 $0x4F600, s1  }
0x9: {  	s8 =	sshll.u32 s3, $0x1;
	s7 =	sadd.s32 $0x14A800, s1;
	_ =	strace $0x80000047  }
0xa: {  	s10 =	sor.u32 s9, s8;
	s8 =	sadd.s32 $0x13D800, s1;
	s12 =	ssub.s32 $0x2, s9  }
0xb: {  	s9 =	sadd.s32 $0x199E00, s1;
	s11 =	sshll.u32 s10, $0x6;
	s13 =	sshrl.u32 s12, $0x1  }
0xc: {  	s10 =	sshll.u32 s10, $0x2;
	s11 =	sadd.s32 s11, s1;
	s12 =	ssub.s32 s12, s13  }
0xd: {  	s13 =	simm.s32 $0x5D00;
	s11 =	sadd.s32 $0x19A000, s11;
	s12 =	smax.u32 s12, $0x1  }
.LBB2_1:
0xe: {  	[tilespmem:s13], [sflag:$0x2] =	stream.linear.gather [hbm4b:s9+s2], $0x10, $0x38;
	[tilespmem:$0x5D10] =	vst v63  }
0xf: {  	_ =	swait.ge [sflag:s14], $0x10  }
0x10: {  	[sflag:s14] =	ssyncset.done $0x0  }
0x11: {  	[sflag:s14] =	ssyncadd.s32 $0xFFFFFFF0  }
0x12: {  	s24 =	simm.s32 $0x5B00;
	s25 =	simm.s32 $0x0;
	v0 =	vld [tilespmem:$0x5D00]  }
.LBB2_2:
0x13: {  	s26 =	sadd.s32 s10, s25  }
0x14: {  	s26 =	smul.u32 $0x1A0, s26;
	_ =	sdelay $0x1  }
0x15: {  	s28 =	simm.s32 $0x0;
	s26 =	sadd.s32 s8, s26  }
0x16: {  	[tilespmem:s28], [sflag:$0x2] =	stream.linear.gather [hbm4b:s26+s28], $0xD00, $0x38;
	[tilespmem:$0x5D10] =	vst v63  }
0x17: {  	_ =	swait.ge [sflag:s14], $0xD00  }
0x18: {  	[sflag:s14] =	ssyncset.done $0x0  }
0x19: {  	[sflag:s14] =	ssyncadd.s32 $0xFFFFF300  }
0x1a: {  	v1 =	vld [tilespmem:s28+$0x0];
	_ =	sdelay $0x1  }
0x1b: {  	s31 =	simm.s32 $0x0  }
0x1c: {  	s28 =	smul.u32 $0x186A0, s31;
	_ =	sdelay $0x1  }
0x1d: {  	s26 =	simm.s32 $0xD00;
	v1 =	vadd.s32 s28, v1  }
0x1e: {  	s28 =	simm.s32 $0x10;
	[tilespmem:s26+$0x0] =	vst v1  }
0x1f: {  	s29 =	simm.s32 $0x1;
	s30 =	simm.s32 $0x2;
	v1 =	vld [tilespmem:s28+$0x0]  }
.LBB2_3:
0x20: {  	p0 =	sne.s32 s30, $0xCF;
	s31 =	sshrl.u32 s29, $0x3  }
0x21: {  	s29 =	smov.u32 s30;
	s31 =	smul.u32 $0x186A0, s31  }
.Ltmp0:
0x22: {  	(pc) =	sbr.rel @p0 .LBB2_3-.Ltmp0, $4  }
0x23: {  	_ = 	snop  }
0x24: {  	s26 =	sadd.s32 $0x10, s26;
	v1 =	vadd.s32 s31, v1  }
0x25: {  	s28 =	sadd.s32 $0x10, s28;
	[tilespmem:s26+$0x0] =	vst v1  }
0x26: {  	s30 =	sadd.s32 $0x1, s30;
	v1 =	vld [tilespmem:s28+$0x0]  }
0x27: {  	_ = 	snop  }
0x28: {  	s28 =	sshrl.u32 s29, $0x3  }
0x29: {  	s28 =	smul.u32 $0x186A0, s28;
	_ =	sdelay $0x1  }
0x2a: {  	s26 =	sadd.s32 $0x10, s26;
	v1 =	vadd.s32 s28, v1  }
0x2b: {  	[tilespmem:s26+$0x0] =	vst v1  }
0x2c: {  	[tilespmem:s16], [sflag:$0x1] =	stream.indirect.gather [hbm4b:s7+s15], $0x1, s15, s15, $0xb8;
	[tilespmem:$0x5D10] =	vst v63  }
0x2d: {  	_ = 	snop  }
0x2e: {  	[tilespmem:s17], [sflag:$0x1] =	stream.indirect.gather [hbm4b:s4+s15], $0x1, s15, s15, $0xb8;
	[tilespmem:$0x5D10] =	vst v63  }
0x2f: {  	_ = 	snop  }
0x30: {  	[tilespmem:s18], [sflag:$0x1] =	stream.indirect.gather [hbm4b:s5+s15], $0x1, s15, s15, $0xb8;
	[tilespmem:$0x5D10] =	vst v63  }
0x31: {  	_ = 	snop  }
0x32: {  	[tilespmem:s19], [sflag:$0x1] =	stream.indirect.gather [hbm4b:s6+s15], $0x1, s15, s15, $0xb8;
	[tilespmem:$0x5D10] =	vst v63  }
0x33: {  	_ = 	snop  }
0x34: {  	[tilespmem:s20], [sflag:$0x1] =	stream.indirect.gather [hbm4b:s1+s15], $0x1, s15, s15, $0xb8;
	[tilespmem:$0x5D10] =	vst v63  }
0x35: {  	_ =	swait.ge [sflag:s21], $0xD00  }
0x36: {  	[sflag:s21] =	ssyncset.done $0x0  }
0x37: {  	[sflag:s21] =	ssyncadd.s32 $0xFFFFF300  }
0x38: {  	_ =	swait.ge [sflag:s21], $0xD00  }
0x39: {  	[sflag:s21] =	ssyncset.done $0x0  }
0x3a: {  	[sflag:s21] =	ssyncadd.s32 $0xFFFFF300  }
0x3b: {  	_ =	swait.ge [sflag:s21], $0xD00  }
0x3c: {  	[sflag:s21] =	ssyncset.done $0x0  }
0x3d: {  	[sflag:s21] =	ssyncadd.s32 $0xFFFFF300  }
0x3e: {  	_ =	swait.ge [sflag:s21], $0xD00  }
0x3f: {  	[sflag:s21] =	ssyncset.done $0x0  }
0x40: {  	[sflag:s21] =	ssyncadd.s32 $0xFFFFF300  }
0x41: {  	_ =	swait.ge [sflag:s21], $0xD00  }
0x42: {  	[sflag:s21] =	ssyncset.done $0x0  }
0x43: {  	s26 =	simm.s32 $0x0;
	v1 =	vmov s24;
	[sflag:s21] =	ssyncadd.s32 $0xFFFFF300  }
.LBB2_5:
0x44: {  	s28 =	sshra.s32 s26, $0x2  }
0x45: {  	v2 =	vld [tilespmem:s28+$0x4E00];
	_ =	sdelay $0x1  }
0x46: {  	v3 =	vld [tilespmem:s28+$0x4E80];
	_ =	sdelay $0x1  }
0x47: {  	v4 =	vld [tilespmem:s28+$0x4F00]  }
0x48: {  	v2 =	vadd.f32 v2, v0  }
0x49: {  	v5 =	vld [tilespmem:s28+$0x4F80]  }
0x4a: {  	v2 =	vadd.f32 v3, v2  }
0x4b: {  	v3 =	vld [tilespmem:s28+$0x5000]  }
0x4c: {  	v2 =	vadd.f32 v4, v2  }
0x4d: {  	v17 =	vld [tilespmem:s28+$0x5080]  }
0x4e: {  	v2 =	vadd.f32 v5, v2  }
0x4f: {  	v18 =	vld [tilespmem:s28+$0x5100]  }
0x50: {  	v2 =	vadd.f32 v3, v2  }
0x51: {  	v3 =	vld [tilespmem:s28+$0x5180]  }
0x52: {  	v2 =	vadd.f32 v17, v2  }
0x53: {  	v19 =	vld [tilespmem:s28+$0x5200]  }
0x54: {  	v2 =	vadd.f32 v18, v2  }
0x55: {  	v20 =	vld [tilespmem:s28+$0x5280]  }
0x56: {  	v2 =	vadd.f32 v3, v2  }
0x57: {  	v3 =	vld [tilespmem:s28+$0x5300]  }
0x58: {  	v2 =	vadd.f32 v19, v2  }
0x59: {  	v21 =	vld [tilespmem:s28+$0x5380]  }
0x5a: {  	v2 =	vadd.f32 v20, v2  }
0x5b: {  	v22 =	vld [tilespmem:s28+$0x5400]  }
0x5c: {  	v23 =	vld [tilespmem:s28+$0x5500];
	v2 =	vadd.f32 v3, v2  }
0x5d: {  	v3 =	vld [tilespmem:s28+$0x5480]  }
0x5e: {  	v24 =	vld [tilespmem:s28+$0x5580];
	v2 =	vadd.f32 v21, v2  }
0x5f: {  	v25 =	vld [tilespmem:s28+$0x5680]  }
0x60: {  	v26 =	vld [tilespmem:s28+$0x5700];
	v2 =	vadd.f32 v22, v2  }
0x61: {  	v27 =	vld [tilespmem:s28+$0x5800]  }
0x62: {  	v28 =	vld [tilespmem:s28+$0x5880];
	v2 =	vadd.f32 v3, v2  }
0x63: {  	v3 =	vld [tilespmem:s28+$0x5600]  }
0x64: {  	v29 =	vld [tilespmem:s28+$0x5980];
	v2 =	vadd.f32 v23, v2  }
0x65: {  	v6 =	vld [tilespmem:s28+$0x5A00]  }
0x66: {  	v30 =	vld [tilespmem:s28+$0x1A00];
	v2 =	vadd.f32 v24, v2  }
0x67: {  	v7 =	vld [tilespmem:s28+$0x1A80]  }
0x68: {  	v31 =	vld [tilespmem:s28+$0x1B00];
	v2 =	vadd.f32 v3, v2  }
0x69: {  	v3 =	vld [tilespmem:s28+$0x5780]  }
0x6a: {  	v8 =	vld [tilespmem:s28+$0x2780];
	v2 =	vadd.f32 v25, v2  }
0x6b: {  	v32 =	vld [tilespmem:s28+$0x1B80]  }
0x6c: {  	v9 =	vld [tilespmem:s28+$0x2800];
	v5 =	vadd.f32 v7, v30;
	v2 =	vadd.f32 v26, v2  }
0x6d: {  	v12 =	vld [tilespmem:s28+$0x1C00]  }
0x6e: {  	v14 =	vld [tilespmem:s28+$0x1C80];
	v5 =	vadd.f32 v31, v5;
	v2 =	vadd.f32 v3, v2  }
0x6f: {  	v3 =	vld [tilespmem:s28+$0x5900]  }
0x70: {  	v11 =	vld [tilespmem:s28+$0x2880];
	v5 =	vadd.f32 v32, v5;
	v2 =	vadd.f32 v27, v2  }
0x71: {  	v35 =	vld [tilespmem:s28+$0x1D00]  }
0x72: {  	v33 =	vld [tilespmem:s28+$0x2900];
	v5 =	vadd.f32 v12, v5;
	v2 =	vadd.f32 v28, v2  }
0x73: {  	v39 =	vld [tilespmem:s28+$0x1D80]  }
0x74: {  	v5 =	vadd.f32 v14, v5;
	v2 =	vadd.f32 v3, v2;
	v3 =	vld [tilespmem:s28+$0x2700]  }
0x75: {  	v43 =	vld [tilespmem:s28+$0x1E00];
	v10 =	vmul.f32 v30, v30;
	v36 =	vmul.f32 v11, v11  }
0x76: {  	v38 =	vld [tilespmem:s28+$0x2A00];
	v37 =	vmul.f32 v12, v12;
	v7 =	vmul.f32 v7, v7;
	v5 =	vadd.f32 v35, v5  }
0x77: {  	v46 =	vld [tilespmem:s28+$0x1E80];
	v40 =	vmul.f32 v33, v33;
	v41 =	vmul.f32 v14, v14  }
0x78: {  	v34 =	vld [tilespmem:s28+$0x2980];
	v4 =	vmul.f32 v31, v31;
	v7 =	vadd.f32 v7, v10;
	v5 =	vadd.f32 v39, v5  }
0x79: {  	v50 =	vld [tilespmem:s28+$0x1F00];
	v13 =	vmul.f32 v3, v3;
	v3 =	vadd.f32 v8, v3;
	v8 =	vmul.f32 v8, v8  }
0x7a: {  	v42 =	vld [tilespmem:s28+$0x2A80];
	v44 =	vmul.f32 v35, v35;
	v4 =	vadd.f32 v4, v7;
	v5 =	vadd.f32 v43, v5  }
0x7b: {  	v54 =	vld [tilespmem:s28+$0x1F80];
	v8 =	vadd.f32 v8, v13;
	v3 =	vadd.f32 v9, v3;
	v9 =	vmul.f32 v9, v9  }
0x7c: {  	v45 =	vld [tilespmem:s28+$0x2B00];
	v47 =	vmul.f32 v38, v38;
	v5 =	vadd.f32 v46, v5;
	v2 =	vadd.f32 v29, v2  }
0x7d: {  	v58 =	vld [tilespmem:s28+$0x2000];
	v48 =	vmul.f32 v39, v39;
	v8 =	vadd.f32 v9, v8;
	v3 =	vadd.f32 v11, v3  }
0x7e: {  	v49 =	vld [tilespmem:s28+$0x2B80];
	v5 =	vadd.f32 v50, v5;
	v2 =	vadd.f32 v6, v2;
	v6 =	vmul.f32 v32, v32  }
0x7f: {  	v62 =	vld [tilespmem:s28+$0x2080];
	v51 =	vmul.f32 v42, v42;
	v8 =	vadd.f32 v36, v8;
	v3 =	vadd.f32 v33, v3  }
0x80: {  	v53 =	vld [tilespmem:s28+$0x2C00];
	v52 =	vmul.f32 v43, v43;
	v5 =	vadd.f32 v54, v5;
	v4 =	vadd.f32 v6, v4  }
0x81: {  	v7 =	vmul.f32 v34, v34;
	v18 =	vld [tilespmem:s28+$0x2100];
	v8 =	vadd.f32 v40, v8;
	v3 =	vadd.f32 v34, v3  }
0x82: {  	v57 =	vld [tilespmem:s28+$0x2C80];
	v55 =	vmul.f32 v45, v45;
	v5 =	vadd.f32 v58, v5;
	v4 =	vadd.f32 v37, v4  }
0x83: {  	v56 =	vmul.f32 v46, v46;
	v22 =	vld [tilespmem:s28+$0x2180];
	v7 =	vadd.f32 v7, v8;
	v3 =	vadd.f32 v38, v3  }
0x84: {  	v61 =	vld [tilespmem:s28+$0x2D00];
	v59 =	vmul.f32 v49, v49;
	v5 =	vadd.f32 v62, v5;
	v4 =	vadd.f32 v41, v4  }
0x85: {  	v60 =	vmul.f32 v50, v50;
	v26 =	vld [tilespmem:s28+$0x2200];
	v7 =	vadd.f32 v47, v7;
	v3 =	vadd.f32 v42, v3  }
0x86: {  	v63 =	vmul.f32 v53, v53;
	v21 =	vld [tilespmem:s28+$0x2E00];
	v5 =	vadd.f32 v18, v5;
	v4 =	vadd.f32 v44, v4  }
0x87: {  	v16 =	vmul.f32 v54, v54;
	v30 =	vld [tilespmem:s28+$0x2280];
	v7 =	vadd.f32 v51, v7;
	v3 =	vadd.f32 v45, v3  }
0x88: {  	v19 =	vmul.f32 v57, v57;
	v25 =	vld [tilespmem:s28+$0x2E80];
	v5 =	vadd.f32 v22, v5;
	v4 =	vadd.f32 v48, v4  }
0x89: {  	v28 =	vmul.f32 v18, v18;
	v18 =	vld [tilespmem:s28+$0x5A80];
	v7 =	vadd.f32 v55, v7;
	v3 =	vadd.f32 v49, v3  }
0x8a: {  	v17 =	vld [tilespmem:s28+$0x2D80];
	v20 =	vmul.f32 v58, v58;
	v5 =	vadd.f32 v26, v5;
	v4 =	vadd.f32 v52, v4  }
0x8b: {  	v31 =	vmul.f32 v21, v21;
	v34 =	vld [tilespmem:s28+$0x2300];
	v7 =	vadd.f32 v59, v7;
	v3 =	vadd.f32 v53, v3  }
0x8c: {  	v23 =	vmul.f32 v61, v61;
	v5 =	vadd.f32 v30, v5;
	v29 =	vld [tilespmem:s28+$0x2F00];
	v4 =	vadd.f32 v56, v4  }
0x8d: {  	v24 =	vmul.f32 v62, v62;
	v38 =	vld [tilespmem:s28+$0x2380];
	v7 =	vadd.f32 v63, v7;
	v3 =	vadd.f32 v57, v3  }
0x8e: {  	v35 =	vmul.f32 v25, v25;
	v2 =	vadd.f32 v18, v2;
	v33 =	vld [tilespmem:s28+$0x2F80];
	v4 =	vadd.f32 v60, v4  }
0x8f: {  	v27 =	vmul.f32 v17, v17;
	v42 =	vld [tilespmem:s28+$0x2400];
	v7 =	vadd.f32 v19, v7;
	v3 =	vadd.f32 v61, v3  }
0x90: {  	v32 =	vmul.f32 v22, v22;
	v37 =	vld [tilespmem:s28+$0x3000];
	v5 =	vadd.f32 v34, v5;
	v4 =	vadd.f32 v16, v4  }
0x91: {  	v46 =	vld [tilespmem:s28+$0x2480];
	v39 =	vmul.f32 v29, v29;
	v7 =	vadd.f32 v23, v7;
	v3 =	vadd.f32 v17, v3  }
0x92: {  	v50 =	vld [tilespmem:s28+$0x2500];
	v36 =	vmul.f32 v26, v26;
	v5 =	vadd.f32 v38, v5;
	v4 =	vadd.f32 v20, v4  }
0x93: {  	v41 =	vld [tilespmem:s28+$0x3080];
	v40 =	vmul.f32 v30, v30;
	v7 =	vadd.f32 v27, v7;
	v3 =	vadd.f32 v21, v3  }
0x94: {  	v43 =	vmul.f32 v33, v33;
	v5 =	vadd.f32 v42, v5;
	v4 =	vadd.f32 v24, v4  }
0x95: {  	v54 =	vld [tilespmem:s28+$0x2580];
	v47 =	vmul.f32 v37, v37;
	v7 =	vadd.f32 v31, v7;
	v3 =	vadd.f32 v25, v3  }
0x96: {  	v58 =	vld [tilespmem:s28+$0x2600];
	v44 =	vmul.f32 v34, v34;
	v5 =	vadd.f32 v46, v5;
	v4 =	vadd.f32 v28, v4  }
0x97: {  	v62 =	vld [tilespmem:s28+$0x2680];
	v56 =	vmul.f32 v46, v46;
	v7 =	vadd.f32 v35, v7;
	v3 =	vadd.f32 v29, v3  }
0x98: {  	v45 =	vld [tilespmem:s28+$0x3100];
	v51 =	vmul.f32 v41, v41;
	v5 =	vadd.f32 v50, v5;
	v4 =	vadd.f32 v32, v4  }
0x99: {  	v48 =	vmul.f32 v38, v38;
	v49 =	vld [tilespmem:s28+$0x3180];
	v7 =	vadd.f32 v39, v7;
	v3 =	vadd.f32 v33, v3  }
0x9a: {  	v60 =	vmul.f32 v50, v50;
	v5 =	vadd.f32 v54, v5;
	v23 =	vld [tilespmem:s28+$0x3480];
	v4 =	vadd.f32 v36, v4  }
0x9b: {  	v52 =	vmul.f32 v42, v42;
	v21 =	vld [tilespmem:s28+$0x3400];
	v7 =	vadd.f32 v43, v7;
	v3 =	vadd.f32 v37, v3  }
0x9c: {  	v16 =	vmul.f32 v54, v54;
	v28 =	vld [tilespmem:s28+$0x4180];
	v5 =	vadd.f32 v58, v5;
	v4 =	vadd.f32 v40, v4  }
0x9d: {  	v55 =	vmul.f32 v45, v45;
	v27 =	vld [tilespmem:s28+$0x4100];
	v7 =	vadd.f32 v47, v7;
	v3 =	vadd.f32 v41, v3  }
0x9e: {  	v53 =	vld [tilespmem:s28+$0x3200];
	v20 =	vmul.f32 v58, v58;
	v5 =	vadd.f32 v62, v5;
	v4 =	vadd.f32 v44, v4  }
0x9f: {  	v57 =	vld [tilespmem:s28+$0x3280];
	v59 =	vmul.f32 v49, v49;
	v7 =	vadd.f32 v51, v7;
	v3 =	vadd.f32 v45, v3  }
0xa0: {  	v24 =	vmul.f32 v62, v62;
	v9 =	vadd.f32 v23, v21;
	v4 =	vadd.f32 v48, v4  }
0xa1: {  	v25 =	vld [tilespmem:s28+$0x3500];
	v11 =	vmul.f32 v23, v23;
	v7 =	vadd.f32 v55, v7;
	v3 =	vadd.f32 v49, v3  }
0xa2: {  	v61 =	vld [tilespmem:s28+$0x3300];
	v30 =	vmul.f32 v21, v21;
	v10 =	vadd.f32 v28, v27;
	v4 =	vadd.f32 v52, v4  }
0xa3: {  	v63 =	vmul.f32 v53, v53;
	v17 =	vld [tilespmem:s28+$0x3380];
	v7 =	vadd.f32 v59, v7;
	v3 =	vadd.f32 v53, v3  }
0xa4: {  	v19 =	vmul.f32 v57, v57;
	v33 =	vadd.f32 v11, v30;
	v4 =	vadd.f32 v56, v4  }
0xa5: {  	v31 =	vld [tilespmem:s28+$0x4200];
	v6 =	vmul.f32 v28, v28;
	v7 =	vadd.f32 v63, v7;
	v3 =	vadd.f32 v57, v3  }
0xa6: {  	v29 =	vld [tilespmem:s28+$0x3580];
	v15 =	vmul.f32 v27, v27;
	v9 =	vadd.f32 v25, v9;
	v4 =	vadd.f32 v60, v4  }
0xa7: {  	v22 =	vmul.f32 v61, v61;
	v7 =	vadd.f32 v19, v7;
	v3 =	vadd.f32 v61, v3  }
0xa8: {  	v32 =	vld [tilespmem:s28+$0x3600];
	v26 =	vmul.f32 v17, v17;
	v6 =	vadd.f32 v6, v15;
	v4 =	vadd.f32 v16, v4  }
0xa9: {  	v35 =	vld [tilespmem:s28+$0x4280];
	v34 =	vmul.f32 v25, v25;
	v7 =	vadd.f32 v22, v7;
	v3 =	vadd.f32 v17, v3  }
0xaa: {  	v10 =	vadd.f32 v31, v10;
	v14 =	vmul.f32 v31, v31;
	v4 =	vadd.f32 v20, v4  }
0xab: {  	v37 =	vld [tilespmem:s28+$0x4300];
	v9 =	vadd.f32 v29, v9;
	v7 =	vadd.f32 v26, v7;
	v3 =	vmul.f32 v3, v3  }
0xac: {  	v36 =	vld [tilespmem:s28+$0x3680];
	v5 =	vmul.f32 v5, v5;
	v6 =	vadd.f32 v14, v6;
	v4 =	vadd.f32 v24, v4  }
0xad: {  	v40 =	vld [tilespmem:s28+$0x4380];
	v8 =	vmul.f32 v29, v29;
	v3 =	vsub.f32 v3, v7;
	v7 =	vadd.f32 v34, v33  }
0xae: {  	v38 =	vld [tilespmem:s28+$0x3700];
	v10 =	vadd.f32 v35, v10;
	v12 =	vmul.f32 v35, v35;
	v39 =	vadd.f32 v32, v9  }
0xaf: {  	v44 =	vld [tilespmem:s28+$0x4400];
	v4 =	vsub.f32 v5, v4;
	v5 =	vmul.f32 v32, v32;
	v7 =	vadd.f32 v8, v7  }
0xb0: {  	v41 =	vld [tilespmem:s28+$0x3780];
	v6 =	vadd.f32 v12, v6;
	v10 =	vadd.f32 v37, v10;
	v11 =	vmul.f32 v37, v37  }
0xb1: {  	v43 =	vmul.f32 v36, v36;
	v47 =	vld [tilespmem:s28+$0x4480];
	v42 =	vadd.f32 v36, v39;
	v5 =	vadd.f32 v5, v7  }
0xb2: {  	v9 =	vmul.f32 v40, v40;
	v45 =	vld [tilespmem:s28+$0x3800];
	v6 =	vadd.f32 v11, v6;
	v10 =	vadd.f32 v40, v10  }
0xb3: {  	v46 =	vmul.f32 v38, v38;
	v50 =	vld [tilespmem:s28+$0x4500];
	v7 =	vadd.f32 v38, v42;
	v5 =	vadd.f32 v43, v5  }
0xb4: {  	v48 =	vld [tilespmem:s28+$0x3880];
	v13 =	vmul.f32 v44, v44;
	v6 =	vadd.f32 v9, v6;
	v10 =	vadd.f32 v44, v10  }
0xb5: {  	v49 =	vmul.f32 v41, v41;
	v53 =	vld [tilespmem:s28+$0x4580];
	v7 =	vadd.f32 v41, v7;
	v5 =	vadd.f32 v46, v5  }
0xb6: {  	v51 =	vld [tilespmem:s28+$0x3900];
	v15 =	vmul.f32 v47, v47;
	v6 =	vadd.f32 v13, v6;
	v10 =	vadd.f32 v47, v10  }
0xb7: {  	v56 =	vld [tilespmem:s28+$0x4600];
	v52 =	vmul.f32 v45, v45;
	v7 =	vadd.f32 v45, v7;
	v5 =	vadd.f32 v49, v5  }
0xb8: {  	v54 =	vld [tilespmem:s28+$0x3980];
	v14 =	vmul.f32 v50, v50;
	v6 =	vadd.f32 v15, v6;
	v10 =	vadd.f32 v50, v10  }
0xb9: {  	v55 =	vmul.f32 v48, v48;
	v59 =	vld [tilespmem:s28+$0x4680];
	v7 =	vadd.f32 v48, v7;
	v5 =	vadd.f32 v52, v5  }
0xba: {  	v57 =	vld [tilespmem:s28+$0x3A00];
	v12 =	vmul.f32 v53, v53;
	v6 =	vadd.f32 v14, v6;
	v10 =	vadd.f32 v53, v10  }
0xbb: {  	v62 =	vld [tilespmem:s28+$0x4700];
	v58 =	vmul.f32 v51, v51;
	v7 =	vadd.f32 v51, v7;
	v5 =	vadd.f32 v55, v5  }
0xbc: {  	v60 =	vld [tilespmem:s28+$0x3A80];
	v11 =	vmul.f32 v56, v56;
	v6 =	vadd.f32 v12, v6;
	v10 =	vadd.f32 v56, v10  }
0xbd: {  	v61 =	vmul.f32 v54, v54;
	v19 =	vld [tilespmem:s28+$0x4780];
	v7 =	vadd.f32 v54, v7;
	v5 =	vadd.f32 v58, v5  }
0xbe: {  	v63 =	vld [tilespmem:s28+$0x3B00];
	v9 =	vmul.f32 v59, v59;
	v6 =	vadd.f32 v11, v6;
	v10 =	vadd.f32 v59, v10  }
0xbf: {  	v22 =	vld [tilespmem:s28+$0x4800];
	v18 =	vmul.f32 v57, v57;
	v7 =	vadd.f32 v57, v7;
	v5 =	vadd.f32 v61, v5  }
0xc0: {  	v20 =	vld [tilespmem:s28+$0x3B80];
	v13 =	vmul.f32 v62, v62;
	v6 =	vadd.f32 v9, v6;
	v10 =	vadd.f32 v62, v10  }
0xc1: {  	v25 =	vld [tilespmem:s28+$0x4880];
	v21 =	vmul.f32 v60, v60;
	v7 =	vadd.f32 v60, v7;
	v5 =	vadd.f32 v18, v5  }
0xc2: {  	v23 =	vld [tilespmem:s28+$0x3C00];
	v15 =	vmul.f32 v19, v19;
	v6 =	vadd.f32 v13, v6;
	v10 =	vadd.f32 v19, v10  }
0xc3: {  	v28 =	vld [tilespmem:s28+$0x4900];
	v24 =	vmul.f32 v63, v63;
	v7 =	vadd.f32 v63, v7;
	v5 =	vadd.f32 v21, v5  }
0xc4: {  	v26 =	vld [tilespmem:s28+$0x3C80];
	v14 =	vmul.f32 v22, v22;
	v6 =	vadd.f32 v15, v6;
	v10 =	vadd.f32 v22, v10  }
0xc5: {  	v31 =	vld [tilespmem:s28+$0x4980];
	v27 =	vmul.f32 v20, v20;
	v7 =	vadd.f32 v20, v7;
	v5 =	vadd.f32 v24, v5  }
0xc6: {  	v29 =	vld [tilespmem:s28+$0x3D00];
	v12 =	vmul.f32 v25, v25;
	v6 =	vadd.f32 v14, v6;
	v10 =	vadd.f32 v25, v10  }
0xc7: {  	v30 =	vmul.f32 v23, v23;
	v34 =	vld [tilespmem:s28+$0x4A00];
	v7 =	vadd.f32 v23, v7;
	v5 =	vadd.f32 v27, v5  }
0xc8: {  	v32 =	vld [tilespmem:s28+$0x3D80];
	v11 =	vmul.f32 v28, v28;
	v6 =	vadd.f32 v12, v6;
	v10 =	vadd.f32 v28, v10  }
0xc9: {  	v37 =	vld [tilespmem:s28+$0x4A80];
	v33 =	vmul.f32 v26, v26;
	v7 =	vadd.f32 v26, v7;
	v5 =	vadd.f32 v30, v5  }
0xca: {  	v35 =	vld [tilespmem:s28+$0x3E00];
	v9 =	vmul.f32 v31, v31;
	v6 =	vadd.f32 v11, v6;
	v10 =	vadd.f32 v31, v10  }
0xcb: {  	v36 =	vmul.f32 v29, v29;
	v40 =	vld [tilespmem:s28+$0x4B00];
	v7 =	vadd.f32 v29, v7;
	v5 =	vadd.f32 v33, v5  }
0xcc: {  	v38 =	vld [tilespmem:s28+$0x3E80];
	v13 =	vmul.f32 v34, v34;
	v6 =	vadd.f32 v9, v6;
	v10 =	vadd.f32 v34, v10  }
0xcd: {  	v39 =	vmul.f32 v32, v32;
	v43 =	vld [tilespmem:s28+$0x4B80];
	v7 =	vadd.f32 v32, v7;
	v5 =	vadd.f32 v36, v5  }
0xce: {  	v41 =	vld [tilespmem:s28+$0x3F00];
	v15 =	vmul.f32 v37, v37;
	v6 =	vadd.f32 v13, v6;
	v10 =	vadd.f32 v37, v10  }
0xcf: {  	v42 =	vmul.f32 v35, v35;
	v46 =	vld [tilespmem:s28+$0x4C00];
	v7 =	vadd.f32 v35, v7;
	v5 =	vadd.f32 v39, v5  }
0xd0: {  	v44 =	vld [tilespmem:s28+$0x3F80];
	v14 =	vmul.f32 v40, v40;
	v6 =	vadd.f32 v15, v6;
	v10 =	vadd.f32 v40, v10  }
0xd1: {  	v45 =	vmul.f32 v38, v38;
	v49 =	vld [tilespmem:s28+$0x4C80];
	v7 =	vadd.f32 v38, v7;
	v5 =	vadd.f32 v42, v5  }
0xd2: {  	v47 =	vld [tilespmem:s28+$0x4000];
	v12 =	vmul.f32 v43, v43;
	v6 =	vadd.f32 v14, v6;
	v10 =	vadd.f32 v43, v10  }
0xd3: {  	v48 =	vmul.f32 v41, v41;
	v52 =	vld [tilespmem:s28+$0x4D00];
	v7 =	vadd.f32 v41, v7;
	v5 =	vadd.f32 v45, v5  }
0xd4: {  	v50 =	vld [tilespmem:s28+$0x4080];
	v11 =	vmul.f32 v46, v46;
	v6 =	vadd.f32 v12, v6;
	v10 =	vadd.f32 v46, v10  }
0xd5: {  	v51 =	vmul.f32 v44, v44;
	v54 =	vld [tilespmem:s28+$0x4D80];
	v7 =	vadd.f32 v44, v7;
	v5 =	vadd.f32 v48, v5  }
0xd6: {  	v9 =	vmul.f32 v49, v49;
	v6 =	vadd.f32 v11, v6;
	v10 =	vadd.f32 v49, v10  }
0xd7: {  	v53 =	vmul.f32 v47, v47;
	v7 =	vadd.f32 v47, v7;
	v5 =	vadd.f32 v51, v5  }
0xd8: {  	v57 =	vmul.f32 v52, v52;
	v6 =	vadd.f32 v9, v6;
	v56 =	vadd.f32 v52, v10  }
0xd9: {  	v55 =	vmul.f32 v50, v50;
	v7 =	vadd.f32 v50, v7;
	v5 =	vadd.f32 v53, v5  }
0xda: {  	v4 =	vmul.f32 $5.000000000e-01, v4;
	v59 =	vmul.f32 v54, v54;
	v6 =	vadd.f32 v57, v6  }
0xdb: {  	v58 =	vadd.f32 v54, v56;
	v7 =	vmul.f32 v7, v7;
	v5 =	vadd.f32 v55, v5  }
0xdc: {  	v2 =	vadd.f32 v4, v2;
	v3 =	vmul.f32 $5.000000000e-01, v3  }
0xdd: {  	v61 =	vadd.f32 v59, v6;
	v62 =	vmul.f32 v58, v58;
	v60 =	vsub.f32 v7, v5;
	_ =	sdelay $0x1  }
0xde: {  	v2 =	vadd.f32 v3, v2;
	v63 =	vsub.f32 v62, v61;
	v3 =	vmul.f32 $5.000000000e-01, v60  }
0xdf: {  	p0 =	sne.s32 s26, $0x1C0  }
.Ltmp1:
0xe0: {  	v2 =	vadd.f32 v3, v2;
	v3 =	vmul.f32 $5.000000000e-01, v63;
	(pc) =	sbr.rel @p0 .LBB2_5-.Ltmp1, $3  }
0xe1: {  	_ = 	snop  }
0xe2: {  	v2 =	vadd.f32 v3, v2;
	_ =	sdelay $0x1  }
0xe3: {  	s26 =	sadd.s32 $0x40, s26;
	[tilespmem:v1+s28+$0x0 ss:$0x1] =	vst.idx.msk $0xffff, v2  }
0xe4: {  	s25 =	sadd.s32 $0x1, s25  }
0xe5: {  	p0 =	sne.s32 s25, $0x4  }
.Ltmp2:
0xe6: {  	_ = 	snop;
	(pc) =	sbr.rel @p0 .LBB2_2-.Ltmp2, $2  }
0xe7: {  	_ =	sdelay $0x2  }
0xe8: {  	s24 =	sadd.s32 $0x80, s24  }
0xe9: {  	s23 =	sadd.s32 $0x1, s23  }
0xea: {  	p0 =	sne.s32 s23, s12  }
.Ltmp3:
0xeb: {  	_ = 	snop;
	(pc) =	sbr.rel @p0 .LBB2_1-.Ltmp3, $4  }
0xec: {  	[hbm4b:s11+s2] =	stream.linear.scatter [tilespmem:s22], [sflag:$0x2], $0x200, $0x38;
	[tilespmem:$0x5D10] =	vst v63  }
0xed: {  	_ =	swait.ge [sflag:s14], $0x200  }
0xee: {  	[sflag:s14] =	ssyncset.done $0x0  }
0xef: {  	[sflag:s14] =	ssyncadd.s32 $0xFFFFFE00  }
0xf0: {  	_ =	sfence.sel $0x180000  }
0xf1: {  	[bflag:$0x0] =	sbarrier.arrive $0xFFFF  }
0xf2: {  	p0 =	sne.s32 s3, $0x0;
	_ =	strace $0x90000047  }
0xf3: {  	s0 =	sadd.s32 @!p0 $0x100000, s0;
	[bflag:$0x2] =	sbarrier.arrive $0xFFFF  }
0xf4: {  	[sflag:s0] =	ssyncadd.tile.s32 @!p0 $0x1;
	_ =	shalt  }
.Lfunc_end2:
_tile_overlayer_lowered:
.L_overlay_start_2:
0xf5: {  	(tag) =	ssettag $0x2  }
0xf6: {  	s0 =	rddreg [dreg:$0x0];
	s2 =	stileid.u32  }
0xf7: {  	s1 =	rddreg [dreg:$0x1];
	p0 =	sne.s32 s2, $0x0  }
0xf8: {  	s3 =	rddreg [dreg:$0x2];
	[bflag:$0x3] =	sbarrier.arrive $0xFFFF;
	s2 =	simm.s32 @!p0 $0x1C02  }
0xf9: {  	[timem:s3], [sflag:s2] =	dma.local @!p0 [hbm:s0], s1  }
0xfa: {  	s0 =	simm.s32 @!p0 $0x2  }
0xfb: {  	_ =	swait.ge @!p0 [sflag:s0], s1  }
0xfc: {  	s1 =	ssub.s32 @!p0 $0x0, s1;
	[sflag:s0] =	ssyncset.done @!p0 $0x0  }
0xfd: {  	[sflag:s0] =	ssyncadd.s32 @!p0 s1  }
0xfe: {  	[bflag:$0x3] =	sbarrier.arrive $0xFFFF  }
0xff: {  	_ =	shalt  }

// kernel: kernel.9.cloned.1.call-start
scs
__scs_entry_jumppad:
0x0: {  	(pc) =	sbr.rel $0x88, $3  }
0x1: {  	(tag) =	ssettag $0x0;
	lr =	simm.s32 $0x1  }
0x2: {  	[smem:$0x3F9D] =	sst lr;
	_ =	strace $0xD0000000  }
0x3: {  	_ = 	snop  }
0x4: {  	_ = 	snop  }
0x5: {  	_ = 	snop  }
0x6: {  	_ = 	snop  }
0x7: {  	_ = 	snop  }
__scs_overlays_trampoline_lowered:
0x8: {  	[smem:$0x3FAC] =	sst s0  }
0x9: {  	[smem:$0x3FAD] =	sst s1  }
0xa: {  	[smem:$0x3FAE] =	sst s2  }
0xb: {  	[smem:$0x3FAF] =	sst s3  }
0xc: {  	[smem:$0x3FB0] =	sst s4  }
0xd: {  	[smem:$0x3FB1] =	sst s5  }
0xe: {  	[smem:$0x3FB2] =	sst s6  }
0xf: {  	[smem:$0x3FB3] =	sst s7  }
0x10: {  	[smem:$0x3FB4] =	sst s8  }
0x11: {  	[smem:$0x3FB5] =	sst s9;
	s0 =	simm.s32 @!p0 $0x0  }
0x12: {  	s1 =	sld [smem:$0x3F9B];
	s0 =	simm.s32 @p0 $0x1  }
0x13: {  	[smem:$0x3FB6] =	sst s0;
	s0 =	simm.s32 @!p1 $0x0  }
0x14: {  	s2 =	sld [smem:$0x3F9A];
	s0 =	simm.s32 @p1 $0x1  }
0x15: {  	[smem:$0x3FB7] =	sst s0;
	s0 =	simm.s32 @!p2 $0x0  }
0x16: {  	s3 =	sld [smem:$0x3FDB];
	s0 =	simm.s32 @p2 $0x1  }
0x17: {  	s4 =	simm.s32 $0x1BF5;
	[smem:$0x3FB9] =	sst s0  }
0x18: {  	s0 =	sld [smem:$0x3F9C];
	_ =	swait.ge [sflag:s4], $0x0  }
0x19: {  	s7 =	sld [smem:$0x3F9D]  }
0x1a: {  	s8 =	sadd.s32 $0xFFFFE003, lr  }
0x1b: {  	s9 =	sadd.s32 $0xFFFFFEF7, lr;
	s5 =	simm.s32 $0xFFFFFFFF;
	p2 =	slt.u32 s8, $0xFFFFF086  }
0x1c: {  	p1 =	slt.u32 s9, $0xF7A;
	s5 =	simm.s32 @!p2 $0x0  }
0x1d: {  	s5 =	simm.s32 @p1 $0x1;
	p0 =	seq.s32 s7, s2  }
0x1e: {  	s7 =	smul.u32 @!p0 $0xF7A, s2;
	p2 =	seq.s32 @!p0 s5, $0x0  }
0x1f: {  	s9 =	smul.u32 $0xF7A, s1;
	s8 =	simm.s32 @!p0 $0x1BF5;
	p2 =	por !p2, p0  }
0x20: {  	[sflag:s8] =	ssyncset.s32 @!p0 $0xFFFFF086;
	s6 =	sadd.s32 @!p0 s3, s7;
	s7 =	simm.s32 @!p0 $0x108  }
0x21: {  	s3 =	sadd.s32 s3, s9;
	s6 =	sadd.s32 @!p0 $0x88, s6;
	s7 =	simm.s32 @p2 $0x1082  }
0x22: {  	[simem:s7], [sflag:s8] =	dma.local @!p0 [hbm:s6], $0xF7A  }
0x23: {  	s9 =	sor.u32 $0xD0000000, s2;
	s6 =	simm.s32 $0x108;
	_ =	swait.ge @!p0 [sflag:s8], $0x0  }
0x24: {  	s3 =	sadd.s32 $0x88, s3;
	s6 =	simm.s32 @!p1 $0x1082;
	[sflag:s4] =	ssyncset.s32 $0xFFFFF086  }
0x25: {  	[simem:s6], [sflag:s4] =	dma.local [hbm:s3], $0xF7A  }
0x26: {  	[smem:$0x3F9D] =	sst s1;
	(tag) =	ssettag s2;
	_ =	strace s9  }
0x27: {  	s1 =	sld [smem:$0x3FAD]  }
0x28: {  	s2 =	sld [smem:$0x3FAE]  }
0x29: {  	s4 =	sld [smem:$0x3FB0]  }
0x2a: {  	p0 =	seq.s32 s5, $0x0;
	s5 =	sld [smem:$0x3FB1]  }
0x2b: {  	s6 =	sld [smem:$0x3FB2]  }
0x2c: {  	s7 =	sld [smem:$0x3FB3]  }
0x2d: {  	s3 =	simm.s32 $0x108;
	s8 =	sld [smem:$0x3FB4]  }
0x2e: {  	s3 =	simm.s32 @!p0 $0x1082;
	s9 =	sld [smem:$0x3FB5]  }
0x2f: {  	lr =	sadd.s32 s0, s3;
	s0 =	sld [smem:$0x3FAC]  }
0x30: {  	s3 =	sld [smem:$0x3FAF]  }
0x31: {  	[smem:$0x3FB8] =	sst s10  }
0x32: {  	s10 =	sld [smem:$0x3FB6];
	_ =	sdelay $0x3  }
0x33: {  	p0 =	seq.s32 s10, $0x1;
	s10 =	sld [smem:$0x3FB8];
	_ =	sdelay $0x3  }
0x34: {  	[smem:$0x3FB8] =	sst s10  }
0x35: {  	s10 =	sld [smem:$0x3FB7];
	_ =	sdelay $0x3  }
0x36: {  	p1 =	seq.s32 s10, $0x1;
	s10 =	sld [smem:$0x3FB8];
	_ =	sdelay $0x3  }
0x37: {  	[smem:$0x3FB8] =	sst s10  }
0x38: {  	s10 =	sld [smem:$0x3FB9]  }
0x39: {  	_ = 	snop;
	(pc) =	sbr.ind lr, $3  }
0x3a: {  	_ = 	snop  }
0x3b: {  	_ = 	snop  }
0x3c: {  	p2 =	seq.s32 s10, $0x1;
	s10 =	sld [smem:$0x3FB8]  }
0x3d: {  	_ =	shalt  }
0x3e: {  	_ =	shalt  }
0x3f: {  	_ =	shalt  }
0x40: {  	_ =	shalt  }
0x41: {  	_ =	shalt  }
0x42: {  	_ =	shalt  }
0x43: {  	_ =	shalt  }
0x44: {  	_ =	shalt  }
0x45: {  	_ =	shalt  }
0x46: {  	_ =	shalt  }
0x47: {  	_ =	shalt  }
0x48: {  	_ =	shalt  }
0x49: {  	_ =	shalt  }
0x4a: {  	_ =	shalt  }
0x4b: {  	_ =	shalt  }
0x4c: {  	_ =	shalt  }
0x4d: {  	_ =	shalt  }
0x4e: {  	_ =	shalt  }
0x4f: {  	_ =	shalt  }
0x50: {  	_ =	shalt  }
0x51: {  	_ =	shalt  }
0x52: {  	_ =	shalt  }
0x53: {  	_ =	shalt  }
0x54: {  	_ =	shalt  }
0x55: {  	_ =	shalt  }
0x56: {  	_ =	shalt  }
0x57: {  	_ =	shalt  }
0x58: {  	_ =	shalt  }
0x59: {  	_ =	shalt  }
0x5a: {  	_ =	shalt  }
0x5b: {  	_ =	shalt  }
0x5c: {  	_ =	shalt  }
0x5d: {  	_ =	shalt  }
0x5e: {  	_ =	shalt  }
0x5f: {  	_ =	shalt  }
0x60: {  	_ =	shalt  }
0x61: {  	_ =	shalt  }
0x62: {  	_ =	shalt  }
0x63: {  	_ =	shalt  }
0x64: {  	_ =	shalt  }
0x65: {  	_ =	shalt  }
0x66: {  	_ =	shalt  }
0x67: {  	_ =	shalt  }
0x68: {  	_ =	shalt  }
0x69: {  	_ =	shalt  }
0x6a: {  	_ =	shalt  }
0x6b: {  	_ =	shalt  }
0x6c: {  	_ =	shalt  }
0x6d: {  	_ =	shalt  }
0x6e: {  	_ =	shalt  }
0x6f: {  	_ =	shalt  }
0x70: {  	_ =	shalt  }
0x71: {  	_ =	shalt  }
0x72: {  	_ =	shalt  }
0x73: {  	_ =	shalt  }
0x74: {  	_ =	shalt  }
0x75: {  	_ =	shalt  }
0x76: {  	_ =	shalt  }
0x77: {  	_ =	shalt  }
0x78: {  	_ =	shalt  }
0x79: {  	_ =	shalt  }
0x7a: {  	_ =	shalt  }
0x7b: {  	_ =	shalt  }
0x7c: {  	_ =	shalt  }
0x7d: {  	_ =	shalt  }
0x7e: {  	_ =	shalt  }
0x7f: {  	_ =	shalt  }
0x80: {  	_ =	shalt  }
0x81: {  	_ =	shalt  }
0x82: {  	_ =	shalt  }
0x83: {  	_ =	shalt  }
0x84: {  	_ =	shalt  }
0x85: {  	_ =	shalt  }
0x86: {  	_ =	shalt  }
0x87: {  	_ =	shalt  }
.Lfunc_end0:
.L_simem_size_0:
called_computation.1_lowered:
.L_overlay_start_0:
0x88: {  	s2 =	sld [smem:$0x3FD9]  }
0x89: {  	s3 =	sld [smem:$0x3FFE];
	_ =	sdelay $0x1  }
0x8a: {  	s1 =	srdreg.scid  }
0x8b: {  	s0 =	sand.u32 $0x1, s1  }
0x8c: {  	s17 =	sshll.u32 s0, $0xA;
	s2 =	sadd.s32 s3, s2  }
0x8d: {  	s2 =	sadd.s32 s2, s17  }
0x8e: {  	[smem:$0x3FC4] =	sst s2  }
0x8f: {  	_ = 	snop  }
0x90: {  	s2 =	sld [smem:$0x3FD0];
	(tm) =	ssettm $0x1  }
0x91: {  	s18 =	sld [smem:$0x3FFB];
	_ =	sdelay $0x3  }
0x92: {  	_ =	strace s18  }
0x93: {  	s3 =	sld [smem:$0x3FFC];
	_ =	sdelay $0x3  }
0x94: {  	_ =	strace s3  }
0x95: {  	s3 =	sld [smem:$0x3FFD];
	_ =	sdelay $0x3  }
0x96: {  	_ =	strace s3  }
0x97: {  	_ =	strace $0x8FFFFFFF  }
0x98: {  	s19 =	sld [smem:$0x3FDB];
	_ =	sdelay $0x1  }
0x99: {  	s4 =	simm.s32 $_scs_section_size  }
0x9a: {  	s5 =	simm.s32 $_size__tile_overlayer_lowered;
	s6 =	simm.s32 $_tile_overlayer_lowered  }
0x9b: {  	s22 =	simm.s32 $0x1BFF;
	s21 =	sshll.u32 s6, $0x1;
	s3 =	sadd.s32 s4, s19  }
0x9c: {  	s7 =	simm.s32 $0x0;
	s20 =	sshll.u32 s5, $0x1;
	s5 =	sadd.s32 s21, s3  }
0x9d: {  	[timem:s7], [sflag:s22] =	dma.local [hbm:s5], s20  }
0x9e: {  	_ =	swait.ge [sflag:s22], s20  }
0x9f: {  	s4 =	ssub.s32 $0x0, s20;
	[sflag:s22] =	ssyncset.done $0x0  }
0xa0: {  	[sflag:s22] =	ssyncadd.s32 s4;
	_ =	sdelay $0x1  }
0xa1: {  	s23 =	simm.s32 $0x1B8B  }
0xa2: {  	_ =	swait.ge [sflag:s23], $0x1  }
0xa3: {  	[sflag:s23] =	ssyncset.done $0x0  }
0xa4: {  	s25 =	simm.s32 $0x1B8E;
	s24 =	sld [smem:$0x3FFE];
	[sflag:s23] =	ssyncadd.s32 $0xFFFFFFFF  }
0xa5: {  	s26 =	simm.s32 $execute0_lowered;
	[smem:$0x3FD2] =	sst s25  }
0xa6: {  	s5 =	sshll.u32 s26, $0x1;
	_ =	strace $0x80000049;
	[dreg:$0x1] =	wrdreg $0xFFFFFFFF  }
0xa7: {  	s28 =	simm.s32 $_size_execute0_lowered;
	s3 =	sadd.s32 s3, s5;
	[dreg:$0x0] =	wrdreg $0x0  }
0xa8: {  	s5 =	sshll.u32 s28, $0x1;
	[dreg:$0x2] =	wrdreg s3  }
0xa9: {  	[dreg:$0x3] =	wrdreg s5  }
0xaa: {  	[dreg:$0x4] =	wrdreg $0xC0  }
0xab: {  	_ =	task [dreg:s7], $0x5FFFF  }
0xac: {  	[dreg:$0x1] =	wrdreg $0xFFFFFFFF  }
0xad: {  	[dreg:$0x0] =	wrdreg $0x60  }
0xae: {  	[dreg:$0x2] =	wrdreg s24  }
0xaf: {  	[dreg:$0x3] =	wrdreg s2  }
0xb0: {  	[dreg:$0x4] =	wrdreg $0x9  }
0xb1: {  	_ =	task.clear_ibuf [dreg:s7], $0x5FFFF;
	_ =	strace $0x90000049  }
0xb2: {  	s29 =	simm.s32 $0x9;
	_ =	strace $0x8000004B  }
0xb3: {  	_ =	swait.ge [sflag:s29], $0x1  }
0xb4: {  	[sflag:s29] =	ssyncadd.s32 $0xFFFFFFFF  }
0xb5: {  	_ =	strace $0x9000004B  }
0xb6: {  	_ =	sfence  }
0xb7: {  	s30 =	sld [smem:$0x0];
	_ =	sdelay $0x2  }
0xb8: {  	s31 =	sshll.u32 s1, $0xD;
	s1 =	sshrl.u32 s1, $0x2  }
0xb9: {  	s3 =	sand.u32 $0x4000, s31;
	s1 =	sadd.s32 s1, s30  }
0xba: {  	s0 =	sor.u32 s3, s0;
	s1 =	sshll.u32 s1, $0x11  }
0xbb: {  	s0 =	sor.u32 s1, s0  }
0xbc: {  	s0 =	sadd.s32 $0x8F2B, s0  }
0xbd: {  	[sflag:s0] =	ssyncadd.remote.s32 $0x1  }
0xbe: {  	_ =	sfence.sel $0xFFFF  }
0xbf: {  	[dreg:$0x0] =	wrdreg $0xFFFFFFFF;
	(pc) =	sbr.abs _section_cstart, $3  }
0xc0: {  	[dreg:$0x1] =	wrdreg $0xFFFFFFFF  }
0xc1: {  	_ =	task.clear_ibuf [dreg:s7], $0x2FFFF;
	_ =	strace $0x9FFFFFFF  }
0xc2: {  	(tm) =	ssettm $0x7FFFFFFF  }
0xc3: {  	_ =	shalt  }
tec
execute0_lowered:
.L_overlay_start_1:
0x0: {  	(tag) =	ssettag $0x1  }
0x1: {  	s9 =	rddreg [dreg:$0x0]  }
0x2: {  	s11 =	rddreg [dreg:$0x1]  }
0x3: {  	s1 =	simm.s32 $0x0;
	s8 =	srdreg.scid;
	s3 =	stileid.u32  }
0x4: {  	s15 =	simm.s32 $0x4E00;
	s16 =	simm.s32 $0xD00;
	s17 =	simm.s32 $0x1A00  }
0x5: {  	s18 =	simm.s32 $0x2700;
	s19 =	simm.s32 $0x3400;
	s20 =	simm.s32 $0x4100  }
0x6: {  	s21 =	simm.s32 $0x1;
	s22 =	simm.s32 $0x5B00;
	s2 =	sadd.s32 $0x1E9E00, s9  }
0x7: {  	s23 =	simm.s32 $0x0;
	s4 =	sadd.s32 $0x19A800, s9;
	s5 =	sadd.s32 $0x288A00, s9  }
0x8: {  	[smem:$0x7FF] =	sst s1;
	s6 =	sadd.s32 $0x239400, s9;
	s7 =	sadd.s32 $0x19A000, s9  }
0x9: {  	s10 =	sand.u32 $0x1, s8;
	s12 =	sshll.u32 s3, $0x1;
	s8 =	sadd.s32 $0x13D800, s9  }
0xa: {  	s9 =	sadd.s32 $0x199E00, s9;
	s13 =	ssub.s32 $0x2, s10;
	s10 =	sor.u32 s10, s12  }
0xb: {  	_ =	strace $0x8000004A;
	s31 =	sshrl.u32 s13, $0x1;
	s14 =	sshll.u32 s10, $0x6  }
0xc: {  	s10 =	sshll.u32 s10, $0x2;
	s12 =	ssub.s32 s13, s31;
	s11 =	sadd.s32 s11, s14  }
0xd: {  	s13 =	simm.s32 $0x5D00;
	s14 =	simm.s32 $0x2;
	s12 =	smax.u32 s12, $0x1  }
.LBB2_1:
0xe: {  	[tilespmem:s13], [sflag:$0x2] =	stream.linear.gather [hbm4b:s9+s1], $0x10, $0x38;
	[tilespmem:$0x5D10] =	vst v63  }
0xf: {  	_ =	swait.ge [sflag:s14], $0x10  }
0x10: {  	[sflag:s14] =	ssyncset.done $0x0  }
0x11: {  	s24 =	simm.s32 $0x5B00;
	s25 =	simm.s32 $0x0;
	[sflag:s14] =	ssyncadd.s32 $0xFFFFFFF0  }
.LBB2_2:
0x12: {  	s26 =	sadd.s32 s10, s25  }
0x13: {  	s28 =	smul.u32 $0x1A0, s26;
	_ =	sdelay $0x1  }
0x14: {  	s29 =	simm.s32 $0x0;
	s28 =	sadd.s32 s8, s28  }
0x15: {  	[tilespmem:s29], [sflag:$0x2] =	stream.linear.gather [hbm4b:s28+s29], $0xD00, $0x38;
	[tilespmem:$0x5D10] =	vst v63  }
0x16: {  	_ =	swait.ge [sflag:s14], $0xD00  }
0x17: {  	[sflag:s14] =	ssyncset.done $0x0  }
0x18: {  	[sflag:s14] =	ssyncadd.s32 $0xFFFFF300  }
0x19: {  	v0 =	vld [tilespmem:s29+$0x0];
	_ =	sdelay $0x1  }
0x1a: {  	s28 =	simm.s32 $0x0  }
0x1b: {  	s29 =	smul.u32 $0x186A0, s28;
	_ =	sdelay $0x1  }
0x1c: {  	s28 =	simm.s32 $0xD00;
	v0 =	vadd.s32 s29, v0  }
0x1d: {  	s29 =	simm.s32 $0x10;
	[tilespmem:s28+$0x0] =	vst v0  }
0x1e: {  	s30 =	simm.s32 $0x1;
	s31 =	simm.s32 $0x2;
	v0 =	vld [tilespmem:s29+$0x0]  }
.LBB2_3:
0x1f: {  	p0 =	sne.s32 s31, $0xCF;
	s0 =	sshrl.u32 s30, $0x3  }
0x20: {  	s30 =	smov.u32 s31;
	s0 =	smul.u32 $0x186A0, s0  }
.Ltmp0:
0x21: {  	(pc) =	sbr.rel @p0 .LBB2_3-.Ltmp0, $4  }
0x22: {  	_ = 	snop  }
0x23: {  	s28 =	sadd.s32 $0x10, s28;
	v0 =	vadd.s32 s0, v0  }
0x24: {  	s29 =	sadd.s32 $0x10, s29;
	[tilespmem:s28+$0x0] =	vst v0  }
0x25: {  	s31 =	sadd.s32 $0x1, s31;
	v0 =	vld [tilespmem:s29+$0x0]  }
0x26: {  	_ = 	snop  }
0x27: {  	s0 =	sshrl.u32 s30, $0x3  }
0x28: {  	s0 =	smul.u32 $0x186A0, s0;
	_ =	sdelay $0x1  }
0x29: {  	s29 =	sadd.s32 $0x10, s28;
	s26 =	sshll.u32 s26, $0x4;
	v0 =	vadd.s32 s0, v0  }
0x2a: {  	s31 =	simm.s32 $0x0;
	s30 =	sadd.s32 s7, s26;
	[tilespmem:s29+$0x0] =	vst v0  }
0x2b: {  	[tilespmem:s15], [sflag:$0x2] =	stream.linear.gather [hbm4b:s30+s31], $0x80, $0x38;
	[tilespmem:$0x5D10] =	vst v63  }
0x2c: {  	_ =	swait.ge [sflag:s14], $0x80  }
0x2d: {  	[sflag:s14] =	ssyncset.done $0x0  }
0x2e: {  	[sflag:s14] =	ssyncadd.s32 $0xFFFFFF80  }
0x2f: {  	[tilespmem:s17], [sflag:$0x1] =	stream.indirect.gather [hbm4b:s2+s16], $0x1, s16, s16, $0xb8;
	[tilespmem:$0x5D10] =	vst v63  }
0x30: {  	_ = 	snop  }
0x31: {  	[tilespmem:s18], [sflag:$0x1] =	stream.indirect.gather [hbm4b:s4+s16], $0x1, s16, s16, $0xb8;
	[tilespmem:$0x5D10] =	vst v63  }
0x32: {  	_ = 	snop  }
0x33: {  	[tilespmem:s19], [sflag:$0x1] =	stream.indirect.gather [hbm4b:s5+s16], $0x1, s16, s16, $0xb8;
	[tilespmem:$0x5D10] =	vst v63  }
0x34: {  	_ = 	snop  }
0x35: {  	[tilespmem:s20], [sflag:$0x1] =	stream.indirect.gather [hbm4b:s6+s16], $0x1, s16, s16, $0xb8;
	[tilespmem:$0x5D10] =	vst v63  }
0x36: {  	_ =	swait.ge [sflag:s21], $0xD00  }
0x37: {  	[sflag:s21] =	ssyncset.done $0x0  }
0x38: {  	[sflag:s21] =	ssyncadd.s32 $0xFFFFF300  }
0x39: {  	_ =	swait.ge [sflag:s21], $0xD00  }
0x3a: {  	[sflag:s21] =	ssyncset.done $0x0  }
0x3b: {  	[sflag:s21] =	ssyncadd.s32 $0xFFFFF300  }
0x3c: {  	_ =	swait.ge [sflag:s21], $0xD00  }
0x3d: {  	[sflag:s21] =	ssyncset.done $0x0  }
0x3e: {  	[sflag:s21] =	ssyncadd.s32 $0xFFFFF300  }
0x3f: {  	_ =	swait.ge [sflag:s21], $0xD00  }
0x40: {  	[sflag:s21] =	ssyncset.done $0x0  }
0x41: {  	s26 =	simm.s32 $0x0;
	[sflag:s21] =	ssyncadd.s32 $0xFFFFF300  }
0x42: {  	v1 =	vld [tilespmem:s26+$0x3380]  }
0x43: {  	v0 =	vld [tilespmem:s26+$0x4100]  }
0x44: {  	v2 =	vld [tilespmem:s26+$0x4180]  }
0x45: {  	v3 =	vld [tilespmem:s26+$0x4200]  }
0x46: {  	v4 =	vld [tilespmem:s26+$0x3400]  }
0x47: {  	v5 =	vld [tilespmem:s26+$0x3480]  }
0x48: {  	v6 =	vld [tilespmem:s26+$0x4280]  }
0x49: {  	v7 =	vld [tilespmem:s26+$0x3500];
	v8 =	vmul.f32 v0, v0;
	v9 =	vmul.f32 v2, v2  }
0x4a: {  	v10 =	vld [tilespmem:s26+$0x4300]  }
0x4b: {  	v11 =	vld [tilespmem:s26+$0x3580];
	v2 =	vadd.f32 v2, v0;
	v8 =	vadd.f32 v9, v8;
	v9 =	vmul.f32 v3, v3  }
0x4c: {  	v14 =	vld [tilespmem:s26+$0x4380];
	v0 =	vmov s24;
	v12 =	vmul.f32 v4, v4;
	v13 =	vmul.f32 v5, v5  }
0x4d: {  	v15 =	vld [tilespmem:s26+$0x3600];
	v2 =	vadd.f32 v3, v2;
	v3 =	vadd.f32 v9, v8;
	v8 =	vmul.f32 v6, v6  }
0x4e: {  	v4 =	vadd.f32 v5, v4;
	v5 =	vadd.f32 v13, v12;
	v12 =	vld [tilespmem:s26+$0x4400];
	v9 =	vmul.f32 v7, v7  }
0x4f: {  	v13 =	vld [tilespmem:s26+$0x3680];
	v2 =	vadd.f32 v6, v2;
	v6 =	vmul.f32 v10, v10;
	v3 =	vadd.f32 v8, v3  }
0x50: {  	v4 =	vadd.f32 v7, v4;
	v7 =	vmul.f32 v11, v11;
	v5 =	vadd.f32 v9, v5;
	v8 =	vld [tilespmem:s26+$0x4480]  }
0x51: {  	v9 =	vld [tilespmem:s26+$0x3700];
	v2 =	vadd.f32 v10, v2;
	v3 =	vadd.f32 v6, v3;
	v6 =	vmul.f32 v14, v14  }
0x52: {  	v4 =	vadd.f32 v11, v4;
	v10 =	vld [tilespmem:s26+$0x4500];
	v5 =	vadd.f32 v7, v5;
	v7 =	vmul.f32 v15, v15  }
0x53: {  	v11 =	vld [tilespmem:s26+$0x3780];
	v2 =	vadd.f32 v14, v2;
	v3 =	vadd.f32 v6, v3;
	v6 =	vmul.f32 v12, v12  }
0x54: {  	v4 =	vadd.f32 v15, v4;
	v14 =	vld [tilespmem:s26+$0x4580];
	v5 =	vadd.f32 v7, v5;
	v7 =	vmul.f32 v13, v13  }
0x55: {  	v15 =	vld [tilespmem:s26+$0x3800];
	v2 =	vadd.f32 v12, v2;
	v3 =	vadd.f32 v6, v3;
	v6 =	vmul.f32 v8, v8  }
0x56: {  	v4 =	vadd.f32 v13, v4;
	v12 =	vld [tilespmem:s26+$0x4600];
	v5 =	vadd.f32 v7, v5;
	v7 =	vmul.f32 v9, v9  }
0x57: {  	v13 =	vld [tilespmem:s26+$0x3880];
	v2 =	vadd.f32 v8, v2;
	v3 =	vadd.f32 v6, v3;
	v6 =	vmul.f32 v10, v10  }
0x58: {  	v4 =	vadd.f32 v9, v4;
	v8 =	vld [tilespmem:s26+$0x4680];
	v5 =	vadd.f32 v7, v5;
	v7 =	vmul.f32 v11, v11  }
0x59: {  	v9 =	vld [tilespmem:s26+$0x3900];
	v2 =	vadd.f32 v10, v2;
	v3 =	vadd.f32 v6, v3;
	v6 =	vmul.f32 v14, v14  }
0x5a: {  	v4 =	vadd.f32 v11, v4;
	v10 =	vld [tilespmem:s26+$0x4700];
	v5 =	vadd.f32 v7, v5;
	v7 =	vmul.f32 v15, v15  }
0x5b: {  	v11 =	vld [tilespmem:s26+$0x3980];
	v2 =	vadd.f32 v14, v2;
	v3 =	vadd.f32 v6, v3;
	v6 =	vmul.f32 v12, v12  }
0x5c: {  	v4 =	vadd.f32 v15, v4;
	v14 =	vld [tilespmem:s26+$0x4780];
	v5 =	vadd.f32 v7, v5;
	v7 =	vmul.f32 v13, v13  }
0x5d: {  	v15 =	vld [tilespmem:s26+$0x3A00];
	v2 =	vadd.f32 v12, v2;
	v3 =	vadd.f32 v6, v3;
	v6 =	vmul.f32 v8, v8  }
0x5e: {  	v4 =	vadd.f32 v13, v4;
	v12 =	vld [tilespmem:s26+$0x4800];
	v5 =	vadd.f32 v7, v5;
	v7 =	vmul.f32 v9, v9  }
0x5f: {  	v13 =	vld [tilespmem:s26+$0x3A80];
	v2 =	vadd.f32 v8, v2;
	v3 =	vadd.f32 v6, v3;
	v6 =	vmul.f32 v10, v10  }
0x60: {  	v4 =	vadd.f32 v9, v4;
	v8 =	vld [tilespmem:s26+$0x4880];
	v5 =	vadd.f32 v7, v5;
	v7 =	vmul.f32 v11, v11  }
0x61: {  	v9 =	vld [tilespmem:s26+$0x3B00];
	v2 =	vadd.f32 v10, v2;
	v3 =	vadd.f32 v6, v3;
	v6 =	vmul.f32 v14, v14  }
0x62: {  	v4 =	vadd.f32 v11, v4;
	v10 =	vld [tilespmem:s26+$0x4900];
	v5 =	vadd.f32 v7, v5;
	v7 =	vmul.f32 v15, v15  }
0x63: {  	v11 =	vld [tilespmem:s26+$0x3B80];
	v2 =	vadd.f32 v14, v2;
	v3 =	vadd.f32 v6, v3;
	v6 =	vmul.f32 v12, v12  }
0x64: {  	v4 =	vadd.f32 v15, v4;
	v14 =	vld [tilespmem:s26+$0x4980];
	v5 =	vadd.f32 v7, v5;
	v7 =	vmul.f32 v13, v13  }
0x65: {  	v15 =	vld [tilespmem:s26+$0x3C00];
	v2 =	vadd.f32 v12, v2;
	v3 =	vadd.f32 v6, v3;
	v6 =	vmul.f32 v8, v8  }
0x66: {  	v4 =	vadd.f32 v13, v4;
	v12 =	vld [tilespmem:s26+$0x4A00];
	v5 =	vadd.f32 v7, v5;
	v7 =	vmul.f32 v9, v9  }
0x67: {  	v13 =	vld [tilespmem:s26+$0x3C80];
	v2 =	vadd.f32 v8, v2;
	v3 =	vadd.f32 v6, v3;
	v6 =	vmul.f32 v10, v10  }
0x68: {  	v4 =	vadd.f32 v9, v4;
	v8 =	vld [tilespmem:s26+$0x4A80];
	v5 =	vadd.f32 v7, v5;
	v7 =	vmul.f32 v11, v11  }
0x69: {  	v9 =	vld [tilespmem:s26+$0x3D00];
	v2 =	vadd.f32 v10, v2;
	v3 =	vadd.f32 v6, v3;
	v6 =	vmul.f32 v14, v14  }
0x6a: {  	v4 =	vadd.f32 v11, v4;
	v10 =	vld [tilespmem:s26+$0x4B00];
	v5 =	vadd.f32 v7, v5;
	v7 =	vmul.f32 v15, v15  }
0x6b: {  	v11 =	vld [tilespmem:s26+$0x3D80];
	v2 =	vadd.f32 v14, v2;
	v3 =	vadd.f32 v6, v3;
	v6 =	vmul.f32 v12, v12  }
0x6c: {  	v4 =	vadd.f32 v15, v4;
	v14 =	vld [tilespmem:s26+$0x4B80];
	v5 =	vadd.f32 v7, v5;
	v7 =	vmul.f32 v13, v13  }
0x6d: {  	v15 =	vld [tilespmem:s26+$0x3E00];
	v12 =	vadd.f32 v12, v2;
	v3 =	vadd.f32 v6, v3;
	v6 =	vmul.f32 v8, v8  }
0x6e: {  	v16 =	vld [tilespmem:s26+$0x4C00];
	v4 =	vadd.f32 v13, v4;
	v5 =	vadd.f32 v7, v5;
	v7 =	vmul.f32 v9, v9  }
0x6f: {  	v2 =	vld [tilespmem:s26+$0x3E80];
	v8 =	vadd.f32 v8, v12;
	v12 =	vmul.f32 v10, v10;
	v6 =	vadd.f32 v6, v3  }
0x70: {  	v9 =	vadd.f32 v9, v4;
	v4 =	vld [tilespmem:s26+$0x4C80];
	v5 =	vadd.f32 v7, v5;
	v7 =	vmul.f32 v11, v11  }
0x71: {  	v3 =	vld [tilespmem:s26+$0x3F00];
	v8 =	vadd.f32 v10, v8;
	v10 =	vadd.f32 v12, v6;
	v12 =	vmul.f32 v14, v14  }
0x72: {  	v13 =	vmul.f32 v15, v15;
	v9 =	vadd.f32 v11, v9;
	v11 =	vadd.f32 v7, v5;
	v6 =	vld [tilespmem:s26+$0x4D00]  }
0x73: {  	v17 =	vmul.f32 v16, v16;
	v5 =	vld [tilespmem:s26+$0x3F80];
	v14 =	vadd.f32 v14, v8;
	v12 =	vadd.f32 v12, v10  }
0x74: {  	v7 =	vld [tilespmem:s26+$0x2700];
	v9 =	vadd.f32 v15, v9;
	v10 =	vadd.f32 v13, v11;
	v13 =	vmul.f32 v2, v2  }
0x75: {  	s28 =	simm.s32 $0x40;
	v8 =	vld [tilespmem:s26+$0x1A00];
	v11 =	vadd.f32 v16, v14;
	v14 =	vmul.f32 v4, v4;
	v12 =	vadd.f32 v17, v12  }
.LBB2_5:
0x76: {  	p0 =	sne.s32 s28, $0x1C0;
	v15 =	vld [tilespmem:s26+$0x1A80];
	v2 =	vadd.f32 v2, v9;
	v9 =	vadd.f32 v13, v10;
	v10 =	vmul.f32 v3, v3  }
0x77: {  	v13 =	vld [tilespmem:s26+$0x2780];
	v4 =	vadd.f32 v4, v11;
	v11 =	vadd.f32 v14, v12;
	v12 =	vmul.f32 v6, v6  }
0x78: {  	v14 =	vld [tilespmem:s26+$0x1B00];
	v16 =	vadd.f32 v3, v2;
	v9 =	vadd.f32 v10, v9;
	v10 =	vmul.f32 v5, v5  }
0x79: {  	v17 =	vld [tilespmem:s26+$0x2800];
	v3 =	vadd.f32 v6, v4;
	v2 =	vadd.f32 v12, v11  }
0x7a: {  	v4 =	vmul.f32 v1, v1;
	v11 =	vld [tilespmem:s26+$0x1B80];
	v6 =	vadd.f32 v5, v16;
	v5 =	vadd.f32 v10, v9  }
0x7b: {  	v9 =	vmul.f32 v8, v8;
	v8 =	vadd.f32 v15, v8;
	v10 =	vmul.f32 v15, v15;
	v12 =	vld [tilespmem:s26+$0x2880]  }
0x7c: {  	v16 =	vmul.f32 v7, v7;
	v15 =	vld [tilespmem:s26+$0x1C00];
	v7 =	vadd.f32 v13, v7;
	v13 =	vmul.f32 v13, v13  }
0x7d: {  	v9 =	vadd.f32 v10, v9;
	v8 =	vadd.f32 v14, v8;
	v10 =	vmul.f32 v14, v14;
	v14 =	vld [tilespmem:s26+$0x2900]  }
0x7e: {  	v18 =	vld [tilespmem:s26+$0x1C80];
	v13 =	vadd.f32 v13, v16;
	v7 =	vadd.f32 v17, v7;
	v16 =	vmul.f32 v17, v17  }
0x7f: {  	v9 =	vadd.f32 v10, v9;
	v8 =	vadd.f32 v11, v8;
	v10 =	vmul.f32 v11, v11;
	v11 =	vld [tilespmem:s26+$0x2980]  }
0x80: {  	v17 =	vld [tilespmem:s26+$0x1D00];
	v13 =	vadd.f32 v16, v13;
	v7 =	vadd.f32 v12, v7;
	v12 =	vmul.f32 v12, v12  }
0x81: {  	v9 =	vadd.f32 v10, v9;
	v8 =	vadd.f32 v15, v8;
	v10 =	vmul.f32 v15, v15;
	v15 =	vld [tilespmem:s26+$0x2A00]  }
0x82: {  	v16 =	vld [tilespmem:s26+$0x1D80];
	v12 =	vadd.f32 v12, v13;
	v7 =	vadd.f32 v14, v7;
	v13 =	vmul.f32 v14, v14  }
0x83: {  	v9 =	vadd.f32 v10, v9;
	v8 =	vadd.f32 v18, v8;
	v10 =	vmul.f32 v18, v18;
	v14 =	vld [tilespmem:s26+$0x2A80]  }
0x84: {  	v18 =	vld [tilespmem:s26+$0x1E00];
	v12 =	vadd.f32 v13, v12;
	v7 =	vadd.f32 v11, v7;
	v11 =	vmul.f32 v11, v11  }
0x85: {  	v9 =	vadd.f32 v10, v9;
	v8 =	vadd.f32 v17, v8;
	v10 =	vmul.f32 v17, v17;
	v13 =	vld [tilespmem:s26+$0x2B00]  }
0x86: {  	v17 =	vld [tilespmem:s26+$0x1E80];
	v11 =	vadd.f32 v11, v12;
	v7 =	vadd.f32 v15, v7;
	v12 =	vmul.f32 v15, v15  }
0x87: {  	v9 =	vadd.f32 v10, v9;
	v8 =	vadd.f32 v16, v8;
	v10 =	vmul.f32 v16, v16;
	v15 =	vld [tilespmem:s26+$0x2B80]  }
0x88: {  	v16 =	vld [tilespmem:s26+$0x1F00];
	v11 =	vadd.f32 v12, v11;
	v7 =	vadd.f32 v14, v7;
	v12 =	vmul.f32 v14, v14  }
0x89: {  	v9 =	vadd.f32 v10, v9;
	v8 =	vadd.f32 v18, v8;
	v10 =	vmul.f32 v18, v18;
	v14 =	vld [tilespmem:s26+$0x2C00]  }
0x8a: {  	v18 =	vld [tilespmem:s26+$0x1F80];
	v11 =	vadd.f32 v12, v11;
	v7 =	vadd.f32 v13, v7;
	v12 =	vmul.f32 v13, v13  }
0x8b: {  	v9 =	vadd.f32 v10, v9;
	v8 =	vadd.f32 v17, v8;
	v10 =	vmul.f32 v17, v17;
	v13 =	vld [tilespmem:s26+$0x2C80]  }
0x8c: {  	v17 =	vld [tilespmem:s26+$0x2000];
	v11 =	vadd.f32 v12, v11;
	v7 =	vadd.f32 v15, v7;
	v12 =	vmul.f32 v15, v15  }
0x8d: {  	v9 =	vadd.f32 v10, v9;
	v8 =	vadd.f32 v16, v8;
	v10 =	vmul.f32 v16, v16;
	v15 =	vld [tilespmem:s26+$0x2D00]  }
0x8e: {  	v16 =	vld [tilespmem:s26+$0x2080];
	v11 =	vadd.f32 v12, v11;
	v7 =	vadd.f32 v14, v7;
	v12 =	vmul.f32 v14, v14  }
0x8f: {  	v9 =	vadd.f32 v10, v9;
	v8 =	vadd.f32 v18, v8;
	v10 =	vmul.f32 v18, v18;
	v14 =	vld [tilespmem:s26+$0x2D80]  }
0x90: {  	v18 =	vld [tilespmem:s26+$0x2100];
	v11 =	vadd.f32 v12, v11;
	v7 =	vadd.f32 v13, v7;
	v12 =	vmul.f32 v13, v13  }
0x91: {  	v9 =	vadd.f32 v10, v9;
	v8 =	vadd.f32 v17, v8;
	v10 =	vmul.f32 v17, v17;
	v13 =	vld [tilespmem:s26+$0x2E00]  }
0x92: {  	v17 =	vld [tilespmem:s26+$0x2180];
	v11 =	vadd.f32 v12, v11;
	v7 =	vadd.f32 v15, v7;
	v12 =	vmul.f32 v15, v15  }
0x93: {  	v9 =	vadd.f32 v10, v9;
	v8 =	vadd.f32 v16, v8;
	v10 =	vmul.f32 v16, v16;
	v15 =	vld [tilespmem:s26+$0x2E80]  }
0x94: {  	v16 =	vld [tilespmem:s26+$0x2200];
	v11 =	vadd.f32 v12, v11;
	v7 =	vadd.f32 v14, v7;
	v12 =	vmul.f32 v14, v14  }
0x95: {  	v9 =	vadd.f32 v10, v9;
	v8 =	vadd.f32 v18, v8;
	v10 =	vmul.f32 v18, v18;
	v14 =	vld [tilespmem:s26+$0x2F00]  }
0x96: {  	v18 =	vld [tilespmem:s26+$0x2280];
	v11 =	vadd.f32 v12, v11;
	v7 =	vadd.f32 v13, v7;
	v12 =	vmul.f32 v13, v13  }
0x97: {  	v9 =	vadd.f32 v10, v9;
	v8 =	vadd.f32 v17, v8;
	v10 =	vmul.f32 v17, v17;
	v13 =	vld [tilespmem:s26+$0x2F80]  }
0x98: {  	v17 =	vld [tilespmem:s26+$0x2300];
	v11 =	vadd.f32 v12, v11;
	v7 =	vadd.f32 v15, v7;
	v12 =	vmul.f32 v15, v15  }
0x99: {  	v9 =	vadd.f32 v10, v9;
	v8 =	vadd.f32 v16, v8;
	v10 =	vmul.f32 v16, v16;
	v15 =	vld [tilespmem:s26+$0x3000]  }
0x9a: {  	v16 =	vld [tilespmem:s26+$0x2380];
	v11 =	vadd.f32 v12, v11;
	v7 =	vadd.f32 v14, v7;
	v12 =	vmul.f32 v14, v14  }
0x9b: {  	v9 =	vadd.f32 v10, v9;
	v8 =	vadd.f32 v18, v8;
	v10 =	vmul.f32 v18, v18;
	v14 =	vld [tilespmem:s26+$0x3080]  }
0x9c: {  	v18 =	vld [tilespmem:s26+$0x2400];
	v11 =	vadd.f32 v12, v11;
	v7 =	vadd.f32 v13, v7;
	v12 =	vmul.f32 v13, v13  }
0x9d: {  	v9 =	vadd.f32 v10, v9;
	v8 =	vadd.f32 v17, v8;
	v10 =	vmul.f32 v17, v17;
	v13 =	vld [tilespmem:s26+$0x3100]  }
0x9e: {  	v17 =	vld [tilespmem:s26+$0x2480];
	v11 =	vadd.f32 v12, v11;
	v7 =	vadd.f32 v15, v7;
	v12 =	vmul.f32 v15, v15  }
0x9f: {  	v9 =	vadd.f32 v10, v9;
	v8 =	vadd.f32 v16, v8;
	v10 =	vmul.f32 v16, v16;
	v15 =	vld [tilespmem:s26+$0x3180]  }
0xa0: {  	v16 =	vld [tilespmem:s26+$0x2500];
	v11 =	vadd.f32 v12, v11;
	v7 =	vadd.f32 v14, v7;
	v12 =	vmul.f32 v14, v14  }
0xa1: {  	v9 =	vadd.f32 v10, v9;
	v8 =	vadd.f32 v18, v8;
	v10 =	vmul.f32 v18, v18;
	v14 =	vld [tilespmem:s26+$0x3200]  }
0xa2: {  	v18 =	vld [tilespmem:s26+$0x2580];
	v11 =	vadd.f32 v12, v11;
	v7 =	vadd.f32 v13, v7;
	v12 =	vmul.f32 v13, v13  }
0xa3: {  	v9 =	vadd.f32 v10, v9;
	v8 =	vadd.f32 v17, v8;
	v10 =	vmul.f32 v17, v17;
	v13 =	vld [tilespmem:s26+$0x3280]  }
0xa4: {  	v17 =	vld [tilespmem:s26+$0x2600];
	v11 =	vadd.f32 v12, v11;
	v7 =	vadd.f32 v15, v7;
	v12 =	vmul.f32 v15, v15  }
0xa5: {  	v9 =	vadd.f32 v10, v9;
	v8 =	vadd.f32 v16, v8;
	v10 =	vmul.f32 v16, v16;
	v15 =	vld [tilespmem:s26+$0x3300]  }
0xa6: {  	v16 =	vld [tilespmem:s26+$0x2680];
	v11 =	vadd.f32 v12, v11;
	v7 =	vadd.f32 v14, v7;
	v12 =	vmul.f32 v14, v14  }
0xa7: {  	v9 =	vadd.f32 v10, v9;
	v8 =	vadd.f32 v18, v8;
	v10 =	vmul.f32 v18, v18;
	v14 =	vld [tilespmem:s26+$0x4000]  }
0xa8: {  	v11 =	vadd.f32 v12, v11;
	v7 =	vadd.f32 v13, v7;
	v12 =	vmul.f32 v13, v13  }
0xa9: {  	v9 =	vadd.f32 v10, v9;
	v8 =	vadd.f32 v17, v8;
	v10 =	vmul.f32 v17, v17;
	v13 =	vld [tilespmem:s26+$0x4080]  }
0xaa: {  	v11 =	vadd.f32 v12, v11;
	v7 =	vadd.f32 v15, v7;
	v12 =	vmul.f32 v15, v15  }
0xab: {  	v9 =	vadd.f32 v10, v9;
	v8 =	vadd.f32 v16, v8;
	v10 =	vmul.f32 v16, v16;
	v15 =	vld [tilespmem:s26+$0x4D80]  }
0xac: {  	v11 =	vadd.f32 v12, v11;
	v6 =	vadd.f32 v14, v6;
	v12 =	vmul.f32 v14, v14  }
0xad: {  	v1 =	vadd.f32 v1, v7;
	v9 =	vadd.f32 v10, v9;
	v8 =	vmul.f32 v8, v8  }
0xae: {  	v7 =	vld [tilespmem:s26+$0x4E00];
	v5 =	vadd.f32 v12, v5;
	v6 =	vadd.f32 v13, v6;
	v10 =	vmul.f32 v13, v13  }
0xaf: {  	v4 =	vadd.f32 v4, v11;
	v1 =	vmul.f32 v1, v1;
	v8 =	vsub.f32 v8, v9  }
0xb0: {  	v5 =	vadd.f32 v10, v5;
	v3 =	vadd.f32 v15, v3;
	v9 =	vmul.f32 v15, v15  }
0xb1: {  	v1 =	vsub.f32 v1, v4;
	v4 =	vmul.f32 v6, v6;
	v8 =	vmul.f32 $5.000000000e-01, v8  }
0xb2: {  	v2 =	vadd.f32 v9, v2;
	v3 =	vmul.f32 v3, v3  }
0xb3: {  	v1 =	vmul.f32 $5.000000000e-01, v1;
	v4 =	vsub.f32 v4, v5;
	v6 =	vadd.f32 v8, v7;
	_ =	sdelay $0x1  }
0xb4: {  	v4 =	vmul.f32 $5.000000000e-01, v4;
	v2 =	vsub.f32 v3, v2;
	v1 =	vadd.f32 v1, v6;
	_ =	sdelay $0x1  }
0xb5: {  	v2 =	vmul.f32 $5.000000000e-01, v2;
	v1 =	vadd.f32 v4, v1;
	_ =	sdelay $0x1  }
0xb6: {  	v1 =	vadd.f32 v2, v1;
	_ =	sdelay $0x1  }
0xb7: {  	[tilespmem:v0+s26+$0x0 ss:$0x1] =	vst.idx.msk $0xffff, v1;
	s26 =	sshra.s32 s28, $0x2  }
0xb8: {  	v1 =	vld [tilespmem:s26+$0x3380]  }
0xb9: {  	v2 =	vld [tilespmem:s26+$0x4100]  }
0xba: {  	v3 =	vld [tilespmem:s26+$0x4180]  }
0xbb: {  	v4 =	vld [tilespmem:s26+$0x4200]  }
0xbc: {  	v5 =	vld [tilespmem:s26+$0x3400]  }
0xbd: {  	v6 =	vld [tilespmem:s26+$0x3480]  }
0xbe: {  	v7 =	vld [tilespmem:s26+$0x4280]  }
0xbf: {  	v9 =	vmul.f32 v2, v2;
	v8 =	vld [tilespmem:s26+$0x3500];
	v10 =	vmul.f32 v3, v3  }
0xc0: {  	v11 =	vld [tilespmem:s26+$0x4300]  }
0xc1: {  	v2 =	vadd.f32 v3, v2;
	v12 =	vld [tilespmem:s26+$0x3580];
	v3 =	vadd.f32 v10, v9;
	v9 =	vmul.f32 v4, v4  }
0xc2: {  	v10 =	vmul.f32 v5, v5;
	v13 =	vmul.f32 v6, v6;
	v14 =	vld [tilespmem:s26+$0x4380]  }
0xc3: {  	v2 =	vadd.f32 v4, v2;
	v15 =	vld [tilespmem:s26+$0x3600];
	v3 =	vadd.f32 v9, v3;
	v4 =	vmul.f32 v7, v7  }
0xc4: {  	v5 =	vadd.f32 v6, v5;
	v6 =	vadd.f32 v13, v10;
	v9 =	vmul.f32 v8, v8;
	v10 =	vld [tilespmem:s26+$0x4400]  }
0xc5: {  	v2 =	vadd.f32 v7, v2;
	v13 =	vld [tilespmem:s26+$0x3680];
	v3 =	vadd.f32 v4, v3;
	v4 =	vmul.f32 v11, v11  }
0xc6: {  	v5 =	vadd.f32 v8, v5;
	v6 =	vadd.f32 v9, v6;
	v7 =	vmul.f32 v12, v12;
	v8 =	vld [tilespmem:s26+$0x4480]  }
0xc7: {  	v2 =	vadd.f32 v11, v2;
	v9 =	vld [tilespmem:s26+$0x3700];
	v3 =	vadd.f32 v4, v3;
	v4 =	vmul.f32 v14, v14  }
0xc8: {  	v5 =	vadd.f32 v12, v5;
	v6 =	vadd.f32 v7, v6;
	v7 =	vmul.f32 v15, v15;
	v11 =	vld [tilespmem:s26+$0x4500]  }
0xc9: {  	v2 =	vadd.f32 v14, v2;
	v12 =	vld [tilespmem:s26+$0x3780];
	v3 =	vadd.f32 v4, v3;
	v4 =	vmul.f32 v10, v10  }
0xca: {  	v5 =	vadd.f32 v15, v5;
	v6 =	vadd.f32 v7, v6;
	v7 =	vmul.f32 v13, v13;
	v14 =	vld [tilespmem:s26+$0x4580]  }
0xcb: {  	v2 =	vadd.f32 v10, v2;
	v15 =	vld [tilespmem:s26+$0x3800];
	v3 =	vadd.f32 v4, v3;
	v4 =	vmul.f32 v8, v8  }
0xcc: {  	v5 =	vadd.f32 v13, v5;
	v6 =	vadd.f32 v7, v6;
	v7 =	vmul.f32 v9, v9;
	v10 =	vld [tilespmem:s26+$0x4600]  }
0xcd: {  	v2 =	vadd.f32 v8, v2;
	v13 =	vld [tilespmem:s26+$0x3880];
	v3 =	vadd.f32 v4, v3;
	v4 =	vmul.f32 v11, v11  }
0xce: {  	v5 =	vadd.f32 v9, v5;
	v6 =	vadd.f32 v7, v6;
	v7 =	vmul.f32 v12, v12;
	v8 =	vld [tilespmem:s26+$0x4680]  }
0xcf: {  	v2 =	vadd.f32 v11, v2;
	v9 =	vld [tilespmem:s26+$0x3900];
	v3 =	vadd.f32 v4, v3;
	v4 =	vmul.f32 v14, v14  }
0xd0: {  	v5 =	vadd.f32 v12, v5;
	v6 =	vadd.f32 v7, v6;
	v7 =	vmul.f32 v15, v15;
	v11 =	vld [tilespmem:s26+$0x4700]  }
0xd1: {  	v2 =	vadd.f32 v14, v2;
	v12 =	vld [tilespmem:s26+$0x3980];
	v3 =	vadd.f32 v4, v3;
	v4 =	vmul.f32 v10, v10  }
0xd2: {  	v5 =	vadd.f32 v15, v5;
	v6 =	vadd.f32 v7, v6;
	v7 =	vmul.f32 v13, v13;
	v14 =	vld [tilespmem:s26+$0x4780]  }
0xd3: {  	v2 =	vadd.f32 v10, v2;
	v15 =	vld [tilespmem:s26+$0x3A00];
	v3 =	vadd.f32 v4, v3;
	v4 =	vmul.f32 v8, v8  }
0xd4: {  	v5 =	vadd.f32 v13, v5;
	v6 =	vadd.f32 v7, v6;
	v7 =	vmul.f32 v9, v9;
	v10 =	vld [tilespmem:s26+$0x4800]  }
0xd5: {  	v2 =	vadd.f32 v8, v2;
	v13 =	vld [tilespmem:s26+$0x3A80];
	v3 =	vadd.f32 v4, v3;
	v4 =	vmul.f32 v11, v11  }
0xd6: {  	v5 =	vadd.f32 v9, v5;
	v6 =	vadd.f32 v7, v6;
	v7 =	vmul.f32 v12, v12;
	v8 =	vld [tilespmem:s26+$0x4880]  }
0xd7: {  	v2 =	vadd.f32 v11, v2;
	v9 =	vld [tilespmem:s26+$0x3B00];
	v3 =	vadd.f32 v4, v3;
	v4 =	vmul.f32 v14, v14  }
0xd8: {  	v5 =	vadd.f32 v12, v5;
	v6 =	vadd.f32 v7, v6;
	v7 =	vmul.f32 v15, v15;
	v11 =	vld [tilespmem:s26+$0x4900]  }
0xd9: {  	v2 =	vadd.f32 v14, v2;
	v12 =	vld [tilespmem:s26+$0x3B80];
	v3 =	vadd.f32 v4, v3;
	v4 =	vmul.f32 v10, v10  }
0xda: {  	v5 =	vadd.f32 v15, v5;
	v6 =	vadd.f32 v7, v6;
	v7 =	vmul.f32 v13, v13;
	v14 =	vld [tilespmem:s26+$0x4980]  }
0xdb: {  	v2 =	vadd.f32 v10, v2;
	v15 =	vld [tilespmem:s26+$0x3C00];
	v3 =	vadd.f32 v4, v3;
	v4 =	vmul.f32 v8, v8  }
0xdc: {  	v5 =	vadd.f32 v13, v5;
	v6 =	vadd.f32 v7, v6;
	v7 =	vmul.f32 v9, v9;
	v10 =	vld [tilespmem:s26+$0x4A00]  }
0xdd: {  	v2 =	vadd.f32 v8, v2;
	v13 =	vld [tilespmem:s26+$0x3C80];
	v3 =	vadd.f32 v4, v3;
	v4 =	vmul.f32 v11, v11  }
0xde: {  	v5 =	vadd.f32 v9, v5;
	v6 =	vadd.f32 v7, v6;
	v7 =	vmul.f32 v12, v12;
	v8 =	vld [tilespmem:s26+$0x4A80]  }
0xdf: {  	v2 =	vadd.f32 v11, v2;
	v9 =	vld [tilespmem:s26+$0x3D00];
	v3 =	vadd.f32 v4, v3;
	v4 =	vmul.f32 v14, v14  }
0xe0: {  	v5 =	vadd.f32 v12, v5;
	v6 =	vadd.f32 v7, v6;
	v7 =	vmul.f32 v15, v15;
	v11 =	vld [tilespmem:s26+$0x4B00]  }
0xe1: {  	v2 =	vadd.f32 v14, v2;
	v12 =	vld [tilespmem:s26+$0x3D80];
	v3 =	vadd.f32 v4, v3;
	v4 =	vmul.f32 v10, v10  }
0xe2: {  	v5 =	vadd.f32 v15, v5;
	v6 =	vadd.f32 v7, v6;
	v7 =	vmul.f32 v13, v13;
	v14 =	vld [tilespmem:s26+$0x4B80]  }
0xe3: {  	v10 =	vadd.f32 v10, v2;
	v15 =	vld [tilespmem:s26+$0x3E00];
	v3 =	vadd.f32 v4, v3;
	v4 =	vmul.f32 v8, v8  }
0xe4: {  	v5 =	vadd.f32 v13, v5;
	v6 =	vadd.f32 v7, v6;
	v7 =	vmul.f32 v9, v9;
	v16 =	vld [tilespmem:s26+$0x4C00]  }
0xe5: {  	v8 =	vadd.f32 v8, v10;
	v2 =	vld [tilespmem:s26+$0x3E80];
	v10 =	vadd.f32 v4, v3;
	v13 =	vmul.f32 v11, v11  }
0xe6: {  	v5 =	vadd.f32 v9, v5;
	v6 =	vadd.f32 v7, v6;
	v7 =	vmul.f32 v12, v12;
	v4 =	vld [tilespmem:s26+$0x4C80]  }
.Ltmp1:
0xe7: {  	v8 =	vadd.f32 v11, v8;
	v3 =	vld [tilespmem:s26+$0x3F00];
	v9 =	vadd.f32 v13, v10;
	v10 =	vmul.f32 v14, v14;
	(pc) =	sbr.rel @p0 .LBB2_5-.Ltmp1, $4  }
0xe8: {  	v11 =	vadd.f32 v12, v5;
	v12 =	vadd.f32 v7, v6;
	v13 =	vmul.f32 v15, v15;
	v6 =	vld [tilespmem:s26+$0x4D00]  }
0xe9: {  	v14 =	vadd.f32 v14, v8;
	v5 =	vld [tilespmem:s26+$0x3F80];
	v17 =	vadd.f32 v10, v9;
	v18 =	vmul.f32 v16, v16  }
0xea: {  	v9 =	vadd.f32 v15, v11;
	v7 =	vld [tilespmem:s26+$0x2700];
	v10 =	vadd.f32 v13, v12;
	v13 =	vmul.f32 v2, v2  }
0xeb: {  	s28 =	sadd.s32 $0x40, s28;
	v11 =	vadd.f32 v16, v14;
	v8 =	vld [tilespmem:s26+$0x1A00];
	v12 =	vadd.f32 v18, v17;
	v14 =	vmul.f32 v4, v4  }
0xec: {  	v15 =	vld [tilespmem:s26+$0x1A80];
	v2 =	vadd.f32 v2, v9;
	v40 =	vadd.f32 v13, v10;
	v41 =	vmul.f32 v3, v3  }
0xed: {  	v42 =	vld [tilespmem:s26+$0x2780];
	v4 =	vadd.f32 v4, v11;
	v43 =	vadd.f32 v14, v12;
	v44 =	vmul.f32 v6, v6  }
0xee: {  	v45 =	vld [tilespmem:s26+$0x1B00];
	v16 =	vadd.f32 v3, v2;
	v9 =	vadd.f32 v41, v40  }
0xef: {  	v17 =	vld [tilespmem:s26+$0x2800];
	v46 =	vmul.f32 v5, v5;
	v3 =	vadd.f32 v6, v4;
	v2 =	vadd.f32 v44, v43  }
0xf0: {  	v47 =	vld [tilespmem:s26+$0x1B80];
	v4 =	vmul.f32 v1, v1;
	v53 =	vmul.f32 v7, v7;
	v6 =	vadd.f32 v5, v16  }
0xf1: {  	v51 =	vld [tilespmem:s26+$0x2880];
	v48 =	vmul.f32 v8, v8;
	v49 =	vadd.f32 v15, v8;
	v50 =	vmul.f32 v15, v15  }
0xf2: {  	v52 =	vld [tilespmem:s26+$0x1C00];
	v5 =	vadd.f32 v46, v9;
	v54 =	vadd.f32 v42, v7;
	v13 =	vmul.f32 v42, v42  }
0xf3: {  	v56 =	vld [tilespmem:s26+$0x2900];
	v55 =	vmul.f32 v45, v45;
	v9 =	vadd.f32 v50, v48;
	v8 =	vadd.f32 v45, v49  }
0xf4: {  	v18 =	vld [tilespmem:s26+$0x1C80];
	v57 =	vmul.f32 v17, v17;
	v13 =	vadd.f32 v13, v53;
	v7 =	vadd.f32 v17, v54  }
0xf5: {  	v59 =	vld [tilespmem:s26+$0x2980];
	v58 =	vmul.f32 v47, v47;
	v9 =	vadd.f32 v55, v9;
	v8 =	vadd.f32 v47, v8  }
0xf6: {  	v60 =	vld [tilespmem:s26+$0x1D00];
	v12 =	vmul.f32 v51, v51;
	v13 =	vadd.f32 v57, v13;
	v7 =	vadd.f32 v51, v7  }
0xf7: {  	v62 =	vld [tilespmem:s26+$0x2A00];
	v61 =	vmul.f32 v52, v52;
	v9 =	vadd.f32 v58, v9;
	v8 =	vadd.f32 v52, v8  }
0xf8: {  	v63 =	vld [tilespmem:s26+$0x1D80];
	v21 =	vmul.f32 v56, v56;
	v12 =	vadd.f32 v12, v13;
	v7 =	vadd.f32 v56, v7  }
0xf9: {  	v23 =	vld [tilespmem:s26+$0x2A80];
	v22 =	vmul.f32 v18, v18;
	v9 =	vadd.f32 v61, v9;
	v8 =	vadd.f32 v18, v8  }
0xfa: {  	v24 =	vld [tilespmem:s26+$0x1E00];
	v11 =	vmul.f32 v59, v59;
	v12 =	vadd.f32 v21, v12;
	v7 =	vadd.f32 v59, v7  }
0xfb: {  	v26 =	vld [tilespmem:s26+$0x2B00];
	v25 =	vmul.f32 v60, v60;
	v9 =	vadd.f32 v22, v9;
	v8 =	vadd.f32 v60, v8  }
0xfc: {  	v27 =	vld [tilespmem:s26+$0x1E80];
	v28 =	vmul.f32 v62, v62;
	v11 =	vadd.f32 v11, v12;
	v7 =	vadd.f32 v62, v7  }
0xfd: {  	v30 =	vld [tilespmem:s26+$0x2B80];
	v29 =	vmul.f32 v63, v63;
	v9 =	vadd.f32 v25, v9;
	v8 =	vadd.f32 v63, v8  }
0xfe: {  	v31 =	vld [tilespmem:s26+$0x1F00];
	v32 =	vmul.f32 v23, v23;
	v11 =	vadd.f32 v28, v11;
	v7 =	vadd.f32 v23, v7  }
0xff: {  	v34 =	vld [tilespmem:s26+$0x2C00];
	v33 =	vmul.f32 v24, v24;
	v9 =	vadd.f32 v29, v9;
	v8 =	vadd.f32 v24, v8  }
0x100: {  	v35 =	vld [tilespmem:s26+$0x1F80];
	v36 =	vmul.f32 v26, v26;
	v11 =	vadd.f32 v32, v11;
	v7 =	vadd.f32 v26, v7  }
0x101: {  	v38 =	vld [tilespmem:s26+$0x2C80];
	v37 =	vmul.f32 v27, v27;
	v9 =	vadd.f32 v33, v9;
	v8 =	vadd.f32 v27, v8  }
0x102: {  	v39 =	vld [tilespmem:s26+$0x2000];
	v40 =	vmul.f32 v30, v30;
	v11 =	vadd.f32 v36, v11;
	v7 =	vadd.f32 v30, v7  }
0x103: {  	v41 =	vmul.f32 v31, v31;
	v42 =	vld [tilespmem:s26+$0x2D00];
	v9 =	vadd.f32 v37, v9;
	v8 =	vadd.f32 v31, v8  }
0x104: {  	v43 =	vld [tilespmem:s26+$0x2080];
	v44 =	vmul.f32 v34, v34;
	v11 =	vadd.f32 v40, v11;
	v7 =	vadd.f32 v34, v7  }
0x105: {  	v46 =	vld [tilespmem:s26+$0x2D80];
	v45 =	vmul.f32 v35, v35;
	v9 =	vadd.f32 v41, v9;
	v8 =	vadd.f32 v35, v8  }
0x106: {  	v48 =	vmul.f32 v38, v38;
	v47 =	vld [tilespmem:s26+$0x2100];
	v11 =	vadd.f32 v44, v11;
	v7 =	vadd.f32 v38, v7  }
0x107: {  	v49 =	vmul.f32 v39, v39;
	v50 =	vld [tilespmem:s26+$0x2E00];
	v9 =	vadd.f32 v45, v9;
	v8 =	vadd.f32 v39, v8  }
0x108: {  	v51 =	vld [tilespmem:s26+$0x2180];
	v52 =	vmul.f32 v42, v42;
	v11 =	vadd.f32 v48, v11;
	v7 =	vadd.f32 v42, v7  }
0x109: {  	v54 =	vld [tilespmem:s26+$0x2E80];
	v53 =	vmul.f32 v43, v43;
	v9 =	vadd.f32 v49, v9;
	v8 =	vadd.f32 v43, v8  }
0x10a: {  	v55 =	vld [tilespmem:s26+$0x2200];
	v56 =	vmul.f32 v46, v46;
	v11 =	vadd.f32 v52, v11;
	v7 =	vadd.f32 v46, v7  }
0x10b: {  	v58 =	vld [tilespmem:s26+$0x2F00];
	v57 =	vmul.f32 v47, v47;
	v9 =	vadd.f32 v53, v9;
	v8 =	vadd.f32 v47, v8  }
0x10c: {  	v59 =	vld [tilespmem:s26+$0x2280];
	v60 =	vmul.f32 v50, v50;
	v11 =	vadd.f32 v56, v11;
	v7 =	vadd.f32 v50, v7  }
0x10d: {  	v61 =	vmul.f32 v51, v51;
	v62 =	vld [tilespmem:s26+$0x2F80];
	v9 =	vadd.f32 v57, v9;
	v8 =	vadd.f32 v51, v8  }
0x10e: {  	v20 =	vmul.f32 v54, v54;
	v63 =	vld [tilespmem:s26+$0x2300];
	v11 =	vadd.f32 v60, v11;
	v7 =	vadd.f32 v54, v7  }
0x10f: {  	v21 =	vmul.f32 v55, v55;
	v22 =	vld [tilespmem:s26+$0x3000];
	v9 =	vadd.f32 v61, v9;
	v8 =	vadd.f32 v55, v8  }
0x110: {  	v23 =	vld [tilespmem:s26+$0x2380];
	v24 =	vmul.f32 v58, v58;
	v11 =	vadd.f32 v20, v11;
	v7 =	vadd.f32 v58, v7  }
0x111: {  	v25 =	vmul.f32 v59, v59;
	v26 =	vld [tilespmem:s26+$0x3080];
	v9 =	vadd.f32 v21, v9;
	v8 =	vadd.f32 v59, v8  }
0x112: {  	v28 =	vmul.f32 v62, v62;
	v27 =	vld [tilespmem:s26+$0x2400];
	v11 =	vadd.f32 v24, v11;
	v7 =	vadd.f32 v62, v7  }
0x113: {  	v30 =	vld [tilespmem:s26+$0x3100];
	v29 =	vmul.f32 v63, v63;
	v9 =	vadd.f32 v25, v9;
	v8 =	vadd.f32 v63, v8  }
0x114: {  	v32 =	vmul.f32 v22, v22;
	v31 =	vld [tilespmem:s26+$0x2480];
	v11 =	vadd.f32 v28, v11;
	v7 =	vadd.f32 v22, v7  }
0x115: {  	v33 =	vmul.f32 v23, v23;
	v34 =	vld [tilespmem:s26+$0x3180];
	v9 =	vadd.f32 v29, v9;
	v8 =	vadd.f32 v23, v8  }
0x116: {  	v36 =	vmul.f32 v26, v26;
	v35 =	vld [tilespmem:s26+$0x2500];
	v11 =	vadd.f32 v32, v11;
	v7 =	vadd.f32 v26, v7  }
0x117: {  	v38 =	vld [tilespmem:s26+$0x3200];
	v37 =	vmul.f32 v27, v27;
	v9 =	vadd.f32 v33, v9;
	v8 =	vadd.f32 v27, v8  }
0x118: {  	v40 =	vmul.f32 v30, v30;
	v39 =	vld [tilespmem:s26+$0x2580];
	v11 =	vadd.f32 v36, v11;
	v7 =	vadd.f32 v30, v7  }
0x119: {  	v42 =	vld [tilespmem:s26+$0x3280];
	v41 =	vmul.f32 v31, v31;
	v9 =	vadd.f32 v37, v9;
	v8 =	vadd.f32 v31, v8  }
0x11a: {  	v44 =	vmul.f32 v34, v34;
	v43 =	vld [tilespmem:s26+$0x2600];
	v11 =	vadd.f32 v40, v11;
	v7 =	vadd.f32 v34, v7  }
0x11b: {  	v46 =	vld [tilespmem:s26+$0x3300];
	v45 =	vmul.f32 v35, v35;
	v9 =	vadd.f32 v41, v9;
	v8 =	vadd.f32 v35, v8  }
0x11c: {  	v48 =	vmul.f32 v38, v38;
	v47 =	vld [tilespmem:s26+$0x2680];
	v11 =	vadd.f32 v44, v11;
	v7 =	vadd.f32 v38, v7  }
0x11d: {  	v50 =	vld [tilespmem:s26+$0x4000];
	v49 =	vmul.f32 v39, v39;
	v9 =	vadd.f32 v45, v9;
	v8 =	vadd.f32 v39, v8  }
0x11e: {  	v51 =	vmul.f32 v42, v42;
	v11 =	vadd.f32 v48, v11;
	v7 =	vadd.f32 v42, v7  }
0x11f: {  	v53 =	vld [tilespmem:s26+$0x4080];
	v52 =	vmul.f32 v43, v43;
	v9 =	vadd.f32 v49, v9;
	v8 =	vadd.f32 v43, v8  }
0x120: {  	v54 =	vmul.f32 v46, v46;
	v11 =	vadd.f32 v51, v11;
	v7 =	vadd.f32 v46, v7  }
0x121: {  	v56 =	vld [tilespmem:s26+$0x4D80];
	v55 =	vmul.f32 v47, v47;
	v9 =	vadd.f32 v52, v9;
	v8 =	vadd.f32 v47, v8  }
0x122: {  	v6 =	vadd.f32 v50, v6;
	v57 =	vmul.f32 v50, v50;
	v11 =	vadd.f32 v54, v11  }
0x123: {  	v58 =	vadd.f32 v1, v7;
	v9 =	vadd.f32 v55, v9;
	v8 =	vmul.f32 v8, v8  }
0x124: {  	v60 =	vmul.f32 v53, v53;
	v59 =	vld [tilespmem:s26+$0x4E00];
	v5 =	vadd.f32 v57, v5;
	v6 =	vadd.f32 v53, v6  }
0x125: {  	v4 =	vadd.f32 v4, v11;
	v1 =	vmul.f32 v58, v58;
	v8 =	vsub.f32 v8, v9  }
0x126: {  	v3 =	vadd.f32 v56, v3;
	v61 =	vmul.f32 v56, v56;
	v5 =	vadd.f32 v60, v5  }
0x127: {  	v62 =	vmul.f32 v6, v6;
	v1 =	vsub.f32 v1, v4;
	v8 =	vmul.f32 $5.000000000e-01, v8  }
0x128: {  	v2 =	vadd.f32 v61, v2;
	v3 =	vmul.f32 v3, v3  }
0x129: {  	v4 =	vsub.f32 v62, v5;
	v1 =	vmul.f32 $5.000000000e-01, v1;
	v63 =	vadd.f32 v8, v59;
	_ =	sdelay $0x1  }
0x12a: {  	s25 =	sadd.s32 $0x1, s25;
	v2 =	vsub.f32 v3, v2;
	v4 =	vmul.f32 $5.000000000e-01, v4;
	v1 =	vadd.f32 v1, v63  }
0x12b: {  	p0 =	sne.s32 s25, $0x4  }
.Ltmp2:
0x12c: {  	v2 =	vmul.f32 $5.000000000e-01, v2;
	v1 =	vadd.f32 v4, v1;
	(pc) =	sbr.rel @p0 .LBB2_2-.Ltmp2, $3  }
0x12d: {  	_ = 	snop  }
0x12e: {  	v1 =	vadd.f32 v2, v1;
	_ =	sdelay $0x1  }
0x12f: {  	s24 =	sadd.s32 $0x80, s24;
	[tilespmem:v0+s26+$0x0 ss:$0x1] =	vst.idx.msk $0xffff, v1  }
0x130: {  	s23 =	sadd.s32 $0x1, s23  }
0x131: {  	p0 =	sne.s32 s23, s12  }
.Ltmp3:
0x132: {  	_ = 	snop;
	(pc) =	sbr.rel @p0 .LBB2_1-.Ltmp3, $4  }
0x133: {  	[hbm4b:s11+s1] =	stream.linear.scatter [tilespmem:s22], [sflag:$0x2], $0x200, $0x38;
	[tilespmem:$0x5D10] =	vst v63  }
0x134: {  	_ =	swait.ge [sflag:s14], $0x200  }
0x135: {  	[sflag:s14] =	ssyncset.done $0x0  }
0x136: {  	[sflag:s14] =	ssyncadd.s32 $0xFFFFFE00  }
0x137: {  	_ =	sfence.sel $0x180000  }
0x138: {  	[bflag:$0x0] =	sbarrier.arrive $0xFFFF  }
0x139: {  	_ =	strace $0x9000004A  }
0x13a: {  	[bflag:$0x2] =	sbarrier.arrive $0xFFFF  }
0x13b: {  	p0 =	sne.s32 s3, $0x0;
	s0 =	rddreg [dreg:$0x2]  }
0x13c: {  	s0 =	sadd.s32 @!p0 $0x100000, s0  }
0x13d: {  	[sflag:s0] =	ssyncadd.tile.s32 @!p0 $0x1;
	_ =	shalt  }
.Lfunc_end2:
_tile_overlayer_lowered:
.L_overlay_start_2:
0x13e: {  	(tag) =	ssettag $0x2  }
0x13f: {  	s0 =	rddreg [dreg:$0x0];
	s2 =	stileid.u32  }
0x140: {  	s1 =	rddreg [dreg:$0x1];
	p0 =	sne.s32 s2, $0x0  }
0x141: {  	s3 =	rddreg [dreg:$0x2];
	[bflag:$0x3] =	sbarrier.arrive $0xFFFF;
	s2 =	simm.s32 @!p0 $0x1C02  }
0x142: {  	[timem:s3], [sflag:s2] =	dma.local @!p0 [hbm:s0], s1  }
0x143: {  	s0 =	simm.s32 @!p0 $0x2  }
0x144: {  	_ =	swait.ge @!p0 [sflag:s0], s1  }
0x145: {  	s1 =	ssub.s32 @!p0 $0x0, s1;
	[sflag:s0] =	ssyncset.done @!p0 $0x0  }
0x146: {  	[sflag:s0] =	ssyncadd.s32 @!p0 s1  }
0x147: {  	[bflag:$0x3] =	sbarrier.arrive $0xFFFF  }
0x148: {  	_ =	shalt  }

</sc_bundles>
